<compile_context>
chip_gen: v7x
topology: tpu7x:2x2x1
jax: 0.10.2.dev20260603
libtpu: 0.0.44.dev20260713+nightly
codegen_flags: <defaults>
</compile_context>

<pallas_src>
import functools

import jax
import jax.numpy as jnp
from jax import lax
from jax.experimental import pallas as pl
from jax.experimental.pallas import tpu as pltpu
from jax.experimental.pallas import tpu_sc as plsc

N = 10000
E = 320000
D = 128

NC = 2
NS = 16
NW = NC * NS
CW = 64
CPW = 160
EPAD = NW * CPW * CW
NPAD = 10112
NDEG = 10240
NBUF = 4


def _sc_agg_body(h_hbm, src_hbm, dst_hbm, z2_hbm, z1_hbm,
                 agg0_out, agg1_out, deg0_out, deg1_out,
                 srcall, dstall, b0, b1, b2, b3,
                 g0, g1, g2, g3, s0, s1, s2, s3,
                 ones_v, agg_sh, deg_sh):
    c = lax.axis_index("c")
    s = lax.axis_index("s")
    wid = c * NS + s
    cstart = wid * CPW

    bufs = (b0, b1, b2, b3)
    gsems = (g0, g1, g2, g3)
    ssems = (s0, s1, s2, s3)

    rows_sl = pl.ds(s * (NPAD // NS), NPAD // NS)
    deg_sl = pl.ds(s * (NDEG // NS), NDEG // NS)
    pltpu.sync_copy(z2_hbm.at[rows_sl], agg_sh.at[rows_sl])
    pltpu.sync_copy(z1_hbm.at[deg_sl], deg_sh.at[deg_sl])

    for k in range(CW // 16):
        ones_v[pl.ds(k * 16, 16)] = jnp.ones((16,), jnp.float32)

    plsc.subcore_barrier()

    half_c = CPW // 4
    for half in range(4):
        hstart = cstart + half * half_c
        pltpu.sync_copy(src_hbm.at[pl.ds(hstart, half_c)], srcall)
        pltpu.sync_copy(dst_hbm.at[pl.ds(hstart, half_c)], dstall)

        def body(k, carry):
            for i in range(NBUF):
                j = NBUF * k + i
                i2 = (i + 2) % NBUF

                @pl.when(j >= NBUF)
                def _():
                    pltpu.make_async_copy(
                        bufs[i], agg_sh.at[dstall.at[0]], ssems[i]).wait()

                @pl.when(j < half_c)
                def _():
                    pltpu.async_copy(h_hbm.at[srcall.at[j]], bufs[i], gsems[i])

                jm2 = j - 2

                @pl.when((j >= 2) & (j < half_c + 2))
                def _():
                    pltpu.make_async_copy(
                        h_hbm.at[srcall.at[jm2]], bufs[i2], gsems[i2]).wait()
                    pltpu.async_copy(
                        bufs[i2], agg_sh.at[dstall.at[jm2]], ssems[i2], add=True)
                    pltpu.sync_copy(ones_v, deg_sh.at[dstall.at[jm2]], add=True)
            return carry

        lax.fori_loop(0, half_c // NBUF + 1, body, 0)

    plsc.subcore_barrier()

    @pl.when(c == 0)
    def _():
        pltpu.sync_copy(agg_sh.at[rows_sl], agg0_out.at[rows_sl])
        pltpu.sync_copy(deg_sh.at[deg_sl], deg0_out.at[deg_sl])

    @pl.when(c == 1)
    def _():
        pltpu.sync_copy(agg_sh.at[rows_sl], agg1_out.at[rows_sl])
        pltpu.sync_copy(deg_sh.at[deg_sl], deg1_out.at[deg_sl])


_sc_agg = pl.kernel(
    _sc_agg_body,
    out_type=[
        jax.ShapeDtypeStruct((NPAD, D), jnp.float32),
        jax.ShapeDtypeStruct((NPAD, D), jnp.float32),
        jax.ShapeDtypeStruct((NDEG,), jnp.float32),
        jax.ShapeDtypeStruct((NDEG,), jnp.float32),
    ],
    mesh=plsc.VectorSubcoreMesh(core_axis_name="c", subcore_axis_name="s"),
    scratch_types=[
        pltpu.VMEM((CPW // 4, CW), jnp.int32),
        pltpu.VMEM((CPW // 4, CW), jnp.int32),
        pltpu.VMEM((CW, D), jnp.float32),
        pltpu.VMEM((CW, D), jnp.float32),
        pltpu.VMEM((CW, D), jnp.float32),
        pltpu.VMEM((CW, D), jnp.float32),
        pltpu.SemaphoreType.DMA,
        pltpu.SemaphoreType.DMA,
        pltpu.SemaphoreType.DMA,
        pltpu.SemaphoreType.DMA,
        pltpu.SemaphoreType.DMA,
        pltpu.SemaphoreType.DMA,
        pltpu.SemaphoreType.DMA,
        pltpu.SemaphoreType.DMA,
        pltpu.VMEM((CW,), jnp.float32),
        pltpu.VMEM_SHARED((NPAD, D), jnp.float32),
        pltpu.VMEM_SHARED((NDEG,), jnp.float32),
    ],
)


def _tc_layer_body(relu, x_ref, a0_ref, a1_ref, g0_ref, g1_ref, ws_ref, wn_ref, b_ref, o_ref):
    agg = a0_ref[...] + a1_ref[...]
    dsum = jnp.maximum(g0_ref[...] + g1_ref[...], 1.0)
    mean = agg / dsum
    acc = jnp.dot(x_ref[...], ws_ref[...], preferred_element_type=jnp.float32)
    acc = acc + jnp.dot(mean, wn_ref[...], preferred_element_type=jnp.float32)
    acc = acc + b_ref[...]
    if relu:
        acc = jnp.maximum(acc, 0.0)
    o_ref[...] = acc


def _tc_layer(x, a0, a1, g0, g1, Ws, Wn, b, relu):
    blk = 2000
    grid = (N // blk,)
    return pl.pallas_call(
        functools.partial(_tc_layer_body, relu),
        grid=grid,
        in_specs=[
            pl.BlockSpec((blk, D), lambda i: (i, 0)),
            pl.BlockSpec((blk, D), lambda i: (i, 0)),
            pl.BlockSpec((blk, D), lambda i: (i, 0)),
            pl.BlockSpec((blk, 1), lambda i: (i, 0)),
            pl.BlockSpec((blk, 1), lambda i: (i, 0)),
            pl.BlockSpec((D, D), lambda i: (0, 0)),
            pl.BlockSpec((D, D), lambda i: (0, 0)),
            pl.BlockSpec((1, D), lambda i: (0, 0)),
        ],
        out_specs=pl.BlockSpec((blk, D), lambda i: (i, 0)),
        out_shape=jax.ShapeDtypeStruct((N, D), jnp.float32),
    )(x, a0, a1, g0.reshape(NDEG, 1), g1.reshape(NDEG, 1), Ws, Wn, b.reshape(1, D))


def _pad_edges(ei):
    src = ei[0]
    dst = ei[1]
    p = EPAD - E
    padi = jnp.arange(p, dtype=jnp.int32)
    src_p = jnp.concatenate([src, padi % 16])
    dst_p = jnp.concatenate([dst, N + padi % (NPAD - N)])
    return src_p.reshape(EPAD // CW, CW), dst_p.reshape(EPAD // CW, CW)


def kernel(x, edge_index0, edge_index1, W_self1, W_neigh1, b1, W_self2, W_neigh2, b2):
    z2 = jnp.zeros((NPAD, D), jnp.float32)
    z1 = jnp.zeros((NDEG,), jnp.float32)
    s0, d0 = _pad_edges(edge_index0)
    s1, d1 = _pad_edges(edge_index1)

    a0, a1, g0, g1 = _sc_agg(x, s0, d0, z2, z1)
    h = _tc_layer(x, a0, a1, g0, g1, W_self1, W_neigh1, b1, True)

    a0b, a1b, g0b, g1b = _sc_agg(h, s1, d1, z2, z1)
    out = _tc_layer(h, a0b, a1b, g0b, g1b, W_self2, W_neigh2, b2, False)
    return out

# --- scband reference (transcript-rebuilt; emitter-appended) ---
"""Pipeline reference for scband-sage-21706764714407 (READ-ONLY COPY).

The authoritative reference and input builder live on the scoring server;
editing this copy changes nothing except your own understanding.
"""

import jax, jax.numpy as jnp
import numpy as np

N = 10000
E = 320000
D_IN = 128
D_HID = 128
D_OUT = 128


def setup_inputs(seed: int = 0) -> dict:
    key = jax.random.key(seed)
    ks = jax.random.split(key, 10)
    x = jax.random.normal(ks[0], (N, D_IN), dtype=jnp.float32)
    edge_index0 = jax.random.randint(ks[1], (2, E), 0, N, dtype=jnp.int32)
    edge_index1 = jax.random.randint(ks[2], (2, E), 0, N, dtype=jnp.int32)
    s = 1.0 / np.sqrt(D_IN)
    W_self1 = jax.random.uniform(ks[3], (D_IN, D_HID), dtype=jnp.float32, minval=-s, maxval=s)
    W_neigh1 = jax.random.uniform(ks[4], (D_IN, D_HID), dtype=jnp.float32, minval=-s, maxval=s)
    b1 = jnp.zeros((D_HID,), dtype=jnp.float32)
    s2 = 1.0 / np.sqrt(D_HID)
    W_self2 = jax.random.uniform(ks[5], (D_HID, D_OUT), dtype=jnp.float32, minval=-s2, maxval=s2)
    W_neigh2 = jax.random.uniform(ks[6], (D_HID, D_OUT), dtype=jnp.float32, minval=-s2, maxval=s2)
    b2 = jnp.zeros((D_OUT,), dtype=jnp.float32)
    return {"x": x, "edge_index0": edge_index0, "edge_index1": edge_index1,
            "W_self1": W_self1, "W_neigh1": W_neigh1, "b1": b1,
            "W_self2": W_self2, "W_neigh2": W_neigh2, "b2": b2}


def _sage_conv_mean(h, edge_index, W_self, W_neigh, b):
    # DGL SAGEConv with 'mean' aggregator:
    #   h_out = fc_self(h_dst) + fc_neigh(mean_{u in N(v)} h_src[u]) + bias
    src = edge_index[0]
    dst = edge_index[1]
    msgs = jnp.take(h, src, axis=0)                       # gather  [E, d]
    agg = jax.ops.segment_sum(msgs, dst, num_segments=N)  # scatter-add [N, d]
    deg = jax.ops.segment_sum(jnp.ones((edge_index.shape[1],), dtype=h.dtype), dst, num_segments=N)
    mean_neigh = agg / jnp.clip(deg, 1.0, None)[:, None]
    return h @ W_self + mean_neigh @ W_neigh + b


def reference(x, edge_index0, edge_index1, W_self1, W_neigh1, b1, W_self2, W_neigh2, b2):
    h = _sage_conv_mean(x, edge_index0, W_self1, W_neigh1, b1)
    h = jax.nn.relu(h)
    # dropout is identity in eval mode (deterministic reference)
    out = _sage_conv_mean(h, edge_index1, W_self2, W_neigh2, b2)
    return out

if __name__ == "__main__":
    import jax
    _d = setup_inputs()
    print(jax.jit(kernel)(*tuple(_d.values())))

</pallas_src>

<mosaic_0001>
#map = affine_map<(d0, d1) -> (0, 0)>
#map1 = affine_map<(d0, d1) -> (0)>
module attributes {stable_mosaic.version = 14 : i64} {
  func.func @_sc_agg_body(%arg0: i32, %arg1: i32, %arg2: memref<10000x128xf32, #tpu.memory_space<hbm>>, %arg3: memref<5120x64xi32, #tpu.memory_space<hbm>>, %arg4: memref<5120x64xi32, #tpu.memory_space<hbm>>, %arg5: memref<10112x128xf32, #tpu.memory_space<hbm>>, %arg6: memref<10240xf32, #tpu.memory_space<hbm>>, %arg7: memref<10112x128xf32, #tpu.memory_space<hbm>>, %arg8: memref<10112x128xf32, #tpu.memory_space<hbm>>, %arg9: memref<10240xf32, #tpu.memory_space<hbm>>, %arg10: memref<10240xf32, #tpu.memory_space<hbm>>, %arg11: memref<40x64xi32, #tpu.memory_space<vmem>>, %arg12: memref<40x64xi32, #tpu.memory_space<vmem>>, %arg13: memref<64x128xf32, #tpu.memory_space<vmem>>, %arg14: memref<64x128xf32, #tpu.memory_space<vmem>>, %arg15: memref<64x128xf32, #tpu.memory_space<vmem>>, %arg16: memref<64x128xf32, #tpu.memory_space<vmem>>, %arg17: memref<!tpu.dma_semaphore, #tpu.memory_space<semaphore_mem>>, %arg18: memref<!tpu.dma_semaphore, #tpu.memory_space<semaphore_mem>>, %arg19: memref<!tpu.dma_semaphore, #tpu.memory_space<semaphore_mem>>, %arg20: memref<!tpu.dma_semaphore, #tpu.memory_space<semaphore_mem>>, %arg21: memref<!tpu.dma_semaphore, #tpu.memory_space<semaphore_mem>>, %arg22: memref<!tpu.dma_semaphore, #tpu.memory_space<semaphore_mem>>, %arg23: memref<!tpu.dma_semaphore, #tpu.memory_space<semaphore_mem>>, %arg24: memref<!tpu.dma_semaphore, #tpu.memory_space<semaphore_mem>>, %arg25: memref<64xf32, #tpu.memory_space<vmem>>, %arg26: memref<10112x128xf32, #tpu.memory_space<vmem_shared>>, %arg27: memref<10240xf32, #tpu.memory_space<vmem_shared>>) attributes {dimension_semantics = [#tpu.dimension_semantics<core_parallel>, #tpu.dimension_semantics<subcore_parallel>], iteration_bounds = array<i64: 2, 16>, scalar_prefetch = 0 : i64, scratch_operands = 17 : i64, tpu.core_type = #tpu.core_type<sc_vector_subcore>, window_params = [{transform_indices = #map}, {transform_indices = #map}, {transform_indices = #map}, {transform_indices = #map}, {transform_indices = #map1}, {transform_indices = #map}, {transform_indices = #map}, {transform_indices = #map1}, {transform_indices = #map1}]} {
    %mul3A = arith.constant 16 : i32
    %mul3A_0 = arith.muli %arg0, %mul3A : i32
    %add3A = arith.addi %mul3A_0, %arg1 : i32
    %mul3A_1 = arith.constant 160 : i32
    %mul3A_2 = arith.muli %add3A, %mul3A_1 : i32
    %mul3A_3 = arith.constant 632 : i32
    %mul3A_4 = arith.muli %arg1, %mul3A_3 : i32
    %mul3A_5 = arith.constant 640 : i32
    %mul3A_6 = arith.muli %arg1, %mul3A_5 : i32
    "tpu.region"() ({
      %run_scoped3A = tpu.sem_alloc : memref<!tpu.dma_semaphore, #tpu.memory_space<semaphore_mem>>
      %dma_start3A = arith.constant 0 : i32
      %dma_start3A_68 = tpu.memref_slice %arg26[%mul3A_4, %dma_start3A] : memref<10112x128xf32, #tpu.memory_space<vmem_shared>> -> memref<632x128xf32, #tpu.memory_space<vmem_shared>>
      %dma_start3A_69 = arith.constant 0 : i32
      %dma_start3A_70 = tpu.memref_slice %arg5[%mul3A_4, %dma_start3A_69] : memref<10112x128xf32, #tpu.memory_space<hbm>> -> memref<632x128xf32, #tpu.memory_space<hbm>>
      tpu.enqueue_dma source(%dma_start3A_70 : memref<632x128xf32, #tpu.memory_space<hbm>>) target(%dma_start3A_68 : memref<632x128xf32, #tpu.memory_space<vmem_shared>>) target_semaphore(%run_scoped3A : memref<!tpu.dma_semaphore, #tpu.memory_space<semaphore_mem>>)
      %dma_wait3A = arith.constant 0 : i32
      %dma_wait3A_71 = tpu.memref_slice %arg26[%mul3A_4, %dma_wait3A] : memref<10112x128xf32, #tpu.memory_space<vmem_shared>> -> memref<632x128xf32, #tpu.memory_space<vmem_shared>>
      %dma_wait3A_72 = arith.constant 0 : i32
      %dma_wait3A_73 = tpu.memref_slice %arg5[%mul3A_4, %dma_wait3A_72] : memref<10112x128xf32, #tpu.memory_space<hbm>> -> memref<632x128xf32, #tpu.memory_space<hbm>>
      tpu.wait_dma2 semaphore(%run_scoped3A : memref<!tpu.dma_semaphore, #tpu.memory_space<semaphore_mem>>) src(%dma_wait3A_73 : memref<632x128xf32, #tpu.memory_space<hbm>>) dst(%dma_wait3A_71 : memref<632x128xf32, #tpu.memory_space<vmem_shared>>)
      tpu.yield
    }) : () -> ()
    "tpu.region"() ({
      %run_scoped3A = tpu.sem_alloc : memref<!tpu.dma_semaphore, #tpu.memory_space<semaphore_mem>>
      %dma_start3A = tpu.memref_slice %arg27[%mul3A_6] : memref<10240xf32, #tpu.memory_space<vmem_shared>> -> memref<640xf32, #tpu.memory_space<vmem_shared>>
      %dma_start3A_68 = tpu.memref_slice %arg6[%mul3A_6] : memref<10240xf32, #tpu.memory_space<hbm>> -> memref<640xf32, #tpu.memory_space<hbm>>
      tpu.enqueue_dma source(%dma_start3A_68 : memref<640xf32, #tpu.memory_space<hbm>>) target(%dma_start3A : memref<640xf32, #tpu.memory_space<vmem_shared>>) target_semaphore(%run_scoped3A : memref<!tpu.dma_semaphore, #tpu.memory_space<semaphore_mem>>)
      %dma_wait3A = tpu.memref_slice %arg27[%mul3A_6] : memref<10240xf32, #tpu.memory_space<vmem_shared>> -> memref<640xf32, #tpu.memory_space<vmem_shared>>
      %dma_wait3A_69 = tpu.memref_slice %arg6[%mul3A_6] : memref<10240xf32, #tpu.memory_space<hbm>> -> memref<640xf32, #tpu.memory_space<hbm>>
      tpu.wait_dma2 semaphore(%run_scoped3A : memref<!tpu.dma_semaphore, #tpu.memory_space<semaphore_mem>>) src(%dma_wait3A_69 : memref<640xf32, #tpu.memory_space<hbm>>) dst(%dma_wait3A : memref<640xf32, #tpu.memory_space<vmem_shared>>)
      tpu.yield
    }) : () -> ()
    %broadcast_in_dim3A = arith.constant 1.000000e+00 : f32
    %broadcast_in_dim3A_7 = vector.broadcast %broadcast_in_dim3A : f32 to vector<16xf32>
    %swap3A = arith.constant 0 : index
    %swap3A_8 = tpu.vector_load %arg25[%swap3A] {strides = array<i32>} : memref<64xf32, #tpu.memory_space<vmem>>, vector<16xf32>,
    %swap3A_9 = vector.shape_cast %swap3A_8 : vector<16xf32> to vector<16xf32>
    %swap3A_10 = vector.shape_cast %broadcast_in_dim3A_7 : vector<16xf32> to vector<16xf32>
    tpu.vector_store %arg25[%swap3A], %swap3A_10 {strides = array<i32>} : memref<64xf32, #tpu.memory_space<vmem>>, vector<16xf32>,
    %broadcast_in_dim3A_11 = arith.constant 1.000000e+00 : f32
    %broadcast_in_dim3A_12 = vector.broadcast %broadcast_in_dim3A_11 : f32 to vector<16xf32>
    %swap3A_13 = arith.constant 16 : index
    %swap3A_14 = tpu.vector_load %arg25[%swap3A_13] {strides = array<i32>} : memref<64xf32, #tpu.memory_space<vmem>>, vector<16xf32>,
    %swap3A_15 = vector.shape_cast %swap3A_14 : vector<16xf32> to vector<16xf32>
    %swap3A_16 = vector.shape_cast %broadcast_in_dim3A_12 : vector<16xf32> to vector<16xf32>
    tpu.vector_store %arg25[%swap3A_13], %swap3A_16 {strides = array<i32>} : memref<64xf32, #tpu.memory_space<vmem>>, vector<16xf32>,
    %broadcast_in_dim3A_17 = arith.constant 1.000000e+00 : f32
    %broadcast_in_dim3A_18 = vector.broadcast %broadcast_in_dim3A_17 : f32 to vector<16xf32>
    %swap3A_19 = arith.constant 32 : index
    %swap3A_20 = tpu.vector_load %arg25[%swap3A_19] {strides = array<i32>} : memref<64xf32, #tpu.memory_space<vmem>>, vector<16xf32>,
    %swap3A_21 = vector.shape_cast %swap3A_20 : vector<16xf32> to vector<16xf32>
    %swap3A_22 = vector.shape_cast %broadcast_in_dim3A_18 : vector<16xf32> to vector<16xf32>
    tpu.vector_store %arg25[%swap3A_19], %swap3A_22 {strides = array<i32>} : memref<64xf32, #tpu.memory_space<vmem>>, vector<16xf32>,
    %broadcast_in_dim3A_23 = arith.constant 1.000000e+00 : f32
    %broadcast_in_dim3A_24 = vector.broadcast %broadcast_in_dim3A_23 : f32 to vector<16xf32>
    %swap3A_25 = arith.constant 48 : index
    %swap3A_26 = tpu.vector_load %arg25[%swap3A_25] {strides = array<i32>} : memref<64xf32, #tpu.memory_space<vmem>>, vector<16xf32>,
    %swap3A_27 = vector.shape_cast %swap3A_26 : vector<16xf32> to vector<16xf32>
    %swap3A_28 = vector.shape_cast %broadcast_in_dim3A_24 : vector<16xf32> to vector<16xf32>
    tpu.vector_store %arg25[%swap3A_25], %swap3A_28 {strides = array<i32>} : memref<64xf32, #tpu.memory_space<vmem>>, vector<16xf32>,
    %barrier3A = arith.constant 0 : index
    tpu.barrier barrier_id(%barrier3A)
    %add3A_29 = arith.constant 0 : i32
    %add3A_30 = arith.addi %mul3A_2, %add3A_29 : i32
    "tpu.region"() ({
      %run_scoped3A = tpu.sem_alloc : memref<!tpu.dma_semaphore, #tpu.memory_space<semaphore_mem>>
      %dma_start3A = arith.constant 0 : i32
      %dma_start3A_68 = tpu.memref_slice %arg3[%add3A_30, %dma_start3A] : memref<5120x64xi32, #tpu.memory_space<hbm>> -> memref<40x64xi32, #tpu.memory_space<hbm>>
      %dma_start3A_69 = arith.constant 0 : i32
      %dma_start3A_70 = tpu.memref_slice %arg3[%add3A_30, %dma_start3A_69] : memref<5120x64xi32, #tpu.memory_space<hbm>> -> memref<40x64xi32, #tpu.memory_space<hbm>>
      tpu.enqueue_dma source(%dma_start3A_70 : memref<40x64xi32, #tpu.memory_space<hbm>>) target(%arg11 : memref<40x64xi32, #tpu.memory_space<vmem>>) target_semaphore(%run_scoped3A : memref<!tpu.dma_semaphore, #tpu.memory_space<semaphore_mem>>)
      %dma_wait3A = arith.constant 0 : i32
      %dma_wait3A_71 = tpu.memref_slice %arg3[%add3A_30, %dma_wait3A] : memref<5120x64xi32, #tpu.memory_space<hbm>> -> memref<40x64xi32, #tpu.memory_space<hbm>>
      %dma_wait3A_72 = arith.constant 0 : i32
      %dma_wait3A_73 = tpu.memref_slice %arg3[%add3A_30, %dma_wait3A_72] : memref<5120x64xi32, #tpu.memory_space<hbm>> -> memref<40x64xi32, #tpu.memory_space<hbm>>
      tpu.wait_dma2 semaphore(%run_scoped3A : memref<!tpu.dma_semaphore, #tpu.memory_space<semaphore_mem>>) src(%dma_wait3A_73 : memref<40x64xi32, #tpu.memory_space<hbm>>) dst(%arg11 : memref<40x64xi32, #tpu.memory_space<vmem>>)
      tpu.yield
    }) : () -> ()
    "tpu.region"() ({
      %run_scoped3A = tpu.sem_alloc : memref<!tpu.dma_semaphore, #tpu.memory_space<semaphore_mem>>
      %dma_start3A = arith.constant 0 : i32
      %dma_start3A_68 = tpu.memref_slice %arg4[%add3A_30, %dma_start3A] : memref<5120x64xi32, #tpu.memory_space<hbm>> -> memref<40x64xi32, #tpu.memory_space<hbm>>
      %dma_start3A_69 = arith.constant 0 : i32
      %dma_start3A_70 = tpu.memref_slice %arg4[%add3A_30, %dma_start3A_69] : memref<5120x64xi32, #tpu.memory_space<hbm>> -> memref<40x64xi32, #tpu.memory_space<hbm>>
      tpu.enqueue_dma source(%dma_start3A_70 : memref<40x64xi32, #tpu.memory_space<hbm>>) target(%arg12 : memref<40x64xi32, #tpu.memory_space<vmem>>) target_semaphore(%run_scoped3A : memref<!tpu.dma_semaphore, #tpu.memory_space<semaphore_mem>>)
      %dma_wait3A = arith.constant 0 : i32
      %dma_wait3A_71 = tpu.memref_slice %arg4[%add3A_30, %dma_wait3A] : memref<5120x64xi32, #tpu.memory_space<hbm>> -> memref<40x64xi32, #tpu.memory_space<hbm>>
      %dma_wait3A_72 = arith.constant 0 : i32
      %dma_wait3A_73 = tpu.memref_slice %arg4[%add3A_30, %dma_wait3A_72] : memref<5120x64xi32, #tpu.memory_space<hbm>> -> memref<40x64xi32, #tpu.memory_space<hbm>>
      tpu.wait_dma2 semaphore(%run_scoped3A : memref<!tpu.dma_semaphore, #tpu.memory_space<semaphore_mem>>) src(%dma_wait3A_73 : memref<40x64xi32, #tpu.memory_space<hbm>>) dst(%arg12 : memref<40x64xi32, #tpu.memory_space<vmem>>)
      tpu.yield
    }) : () -> ()
    %scan3A = arith.constant 0 : i32
    %scan3A_31 = arith.constant 0 : i32
    %scan3A_32 = arith.constant 11 : i32
    %scan3A_33 = arith.addi %scan3A_31, %scan3A_32 : i32
    %scan3A_34 = arith.constant 1 : i32
    scf.for %scan3A_68 = %scan3A_31 to %scan3A_33 step %scan3A_34  : i32 {
      %mul3A_69 = arith.constant 4 : i32
      %mul3A_70 = arith.muli %mul3A_69, %scan3A_68 : i32
      %add3A_71 = arith.constant 0 : i32
      %add3A_72 = arith.addi %mul3A_70, %add3A_71 : i32
      %ge3A = arith.constant 4 : i32
      %ge3A_73 = arith.cmpi sge, %add3A_72, %ge3A : i32
      %convert_element_type3A_74 = arith.extui %ge3A_73 : i1 to i32
      %cond3A_75 = arith.constant 0 : i32
      %cond3A_76 = arith.cmpi ne, %convert_element_type3A_74, %cond3A_75 : i32
      scf.if %cond3A_76 {
        %dma_wait3A = arith.constant 0 : i32
        %dma_wait3A_161 = arith.constant 0 : i32
        %dma_wait3A_162 = tpu.memref_slice %arg12[%dma_wait3A, %dma_wait3A_161] : memref<40x64xi32, #tpu.memory_space<vmem>> -> memref<1x64xi32, #tpu.memory_space<vmem>>
        %dma_wait3A_163 = tpu.memref_squeeze %dma_wait3A_162 : memref<1x64xi32, #tpu.memory_space<vmem>> -> memref<64xi32, #tpu.memory_space<vmem>>
        %dma_wait3A_164 = arith.constant 0 : i32
        %dma_wait3A_165 = arith.constant 0 : i32
        %dma_wait3A_166 = tpu.memref_slice %arg26[%dma_wait3A_164, %dma_wait3A_165] : memref<10112x128xf32, #tpu.memory_space<vmem_shared>> -> memref<10112x128xf32, #tpu.memory_space<vmem_shared>>
        tpu.wait_indirect_dma semaphore(%arg21 : memref<!tpu.dma_semaphore, #tpu.memory_space<semaphore_mem>>) src(%arg13 : memref<64x128xf32, #tpu.memory_space<vmem>>) dst(%dma_wait3A_166 : memref<10112x128xf32, #tpu.memory_space<vmem_shared>>)
      } else {
      }
      %lt3A = arith.constant 40 : i32
      %lt3A_77 = arith.cmpi slt, %add3A_72, %lt3A : i32
      %convert_element_type3A_78 = arith.extui %lt3A_77 : i1 to i32
      %cond3A_79 = arith.constant 0 : i32
      %cond3A_80 = arith.cmpi ne, %convert_element_type3A_78, %cond3A_79 : i32
      scf.if %cond3A_80 {
        %dma_start3A = arith.constant 0 : i32
        %dma_start3A_161 = tpu.memref_slice %arg11[%add3A_72, %dma_start3A] : memref<40x64xi32, #tpu.memory_space<vmem>> -> memref<1x64xi32, #tpu.memory_space<vmem>>
        %dma_start3A_162 = tpu.memref_squeeze %dma_start3A_161 : memref<1x64xi32, #tpu.memory_space<vmem>> -> memref<64xi32, #tpu.memory_space<vmem>>
        %dma_start3A_163 = arith.constant 0 : i32
        %dma_start3A_164 = arith.constant 0 : i32
        %dma_start3A_165 = tpu.memref_slice %arg2[%dma_start3A_163, %dma_start3A_164] : memref<10000x128xf32, #tpu.memory_space<hbm>> -> memref<10000x128xf32, #tpu.memory_space<hbm>>
        tpu.enqueue_indirect_dma source(%dma_start3A_165 : memref<10000x128xf32, #tpu.memory_space<hbm>>) target(%arg13 : memref<64x128xf32, #tpu.memory_space<vmem>>) offsets(%dma_start3A_162 : memref<64xi32, #tpu.memory_space<vmem>>) semaphore(%arg17 : memref<!tpu.dma_semaphore, #tpu.memory_space<semaphore_mem>>)
      } else {
      }
      %sub3A = arith.constant 2 : i32
      %sub3A_81 = arith.subi %add3A_72, %sub3A : i32
      %ge3A_82 = arith.constant 2 : i32
      %ge3A_83 = arith.cmpi sge, %add3A_72, %ge3A_82 : i32
      %lt3A_84 = arith.constant 42 : i32
      %lt3A_85 = arith.cmpi slt, %add3A_72, %lt3A_84 : i32
      %and3A = arith.andi %ge3A_83, %lt3A_85 : i1
      %convert_element_type3A_86 = arith.extui %and3A : i1 to i32
      %cond3A_87 = arith.constant 0 : i32
      %cond3A_88 = arith.cmpi ne, %convert_element_type3A_86, %cond3A_87 : i32
      scf.if %cond3A_88 {
        %dma_wait3A = arith.constant 0 : i32
        %dma_wait3A_161 = tpu.memref_slice %arg11[%sub3A_81, %dma_wait3A] : memref<40x64xi32, #tpu.memory_space<vmem>> -> memref<1x64xi32, #tpu.memory_space<vmem>>
        %dma_wait3A_162 = tpu.memref_squeeze %dma_wait3A_161 : memref<1x64xi32, #tpu.memory_space<vmem>> -> memref<64xi32, #tpu.memory_space<vmem>>
        %dma_wait3A_163 = arith.constant 0 : i32
        %dma_wait3A_164 = arith.constant 0 : i32
        %dma_wait3A_165 = tpu.memref_slice %arg2[%dma_wait3A_163, %dma_wait3A_164] : memref<10000x128xf32, #tpu.memory_space<hbm>> -> memref<10000x128xf32, #tpu.memory_space<hbm>>
        tpu.wait_indirect_dma semaphore(%arg19 : memref<!tpu.dma_semaphore, #tpu.memory_space<semaphore_mem>>) src(%dma_wait3A_165 : memref<10000x128xf32, #tpu.memory_space<hbm>>) dst(%arg15 : memref<64x128xf32, #tpu.memory_space<vmem>>)
        %dma_start3A = arith.constant 0 : i32
        %dma_start3A_166 = tpu.memref_slice %arg12[%sub3A_81, %dma_start3A] : memref<40x64xi32, #tpu.memory_space<vmem>> -> memref<1x64xi32, #tpu.memory_space<vmem>>
        %dma_start3A_167 = tpu.memref_squeeze %dma_start3A_166 : memref<1x64xi32, #tpu.memory_space<vmem>> -> memref<64xi32, #tpu.memory_space<vmem>>
        %dma_start3A_168 = arith.constant 0 : i32
        %dma_start3A_169 = arith.constant 0 : i32
        %dma_start3A_170 = tpu.memref_slice %arg26[%dma_start3A_168, %dma_start3A_169] : memref<10112x128xf32, #tpu.memory_space<vmem_shared>> -> memref<10112x128xf32, #tpu.memory_space<vmem_shared>>
        tpu.enqueue_indirect_dma source(%arg15 : memref<64x128xf32, #tpu.memory_space<vmem>>) target(%dma_start3A_170 : memref<10112x128xf32, #tpu.memory_space<vmem_shared>>) offsets(%dma_start3A_167 : memref<64xi32, #tpu.memory_space<vmem>>) semaphore(%arg23 : memref<!tpu.dma_semaphore, #tpu.memory_space<semaphore_mem>>) {add = true}
        "tpu.region"() ({
          %run_scoped3A = tpu.sem_alloc : memref<!tpu.dma_semaphore, #tpu.memory_space<semaphore_mem>>
          %dma_start3A_171 = arith.constant 0 : i32
          %dma_start3A_172 = tpu.memref_slice %arg12[%sub3A_81, %dma_start3A_171] : memref<40x64xi32, #tpu.memory_space<vmem>> -> memref<1x64xi32, #tpu.memory_space<vmem>>
          %dma_start3A_173 = tpu.memref_squeeze %dma_start3A_172 : memref<1x64xi32, #tpu.memory_space<vmem>> -> memref<64xi32, #tpu.memory_space<vmem>>
          %dma_start3A_174 = arith.constant 0 : i32
          %dma_start3A_175 = tpu.memref_slice %arg27[%dma_start3A_174] : memref<10240xf32, #tpu.memory_space<vmem_shared>> -> memref<10240xf32, #tpu.memory_space<vmem_shared>>
          tpu.enqueue_indirect_dma source(%arg25 : memref<64xf32, #tpu.memory_space<vmem>>) target(%dma_start3A_175 : memref<10240xf32, #tpu.memory_space<vmem_shared>>) offsets(%dma_start3A_173 : memref<64xi32, #tpu.memory_space<vmem>>) semaphore(%run_scoped3A : memref<!tpu.dma_semaphore, #tpu.memory_space<semaphore_mem>>) {add = true}
          %dma_wait3A_176 = arith.constant 0 : i32
          %dma_wait3A_177 = tpu.memref_slice %arg12[%sub3A_81, %dma_wait3A_176] : memref<40x64xi32, #tpu.memory_space<vmem>> -> memref<1x64xi32, #tpu.memory_space<vmem>>
          %dma_wait3A_178 = tpu.memref_squeeze %dma_wait3A_177 : memref<1x64xi32, #tpu.memory_space<vmem>> -> memref<64xi32, #tpu.memory_space<vmem>>
          %dma_wait3A_179 = arith.constant 0 : i32
          %dma_wait3A_180 = tpu.memref_slice %arg27[%dma_wait3A_179] : memref<10240xf32, #tpu.memory_space<vmem_shared>> -> memref<10240xf32, #tpu.memory_space<vmem_shared>>
          tpu.wait_indirect_dma semaphore(%run_scoped3A : memref<!tpu.dma_semaphore, #tpu.memory_space<semaphore_mem>>) src(%arg25 : memref<64xf32, #tpu.memory_space<vmem>>) dst(%dma_wait3A_180 : memref<10240xf32, #tpu.memory_space<vmem_shared>>)
          tpu.yield
        }) : () -> ()
      } else {
      }
      %mul3A_89 = arith.constant 4 : i32
      %mul3A_90 = arith.muli %mul3A_89, %scan3A_68 : i32
      %add3A_91 = arith.constant 1 : i32
      %add3A_92 = arith.addi %mul3A_90, %add3A_91 : i32
      %ge3A_93 = arith.constant 4 : i32
      %ge3A_94 = arith.cmpi sge, %add3A_92, %ge3A_93 : i32
      %convert_element_type3A_95 = arith.extui %ge3A_94 : i1 to i32
      %cond3A_96 = arith.constant 0 : i32
      %cond3A_97 = arith.cmpi ne, %convert_element_type3A_95, %cond3A_96 : i32
      scf.if %cond3A_97 {
        %dma_wait3A = arith.constant 0 : i32
        %dma_wait3A_161 = arith.constant 0 : i32
        %dma_wait3A_162 = tpu.memref_slice %arg12[%dma_wait3A, %dma_wait3A_161] : memref<40x64xi32, #tpu.memory_space<vmem>> -> memref<1x64xi32, #tpu.memory_space<vmem>>
        %dma_wait3A_163 = tpu.memref_squeeze %dma_wait3A_162 : memref<1x64xi32, #tpu.memory_space<vmem>> -> memref<64xi32, #tpu.memory_space<vmem>>
        %dma_wait3A_164 = arith.constant 0 : i32
        %dma_wait3A_165 = arith.constant 0 : i32
        %dma_wait3A_166 = tpu.memref_slice %arg26[%dma_wait3A_164, %dma_wait3A_165] : memref<10112x128xf32, #tpu.memory_space<vmem_shared>> -> memref<10112x128xf32, #tpu.memory_space<vmem_shared>>
        tpu.wait_indirect_dma semaphore(%arg22 : memref<!tpu.dma_semaphore, #tpu.memory_space<semaphore_mem>>) src(%arg14 : memref<64x128xf32, #tpu.memory_space<vmem>>) dst(%dma_wait3A_166 : memref<10112x128xf32, #tpu.memory_space<vmem_shared>>)
      } else {
      }
      %lt3A_98 = arith.constant 40 : i32
      %lt3A_99 = arith.cmpi slt, %add3A_92, %lt3A_98 : i32
      %convert_element_type3A_100 = arith.extui %lt3A_99 : i1 to i32
      %cond3A_101 = arith.constant 0 : i32
      %cond3A_102 = arith.cmpi ne, %convert_element_type3A_100, %cond3A_101 : i32
      scf.if %cond3A_102 {
        %dma_start3A = arith.constant 0 : i32
        %dma_start3A_161 = tpu.memref_slice %arg11[%add3A_92, %dma_start3A] : memref<40x64xi32, #tpu.memory_space<vmem>> -> memref<1x64xi32, #tpu.memory_space<vmem>>
        %dma_start3A_162 = tpu.memref_squeeze %dma_start3A_161 : memref<1x64xi32, #tpu.memory_space<vmem>> -> memref<64xi32, #tpu.memory_space<vmem>>
        %dma_start3A_163 = arith.constant 0 : i32
        %dma_start3A_164 = arith.constant 0 : i32
        %dma_start3A_165 = tpu.memref_slice %arg2[%dma_start3A_163, %dma_start3A_164] : memref<10000x128xf32, #tpu.memory_space<hbm>> -> memref<10000x128xf32, #tpu.memory_space<hbm>>
        tpu.enqueue_indirect_dma source(%dma_start3A_165 : memref<10000x128xf32, #tpu.memory_space<hbm>>) target(%arg14 : memref<64x128xf32, #tpu.memory_space<vmem>>) offsets(%dma_start3A_162 : memref<64xi32, #tpu.memory_space<vmem>>) semaphore(%arg18 : memref<!tpu.dma_semaphore, #tpu.memory_space<semaphore_mem>>)
      } else {
      }
      %sub3A_103 = arith.constant 2 : i32
      %sub3A_104 = arith.subi %add3A_92, %sub3A_103 : i32
      %ge3A_105 = arith.constant 2 : i32
      %ge3A_106 = arith.cmpi sge, %add3A_92, %ge3A_105 : i32
      %lt3A_107 = arith.constant 42 : i32
      %lt3A_108 = arith.cmpi slt, %add3A_92, %lt3A_107 : i32
      %and3A_109 = arith.andi %ge3A_106, %lt3A_108 : i1
      %convert_element_type3A_110 = arith.extui %and3A_109 : i1 to i32
      %cond3A_111 = arith.constant 0 : i32
      %cond3A_112 = arith.cmpi ne, %convert_element_type3A_110, %cond3A_111 : i32
      scf.if %cond3A_112 {
        %dma_wait3A = arith.constant 0 : i32
        %dma_wait3A_161 = tpu.memref_slice %arg11[%sub3A_104, %dma_wait3A] : memref<40x64xi32, #tpu.memory_space<vmem>> -> memref<1x64xi32, #tpu.memory_space<vmem>>
        %dma_wait3A_162 = tpu.memref_squeeze %dma_wait3A_161 : memref<1x64xi32, #tpu.memory_space<vmem>> -> memref<64xi32, #tpu.memory_space<vmem>>
        %dma_wait3A_163 = arith.constant 0 : i32
        %dma_wait3A_164 = arith.constant 0 : i32
        %dma_wait3A_165 = tpu.memref_slice %arg2[%dma_wait3A_163, %dma_wait3A_164] : memref<10000x128xf32, #tpu.memory_space<hbm>> -> memref<10000x128xf32, #tpu.memory_space<hbm>>
        tpu.wait_indirect_dma semaphore(%arg20 : memref<!tpu.dma_semaphore, #tpu.memory_space<semaphore_mem>>) src(%dma_wait3A_165 : memref<10000x128xf32, #tpu.memory_space<hbm>>) dst(%arg16 : memref<64x128xf32, #tpu.memory_space<vmem>>)
        %dma_start3A = arith.constant 0 : i32
        %dma_start3A_166 = tpu.memref_slice %arg12[%sub3A_104, %dma_start3A] : memref<40x64xi32, #tpu.memory_space<vmem>> -> memref<1x64xi32, #tpu.memory_space<vmem>>
        %dma_start3A_167 = tpu.memref_squeeze %dma_start3A_166 : memref<1x64xi32, #tpu.memory_space<vmem>> -> memref<64xi32, #tpu.memory_space<vmem>>
        %dma_start3A_168 = arith.constant 0 : i32
        %dma_start3A_169 = arith.constant 0 : i32
        %dma_start3A_170 = tpu.memref_slice %arg26[%dma_start3A_168, %dma_start3A_169] : memref<10112x128xf32, #tpu.memory_space<vmem_shared>> -> memref<10112x128xf32, #tpu.memory_space<vmem_shared>>
        tpu.enqueue_indirect_dma source(%arg16 : memref<64x128xf32, #tpu.memory_space<vmem>>) target(%dma_start3A_170 : memref<10112x128xf32, #tpu.memory_space<vmem_shared>>) offsets(%dma_start3A_167 : memref<64xi32, #tpu.memory_space<vmem>>) semaphore(%arg24 : memref<!tpu.dma_semaphore, #tpu.memory_space<semaphore_mem>>) {add = true}
        "tpu.region"() ({
          %run_scoped3A = tpu.sem_alloc : memref<!tpu.dma_semaphore, #tpu.memory_space<semaphore_mem>>
          %dma_start3A_171 = arith.constant 0 : i32
          %dma_start3A_172 = tpu.memref_slice %arg12[%sub3A_104, %dma_start3A_171] : memref<40x64xi32, #tpu.memory_space<vmem>> -> memref<1x64xi32, #tpu.memory_space<vmem>>
          %dma_start3A_173 = tpu.memref_squeeze %dma_start3A_172 : memref<1x64xi32, #tpu.memory_space<vmem>> -> memref<64xi32, #tpu.memory_space<vmem>>
          %dma_start3A_174 = arith.constant 0 : i32
          %dma_start3A_175 = tpu.memref_slice %arg27[%dma_start3A_174] : memref<10240xf32, #tpu.memory_space<vmem_shared>> -> memref<10240xf32, #tpu.memory_space<vmem_shared>>
          tpu.enqueue_indirect_dma source(%arg25 : memref<64xf32, #tpu.memory_space<vmem>>) target(%dma_start3A_175 : memref<10240xf32, #tpu.memory_space<vmem_shared>>) offsets(%dma_start3A_173 : memref<64xi32, #tpu.memory_space<vmem>>) semaphore(%run_scoped3A : memref<!tpu.dma_semaphore, #tpu.memory_space<semaphore_mem>>) {add = true}
          %dma_wait3A_176 = arith.constant 0 : i32
          %dma_wait3A_177 = tpu.memref_slice %arg12[%sub3A_104, %dma_wait3A_176] : memref<40x64xi32, #tpu.memory_space<vmem>> -> memref<1x64xi32, #tpu.memory_space<vmem>>
          %dma_wait3A_178 = tpu.memref_squeeze %dma_wait3A_177 : memref<1x64xi32, #tpu.memory_space<vmem>> -> memref<64xi32, #tpu.memory_space<vmem>>
          %dma_wait3A_179 = arith.constant 0 : i32
          %dma_wait3A_180 = tpu.memref_slice %arg27[%dma_wait3A_179] : memref<10240xf32, #tpu.memory_space<vmem_shared>> -> memref<10240xf32, #tpu.memory_space<vmem_shared>>
          tpu.wait_indirect_dma semaphore(%run_scoped3A : memref<!tpu.dma_semaphore, #tpu.memory_space<semaphore_mem>>) src(%arg25 : memref<64xf32, #tpu.memory_space<vmem>>) dst(%dma_wait3A_180 : memref<10240xf32, #tpu.memory_space<vmem_shared>>)
          tpu.yield
        }) : () -> ()
      } else {
      }
      %mul3A_113 = arith.constant 4 : i32
      %mul3A_114 = arith.muli %mul3A_113, %scan3A_68 : i32
      %add3A_115 = arith.constant 2 : i32
      %add3A_116 = arith.addi %mul3A_114, %add3A_115 : i32
      %ge3A_117 = arith.constant 4 : i32
      %ge3A_118 = arith.cmpi sge, %add3A_116, %ge3A_117 : i32
      %convert_element_type3A_119 = arith.extui %ge3A_118 : i1 to i32
      %cond3A_120 = arith.constant 0 : i32
      %cond3A_121 = arith.cmpi ne, %convert_element_type3A_119, %cond3A_120 : i32
      scf.if %cond3A_121 {
        %dma_wait3A = arith.constant 0 : i32
        %dma_wait3A_161 = arith.constant 0 : i32
        %dma_wait3A_162 = tpu.memref_slice %arg12[%dma_wait3A, %dma_wait3A_161] : memref<40x64xi32, #tpu.memory_space<vmem>> -> memref<1x64xi32, #tpu.memory_space<vmem>>
        %dma_wait3A_163 = tpu.memref_squeeze %dma_wait3A_162 : memref<1x64xi32, #tpu.memory_space<vmem>> -> memref<64xi32, #tpu.memory_space<vmem>>
        %dma_wait3A_164 = arith.constant 0 : i32
        %dma_wait3A_165 = arith.constant 0 : i32
        %dma_wait3A_166 = tpu.memref_slice %arg26[%dma_wait3A_164, %dma_wait3A_165] : memref<10112x128xf32, #tpu.memory_space<vmem_shared>> -> memref<10112x128xf32, #tpu.memory_space<vmem_shared>>
        tpu.wait_indirect_dma semaphore(%arg23 : memref<!tpu.dma_semaphore, #tpu.memory_space<semaphore_mem>>) src(%arg15 : memref<64x128xf32, #tpu.memory_space<vmem>>) dst(%dma_wait3A_166 : memref<10112x128xf32, #tpu.memory_space<vmem_shared>>)
      } else {
      }
      %lt3A_122 = arith.constant 40 : i32
      %lt3A_123 = arith.cmpi slt, %add3A_116, %lt3A_122 : i32
      %convert_element_type3A_124 = arith.extui %lt3A_123 : i1 to i32
      %cond3A_125 = arith.constant 0 : i32
      %cond3A_126 = arith.cmpi ne, %convert_element_type3A_124, %cond3A_125 : i32
      scf.if %cond3A_126 {
        %dma_start3A = arith.constant 0 : i32
        %dma_start3A_161 = tpu.memref_slice %arg11[%add3A_116, %dma_start3A] : memref<40x64xi32, #tpu.memory_space<vmem>> -> memref<1x64xi32, #tpu.memory_space<vmem>>
        %dma_start3A_162 = tpu.memref_squeeze %dma_start3A_161 : memref<1x64xi32, #tpu.memory_space<vmem>> -> memref<64xi32, #tpu.memory_space<vmem>>
        %dma_start3A_163 = arith.constant 0 : i32
        %dma_start3A_164 = arith.constant 0 : i32
        %dma_start3A_165 = tpu.memref_slice %arg2[%dma_start3A_163, %dma_start3A_164] : memref<10000x128xf32, #tpu.memory_space<hbm>> -> memref<10000x128xf32, #tpu.memory_space<hbm>>
        tpu.enqueue_indirect_dma source(%dma_start3A_165 : memref<10000x128xf32, #tpu.memory_space<hbm>>) target(%arg15 : memref<64x128xf32, #tpu.memory_space<vmem>>) offsets(%dma_start3A_162 : memref<64xi32, #tpu.memory_space<vmem>>) semaphore(%arg19 : memref<!tpu.dma_semaphore, #tpu.memory_space<semaphore_mem>>)
      } else {
      }
      %sub3A_127 = arith.constant 2 : i32
      %sub3A_128 = arith.subi %add3A_116, %sub3A_127 : i32
      %ge3A_129 = arith.constant 2 : i32
      %ge3A_130 = arith.cmpi sge, %add3A_116, %ge3A_129 : i32
      %lt3A_131 = arith.constant 42 : i32
      %lt3A_132 = arith.cmpi slt, %add3A_116, %lt3A_131 : i32
      %and3A_133 = arith.andi %ge3A_130, %lt3A_132 : i1
      %convert_element_type3A_134 = arith.extui %and3A_133 : i1 to i32
      %cond3A_135 = arith.constant 0 : i32
      %cond3A_136 = arith.cmpi ne, %convert_element_type3A_134, %cond3A_135 : i32
      scf.if %cond3A_136 {
        %dma_wait3A = arith.constant 0 : i32
        %dma_wait3A_161 = tpu.memref_slice %arg11[%sub3A_128, %dma_wait3A] : memref<40x64xi32, #tpu.memory_space<vmem>> -> memref<1x64xi32, #tpu.memory_space<vmem>>
        %dma_wait3A_162 = tpu.memref_squeeze %dma_wait3A_161 : memref<1x64xi32, #tpu.memory_space<vmem>> -> memref<64xi32, #tpu.memory_space<vmem>>
        %dma_wait3A_163 = arith.constant 0 : i32
        %dma_wait3A_164 = arith.constant 0 : i32
        %dma_wait3A_165 = tpu.memref_slice %arg2[%dma_wait3A_163, %dma_wait3A_164] : memref<10000x128xf32, #tpu.memory_space<hbm>> -> memref<10000x128xf32, #tpu.memory_space<hbm>>
        tpu.wait_indirect_dma semaphore(%arg17 : memref<!tpu.dma_semaphore, #tpu.memory_space<semaphore_mem>>) src(%dma_wait3A_165 : memref<10000x128xf32, #tpu.memory_space<hbm>>) dst(%arg13 : memref<64x128xf32, #tpu.memory_space<vmem>>)
        %dma_start3A = arith.constant 0 : i32
        %dma_start3A_166 = tpu.memref_slice %arg12[%sub3A_128, %dma_start3A] : memref<40x64xi32, #tpu.memory_space<vmem>> -> memref<1x64xi32, #tpu.memory_space<vmem>>
        %dma_start3A_167 = tpu.memref_squeeze %dma_start3A_166 : memref<1x64xi32, #tpu.memory_space<vmem>> -> memref<64xi32, #tpu.memory_space<vmem>>
        %dma_start3A_168 = arith.constant 0 : i32
        %dma_start3A_169 = arith.constant 0 : i32
        %dma_start3A_170 = tpu.memref_slice %arg26[%dma_start3A_168, %dma_start3A_169] : memref<10112x128xf32, #tpu.memory_space<vmem_shared>> -> memref<10112x128xf32, #tpu.memory_space<vmem_shared>>
        tpu.enqueue_indirect_dma source(%arg13 : memref<64x128xf32, #tpu.memory_space<vmem>>) target(%dma_start3A_170 : memref<10112x128xf32, #tpu.memory_space<vmem_shared>>) offsets(%dma_start3A_167 : memref<64xi32, #tpu.memory_space<vmem>>) semaphore(%arg21 : memref<!tpu.dma_semaphore, #tpu.memory_space<semaphore_mem>>) {add = true}
        "tpu.region"() ({
          %run_scoped3A = tpu.sem_alloc : memref<!tpu.dma_semaphore, #tpu.memory_space<semaphore_mem>>
          %dma_start3A_171 = arith.constant 0 : i32
          %dma_start3A_172 = tpu.memref_slice %arg12[%sub3A_128, %dma_start3A_171] : memref<40x64xi32, #tpu.memory_space<vmem>> -> memref<1x64xi32, #tpu.memory_space<vmem>>
          %dma_start3A_173 = tpu.memref_squeeze %dma_start3A_172 : memref<1x64xi32, #tpu.memory_space<vmem>> -> memref<64xi32, #tpu.memory_space<vmem>>
          %dma_start3A_174 = arith.constant 0 : i32
          %dma_start3A_175 = tpu.memref_slice %arg27[%dma_start3A_174] : memref<10240xf32, #tpu.memory_space<vmem_shared>> -> memref<10240xf32, #tpu.memory_space<vmem_shared>>
          tpu.enqueue_indirect_dma source(%arg25 : memref<64xf32, #tpu.memory_space<vmem>>) target(%dma_start3A_175 : memref<10240xf32, #tpu.memory_space<vmem_shared>>) offsets(%dma_start3A_173 : memref<64xi32, #tpu.memory_space<vmem>>) semaphore(%run_scoped3A : memref<!tpu.dma_semaphore, #tpu.memory_space<semaphore_mem>>) {add = true}
          %dma_wait3A_176 = arith.constant 0 : i32
          %dma_wait3A_177 = tpu.memref_slice %arg12[%sub3A_128, %dma_wait3A_176] : memref<40x64xi32, #tpu.memory_space<vmem>> -> memref<1x64xi32, #tpu.memory_space<vmem>>
          %dma_wait3A_178 = tpu.memref_squeeze %dma_wait3A_177 : memref<1x64xi32, #tpu.memory_space<vmem>> -> memref<64xi32, #tpu.memory_space<vmem>>
          %dma_wait3A_179 = arith.constant 0 : i32
          %dma_wait3A_180 = tpu.memref_slice %arg27[%dma_wait3A_179] : memref<10240xf32, #tpu.memory_space<vmem_shared>> -> memref<10240xf32, #tpu.memory_space<vmem_shared>>
          tpu.wait_indirect_dma semaphore(%run_scoped3A : memref<!tpu.dma_semaphore, #tpu.memory_space<semaphore_mem>>) src(%arg25 : memref<64xf32, #tpu.memory_space<vmem>>) dst(%dma_wait3A_180 : memref<10240xf32, #tpu.memory_space<vmem_shared>>)
          tpu.yield
        }) : () -> ()
      } else {
      }
      %mul3A_137 = arith.constant 4 : i32
      %mul3A_138 = arith.muli %mul3A_137, %scan3A_68 : i32
      %add3A_139 = arith.constant 3 : i32
      %add3A_140 = arith.addi %mul3A_138, %add3A_139 : i32
      %ge3A_141 = arith.constant 4 : i32
      %ge3A_142 = arith.cmpi sge, %add3A_140, %ge3A_141 : i32
      %convert_element_type3A_143 = arith.extui %ge3A_142 : i1 to i32
      %cond3A_144 = arith.constant 0 : i32
      %cond3A_145 = arith.cmpi ne, %convert_element_type3A_143, %cond3A_144 : i32
      scf.if %cond3A_145 {
        %dma_wait3A = arith.constant 0 : i32
        %dma_wait3A_161 = arith.constant 0 : i32
        %dma_wait3A_162 = tpu.memref_slice %arg12[%dma_wait3A, %dma_wait3A_161] : memref<40x64xi32, #tpu.memory_space<vmem>> -> memref<1x64xi32, #tpu.memory_space<vmem>>
        %dma_wait3A_163 = tpu.memref_squeeze %dma_wait3A_162 : memref<1x64xi32, #tpu.memory_space<vmem>> -> memref<64xi32, #tpu.memory_space<vmem>>
        %dma_wait3A_164 = arith.constant 0 : i32
        %dma_wait3A_165 = arith.constant 0 : i32
        %dma_wait3A_166 = tpu.memref_slice %arg26[%dma_wait3A_164, %dma_wait3A_165] : memref<10112x128xf32, #tpu.memory_space<vmem_shared>> -> memref<10112x128xf32, #tpu.memory_space<vmem_shared>>
        tpu.wait_indirect_dma semaphore(%arg24 : memref<!tpu.dma_semaphore, #tpu.memory_space<semaphore_mem>>) src(%arg16 : memref<64x128xf32, #tpu.memory_space<vmem>>) dst(%dma_wait3A_166 : memref<10112x128xf32, #tpu.memory_space<vmem_shared>>)
      } else {
      }
      %lt3A_146 = arith.constant 40 : i32
      %lt3A_147 = arith.cmpi slt, %add3A_140, %lt3A_146 : i32
      %convert_element_type3A_148 = arith.extui %lt3A_147 : i1 to i32
      %cond3A_149 = arith.constant 0 : i32
      %cond3A_150 = arith.cmpi ne, %convert_element_type3A_148, %cond3A_149 : i32
      scf.if %cond3A_150 {
        %dma_start3A = arith.constant 0 : i32
        %dma_start3A_161 = tpu.memref_slice %arg11[%add3A_140, %dma_start3A] : memref<40x64xi32, #tpu.memory_space<vmem>> -> memref<1x64xi32, #tpu.memory_space<vmem>>
        %dma_start3A_162 = tpu.memref_squeeze %dma_start3A_161 : memref<1x64xi32, #tpu.memory_space<vmem>> -> memref<64xi32, #tpu.memory_space<vmem>>
        %dma_start3A_163 = arith.constant 0 : i32
        %dma_start3A_164 = arith.constant 0 : i32
        %dma_start3A_165 = tpu.memref_slice %arg2[%dma_start3A_163, %dma_start3A_164] : memref<10000x128xf32, #tpu.memory_space<hbm>> -> memref<10000x128xf32, #tpu.memory_space<hbm>>
        tpu.enqueue_indirect_dma source(%dma_start3A_165 : memref<10000x128xf32, #tpu.memory_space<hbm>>) target(%arg16 : memref<64x128xf32, #tpu.memory_space<vmem>>) offsets(%dma_start3A_162 : memref<64xi32, #tpu.memory_space<vmem>>) semaphore(%arg20 : memref<!tpu.dma_semaphore, #tpu.memory_space<semaphore_mem>>)
      } else {
      }
      %sub3A_151 = arith.constant 2 : i32
      %sub3A_152 = arith.subi %add3A_140, %sub3A_151 : i32
      %ge3A_153 = arith.constant 2 : i32
      %ge3A_154 = arith.cmpi sge, %add3A_140, %ge3A_153 : i32
      %lt3A_155 = arith.constant 42 : i32
      %lt3A_156 = arith.cmpi slt, %add3A_140, %lt3A_155 : i32
      %and3A_157 = arith.andi %ge3A_154, %lt3A_156 : i1
      %convert_element_type3A_158 = arith.extui %and3A_157 : i1 to i32
      %cond3A_159 = arith.constant 0 : i32
      %cond3A_160 = arith.cmpi ne, %convert_element_type3A_158, %cond3A_159 : i32
      scf.if %cond3A_160 {
        %dma_wait3A = arith.constant 0 : i32
        %dma_wait3A_161 = tpu.memref_slice %arg11[%sub3A_152, %dma_wait3A] : memref<40x64xi32, #tpu.memory_space<vmem>> -> memref<1x64xi32, #tpu.memory_space<vmem>>
        %dma_wait3A_162 = tpu.memref_squeeze %dma_wait3A_161 : memref<1x64xi32, #tpu.memory_space<vmem>> -> memref<64xi32, #tpu.memory_space<vmem>>
        %dma_wait3A_163 = arith.constant 0 : i32
        %dma_wait3A_164 = arith.constant 0 : i32
        %dma_wait3A_165 = tpu.memref_slice %arg2[%dma_wait3A_163, %dma_wait3A_164] : memref<10000x128xf32, #tpu.memory_space<hbm>> -> memref<10000x128xf32, #tpu.memory_space<hbm>>
        tpu.wait_indirect_dma semaphore(%arg18 : memref<!tpu.dma_semaphore, #tpu.memory_space<semaphore_mem>>) src(%dma_wait3A_165 : memref<10000x128xf32, #tpu.memory_space<hbm>>) dst(%arg14 : memref<64x128xf32, #tpu.memory_space<vmem>>)
        %dma_start3A = arith.constant 0 : i32
        %dma_start3A_166 = tpu.memref_slice %arg12[%sub3A_152, %dma_start3A] : memref<40x64xi32, #tpu.memory_space<vmem>> -> memref<1x64xi32, #tpu.memory_space<vmem>>
        %dma_start3A_167 = tpu.memref_squeeze %dma_start3A_166 : memref<1x64xi32, #tpu.memory_space<vmem>> -> memref<64xi32, #tpu.memory_space<vmem>>
        %dma_start3A_168 = arith.constant 0 : i32
        %dma_start3A_169 = arith.constant 0 : i32
        %dma_start3A_170 = tpu.memref_slice %arg26[%dma_start3A_168, %dma_start3A_169] : memref<10112x128xf32, #tpu.memory_space<vmem_shared>> -> memref<10112x128xf32, #tpu.memory_space<vmem_shared>>
        tpu.enqueue_indirect_dma source(%arg14 : memref<64x128xf32, #tpu.memory_space<vmem>>) target(%dma_start3A_170 : memref<10112x128xf32, #tpu.memory_space<vmem_shared>>) offsets(%dma_start3A_167 : memref<64xi32, #tpu.memory_space<vmem>>) semaphore(%arg22 : memref<!tpu.dma_semaphore, #tpu.memory_space<semaphore_mem>>) {add = true}
        "tpu.region"() ({
          %run_scoped3A = tpu.sem_alloc : memref<!tpu.dma_semaphore, #tpu.memory_space<semaphore_mem>>
          %dma_start3A_171 = arith.constant 0 : i32
          %dma_start3A_172 = tpu.memref_slice %arg12[%sub3A_152, %dma_start3A_171] : memref<40x64xi32, #tpu.memory_space<vmem>> -> memref<1x64xi32, #tpu.memory_space<vmem>>
          %dma_start3A_173 = tpu.memref_squeeze %dma_start3A_172 : memref<1x64xi32, #tpu.memory_space<vmem>> -> memref<64xi32, #tpu.memory_space<vmem>>
          %dma_start3A_174 = arith.constant 0 : i32
          %dma_start3A_175 = tpu.memref_slice %arg27[%dma_start3A_174] : memref<10240xf32, #tpu.memory_space<vmem_shared>> -> memref<10240xf32, #tpu.memory_space<vmem_shared>>
          tpu.enqueue_indirect_dma source(%arg25 : memref<64xf32, #tpu.memory_space<vmem>>) target(%dma_start3A_175 : memref<10240xf32, #tpu.memory_space<vmem_shared>>) offsets(%dma_start3A_173 : memref<64xi32, #tpu.memory_space<vmem>>) semaphore(%run_scoped3A : memref<!tpu.dma_semaphore, #tpu.memory_space<semaphore_mem>>) {add = true}
          %dma_wait3A_176 = arith.constant 0 : i32
          %dma_wait3A_177 = tpu.memref_slice %arg12[%sub3A_152, %dma_wait3A_176] : memref<40x64xi32, #tpu.memory_space<vmem>> -> memref<1x64xi32, #tpu.memory_space<vmem>>
          %dma_wait3A_178 = tpu.memref_squeeze %dma_wait3A_177 : memref<1x64xi32, #tpu.memory_space<vmem>> -> memref<64xi32, #tpu.memory_space<vmem>>
          %dma_wait3A_179 = arith.constant 0 : i32
          %dma_wait3A_180 = tpu.memref_slice %arg27[%dma_wait3A_179] : memref<10240xf32, #tpu.memory_space<vmem_shared>> -> memref<10240xf32, #tpu.memory_space<vmem_shared>>
          tpu.wait_indirect_dma semaphore(%run_scoped3A : memref<!tpu.dma_semaphore, #tpu.memory_space<semaphore_mem>>) src(%arg25 : memref<64xf32, #tpu.memory_space<vmem>>) dst(%dma_wait3A_180 : memref<10240xf32, #tpu.memory_space<vmem_shared>>)
          tpu.yield
        }) : () -> ()
      } else {
      }
    }
    %scan3A_35 = arith.constant 11 : i32
    %add3A_36 = arith.constant 40 : i32
    %add3A_37 = arith.addi %mul3A_2, %add3A_36 : i32
    "tpu.region"() ({
      %run_scoped3A = tpu.sem_alloc : memref<!tpu.dma_semaphore, #tpu.memory_space<semaphore_mem>>
      %dma_start3A = arith.constant 0 : i32
      %dma_start3A_68 = tpu.memref_slice %arg3[%add3A_37, %dma_start3A] : memref<5120x64xi32, #tpu.memory_space<hbm>> -> memref<40x64xi32, #tpu.memory_space<hbm>>
      %dma_start3A_69 = arith.constant 0 : i32
      %dma_start3A_70 = tpu.memref_slice %arg3[%add3A_37, %dma_start3A_69] : memref<5120x64xi32, #tpu.memory_space<hbm>> -> memref<40x64xi32, #tpu.memory_space<hbm>>
      tpu.enqueue_dma source(%dma_start3A_70 : memref<40x64xi32, #tpu.memory_space<hbm>>) target(%arg11 : memref<40x64xi32, #tpu.memory_space<vmem>>) target_semaphore(%run_scoped3A : memref<!tpu.dma_semaphore, #tpu.memory_space<semaphore_mem>>)
      %dma_wait3A = arith.constant 0 : i32
      %dma_wait3A_71 = tpu.memref_slice %arg3[%add3A_37, %dma_wait3A] : memref<5120x64xi32, #tpu.memory_space<hbm>> -> memref<40x64xi32, #tpu.memory_space<hbm>>
      %dma_wait3A_72 = arith.constant 0 : i32
      %dma_wait3A_73 = tpu.memref_slice %arg3[%add3A_37, %dma_wait3A_72] : memref<5120x64xi32, #tpu.memory_space<hbm>> -> memref<40x64xi32, #tpu.memory_space<hbm>>
      tpu.wait_dma2 semaphore(%run_scoped3A : memref<!tpu.dma_semaphore, #tpu.memory_space<semaphore_mem>>) src(%dma_wait3A_73 : memref<40x64xi32, #tpu.memory_space<hbm>>) dst(%arg11 : memref<40x64xi32, #tpu.memory_space<vmem>>)
      tpu.yield
    }) : () -> ()
    "tpu.region"() ({
      %run_scoped3A = tpu.sem_alloc : memref<!tpu.dma_semaphore, #tpu.memory_space<semaphore_mem>>
      %dma_start3A = arith.constant 0 : i32
      %dma_start3A_68 = tpu.memref_slice %arg4[%add3A_37, %dma_start3A] : memref<5120x64xi32, #tpu.memory_space<hbm>> -> memref<40x64xi32, #tpu.memory_space<hbm>>
      %dma_start3A_69 = arith.constant 0 : i32
      %dma_start3A_70 = tpu.memref_slice %arg4[%add3A_37, %dma_start3A_69] : memref<5120x64xi32, #tpu.memory_space<hbm>> -> memref<40x64xi32, #tpu.memory_space<hbm>>
      tpu.enqueue_dma source(%dma_start3A_70 : memref<40x64xi32, #tpu.memory_space<hbm>>) target(%arg12 : memref<40x64xi32, #tpu.memory_space<vmem>>) target_semaphore(%run_scoped3A : memref<!tpu.dma_semaphore, #tpu.memory_space<semaphore_mem>>)
      %dma_wait3A = arith.constant 0 : i32
      %dma_wait3A_71 = tpu.memref_slice %arg4[%add3A_37, %dma_wait3A] : memref<5120x64xi32, #tpu.memory_space<hbm>> -> memref<40x64xi32, #tpu.memory_space<hbm>>
      %dma_wait3A_72 = arith.constant 0 : i32
      %dma_wait3A_73 = tpu.memref_slice %arg4[%add3A_37, %dma_wait3A_72] : memref<5120x64xi32, #tpu.memory_space<hbm>> -> memref<40x64xi32, #tpu.memory_space<hbm>>
      tpu.wait_dma2 semaphore(%run_scoped3A : memref<!tpu.dma_semaphore, #tpu.memory_space<semaphore_mem>>) src(%dma_wait3A_73 : memref<40x64xi32, #tpu.memory_space<hbm>>) dst(%arg12 : memref<40x64xi32, #tpu.memory_space<vmem>>)
      tpu.yield
    }) : () -> ()
    %scan3A_38 = arith.constant 0 : i32
    %scan3A_39 = arith.constant 0 : i32
    %scan3A_40 = arith.constant 11 : i32
    %scan3A_41 = arith.addi %scan3A_39, %scan3A_40 : i32
    %scan3A_42 = arith.constant 1 : i32
    scf.for %scan3A_68 = %scan3A_39 to %scan3A_41 step %scan3A_42  : i32 {
      %mul3A_69 = arith.constant 4 : i32
      %mul3A_70 = arith.muli %mul3A_69, %scan3A_68 : i32
      %add3A_71 = arith.constant 0 : i32
      %add3A_72 = arith.addi %mul3A_70, %add3A_71 : i32
      %ge3A = arith.constant 4 : i32
      %ge3A_73 = arith.cmpi sge, %add3A_72, %ge3A : i32
      %convert_element_type3A_74 = arith.extui %ge3A_73 : i1 to i32
      %cond3A_75 = arith.constant 0 : i32
      %cond3A_76 = arith.cmpi ne, %convert_element_type3A_74, %cond3A_75 : i32
      scf.if %cond3A_76 {
        %dma_wait3A = arith.constant 0 : i32
        %dma_wait3A_161 = arith.constant 0 : i32
        %dma_wait3A_162 = tpu.memref_slice %arg12[%dma_wait3A, %dma_wait3A_161] : memref<40x64xi32, #tpu.memory_space<vmem>> -> memref<1x64xi32, #tpu.memory_space<vmem>>
        %dma_wait3A_163 = tpu.memref_squeeze %dma_wait3A_162 : memref<1x64xi32, #tpu.memory_space<vmem>> -> memref<64xi32, #tpu.memory_space<vmem>>
        %dma_wait3A_164 = arith.constant 0 : i32
        %dma_wait3A_165 = arith.constant 0 : i32
        %dma_wait3A_166 = tpu.memref_slice %arg26[%dma_wait3A_164, %dma_wait3A_165] : memref<10112x128xf32, #tpu.memory_space<vmem_shared>> -> memref<10112x128xf32, #tpu.memory_space<vmem_shared>>
        tpu.wait_indirect_dma semaphore(%arg21 : memref<!tpu.dma_semaphore, #tpu.memory_space<semaphore_mem>>) src(%arg13 : memref<64x128xf32, #tpu.memory_space<vmem>>) dst(%dma_wait3A_166 : memref<10112x128xf32, #tpu.memory_space<vmem_shared>>)
      } else {
      }
      %lt3A = arith.constant 40 : i32
      %lt3A_77 = arith.cmpi slt, %add3A_72, %lt3A : i32
      %convert_element_type3A_78 = arith.extui %lt3A_77 : i1 to i32
      %cond3A_79 = arith.constant 0 : i32
      %cond3A_80 = arith.cmpi ne, %convert_element_type3A_78, %cond3A_79 : i32
      scf.if %cond3A_80 {
        %dma_start3A = arith.constant 0 : i32
        %dma_start3A_161 = tpu.memref_slice %arg11[%add3A_72, %dma_start3A] : memref<40x64xi32, #tpu.memory_space<vmem>> -> memref<1x64xi32, #tpu.memory_space<vmem>>
        %dma_start3A_162 = tpu.memref_squeeze %dma_start3A_161 : memref<1x64xi32, #tpu.memory_space<vmem>> -> memref<64xi32, #tpu.memory_space<vmem>>
        %dma_start3A_163 = arith.constant 0 : i32
        %dma_start3A_164 = arith.constant 0 : i32
        %dma_start3A_165 = tpu.memref_slice %arg2[%dma_start3A_163, %dma_start3A_164] : memref<10000x128xf32, #tpu.memory_space<hbm>> -> memref<10000x128xf32, #tpu.memory_space<hbm>>
        tpu.enqueue_indirect_dma source(%dma_start3A_165 : memref<10000x128xf32, #tpu.memory_space<hbm>>) target(%arg13 : memref<64x128xf32, #tpu.memory_space<vmem>>) offsets(%dma_start3A_162 : memref<64xi32, #tpu.memory_space<vmem>>) semaphore(%arg17 : memref<!tpu.dma_semaphore, #tpu.memory_space<semaphore_mem>>)
      } else {
      }
      %sub3A = arith.constant 2 : i32
      %sub3A_81 = arith.subi %add3A_72, %sub3A : i32
      %ge3A_82 = arith.constant 2 : i32
      %ge3A_83 = arith.cmpi sge, %add3A_72, %ge3A_82 : i32
      %lt3A_84 = arith.constant 42 : i32
      %lt3A_85 = arith.cmpi slt, %add3A_72, %lt3A_84 : i32
      %and3A = arith.andi %ge3A_83, %lt3A_85 : i1
      %convert_element_type3A_86 = arith.extui %and3A : i1 to i32
      %cond3A_87 = arith.constant 0 : i32
      %cond3A_88 = arith.cmpi ne, %convert_element_type3A_86, %cond3A_87 : i32
      scf.if %cond3A_88 {
        %dma_wait3A = arith.constant 0 : i32
        %dma_wait3A_161 = tpu.memref_slice %arg11[%sub3A_81, %dma_wait3A] : memref<40x64xi32, #tpu.memory_space<vmem>> -> memref<1x64xi32, #tpu.memory_space<vmem>>
        %dma_wait3A_162 = tpu.memref_squeeze %dma_wait3A_161 : memref<1x64xi32, #tpu.memory_space<vmem>> -> memref<64xi32, #tpu.memory_space<vmem>>
        %dma_wait3A_163 = arith.constant 0 : i32
        %dma_wait3A_164 = arith.constant 0 : i32
        %dma_wait3A_165 = tpu.memref_slice %arg2[%dma_wait3A_163, %dma_wait3A_164] : memref<10000x128xf32, #tpu.memory_space<hbm>> -> memref<10000x128xf32, #tpu.memory_space<hbm>>
        tpu.wait_indirect_dma semaphore(%arg19 : memref<!tpu.dma_semaphore, #tpu.memory_space<semaphore_mem>>) src(%dma_wait3A_165 : memref<10000x128xf32, #tpu.memory_space<hbm>>) dst(%arg15 : memref<64x128xf32, #tpu.memory_space<vmem>>)
        %dma_start3A = arith.constant 0 : i32
        %dma_start3A_166 = tpu.memref_slice %arg12[%sub3A_81, %dma_start3A] : memref<40x64xi32, #tpu.memory_space<vmem>> -> memref<1x64xi32, #tpu.memory_space<vmem>>
        %dma_start3A_167 = tpu.memref_squeeze %dma_start3A_166 : memref<1x64xi32, #tpu.memory_space<vmem>> -> memref<64xi32, #tpu.memory_space<vmem>>
        %dma_start3A_168 = arith.constant 0 : i32
        %dma_start3A_169 = arith.constant 0 : i32
        %dma_start3A_170 = tpu.memref_slice %arg26[%dma_start3A_168, %dma_start3A_169] : memref<10112x128xf32, #tpu.memory_space<vmem_shared>> -> memref<10112x128xf32, #tpu.memory_space<vmem_shared>>
        tpu.enqueue_indirect_dma source(%arg15 : memref<64x128xf32, #tpu.memory_space<vmem>>) target(%dma_start3A_170 : memref<10112x128xf32, #tpu.memory_space<vmem_shared>>) offsets(%dma_start3A_167 : memref<64xi32, #tpu.memory_space<vmem>>) semaphore(%arg23 : memref<!tpu.dma_semaphore, #tpu.memory_space<semaphore_mem>>) {add = true}
        "tpu.region"() ({
          %run_scoped3A = tpu.sem_alloc : memref<!tpu.dma_semaphore, #tpu.memory_space<semaphore_mem>>
          %dma_start3A_171 = arith.constant 0 : i32
          %dma_start3A_172 = tpu.memref_slice %arg12[%sub3A_81, %dma_start3A_171] : memref<40x64xi32, #tpu.memory_space<vmem>> -> memref<1x64xi32, #tpu.memory_space<vmem>>
          %dma_start3A_173 = tpu.memref_squeeze %dma_start3A_172 : memref<1x64xi32, #tpu.memory_space<vmem>> -> memref<64xi32, #tpu.memory_space<vmem>>
          %dma_start3A_174 = arith.constant 0 : i32
          %dma_start3A_175 = tpu.memref_slice %arg27[%dma_start3A_174] : memref<10240xf32, #tpu.memory_space<vmem_shared>> -> memref<10240xf32, #tpu.memory_space<vmem_shared>>
          tpu.enqueue_indirect_dma source(%arg25 : memref<64xf32, #tpu.memory_space<vmem>>) target(%dma_start3A_175 : memref<10240xf32, #tpu.memory_space<vmem_shared>>) offsets(%dma_start3A_173 : memref<64xi32, #tpu.memory_space<vmem>>) semaphore(%run_scoped3A : memref<!tpu.dma_semaphore, #tpu.memory_space<semaphore_mem>>) {add = true}
          %dma_wait3A_176 = arith.constant 0 : i32
          %dma_wait3A_177 = tpu.memref_slice %arg12[%sub3A_81, %dma_wait3A_176] : memref<40x64xi32, #tpu.memory_space<vmem>> -> memref<1x64xi32, #tpu.memory_space<vmem>>
          %dma_wait3A_178 = tpu.memref_squeeze %dma_wait3A_177 : memref<1x64xi32, #tpu.memory_space<vmem>> -> memref<64xi32, #tpu.memory_space<vmem>>
          %dma_wait3A_179 = arith.constant 0 : i32
          %dma_wait3A_180 = tpu.memref_slice %arg27[%dma_wait3A_179] : memref<10240xf32, #tpu.memory_space<vmem_shared>> -> memref<10240xf32, #tpu.memory_space<vmem_shared>>
          tpu.wait_indirect_dma semaphore(%run_scoped3A : memref<!tpu.dma_semaphore, #tpu.memory_space<semaphore_mem>>) src(%arg25 : memref<64xf32, #tpu.memory_space<vmem>>) dst(%dma_wait3A_180 : memref<10240xf32, #tpu.memory_space<vmem_shared>>)
          tpu.yield
        }) : () -> ()
      } else {
      }
      %mul3A_89 = arith.constant 4 : i32
      %mul3A_90 = arith.muli %mul3A_89, %scan3A_68 : i32
      %add3A_91 = arith.constant 1 : i32
      %add3A_92 = arith.addi %mul3A_90, %add3A_91 : i32
      %ge3A_93 = arith.constant 4 : i32
      %ge3A_94 = arith.cmpi sge, %add3A_92, %ge3A_93 : i32
      %convert_element_type3A_95 = arith.extui %ge3A_94 : i1 to i32
      %cond3A_96 = arith.constant 0 : i32
      %cond3A_97 = arith.cmpi ne, %convert_element_type3A_95, %cond3A_96 : i32
      scf.if %cond3A_97 {
        %dma_wait3A = arith.constant 0 : i32
        %dma_wait3A_161 = arith.constant 0 : i32
        %dma_wait3A_162 = tpu.memref_slice %arg12[%dma_wait3A, %dma_wait3A_161] : memref<40x64xi32, #tpu.memory_space<vmem>> -> memref<1x64xi32, #tpu.memory_space<vmem>>
        %dma_wait3A_163 = tpu.memref_squeeze %dma_wait3A_162 : memref<1x64xi32, #tpu.memory_space<vmem>> -> memref<64xi32, #tpu.memory_space<vmem>>
        %dma_wait3A_164 = arith.constant 0 : i32
        %dma_wait3A_165 = arith.constant 0 : i32
        %dma_wait3A_166 = tpu.memref_slice %arg26[%dma_wait3A_164, %dma_wait3A_165] : memref<10112x128xf32, #tpu.memory_space<vmem_shared>> -> memref<10112x128xf32, #tpu.memory_space<vmem_shared>>
        tpu.wait_indirect_dma semaphore(%arg22 : memref<!tpu.dma_semaphore, #tpu.memory_space<semaphore_mem>>) src(%arg14 : memref<64x128xf32, #tpu.memory_space<vmem>>) dst(%dma_wait3A_166 : memref<10112x128xf32, #tpu.memory_space<vmem_shared>>)
      } else {
      }
      %lt3A_98 = arith.constant 40 : i32
      %lt3A_99 = arith.cmpi slt, %add3A_92, %lt3A_98 : i32
      %convert_element_type3A_100 = arith.extui %lt3A_99 : i1 to i32
      %cond3A_101 = arith.constant 0 : i32
      %cond3A_102 = arith.cmpi ne, %convert_element_type3A_100, %cond3A_101 : i32
      scf.if %cond3A_102 {
        %dma_start3A = arith.constant 0 : i32
        %dma_start3A_161 = tpu.memref_slice %arg11[%add3A_92, %dma_start3A] : memref<40x64xi32, #tpu.memory_space<vmem>> -> memref<1x64xi32, #tpu.memory_space<vmem>>
        %dma_start3A_162 = tpu.memref_squeeze %dma_start3A_161 : memref<1x64xi32, #tpu.memory_space<vmem>> -> memref<64xi32, #tpu.memory_space<vmem>>
        %dma_start3A_163 = arith.constant 0 : i32
        %dma_start3A_164 = arith.constant 0 : i32
        %dma_start3A_165 = tpu.memref_slice %arg2[%dma_start3A_163, %dma_start3A_164] : memref<10000x128xf32, #tpu.memory_space<hbm>> -> memref<10000x128xf32, #tpu.memory_space<hbm>>
        tpu.enqueue_indirect_dma source(%dma_start3A_165 : memref<10000x128xf32, #tpu.memory_space<hbm>>) target(%arg14 : memref<64x128xf32, #tpu.memory_space<vmem>>) offsets(%dma_start3A_162 : memref<64xi32, #tpu.memory_space<vmem>>) semaphore(%arg18 : memref<!tpu.dma_semaphore, #tpu.memory_space<semaphore_mem>>)
      } else {
      }
      %sub3A_103 = arith.constant 2 : i32
      %sub3A_104 = arith.subi %add3A_92, %sub3A_103 : i32
      %ge3A_105 = arith.constant 2 : i32
      %ge3A_106 = arith.cmpi sge, %add3A_92, %ge3A_105 : i32
      %lt3A_107 = arith.constant 42 : i32
      %lt3A_108 = arith.cmpi slt, %add3A_92, %lt3A_107 : i32
      %and3A_109 = arith.andi %ge3A_106, %lt3A_108 : i1
      %convert_element_type3A_110 = arith.extui %and3A_109 : i1 to i32
      %cond3A_111 = arith.constant 0 : i32
      %cond3A_112 = arith.cmpi ne, %convert_element_type3A_110, %cond3A_111 : i32
      scf.if %cond3A_112 {
        %dma_wait3A = arith.constant 0 : i32
        %dma_wait3A_161 = tpu.memref_slice %arg11[%sub3A_104, %dma_wait3A] : memref<40x64xi32, #tpu.memory_space<vmem>> -> memref<1x64xi32, #tpu.memory_space<vmem>>
        %dma_wait3A_162 = tpu.memref_squeeze %dma_wait3A_161 : memref<1x64xi32, #tpu.memory_space<vmem>> -> memref<64xi32, #tpu.memory_space<vmem>>
        %dma_wait3A_163 = arith.constant 0 : i32
        %dma_wait3A_164 = arith.constant 0 : i32
        %dma_wait3A_165 = tpu.memref_slice %arg2[%dma_wait3A_163, %dma_wait3A_164] : memref<10000x128xf32, #tpu.memory_space<hbm>> -> memref<10000x128xf32, #tpu.memory_space<hbm>>
        tpu.wait_indirect_dma semaphore(%arg20 : memref<!tpu.dma_semaphore, #tpu.memory_space<semaphore_mem>>) src(%dma_wait3A_165 : memref<10000x128xf32, #tpu.memory_space<hbm>>) dst(%arg16 : memref<64x128xf32, #tpu.memory_space<vmem>>)
        %dma_start3A = arith.constant 0 : i32
        %dma_start3A_166 = tpu.memref_slice %arg12[%sub3A_104, %dma_start3A] : memref<40x64xi32, #tpu.memory_space<vmem>> -> memref<1x64xi32, #tpu.memory_space<vmem>>
        %dma_start3A_167 = tpu.memref_squeeze %dma_start3A_166 : memref<1x64xi32, #tpu.memory_space<vmem>> -> memref<64xi32, #tpu.memory_space<vmem>>
        %dma_start3A_168 = arith.constant 0 : i32
        %dma_start3A_169 = arith.constant 0 : i32
        %dma_start3A_170 = tpu.memref_slice %arg26[%dma_start3A_168, %dma_start3A_169] : memref<10112x128xf32, #tpu.memory_space<vmem_shared>> -> memref<10112x128xf32, #tpu.memory_space<vmem_shared>>
        tpu.enqueue_indirect_dma source(%arg16 : memref<64x128xf32, #tpu.memory_space<vmem>>) target(%dma_start3A_170 : memref<10112x128xf32, #tpu.memory_space<vmem_shared>>) offsets(%dma_start3A_167 : memref<64xi32, #tpu.memory_space<vmem>>) semaphore(%arg24 : memref<!tpu.dma_semaphore, #tpu.memory_space<semaphore_mem>>) {add = true}
        "tpu.region"() ({
          %run_scoped3A = tpu.sem_alloc : memref<!tpu.dma_semaphore, #tpu.memory_space<semaphore_mem>>
          %dma_start3A_171 = arith.constant 0 : i32
          %dma_start3A_172 = tpu.memref_slice %arg12[%sub3A_104, %dma_start3A_171] : memref<40x64xi32, #tpu.memory_space<vmem>> -> memref<1x64xi32, #tpu.memory_space<vmem>>
          %dma_start3A_173 = tpu.memref_squeeze %dma_start3A_172 : memref<1x64xi32, #tpu.memory_space<vmem>> -> memref<64xi32, #tpu.memory_space<vmem>>
          %dma_start3A_174 = arith.constant 0 : i32
          %dma_start3A_175 = tpu.memref_slice %arg27[%dma_start3A_174] : memref<10240xf32, #tpu.memory_space<vmem_shared>> -> memref<10240xf32, #tpu.memory_space<vmem_shared>>
          tpu.enqueue_indirect_dma source(%arg25 : memref<64xf32, #tpu.memory_space<vmem>>) target(%dma_start3A_175 : memref<10240xf32, #tpu.memory_space<vmem_shared>>) offsets(%dma_start3A_173 : memref<64xi32, #tpu.memory_space<vmem>>) semaphore(%run_scoped3A : memref<!tpu.dma_semaphore, #tpu.memory_space<semaphore_mem>>) {add = true}
          %dma_wait3A_176 = arith.constant 0 : i32
          %dma_wait3A_177 = tpu.memref_slice %arg12[%sub3A_104, %dma_wait3A_176] : memref<40x64xi32, #tpu.memory_space<vmem>> -> memref<1x64xi32, #tpu.memory_space<vmem>>
          %dma_wait3A_178 = tpu.memref_squeeze %dma_wait3A_177 : memref<1x64xi32, #tpu.memory_space<vmem>> -> memref<64xi32, #tpu.memory_space<vmem>>
          %dma_wait3A_179 = arith.constant 0 : i32
          %dma_wait3A_180 = tpu.memref_slice %arg27[%dma_wait3A_179] : memref<10240xf32, #tpu.memory_space<vmem_shared>> -> memref<10240xf32, #tpu.memory_space<vmem_shared>>
          tpu.wait_indirect_dma semaphore(%run_scoped3A : memref<!tpu.dma_semaphore, #tpu.memory_space<semaphore_mem>>) src(%arg25 : memref<64xf32, #tpu.memory_space<vmem>>) dst(%dma_wait3A_180 : memref<10240xf32, #tpu.memory_space<vmem_shared>>)
          tpu.yield
        }) : () -> ()
      } else {
      }
      %mul3A_113 = arith.constant 4 : i32
      %mul3A_114 = arith.muli %mul3A_113, %scan3A_68 : i32
      %add3A_115 = arith.constant 2 : i32
      %add3A_116 = arith.addi %mul3A_114, %add3A_115 : i32
      %ge3A_117 = arith.constant 4 : i32
      %ge3A_118 = arith.cmpi sge, %add3A_116, %ge3A_117 : i32
      %convert_element_type3A_119 = arith.extui %ge3A_118 : i1 to i32
      %cond3A_120 = arith.constant 0 : i32
      %cond3A_121 = arith.cmpi ne, %convert_element_type3A_119, %cond3A_120 : i32
      scf.if %cond3A_121 {
        %dma_wait3A = arith.constant 0 : i32
        %dma_wait3A_161 = arith.constant 0 : i32
        %dma_wait3A_162 = tpu.memref_slice %arg12[%dma_wait3A, %dma_wait3A_161] : memref<40x64xi32, #tpu.memory_space<vmem>> -> memref<1x64xi32, #tpu.memory_space<vmem>>
        %dma_wait3A_163 = tpu.memref_squeeze %dma_wait3A_162 : memref<1x64xi32, #tpu.memory_space<vmem>> -> memref<64xi32, #tpu.memory_space<vmem>>
        %dma_wait3A_164 = arith.constant 0 : i32
        %dma_wait3A_165 = arith.constant 0 : i32
        %dma_wait3A_166 = tpu.memref_slice %arg26[%dma_wait3A_164, %dma_wait3A_165] : memref<10112x128xf32, #tpu.memory_space<vmem_shared>> -> memref<10112x128xf32, #tpu.memory_space<vmem_shared>>
        tpu.wait_indirect_dma semaphore(%arg23 : memref<!tpu.dma_semaphore, #tpu.memory_space<semaphore_mem>>) src(%arg15 : memref<64x128xf32, #tpu.memory_space<vmem>>) dst(%dma_wait3A_166 : memref<10112x128xf32, #tpu.memory_space<vmem_shared>>)
      } else {
      }
      %lt3A_122 = arith.constant 40 : i32
      %lt3A_123 = arith.cmpi slt, %add3A_116, %lt3A_122 : i32
      %convert_element_type3A_124 = arith.extui %lt3A_123 : i1 to i32
      %cond3A_125 = arith.constant 0 : i32
      %cond3A_126 = arith.cmpi ne, %convert_element_type3A_124, %cond3A_125 : i32
      scf.if %cond3A_126 {
        %dma_start3A = arith.constant 0 : i32
        %dma_start3A_161 = tpu.memref_slice %arg11[%add3A_116, %dma_start3A] : memref<40x64xi32, #tpu.memory_space<vmem>> -> memref<1x64xi32, #tpu.memory_space<vmem>>
        %dma_start3A_162 = tpu.memref_squeeze %dma_start3A_161 : memref<1x64xi32, #tpu.memory_space<vmem>> -> memref<64xi32, #tpu.memory_space<vmem>>
        %dma_start3A_163 = arith.constant 0 : i32
        %dma_start3A_164 = arith.constant 0 : i32
        %dma_start3A_165 = tpu.memref_slice %arg2[%dma_start3A_163, %dma_start3A_164] : memref<10000x128xf32, #tpu.memory_space<hbm>> -> memref<10000x128xf32, #tpu.memory_space<hbm>>
        tpu.enqueue_indirect_dma source(%dma_start3A_165 : memref<10000x128xf32, #tpu.memory_space<hbm>>) target(%arg15 : memref<64x128xf32, #tpu.memory_space<vmem>>) offsets(%dma_start3A_162 : memref<64xi32, #tpu.memory_space<vmem>>) semaphore(%arg19 : memref<!tpu.dma_semaphore, #tpu.memory_space<semaphore_mem>>)
      } else {
      }
      %sub3A_127 = arith.constant 2 : i32
      %sub3A_128 = arith.subi %add3A_116, %sub3A_127 : i32
      %ge3A_129 = arith.constant 2 : i32
      %ge3A_130 = arith.cmpi sge, %add3A_116, %ge3A_129 : i32
      %lt3A_131 = arith.constant 42 : i32
      %lt3A_132 = arith.cmpi slt, %add3A_116, %lt3A_131 : i32
      %and3A_133 = arith.andi %ge3A_130, %lt3A_132 : i1
      %convert_element_type3A_134 = arith.extui %and3A_133 : i1 to i32
      %cond3A_135 = arith.constant 0 : i32
      %cond3A_136 = arith.cmpi ne, %convert_element_type3A_134, %cond3A_135 : i32
      scf.if %cond3A_136 {
        %dma_wait3A = arith.constant 0 : i32
        %dma_wait3A_161 = tpu.memref_slice %arg11[%sub3A_128, %dma_wait3A] : memref<40x64xi32, #tpu.memory_space<vmem>> -> memref<1x64xi32, #tpu.memory_space<vmem>>
        %dma_wait3A_162 = tpu.memref_squeeze %dma_wait3A_161 : memref<1x64xi32, #tpu.memory_space<vmem>> -> memref<64xi32, #tpu.memory_space<vmem>>
        %dma_wait3A_163 = arith.constant 0 : i32
        %dma_wait3A_164 = arith.constant 0 : i32
        %dma_wait3A_165 = tpu.memref_slice %arg2[%dma_wait3A_163, %dma_wait3A_164] : memref<10000x128xf32, #tpu.memory_space<hbm>> -> memref<10000x128xf32, #tpu.memory_space<hbm>>
        tpu.wait_indirect_dma semaphore(%arg17 : memref<!tpu.dma_semaphore, #tpu.memory_space<semaphore_mem>>) src(%dma_wait3A_165 : memref<10000x128xf32, #tpu.memory_space<hbm>>) dst(%arg13 : memref<64x128xf32, #tpu.memory_space<vmem>>)
        %dma_start3A = arith.constant 0 : i32
        %dma_start3A_166 = tpu.memref_slice %arg12[%sub3A_128, %dma_start3A] : memref<40x64xi32, #tpu.memory_space<vmem>> -> memref<1x64xi32, #tpu.memory_space<vmem>>
        %dma_start3A_167 = tpu.memref_squeeze %dma_start3A_166 : memref<1x64xi32, #tpu.memory_space<vmem>> -> memref<64xi32, #tpu.memory_space<vmem>>
        %dma_start3A_168 = arith.constant 0 : i32
        %dma_start3A_169 = arith.constant 0 : i32
        %dma_start3A_170 = tpu.memref_slice %arg26[%dma_start3A_168, %dma_start3A_169] : memref<10112x128xf32, #tpu.memory_space<vmem_shared>> -> memref<10112x128xf32, #tpu.memory_space<vmem_shared>>
        tpu.enqueue_indirect_dma source(%arg13 : memref<64x128xf32, #tpu.memory_space<vmem>>) target(%dma_start3A_170 : memref<10112x128xf32, #tpu.memory_space<vmem_shared>>) offsets(%dma_start3A_167 : memref<64xi32, #tpu.memory_space<vmem>>) semaphore(%arg21 : memref<!tpu.dma_semaphore, #tpu.memory_space<semaphore_mem>>) {add = true}
        "tpu.region"() ({
          %run_scoped3A = tpu.sem_alloc : memref<!tpu.dma_semaphore, #tpu.memory_space<semaphore_mem>>
          %dma_start3A_171 = arith.constant 0 : i32
          %dma_start3A_172 = tpu.memref_slice %arg12[%sub3A_128, %dma_start3A_171] : memref<40x64xi32, #tpu.memory_space<vmem>> -> memref<1x64xi32, #tpu.memory_space<vmem>>
          %dma_start3A_173 = tpu.memref_squeeze %dma_start3A_172 : memref<1x64xi32, #tpu.memory_space<vmem>> -> memref<64xi32, #tpu.memory_space<vmem>>
          %dma_start3A_174 = arith.constant 0 : i32
          %dma_start3A_175 = tpu.memref_slice %arg27[%dma_start3A_174] : memref<10240xf32, #tpu.memory_space<vmem_shared>> -> memref<10240xf32, #tpu.memory_space<vmem_shared>>
          tpu.enqueue_indirect_dma source(%arg25 : memref<64xf32, #tpu.memory_space<vmem>>) target(%dma_start3A_175 : memref<10240xf32, #tpu.memory_space<vmem_shared>>) offsets(%dma_start3A_173 : memref<64xi32, #tpu.memory_space<vmem>>) semaphore(%run_scoped3A : memref<!tpu.dma_semaphore, #tpu.memory_space<semaphore_mem>>) {add = true}
          %dma_wait3A_176 = arith.constant 0 : i32
          %dma_wait3A_177 = tpu.memref_slice %arg12[%sub3A_128, %dma_wait3A_176] : memref<40x64xi32, #tpu.memory_space<vmem>> -> memref<1x64xi32, #tpu.memory_space<vmem>>
          %dma_wait3A_178 = tpu.memref_squeeze %dma_wait3A_177 : memref<1x64xi32, #tpu.memory_space<vmem>> -> memref<64xi32, #tpu.memory_space<vmem>>
          %dma_wait3A_179 = arith.constant 0 : i32
          %dma_wait3A_180 = tpu.memref_slice %arg27[%dma_wait3A_179] : memref<10240xf32, #tpu.memory_space<vmem_shared>> -> memref<10240xf32, #tpu.memory_space<vmem_shared>>
          tpu.wait_indirect_dma semaphore(%run_scoped3A : memref<!tpu.dma_semaphore, #tpu.memory_space<semaphore_mem>>) src(%arg25 : memref<64xf32, #tpu.memory_space<vmem>>) dst(%dma_wait3A_180 : memref<10240xf32, #tpu.memory_space<vmem_shared>>)
          tpu.yield
        }) : () -> ()
      } else {
      }
      %mul3A_137 = arith.constant 4 : i32
      %mul3A_138 = arith.muli %mul3A_137, %scan3A_68 : i32
      %add3A_139 = arith.constant 3 : i32
      %add3A_140 = arith.addi %mul3A_138, %add3A_139 : i32
      %ge3A_141 = arith.constant 4 : i32
      %ge3A_142 = arith.cmpi sge, %add3A_140, %ge3A_141 : i32
      %convert_element_type3A_143 = arith.extui %ge3A_142 : i1 to i32
      %cond3A_144 = arith.constant 0 : i32
      %cond3A_145 = arith.cmpi ne, %convert_element_type3A_143, %cond3A_144 : i32
      scf.if %cond3A_145 {
        %dma_wait3A = arith.constant 0 : i32
        %dma_wait3A_161 = arith.constant 0 : i32
        %dma_wait3A_162 = tpu.memref_slice %arg12[%dma_wait3A, %dma_wait3A_161] : memref<40x64xi32, #tpu.memory_space<vmem>> -> memref<1x64xi32, #tpu.memory_space<vmem>>
        %dma_wait3A_163 = tpu.memref_squeeze %dma_wait3A_162 : memref<1x64xi32, #tpu.memory_space<vmem>> -> memref<64xi32, #tpu.memory_space<vmem>>
        %dma_wait3A_164 = arith.constant 0 : i32
        %dma_wait3A_165 = arith.constant 0 : i32
        %dma_wait3A_166 = tpu.memref_slice %arg26[%dma_wait3A_164, %dma_wait3A_165] : memref<10112x128xf32, #tpu.memory_space<vmem_shared>> -> memref<10112x128xf32, #tpu.memory_space<vmem_shared>>
        tpu.wait_indirect_dma semaphore(%arg24 : memref<!tpu.dma_semaphore, #tpu.memory_space<semaphore_mem>>) src(%arg16 : memref<64x128xf32, #tpu.memory_space<vmem>>) dst(%dma_wait3A_166 : memref<10112x128xf32, #tpu.memory_space<vmem_shared>>)
      } else {
      }
      %lt3A_146 = arith.constant 40 : i32
      %lt3A_147 = arith.cmpi slt, %add3A_140, %lt3A_146 : i32
      %convert_element_type3A_148 = arith.extui %lt3A_147 : i1 to i32
      %cond3A_149 = arith.constant 0 : i32
      %cond3A_150 = arith.cmpi ne, %convert_element_type3A_148, %cond3A_149 : i32
      scf.if %cond3A_150 {
        %dma_start3A = arith.constant 0 : i32
        %dma_start3A_161 = tpu.memref_slice %arg11[%add3A_140, %dma_start3A] : memref<40x64xi32, #tpu.memory_space<vmem>> -> memref<1x64xi32, #tpu.memory_space<vmem>>
        %dma_start3A_162 = tpu.memref_squeeze %dma_start3A_161 : memref<1x64xi32, #tpu.memory_space<vmem>> -> memref<64xi32, #tpu.memory_space<vmem>>
        %dma_start3A_163 = arith.constant 0 : i32
        %dma_start3A_164 = arith.constant 0 : i32
        %dma_start3A_165 = tpu.memref_slice %arg2[%dma_start3A_163, %dma_start3A_164] : memref<10000x128xf32, #tpu.memory_space<hbm>> -> memref<10000x128xf32, #tpu.memory_space<hbm>>
        tpu.enqueue_indirect_dma source(%dma_start3A_165 : memref<10000x128xf32, #tpu.memory_space<hbm>>) target(%arg16 : memref<64x128xf32, #tpu.memory_space<vmem>>) offsets(%dma_start3A_162 : memref<64xi32, #tpu.memory_space<vmem>>) semaphore(%arg20 : memref<!tpu.dma_semaphore, #tpu.memory_space<semaphore_mem>>)
      } else {
      }
      %sub3A_151 = arith.constant 2 : i32
      %sub3A_152 = arith.subi %add3A_140, %sub3A_151 : i32
      %ge3A_153 = arith.constant 2 : i32
      %ge3A_154 = arith.cmpi sge, %add3A_140, %ge3A_153 : i32
      %lt3A_155 = arith.constant 42 : i32
      %lt3A_156 = arith.cmpi slt, %add3A_140, %lt3A_155 : i32
      %and3A_157 = arith.andi %ge3A_154, %lt3A_156 : i1
      %convert_element_type3A_158 = arith.extui %and3A_157 : i1 to i32
      %cond3A_159 = arith.constant 0 : i32
      %cond3A_160 = arith.cmpi ne, %convert_element_type3A_158, %cond3A_159 : i32
      scf.if %cond3A_160 {
        %dma_wait3A = arith.constant 0 : i32
        %dma_wait3A_161 = tpu.memref_slice %arg11[%sub3A_152, %dma_wait3A] : memref<40x64xi32, #tpu.memory_space<vmem>> -> memref<1x64xi32, #tpu.memory_space<vmem>>
        %dma_wait3A_162 = tpu.memref_squeeze %dma_wait3A_161 : memref<1x64xi32, #tpu.memory_space<vmem>> -> memref<64xi32, #tpu.memory_space<vmem>>
        %dma_wait3A_163 = arith.constant 0 : i32
        %dma_wait3A_164 = arith.constant 0 : i32
        %dma_wait3A_165 = tpu.memref_slice %arg2[%dma_wait3A_163, %dma_wait3A_164] : memref<10000x128xf32, #tpu.memory_space<hbm>> -> memref<10000x128xf32, #tpu.memory_space<hbm>>
        tpu.wait_indirect_dma semaphore(%arg18 : memref<!tpu.dma_semaphore, #tpu.memory_space<semaphore_mem>>) src(%dma_wait3A_165 : memref<10000x128xf32, #tpu.memory_space<hbm>>) dst(%arg14 : memref<64x128xf32, #tpu.memory_space<vmem>>)
        %dma_start3A = arith.constant 0 : i32
        %dma_start3A_166 = tpu.memref_slice %arg12[%sub3A_152, %dma_start3A] : memref<40x64xi32, #tpu.memory_space<vmem>> -> memref<1x64xi32, #tpu.memory_space<vmem>>
        %dma_start3A_167 = tpu.memref_squeeze %dma_start3A_166 : memref<1x64xi32, #tpu.memory_space<vmem>> -> memref<64xi32, #tpu.memory_space<vmem>>
        %dma_start3A_168 = arith.constant 0 : i32
        %dma_start3A_169 = arith.constant 0 : i32
        %dma_start3A_170 = tpu.memref_slice %arg26[%dma_start3A_168, %dma_start3A_169] : memref<10112x128xf32, #tpu.memory_space<vmem_shared>> -> memref<10112x128xf32, #tpu.memory_space<vmem_shared>>
        tpu.enqueue_indirect_dma source(%arg14 : memref<64x128xf32, #tpu.memory_space<vmem>>) target(%dma_start3A_170 : memref<10112x128xf32, #tpu.memory_space<vmem_shared>>) offsets(%dma_start3A_167 : memref<64xi32, #tpu.memory_space<vmem>>) semaphore(%arg22 : memref<!tpu.dma_semaphore, #tpu.memory_space<semaphore_mem>>) {add = true}
        "tpu.region"() ({
          %run_scoped3A = tpu.sem_alloc : memref<!tpu.dma_semaphore, #tpu.memory_space<semaphore_mem>>
          %dma_start3A_171 = arith.constant 0 : i32
          %dma_start3A_172 = tpu.memref_slice %arg12[%sub3A_152, %dma_start3A_171] : memref<40x64xi32, #tpu.memory_space<vmem>> -> memref<1x64xi32, #tpu.memory_space<vmem>>
          %dma_start3A_173 = tpu.memref_squeeze %dma_start3A_172 : memref<1x64xi32, #tpu.memory_space<vmem>> -> memref<64xi32, #tpu.memory_space<vmem>>
          %dma_start3A_174 = arith.constant 0 : i32
          %dma_start3A_175 = tpu.memref_slice %arg27[%dma_start3A_174] : memref<10240xf32, #tpu.memory_space<vmem_shared>> -> memref<10240xf32, #tpu.memory_space<vmem_shared>>
          tpu.enqueue_indirect_dma source(%arg25 : memref<64xf32, #tpu.memory_space<vmem>>) target(%dma_start3A_175 : memref<10240xf32, #tpu.memory_space<vmem_shared>>) offsets(%dma_start3A_173 : memref<64xi32, #tpu.memory_space<vmem>>) semaphore(%run_scoped3A : memref<!tpu.dma_semaphore, #tpu.memory_space<semaphore_mem>>) {add = true}
          %dma_wait3A_176 = arith.constant 0 : i32
          %dma_wait3A_177 = tpu.memref_slice %arg12[%sub3A_152, %dma_wait3A_176] : memref<40x64xi32, #tpu.memory_space<vmem>> -> memref<1x64xi32, #tpu.memory_space<vmem>>
          %dma_wait3A_178 = tpu.memref_squeeze %dma_wait3A_177 : memref<1x64xi32, #tpu.memory_space<vmem>> -> memref<64xi32, #tpu.memory_space<vmem>>
          %dma_wait3A_179 = arith.constant 0 : i32
          %dma_wait3A_180 = tpu.memref_slice %arg27[%dma_wait3A_179] : memref<10240xf32, #tpu.memory_space<vmem_shared>> -> memref<10240xf32, #tpu.memory_space<vmem_shared>>
          tpu.wait_indirect_dma semaphore(%run_scoped3A : memref<!tpu.dma_semaphore, #tpu.memory_space<semaphore_mem>>) src(%arg25 : memref<64xf32, #tpu.memory_space<vmem>>) dst(%dma_wait3A_180 : memref<10240xf32, #tpu.memory_space<vmem_shared>>)
          tpu.yield
        }) : () -> ()
      } else {
      }
    }
    %scan3A_43 = arith.constant 11 : i32
    %add3A_44 = arith.constant 80 : i32
    %add3A_45 = arith.addi %mul3A_2, %add3A_44 : i32
    "tpu.region"() ({
      %run_scoped3A = tpu.sem_alloc : memref<!tpu.dma_semaphore, #tpu.memory_space<semaphore_mem>>
      %dma_start3A = arith.constant 0 : i32
      %dma_start3A_68 = tpu.memref_slice %arg3[%add3A_45, %dma_start3A] : memref<5120x64xi32, #tpu.memory_space<hbm>> -> memref<40x64xi32, #tpu.memory_space<hbm>>
      %dma_start3A_69 = arith.constant 0 : i32
      %dma_start3A_70 = tpu.memref_slice %arg3[%add3A_45, %dma_start3A_69] : memref<5120x64xi32, #tpu.memory_space<hbm>> -> memref<40x64xi32, #tpu.memory_space<hbm>>
      tpu.enqueue_dma source(%dma_start3A_70 : memref<40x64xi32, #tpu.memory_space<hbm>>) target(%arg11 : memref<40x64xi32, #tpu.memory_space<vmem>>) target_semaphore(%run_scoped3A : memref<!tpu.dma_semaphore, #tpu.memory_space<semaphore_mem>>)
      %dma_wait3A = arith.constant 0 : i32
      %dma_wait3A_71 = tpu.memref_slice %arg3[%add3A_45, %dma_wait3A] : memref<5120x64xi32, #tpu.memory_space<hbm>> -> memref<40x64xi32, #tpu.memory_space<hbm>>
      %dma_wait3A_72 = arith.constant 0 : i32
      %dma_wait3A_73 = tpu.memref_slice %arg3[%add3A_45, %dma_wait3A_72] : memref<5120x64xi32, #tpu.memory_space<hbm>> -> memref<40x64xi32, #tpu.memory_space<hbm>>
      tpu.wait_dma2 semaphore(%run_scoped3A : memref<!tpu.dma_semaphore, #tpu.memory_space<semaphore_mem>>) src(%dma_wait3A_73 : memref<40x64xi32, #tpu.memory_space<hbm>>) dst(%arg11 : memref<40x64xi32, #tpu.memory_space<vmem>>)
      tpu.yield
    }) : () -> ()
    "tpu.region"() ({
      %run_scoped3A = tpu.sem_alloc : memref<!tpu.dma_semaphore, #tpu.memory_space<semaphore_mem>>
      %dma_start3A = arith.constant 0 : i32
      %dma_start3A_68 = tpu.memref_slice %arg4[%add3A_45, %dma_start3A] : memref<5120x64xi32, #tpu.memory_space<hbm>> -> memref<40x64xi32, #tpu.memory_space<hbm>>
      %dma_start3A_69 = arith.constant 0 : i32
      %dma_start3A_70 = tpu.memref_slice %arg4[%add3A_45, %dma_start3A_69] : memref<5120x64xi32, #tpu.memory_space<hbm>> -> memref<40x64xi32, #tpu.memory_space<hbm>>
      tpu.enqueue_dma source(%dma_start3A_70 : memref<40x64xi32, #tpu.memory_space<hbm>>) target(%arg12 : memref<40x64xi32, #tpu.memory_space<vmem>>) target_semaphore(%run_scoped3A : memref<!tpu.dma_semaphore, #tpu.memory_space<semaphore_mem>>)
      %dma_wait3A = arith.constant 0 : i32
      %dma_wait3A_71 = tpu.memref_slice %arg4[%add3A_45, %dma_wait3A] : memref<5120x64xi32, #tpu.memory_space<hbm>> -> memref<40x64xi32, #tpu.memory_space<hbm>>
      %dma_wait3A_72 = arith.constant 0 : i32
      %dma_wait3A_73 = tpu.memref_slice %arg4[%add3A_45, %dma_wait3A_72] : memref<5120x64xi32, #tpu.memory_space<hbm>> -> memref<40x64xi32, #tpu.memory_space<hbm>>
      tpu.wait_dma2 semaphore(%run_scoped3A : memref<!tpu.dma_semaphore, #tpu.memory_space<semaphore_mem>>) src(%dma_wait3A_73 : memref<40x64xi32, #tpu.memory_space<hbm>>) dst(%arg12 : memref<40x64xi32, #tpu.memory_space<vmem>>)
      tpu.yield
    }) : () -> ()
    %scan3A_46 = arith.constant 0 : i32
    %scan3A_47 = arith.constant 0 : i32
    %scan3A_48 = arith.constant 11 : i32
    %scan3A_49 = arith.addi %scan3A_47, %scan3A_48 : i32
    %scan3A_50 = arith.constant 1 : i32
    scf.for %scan3A_68 = %scan3A_47 to %scan3A_49 step %scan3A_50  : i32 {
      %mul3A_69 = arith.constant 4 : i32
      %mul3A_70 = arith.muli %mul3A_69, %scan3A_68 : i32
      %add3A_71 = arith.constant 0 : i32
      %add3A_72 = arith.addi %mul3A_70, %add3A_71 : i32
      %ge3A = arith.constant 4 : i32
      %ge3A_73 = arith.cmpi sge, %add3A_72, %ge3A : i32
      %convert_element_type3A_74 = arith.extui %ge3A_73 : i1 to i32
      %cond3A_75 = arith.constant 0 : i32
      %cond3A_76 = arith.cmpi ne, %convert_element_type3A_74, %cond3A_75 : i32
      scf.if %cond3A_76 {
        %dma_wait3A = arith.constant 0 : i32
        %dma_wait3A_161 = arith.constant 0 : i32
        %dma_wait3A_162 = tpu.memref_slice %arg12[%dma_wait3A, %dma_wait3A_161] : memref<40x64xi32, #tpu.memory_space<vmem>> -> memref<1x64xi32, #tpu.memory_space<vmem>>
        %dma_wait3A_163 = tpu.memref_squeeze %dma_wait3A_162 : memref<1x64xi32, #tpu.memory_space<vmem>> -> memref<64xi32, #tpu.memory_space<vmem>>
        %dma_wait3A_164 = arith.constant 0 : i32
        %dma_wait3A_165 = arith.constant 0 : i32
        %dma_wait3A_166 = tpu.memref_slice %arg26[%dma_wait3A_164, %dma_wait3A_165] : memref<10112x128xf32, #tpu.memory_space<vmem_shared>> -> memref<10112x128xf32, #tpu.memory_space<vmem_shared>>
        tpu.wait_indirect_dma semaphore(%arg21 : memref<!tpu.dma_semaphore, #tpu.memory_space<semaphore_mem>>) src(%arg13 : memref<64x128xf32, #tpu.memory_space<vmem>>) dst(%dma_wait3A_166 : memref<10112x128xf32, #tpu.memory_space<vmem_shared>>)
      } else {
      }
      %lt3A = arith.constant 40 : i32
      %lt3A_77 = arith.cmpi slt, %add3A_72, %lt3A : i32
      %convert_element_type3A_78 = arith.extui %lt3A_77 : i1 to i32
      %cond3A_79 = arith.constant 0 : i32
      %cond3A_80 = arith.cmpi ne, %convert_element_type3A_78, %cond3A_79 : i32
      scf.if %cond3A_80 {
        %dma_start3A = arith.constant 0 : i32
        %dma_start3A_161 = tpu.memref_slice %arg11[%add3A_72, %dma_start3A] : memref<40x64xi32, #tpu.memory_space<vmem>> -> memref<1x64xi32, #tpu.memory_space<vmem>>
        %dma_start3A_162 = tpu.memref_squeeze %dma_start3A_161 : memref<1x64xi32, #tpu.memory_space<vmem>> -> memref<64xi32, #tpu.memory_space<vmem>>
        %dma_start3A_163 = arith.constant 0 : i32
        %dma_start3A_164 = arith.constant 0 : i32
        %dma_start3A_165 = tpu.memref_slice %arg2[%dma_start3A_163, %dma_start3A_164] : memref<10000x128xf32, #tpu.memory_space<hbm>> -> memref<10000x128xf32, #tpu.memory_space<hbm>>
        tpu.enqueue_indirect_dma source(%dma_start3A_165 : memref<10000x128xf32, #tpu.memory_space<hbm>>) target(%arg13 : memref<64x128xf32, #tpu.memory_space<vmem>>) offsets(%dma_start3A_162 : memref<64xi32, #tpu.memory_space<vmem>>) semaphore(%arg17 : memref<!tpu.dma_semaphore, #tpu.memory_space<semaphore_mem>>)
      } else {
      }
      %sub3A = arith.constant 2 : i32
      %sub3A_81 = arith.subi %add3A_72, %sub3A : i32
      %ge3A_82 = arith.constant 2 : i32
      %ge3A_83 = arith.cmpi sge, %add3A_72, %ge3A_82 : i32
      %lt3A_84 = arith.constant 42 : i32
      %lt3A_85 = arith.cmpi slt, %add3A_72, %lt3A_84 : i32
      %and3A = arith.andi %ge3A_83, %lt3A_85 : i1
      %convert_element_type3A_86 = arith.extui %and3A : i1 to i32
      %cond3A_87 = arith.constant 0 : i32
      %cond3A_88 = arith.cmpi ne, %convert_element_type3A_86, %cond3A_87 : i32
      scf.if %cond3A_88 {
        %dma_wait3A = arith.constant 0 : i32
        %dma_wait3A_161 = tpu.memref_slice %arg11[%sub3A_81, %dma_wait3A] : memref<40x64xi32, #tpu.memory_space<vmem>> -> memref<1x64xi32, #tpu.memory_space<vmem>>
        %dma_wait3A_162 = tpu.memref_squeeze %dma_wait3A_161 : memref<1x64xi32, #tpu.memory_space<vmem>> -> memref<64xi32, #tpu.memory_space<vmem>>
        %dma_wait3A_163 = arith.constant 0 : i32
        %dma_wait3A_164 = arith.constant 0 : i32
        %dma_wait3A_165 = tpu.memref_slice %arg2[%dma_wait3A_163, %dma_wait3A_164] : memref<10000x128xf32, #tpu.memory_space<hbm>> -> memref<10000x128xf32, #tpu.memory_space<hbm>>
        tpu.wait_indirect_dma semaphore(%arg19 : memref<!tpu.dma_semaphore, #tpu.memory_space<semaphore_mem>>) src(%dma_wait3A_165 : memref<10000x128xf32, #tpu.memory_space<hbm>>) dst(%arg15 : memref<64x128xf32, #tpu.memory_space<vmem>>)
        %dma_start3A = arith.constant 0 : i32
        %dma_start3A_166 = tpu.memref_slice %arg12[%sub3A_81, %dma_start3A] : memref<40x64xi32, #tpu.memory_space<vmem>> -> memref<1x64xi32, #tpu.memory_space<vmem>>
        %dma_start3A_167 = tpu.memref_squeeze %dma_start3A_166 : memref<1x64xi32, #tpu.memory_space<vmem>> -> memref<64xi32, #tpu.memory_space<vmem>>
        %dma_start3A_168 = arith.constant 0 : i32
        %dma_start3A_169 = arith.constant 0 : i32
        %dma_start3A_170 = tpu.memref_slice %arg26[%dma_start3A_168, %dma_start3A_169] : memref<10112x128xf32, #tpu.memory_space<vmem_shared>> -> memref<10112x128xf32, #tpu.memory_space<vmem_shared>>
        tpu.enqueue_indirect_dma source(%arg15 : memref<64x128xf32, #tpu.memory_space<vmem>>) target(%dma_start3A_170 : memref<10112x128xf32, #tpu.memory_space<vmem_shared>>) offsets(%dma_start3A_167 : memref<64xi32, #tpu.memory_space<vmem>>) semaphore(%arg23 : memref<!tpu.dma_semaphore, #tpu.memory_space<semaphore_mem>>) {add = true}
        "tpu.region"() ({
          %run_scoped3A = tpu.sem_alloc : memref<!tpu.dma_semaphore, #tpu.memory_space<semaphore_mem>>
          %dma_start3A_171 = arith.constant 0 : i32
          %dma_start3A_172 = tpu.memref_slice %arg12[%sub3A_81, %dma_start3A_171] : memref<40x64xi32, #tpu.memory_space<vmem>> -> memref<1x64xi32, #tpu.memory_space<vmem>>
          %dma_start3A_173 = tpu.memref_squeeze %dma_start3A_172 : memref<1x64xi32, #tpu.memory_space<vmem>> -> memref<64xi32, #tpu.memory_space<vmem>>
          %dma_start3A_174 = arith.constant 0 : i32
          %dma_start3A_175 = tpu.memref_slice %arg27[%dma_start3A_174] : memref<10240xf32, #tpu.memory_space<vmem_shared>> -> memref<10240xf32, #tpu.memory_space<vmem_shared>>
          tpu.enqueue_indirect_dma source(%arg25 : memref<64xf32, #tpu.memory_space<vmem>>) target(%dma_start3A_175 : memref<10240xf32, #tpu.memory_space<vmem_shared>>) offsets(%dma_start3A_173 : memref<64xi32, #tpu.memory_space<vmem>>) semaphore(%run_scoped3A : memref<!tpu.dma_semaphore, #tpu.memory_space<semaphore_mem>>) {add = true}
          %dma_wait3A_176 = arith.constant 0 : i32
          %dma_wait3A_177 = tpu.memref_slice %arg12[%sub3A_81, %dma_wait3A_176] : memref<40x64xi32, #tpu.memory_space<vmem>> -> memref<1x64xi32, #tpu.memory_space<vmem>>
          %dma_wait3A_178 = tpu.memref_squeeze %dma_wait3A_177 : memref<1x64xi32, #tpu.memory_space<vmem>> -> memref<64xi32, #tpu.memory_space<vmem>>
          %dma_wait3A_179 = arith.constant 0 : i32
          %dma_wait3A_180 = tpu.memref_slice %arg27[%dma_wait3A_179] : memref<10240xf32, #tpu.memory_space<vmem_shared>> -> memref<10240xf32, #tpu.memory_space<vmem_shared>>
          tpu.wait_indirect_dma semaphore(%run_scoped3A : memref<!tpu.dma_semaphore, #tpu.memory_space<semaphore_mem>>) src(%arg25 : memref<64xf32, #tpu.memory_space<vmem>>) dst(%dma_wait3A_180 : memref<10240xf32, #tpu.memory_space<vmem_shared>>)
          tpu.yield
        }) : () -> ()
      } else {
      }
      %mul3A_89 = arith.constant 4 : i32
      %mul3A_90 = arith.muli %mul3A_89, %scan3A_68 : i32
      %add3A_91 = arith.constant 1 : i32
      %add3A_92 = arith.addi %mul3A_90, %add3A_91 : i32
      %ge3A_93 = arith.constant 4 : i32
      %ge3A_94 = arith.cmpi sge, %add3A_92, %ge3A_93 : i32
      %convert_element_type3A_95 = arith.extui %ge3A_94 : i1 to i32
      %cond3A_96 = arith.constant 0 : i32
      %cond3A_97 = arith.cmpi ne, %convert_element_type3A_95, %cond3A_96 : i32
      scf.if %cond3A_97 {
        %dma_wait3A = arith.constant 0 : i32
        %dma_wait3A_161 = arith.constant 0 : i32
        %dma_wait3A_162 = tpu.memref_slice %arg12[%dma_wait3A, %dma_wait3A_161] : memref<40x64xi32, #tpu.memory_space<vmem>> -> memref<1x64xi32, #tpu.memory_space<vmem>>
        %dma_wait3A_163 = tpu.memref_squeeze %dma_wait3A_162 : memref<1x64xi32, #tpu.memory_space<vmem>> -> memref<64xi32, #tpu.memory_space<vmem>>
        %dma_wait3A_164 = arith.constant 0 : i32
        %dma_wait3A_165 = arith.constant 0 : i32
        %dma_wait3A_166 = tpu.memref_slice %arg26[%dma_wait3A_164, %dma_wait3A_165] : memref<10112x128xf32, #tpu.memory_space<vmem_shared>> -> memref<10112x128xf32, #tpu.memory_space<vmem_shared>>
        tpu.wait_indirect_dma semaphore(%arg22 : memref<!tpu.dma_semaphore, #tpu.memory_space<semaphore_mem>>) src(%arg14 : memref<64x128xf32, #tpu.memory_space<vmem>>) dst(%dma_wait3A_166 : memref<10112x128xf32, #tpu.memory_space<vmem_shared>>)
      } else {
      }
      %lt3A_98 = arith.constant 40 : i32
      %lt3A_99 = arith.cmpi slt, %add3A_92, %lt3A_98 : i32
      %convert_element_type3A_100 = arith.extui %lt3A_99 : i1 to i32
      %cond3A_101 = arith.constant 0 : i32
      %cond3A_102 = arith.cmpi ne, %convert_element_type3A_100, %cond3A_101 : i32
      scf.if %cond3A_102 {
        %dma_start3A = arith.constant 0 : i32
        %dma_start3A_161 = tpu.memref_slice %arg11[%add3A_92, %dma_start3A] : memref<40x64xi32, #tpu.memory_space<vmem>> -> memref<1x64xi32, #tpu.memory_space<vmem>>
        %dma_start3A_162 = tpu.memref_squeeze %dma_start3A_161 : memref<1x64xi32, #tpu.memory_space<vmem>> -> memref<64xi32, #tpu.memory_space<vmem>>
        %dma_start3A_163 = arith.constant 0 : i32
        %dma_start3A_164 = arith.constant 0 : i32
        %dma_start3A_165 = tpu.memref_slice %arg2[%dma_start3A_163, %dma_start3A_164] : memref<10000x128xf32, #tpu.memory_space<hbm>> -> memref<10000x128xf32, #tpu.memory_space<hbm>>
        tpu.enqueue_indirect_dma source(%dma_start3A_165 : memref<10000x128xf32, #tpu.memory_space<hbm>>) target(%arg14 : memref<64x128xf32, #tpu.memory_space<vmem>>) offsets(%dma_start3A_162 : memref<64xi32, #tpu.memory_space<vmem>>) semaphore(%arg18 : memref<!tpu.dma_semaphore, #tpu.memory_space<semaphore_mem>>)
      } else {
      }
      %sub3A_103 = arith.constant 2 : i32
      %sub3A_104 = arith.subi %add3A_92, %sub3A_103 : i32
      %ge3A_105 = arith.constant 2 : i32
      %ge3A_106 = arith.cmpi sge, %add3A_92, %ge3A_105 : i32
      %lt3A_107 = arith.constant 42 : i32
      %lt3A_108 = arith.cmpi slt, %add3A_92, %lt3A_107 : i32
      %and3A_109 = arith.andi %ge3A_106, %lt3A_108 : i1
      %convert_element_type3A_110 = arith.extui %and3A_109 : i1 to i32
      %cond3A_111 = arith.constant 0 : i32
      %cond3A_112 = arith.cmpi ne, %convert_element_type3A_110, %cond3A_111 : i32
      scf.if %cond3A_112 {
        %dma_wait3A = arith.constant 0 : i32
        %dma_wait3A_161 = tpu.memref_slice %arg11[%sub3A_104, %dma_wait3A] : memref<40x64xi32, #tpu.memory_space<vmem>> -> memref<1x64xi32, #tpu.memory_space<vmem>>
        %dma_wait3A_162 = tpu.memref_squeeze %dma_wait3A_161 : memref<1x64xi32, #tpu.memory_space<vmem>> -> memref<64xi32, #tpu.memory_space<vmem>>
        %dma_wait3A_163 = arith.constant 0 : i32
        %dma_wait3A_164 = arith.constant 0 : i32
        %dma_wait3A_165 = tpu.memref_slice %arg2[%dma_wait3A_163, %dma_wait3A_164] : memref<10000x128xf32, #tpu.memory_space<hbm>> -> memref<10000x128xf32, #tpu.memory_space<hbm>>
        tpu.wait_indirect_dma semaphore(%arg20 : memref<!tpu.dma_semaphore, #tpu.memory_space<semaphore_mem>>) src(%dma_wait3A_165 : memref<10000x128xf32, #tpu.memory_space<hbm>>) dst(%arg16 : memref<64x128xf32, #tpu.memory_space<vmem>>)
        %dma_start3A = arith.constant 0 : i32
        %dma_start3A_166 = tpu.memref_slice %arg12[%sub3A_104, %dma_start3A] : memref<40x64xi32, #tpu.memory_space<vmem>> -> memref<1x64xi32, #tpu.memory_space<vmem>>
        %dma_start3A_167 = tpu.memref_squeeze %dma_start3A_166 : memref<1x64xi32, #tpu.memory_space<vmem>> -> memref<64xi32, #tpu.memory_space<vmem>>
        %dma_start3A_168 = arith.constant 0 : i32
        %dma_start3A_169 = arith.constant 0 : i32
        %dma_start3A_170 = tpu.memref_slice %arg26[%dma_start3A_168, %dma_start3A_169] : memref<10112x128xf32, #tpu.memory_space<vmem_shared>> -> memref<10112x128xf32, #tpu.memory_space<vmem_shared>>
        tpu.enqueue_indirect_dma source(%arg16 : memref<64x128xf32, #tpu.memory_space<vmem>>) target(%dma_start3A_170 : memref<10112x128xf32, #tpu.memory_space<vmem_shared>>) offsets(%dma_start3A_167 : memref<64xi32, #tpu.memory_space<vmem>>) semaphore(%arg24 : memref<!tpu.dma_semaphore, #tpu.memory_space<semaphore_mem>>) {add = true}
        "tpu.region"() ({
          %run_scoped3A = tpu.sem_alloc : memref<!tpu.dma_semaphore, #tpu.memory_space<semaphore_mem>>
          %dma_start3A_171 = arith.constant 0 : i32
          %dma_start3A_172 = tpu.memref_slice %arg12[%sub3A_104, %dma_start3A_171] : memref<40x64xi32, #tpu.memory_space<vmem>> -> memref<1x64xi32, #tpu.memory_space<vmem>>
          %dma_start3A_173 = tpu.memref_squeeze %dma_start3A_172 : memref<1x64xi32, #tpu.memory_space<vmem>> -> memref<64xi32, #tpu.memory_space<vmem>>
          %dma_start3A_174 = arith.constant 0 : i32
          %dma_start3A_175 = tpu.memref_slice %arg27[%dma_start3A_174] : memref<10240xf32, #tpu.memory_space<vmem_shared>> -> memref<10240xf32, #tpu.memory_space<vmem_shared>>
          tpu.enqueue_indirect_dma source(%arg25 : memref<64xf32, #tpu.memory_space<vmem>>) target(%dma_start3A_175 : memref<10240xf32, #tpu.memory_space<vmem_shared>>) offsets(%dma_start3A_173 : memref<64xi32, #tpu.memory_space<vmem>>) semaphore(%run_scoped3A : memref<!tpu.dma_semaphore, #tpu.memory_space<semaphore_mem>>) {add = true}
          %dma_wait3A_176 = arith.constant 0 : i32
          %dma_wait3A_177 = tpu.memref_slice %arg12[%sub3A_104, %dma_wait3A_176] : memref<40x64xi32, #tpu.memory_space<vmem>> -> memref<1x64xi32, #tpu.memory_space<vmem>>
          %dma_wait3A_178 = tpu.memref_squeeze %dma_wait3A_177 : memref<1x64xi32, #tpu.memory_space<vmem>> -> memref<64xi32, #tpu.memory_space<vmem>>
          %dma_wait3A_179 = arith.constant 0 : i32
          %dma_wait3A_180 = tpu.memref_slice %arg27[%dma_wait3A_179] : memref<10240xf32, #tpu.memory_space<vmem_shared>> -> memref<10240xf32, #tpu.memory_space<vmem_shared>>
          tpu.wait_indirect_dma semaphore(%run_scoped3A : memref<!tpu.dma_semaphore, #tpu.memory_space<semaphore_mem>>) src(%arg25 : memref<64xf32, #tpu.memory_space<vmem>>) dst(%dma_wait3A_180 : memref<10240xf32, #tpu.memory_space<vmem_shared>>)
          tpu.yield
        }) : () -> ()
      } else {
      }
      %mul3A_113 = arith.constant 4 : i32
      %mul3A_114 = arith.muli %mul3A_113, %scan3A_68 : i32
      %add3A_115 = arith.constant 2 : i32
      %add3A_116 = arith.addi %mul3A_114, %add3A_115 : i32
      %ge3A_117 = arith.constant 4 : i32
      %ge3A_118 = arith.cmpi sge, %add3A_116, %ge3A_117 : i32
      %convert_element_type3A_119 = arith.extui %ge3A_118 : i1 to i32
      %cond3A_120 = arith.constant 0 : i32
      %cond3A_121 = arith.cmpi ne, %convert_element_type3A_119, %cond3A_120 : i32
      scf.if %cond3A_121 {
        %dma_wait3A = arith.constant 0 : i32
        %dma_wait3A_161 = arith.constant 0 : i32
        %dma_wait3A_162 = tpu.memref_slice %arg12[%dma_wait3A, %dma_wait3A_161] : memref<40x64xi32, #tpu.memory_space<vmem>> -> memref<1x64xi32, #tpu.memory_space<vmem>>
        %dma_wait3A_163 = tpu.memref_squeeze %dma_wait3A_162 : memref<1x64xi32, #tpu.memory_space<vmem>> -> memref<64xi32, #tpu.memory_space<vmem>>
        %dma_wait3A_164 = arith.constant 0 : i32
        %dma_wait3A_165 = arith.constant 0 : i32
        %dma_wait3A_166 = tpu.memref_slice %arg26[%dma_wait3A_164, %dma_wait3A_165] : memref<10112x128xf32, #tpu.memory_space<vmem_shared>> -> memref<10112x128xf32, #tpu.memory_space<vmem_shared>>
        tpu.wait_indirect_dma semaphore(%arg23 : memref<!tpu.dma_semaphore, #tpu.memory_space<semaphore_mem>>) src(%arg15 : memref<64x128xf32, #tpu.memory_space<vmem>>) dst(%dma_wait3A_166 : memref<10112x128xf32, #tpu.memory_space<vmem_shared>>)
      } else {
      }
      %lt3A_122 = arith.constant 40 : i32
      %lt3A_123 = arith.cmpi slt, %add3A_116, %lt3A_122 : i32
      %convert_element_type3A_124 = arith.extui %lt3A_123 : i1 to i32
      %cond3A_125 = arith.constant 0 : i32
      %cond3A_126 = arith.cmpi ne, %convert_element_type3A_124, %cond3A_125 : i32
      scf.if %cond3A_126 {
        %dma_start3A = arith.constant 0 : i32
        %dma_start3A_161 = tpu.memref_slice %arg11[%add3A_116, %dma_start3A] : memref<40x64xi32, #tpu.memory_space<vmem>> -> memref<1x64xi32, #tpu.memory_space<vmem>>
        %dma_start3A_162 = tpu.memref_squeeze %dma_start3A_161 : memref<1x64xi32, #tpu.memory_space<vmem>> -> memref<64xi32, #tpu.memory_space<vmem>>
        %dma_start3A_163 = arith.constant 0 : i32
        %dma_start3A_164 = arith.constant 0 : i32
        %dma_start3A_165 = tpu.memref_slice %arg2[%dma_start3A_163, %dma_start3A_164] : memref<10000x128xf32, #tpu.memory_space<hbm>> -> memref<10000x128xf32, #tpu.memory_space<hbm>>
        tpu.enqueue_indirect_dma source(%dma_start3A_165 : memref<10000x128xf32, #tpu.memory_space<hbm>>) target(%arg15 : memref<64x128xf32, #tpu.memory_space<vmem>>) offsets(%dma_start3A_162 : memref<64xi32, #tpu.memory_space<vmem>>) semaphore(%arg19 : memref<!tpu.dma_semaphore, #tpu.memory_space<semaphore_mem>>)
      } else {
      }
      %sub3A_127 = arith.constant 2 : i32
      %sub3A_128 = arith.subi %add3A_116, %sub3A_127 : i32
      %ge3A_129 = arith.constant 2 : i32
      %ge3A_130 = arith.cmpi sge, %add3A_116, %ge3A_129 : i32
      %lt3A_131 = arith.constant 42 : i32
      %lt3A_132 = arith.cmpi slt, %add3A_116, %lt3A_131 : i32
      %and3A_133 = arith.andi %ge3A_130, %lt3A_132 : i1
      %convert_element_type3A_134 = arith.extui %and3A_133 : i1 to i32
      %cond3A_135 = arith.constant 0 : i32
      %cond3A_136 = arith.cmpi ne, %convert_element_type3A_134, %cond3A_135 : i32
      scf.if %cond3A_136 {
        %dma_wait3A = arith.constant 0 : i32
        %dma_wait3A_161 = tpu.memref_slice %arg11[%sub3A_128, %dma_wait3A] : memref<40x64xi32, #tpu.memory_space<vmem>> -> memref<1x64xi32, #tpu.memory_space<vmem>>
        %dma_wait3A_162 = tpu.memref_squeeze %dma_wait3A_161 : memref<1x64xi32, #tpu.memory_space<vmem>> -> memref<64xi32, #tpu.memory_space<vmem>>
        %dma_wait3A_163 = arith.constant 0 : i32
        %dma_wait3A_164 = arith.constant 0 : i32
        %dma_wait3A_165 = tpu.memref_slice %arg2[%dma_wait3A_163, %dma_wait3A_164] : memref<10000x128xf32, #tpu.memory_space<hbm>> -> memref<10000x128xf32, #tpu.memory_space<hbm>>
        tpu.wait_indirect_dma semaphore(%arg17 : memref<!tpu.dma_semaphore, #tpu.memory_space<semaphore_mem>>) src(%dma_wait3A_165 : memref<10000x128xf32, #tpu.memory_space<hbm>>) dst(%arg13 : memref<64x128xf32, #tpu.memory_space<vmem>>)
        %dma_start3A = arith.constant 0 : i32
        %dma_start3A_166 = tpu.memref_slice %arg12[%sub3A_128, %dma_start3A] : memref<40x64xi32, #tpu.memory_space<vmem>> -> memref<1x64xi32, #tpu.memory_space<vmem>>
        %dma_start3A_167 = tpu.memref_squeeze %dma_start3A_166 : memref<1x64xi32, #tpu.memory_space<vmem>> -> memref<64xi32, #tpu.memory_space<vmem>>
        %dma_start3A_168 = arith.constant 0 : i32
        %dma_start3A_169 = arith.constant 0 : i32
        %dma_start3A_170 = tpu.memref_slice %arg26[%dma_start3A_168, %dma_start3A_169] : memref<10112x128xf32, #tpu.memory_space<vmem_shared>> -> memref<10112x128xf32, #tpu.memory_space<vmem_shared>>
        tpu.enqueue_indirect_dma source(%arg13 : memref<64x128xf32, #tpu.memory_space<vmem>>) target(%dma_start3A_170 : memref<10112x128xf32, #tpu.memory_space<vmem_shared>>) offsets(%dma_start3A_167 : memref<64xi32, #tpu.memory_space<vmem>>) semaphore(%arg21 : memref<!tpu.dma_semaphore, #tpu.memory_space<semaphore_mem>>) {add = true}
        "tpu.region"() ({
          %run_scoped3A = tpu.sem_alloc : memref<!tpu.dma_semaphore, #tpu.memory_space<semaphore_mem>>
          %dma_start3A_171 = arith.constant 0 : i32
          %dma_start3A_172 = tpu.memref_slice %arg12[%sub3A_128, %dma_start3A_171] : memref<40x64xi32, #tpu.memory_space<vmem>> -> memref<1x64xi32, #tpu.memory_space<vmem>>
          %dma_start3A_173 = tpu.memref_squeeze %dma_start3A_172 : memref<1x64xi32, #tpu.memory_space<vmem>> -> memref<64xi32, #tpu.memory_space<vmem>>
          %dma_start3A_174 = arith.constant 0 : i32
          %dma_start3A_175 = tpu.memref_slice %arg27[%dma_start3A_174] : memref<10240xf32, #tpu.memory_space<vmem_shared>> -> memref<10240xf32, #tpu.memory_space<vmem_shared>>
          tpu.enqueue_indirect_dma source(%arg25 : memref<64xf32, #tpu.memory_space<vmem>>) target(%dma_start3A_175 : memref<10240xf32, #tpu.memory_space<vmem_shared>>) offsets(%dma_start3A_173 : memref<64xi32, #tpu.memory_space<vmem>>) semaphore(%run_scoped3A : memref<!tpu.dma_semaphore, #tpu.memory_space<semaphore_mem>>) {add = true}
          %dma_wait3A_176 = arith.constant 0 : i32
          %dma_wait3A_177 = tpu.memref_slice %arg12[%sub3A_128, %dma_wait3A_176] : memref<40x64xi32, #tpu.memory_space<vmem>> -> memref<1x64xi32, #tpu.memory_space<vmem>>
          %dma_wait3A_178 = tpu.memref_squeeze %dma_wait3A_177 : memref<1x64xi32, #tpu.memory_space<vmem>> -> memref<64xi32, #tpu.memory_space<vmem>>
          %dma_wait3A_179 = arith.constant 0 : i32
          %dma_wait3A_180 = tpu.memref_slice %arg27[%dma_wait3A_179] : memref<10240xf32, #tpu.memory_space<vmem_shared>> -> memref<10240xf32, #tpu.memory_space<vmem_shared>>
          tpu.wait_indirect_dma semaphore(%run_scoped3A : memref<!tpu.dma_semaphore, #tpu.memory_space<semaphore_mem>>) src(%arg25 : memref<64xf32, #tpu.memory_space<vmem>>) dst(%dma_wait3A_180 : memref<10240xf32, #tpu.memory_space<vmem_shared>>)
          tpu.yield
        }) : () -> ()
      } else {
      }
      %mul3A_137 = arith.constant 4 : i32
      %mul3A_138 = arith.muli %mul3A_137, %scan3A_68 : i32
      %add3A_139 = arith.constant 3 : i32
      %add3A_140 = arith.addi %mul3A_138, %add3A_139 : i32
      %ge3A_141 = arith.constant 4 : i32
      %ge3A_142 = arith.cmpi sge, %add3A_140, %ge3A_141 : i32
      %convert_element_type3A_143 = arith.extui %ge3A_142 : i1 to i32
      %cond3A_144 = arith.constant 0 : i32
      %cond3A_145 = arith.cmpi ne, %convert_element_type3A_143, %cond3A_144 : i32
      scf.if %cond3A_145 {
        %dma_wait3A = arith.constant 0 : i32
        %dma_wait3A_161 = arith.constant 0 : i32
        %dma_wait3A_162 = tpu.memref_slice %arg12[%dma_wait3A, %dma_wait3A_161] : memref<40x64xi32, #tpu.memory_space<vmem>> -> memref<1x64xi32, #tpu.memory_space<vmem>>
        %dma_wait3A_163 = tpu.memref_squeeze %dma_wait3A_162 : memref<1x64xi32, #tpu.memory_space<vmem>> -> memref<64xi32, #tpu.memory_space<vmem>>
        %dma_wait3A_164 = arith.constant 0 : i32
        %dma_wait3A_165 = arith.constant 0 : i32
        %dma_wait3A_166 = tpu.memref_slice %arg26[%dma_wait3A_164, %dma_wait3A_165] : memref<10112x128xf32, #tpu.memory_space<vmem_shared>> -> memref<10112x128xf32, #tpu.memory_space<vmem_shared>>
        tpu.wait_indirect_dma semaphore(%arg24 : memref<!tpu.dma_semaphore, #tpu.memory_space<semaphore_mem>>) src(%arg16 : memref<64x128xf32, #tpu.memory_space<vmem>>) dst(%dma_wait3A_166 : memref<10112x128xf32, #tpu.memory_space<vmem_shared>>)
      } else {
      }
      %lt3A_146 = arith.constant 40 : i32
      %lt3A_147 = arith.cmpi slt, %add3A_140, %lt3A_146 : i32
      %convert_element_type3A_148 = arith.extui %lt3A_147 : i1 to i32
      %cond3A_149 = arith.constant 0 : i32
      %cond3A_150 = arith.cmpi ne, %convert_element_type3A_148, %cond3A_149 : i32
      scf.if %cond3A_150 {
        %dma_start3A = arith.constant 0 : i32
        %dma_start3A_161 = tpu.memref_slice %arg11[%add3A_140, %dma_start3A] : memref<40x64xi32, #tpu.memory_space<vmem>> -> memref<1x64xi32, #tpu.memory_space<vmem>>
        %dma_start3A_162 = tpu.memref_squeeze %dma_start3A_161 : memref<1x64xi32, #tpu.memory_space<vmem>> -> memref<64xi32, #tpu.memory_space<vmem>>
        %dma_start3A_163 = arith.constant 0 : i32
        %dma_start3A_164 = arith.constant 0 : i32
        %dma_start3A_165 = tpu.memref_slice %arg2[%dma_start3A_163, %dma_start3A_164] : memref<10000x128xf32, #tpu.memory_space<hbm>> -> memref<10000x128xf32, #tpu.memory_space<hbm>>
        tpu.enqueue_indirect_dma source(%dma_start3A_165 : memref<10000x128xf32, #tpu.memory_space<hbm>>) target(%arg16 : memref<64x128xf32, #tpu.memory_space<vmem>>) offsets(%dma_start3A_162 : memref<64xi32, #tpu.memory_space<vmem>>) semaphore(%arg20 : memref<!tpu.dma_semaphore, #tpu.memory_space<semaphore_mem>>)
      } else {
      }
      %sub3A_151 = arith.constant 2 : i32
      %sub3A_152 = arith.subi %add3A_140, %sub3A_151 : i32
      %ge3A_153 = arith.constant 2 : i32
      %ge3A_154 = arith.cmpi sge, %add3A_140, %ge3A_153 : i32
      %lt3A_155 = arith.constant 42 : i32
      %lt3A_156 = arith.cmpi slt, %add3A_140, %lt3A_155 : i32
      %and3A_157 = arith.andi %ge3A_154, %lt3A_156 : i1
      %convert_element_type3A_158 = arith.extui %and3A_157 : i1 to i32
      %cond3A_159 = arith.constant 0 : i32
      %cond3A_160 = arith.cmpi ne, %convert_element_type3A_158, %cond3A_159 : i32
      scf.if %cond3A_160 {
        %dma_wait3A = arith.constant 0 : i32
        %dma_wait3A_161 = tpu.memref_slice %arg11[%sub3A_152, %dma_wait3A] : memref<40x64xi32, #tpu.memory_space<vmem>> -> memref<1x64xi32, #tpu.memory_space<vmem>>
        %dma_wait3A_162 = tpu.memref_squeeze %dma_wait3A_161 : memref<1x64xi32, #tpu.memory_space<vmem>> -> memref<64xi32, #tpu.memory_space<vmem>>
        %dma_wait3A_163 = arith.constant 0 : i32
        %dma_wait3A_164 = arith.constant 0 : i32
        %dma_wait3A_165 = tpu.memref_slice %arg2[%dma_wait3A_163, %dma_wait3A_164] : memref<10000x128xf32, #tpu.memory_space<hbm>> -> memref<10000x128xf32, #tpu.memory_space<hbm>>
        tpu.wait_indirect_dma semaphore(%arg18 : memref<!tpu.dma_semaphore, #tpu.memory_space<semaphore_mem>>) src(%dma_wait3A_165 : memref<10000x128xf32, #tpu.memory_space<hbm>>) dst(%arg14 : memref<64x128xf32, #tpu.memory_space<vmem>>)
        %dma_start3A = arith.constant 0 : i32
        %dma_start3A_166 = tpu.memref_slice %arg12[%sub3A_152, %dma_start3A] : memref<40x64xi32, #tpu.memory_space<vmem>> -> memref<1x64xi32, #tpu.memory_space<vmem>>
        %dma_start3A_167 = tpu.memref_squeeze %dma_start3A_166 : memref<1x64xi32, #tpu.memory_space<vmem>> -> memref<64xi32, #tpu.memory_space<vmem>>
        %dma_start3A_168 = arith.constant 0 : i32
        %dma_start3A_169 = arith.constant 0 : i32
        %dma_start3A_170 = tpu.memref_slice %arg26[%dma_start3A_168, %dma_start3A_169] : memref<10112x128xf32, #tpu.memory_space<vmem_shared>> -> memref<10112x128xf32, #tpu.memory_space<vmem_shared>>
        tpu.enqueue_indirect_dma source(%arg14 : memref<64x128xf32, #tpu.memory_space<vmem>>) target(%dma_start3A_170 : memref<10112x128xf32, #tpu.memory_space<vmem_shared>>) offsets(%dma_start3A_167 : memref<64xi32, #tpu.memory_space<vmem>>) semaphore(%arg22 : memref<!tpu.dma_semaphore, #tpu.memory_space<semaphore_mem>>) {add = true}
        "tpu.region"() ({
          %run_scoped3A = tpu.sem_alloc : memref<!tpu.dma_semaphore, #tpu.memory_space<semaphore_mem>>
          %dma_start3A_171 = arith.constant 0 : i32
          %dma_start3A_172 = tpu.memref_slice %arg12[%sub3A_152, %dma_start3A_171] : memref<40x64xi32, #tpu.memory_space<vmem>> -> memref<1x64xi32, #tpu.memory_space<vmem>>
          %dma_start3A_173 = tpu.memref_squeeze %dma_start3A_172 : memref<1x64xi32, #tpu.memory_space<vmem>> -> memref<64xi32, #tpu.memory_space<vmem>>
          %dma_start3A_174 = arith.constant 0 : i32
          %dma_start3A_175 = tpu.memref_slice %arg27[%dma_start3A_174] : memref<10240xf32, #tpu.memory_space<vmem_shared>> -> memref<10240xf32, #tpu.memory_space<vmem_shared>>
          tpu.enqueue_indirect_dma source(%arg25 : memref<64xf32, #tpu.memory_space<vmem>>) target(%dma_start3A_175 : memref<10240xf32, #tpu.memory_space<vmem_shared>>) offsets(%dma_start3A_173 : memref<64xi32, #tpu.memory_space<vmem>>) semaphore(%run_scoped3A : memref<!tpu.dma_semaphore, #tpu.memory_space<semaphore_mem>>) {add = true}
          %dma_wait3A_176 = arith.constant 0 : i32
          %dma_wait3A_177 = tpu.memref_slice %arg12[%sub3A_152, %dma_wait3A_176] : memref<40x64xi32, #tpu.memory_space<vmem>> -> memref<1x64xi32, #tpu.memory_space<vmem>>
          %dma_wait3A_178 = tpu.memref_squeeze %dma_wait3A_177 : memref<1x64xi32, #tpu.memory_space<vmem>> -> memref<64xi32, #tpu.memory_space<vmem>>
          %dma_wait3A_179 = arith.constant 0 : i32
          %dma_wait3A_180 = tpu.memref_slice %arg27[%dma_wait3A_179] : memref<10240xf32, #tpu.memory_space<vmem_shared>> -> memref<10240xf32, #tpu.memory_space<vmem_shared>>
          tpu.wait_indirect_dma semaphore(%run_scoped3A : memref<!tpu.dma_semaphore, #tpu.memory_space<semaphore_mem>>) src(%arg25 : memref<64xf32, #tpu.memory_space<vmem>>) dst(%dma_wait3A_180 : memref<10240xf32, #tpu.memory_space<vmem_shared>>)
          tpu.yield
        }) : () -> ()
      } else {
      }
    }
    %scan3A_51 = arith.constant 11 : i32
    %add3A_52 = arith.constant 120 : i32
    %add3A_53 = arith.addi %mul3A_2, %add3A_52 : i32
    "tpu.region"() ({
      %run_scoped3A = tpu.sem_alloc : memref<!tpu.dma_semaphore, #tpu.memory_space<semaphore_mem>>
      %dma_start3A = arith.constant 0 : i32
      %dma_start3A_68 = tpu.memref_slice %arg3[%add3A_53, %dma_start3A] : memref<5120x64xi32, #tpu.memory_space<hbm>> -> memref<40x64xi32, #tpu.memory_space<hbm>>
      %dma_start3A_69 = arith.constant 0 : i32
      %dma_start3A_70 = tpu.memref_slice %arg3[%add3A_53, %dma_start3A_69] : memref<5120x64xi32, #tpu.memory_space<hbm>> -> memref<40x64xi32, #tpu.memory_space<hbm>>
      tpu.enqueue_dma source(%dma_start3A_70 : memref<40x64xi32, #tpu.memory_space<hbm>>) target(%arg11 : memref<40x64xi32, #tpu.memory_space<vmem>>) target_semaphore(%run_scoped3A : memref<!tpu.dma_semaphore, #tpu.memory_space<semaphore_mem>>)
      %dma_wait3A = arith.constant 0 : i32
      %dma_wait3A_71 = tpu.memref_slice %arg3[%add3A_53, %dma_wait3A] : memref<5120x64xi32, #tpu.memory_space<hbm>> -> memref<40x64xi32, #tpu.memory_space<hbm>>
      %dma_wait3A_72 = arith.constant 0 : i32
      %dma_wait3A_73 = tpu.memref_slice %arg3[%add3A_53, %dma_wait3A_72] : memref<5120x64xi32, #tpu.memory_space<hbm>> -> memref<40x64xi32, #tpu.memory_space<hbm>>
      tpu.wait_dma2 semaphore(%run_scoped3A : memref<!tpu.dma_semaphore, #tpu.memory_space<semaphore_mem>>) src(%dma_wait3A_73 : memref<40x64xi32, #tpu.memory_space<hbm>>) dst(%arg11 : memref<40x64xi32, #tpu.memory_space<vmem>>)
      tpu.yield
    }) : () -> ()
    "tpu.region"() ({
      %run_scoped3A = tpu.sem_alloc : memref<!tpu.dma_semaphore, #tpu.memory_space<semaphore_mem>>
      %dma_start3A = arith.constant 0 : i32
      %dma_start3A_68 = tpu.memref_slice %arg4[%add3A_53, %dma_start3A] : memref<5120x64xi32, #tpu.memory_space<hbm>> -> memref<40x64xi32, #tpu.memory_space<hbm>>
      %dma_start3A_69 = arith.constant 0 : i32
      %dma_start3A_70 = tpu.memref_slice %arg4[%add3A_53, %dma_start3A_69] : memref<5120x64xi32, #tpu.memory_space<hbm>> -> memref<40x64xi32, #tpu.memory_space<hbm>>
      tpu.enqueue_dma source(%dma_start3A_70 : memref<40x64xi32, #tpu.memory_space<hbm>>) target(%arg12 : memref<40x64xi32, #tpu.memory_space<vmem>>) target_semaphore(%run_scoped3A : memref<!tpu.dma_semaphore, #tpu.memory_space<semaphore_mem>>)
      %dma_wait3A = arith.constant 0 : i32
      %dma_wait3A_71 = tpu.memref_slice %arg4[%add3A_53, %dma_wait3A] : memref<5120x64xi32, #tpu.memory_space<hbm>> -> memref<40x64xi32, #tpu.memory_space<hbm>>
      %dma_wait3A_72 = arith.constant 0 : i32
      %dma_wait3A_73 = tpu.memref_slice %arg4[%add3A_53, %dma_wait3A_72] : memref<5120x64xi32, #tpu.memory_space<hbm>> -> memref<40x64xi32, #tpu.memory_space<hbm>>
      tpu.wait_dma2 semaphore(%run_scoped3A : memref<!tpu.dma_semaphore, #tpu.memory_space<semaphore_mem>>) src(%dma_wait3A_73 : memref<40x64xi32, #tpu.memory_space<hbm>>) dst(%arg12 : memref<40x64xi32, #tpu.memory_space<vmem>>)
      tpu.yield
    }) : () -> ()
    %scan3A_54 = arith.constant 0 : i32
    %scan3A_55 = arith.constant 0 : i32
    %scan3A_56 = arith.constant 11 : i32
    %scan3A_57 = arith.addi %scan3A_55, %scan3A_56 : i32
    %scan3A_58 = arith.constant 1 : i32
    scf.for %scan3A_68 = %scan3A_55 to %scan3A_57 step %scan3A_58  : i32 {
      %mul3A_69 = arith.constant 4 : i32
      %mul3A_70 = arith.muli %mul3A_69, %scan3A_68 : i32
      %add3A_71 = arith.constant 0 : i32
      %add3A_72 = arith.addi %mul3A_70, %add3A_71 : i32
      %ge3A = arith.constant 4 : i32
      %ge3A_73 = arith.cmpi sge, %add3A_72, %ge3A : i32
      %convert_element_type3A_74 = arith.extui %ge3A_73 : i1 to i32
      %cond3A_75 = arith.constant 0 : i32
      %cond3A_76 = arith.cmpi ne, %convert_element_type3A_74, %cond3A_75 : i32
      scf.if %cond3A_76 {
        %dma_wait3A = arith.constant 0 : i32
        %dma_wait3A_161 = arith.constant 0 : i32
        %dma_wait3A_162 = tpu.memref_slice %arg12[%dma_wait3A, %dma_wait3A_161] : memref<40x64xi32, #tpu.memory_space<vmem>> -> memref<1x64xi32, #tpu.memory_space<vmem>>
        %dma_wait3A_163 = tpu.memref_squeeze %dma_wait3A_162 : memref<1x64xi32, #tpu.memory_space<vmem>> -> memref<64xi32, #tpu.memory_space<vmem>>
        %dma_wait3A_164 = arith.constant 0 : i32
        %dma_wait3A_165 = arith.constant 0 : i32
        %dma_wait3A_166 = tpu.memref_slice %arg26[%dma_wait3A_164, %dma_wait3A_165] : memref<10112x128xf32, #tpu.memory_space<vmem_shared>> -> memref<10112x128xf32, #tpu.memory_space<vmem_shared>>
        tpu.wait_indirect_dma semaphore(%arg21 : memref<!tpu.dma_semaphore, #tpu.memory_space<semaphore_mem>>) src(%arg13 : memref<64x128xf32, #tpu.memory_space<vmem>>) dst(%dma_wait3A_166 : memref<10112x128xf32, #tpu.memory_space<vmem_shared>>)
      } else {
      }
      %lt3A = arith.constant 40 : i32
      %lt3A_77 = arith.cmpi slt, %add3A_72, %lt3A : i32
      %convert_element_type3A_78 = arith.extui %lt3A_77 : i1 to i32
      %cond3A_79 = arith.constant 0 : i32
      %cond3A_80 = arith.cmpi ne, %convert_element_type3A_78, %cond3A_79 : i32
      scf.if %cond3A_80 {
        %dma_start3A = arith.constant 0 : i32
        %dma_start3A_161 = tpu.memref_slice %arg11[%add3A_72, %dma_start3A] : memref<40x64xi32, #tpu.memory_space<vmem>> -> memref<1x64xi32, #tpu.memory_space<vmem>>
        %dma_start3A_162 = tpu.memref_squeeze %dma_start3A_161 : memref<1x64xi32, #tpu.memory_space<vmem>> -> memref<64xi32, #tpu.memory_space<vmem>>
        %dma_start3A_163 = arith.constant 0 : i32
        %dma_start3A_164 = arith.constant 0 : i32
        %dma_start3A_165 = tpu.memref_slice %arg2[%dma_start3A_163, %dma_start3A_164] : memref<10000x128xf32, #tpu.memory_space<hbm>> -> memref<10000x128xf32, #tpu.memory_space<hbm>>
        tpu.enqueue_indirect_dma source(%dma_start3A_165 : memref<10000x128xf32, #tpu.memory_space<hbm>>) target(%arg13 : memref<64x128xf32, #tpu.memory_space<vmem>>) offsets(%dma_start3A_162 : memref<64xi32, #tpu.memory_space<vmem>>) semaphore(%arg17 : memref<!tpu.dma_semaphore, #tpu.memory_space<semaphore_mem>>)
      } else {
      }
      %sub3A = arith.constant 2 : i32
      %sub3A_81 = arith.subi %add3A_72, %sub3A : i32
      %ge3A_82 = arith.constant 2 : i32
      %ge3A_83 = arith.cmpi sge, %add3A_72, %ge3A_82 : i32
      %lt3A_84 = arith.constant 42 : i32
      %lt3A_85 = arith.cmpi slt, %add3A_72, %lt3A_84 : i32
      %and3A = arith.andi %ge3A_83, %lt3A_85 : i1
      %convert_element_type3A_86 = arith.extui %and3A : i1 to i32
      %cond3A_87 = arith.constant 0 : i32
      %cond3A_88 = arith.cmpi ne, %convert_element_type3A_86, %cond3A_87 : i32
      scf.if %cond3A_88 {
        %dma_wait3A = arith.constant 0 : i32
        %dma_wait3A_161 = tpu.memref_slice %arg11[%sub3A_81, %dma_wait3A] : memref<40x64xi32, #tpu.memory_space<vmem>> -> memref<1x64xi32, #tpu.memory_space<vmem>>
        %dma_wait3A_162 = tpu.memref_squeeze %dma_wait3A_161 : memref<1x64xi32, #tpu.memory_space<vmem>> -> memref<64xi32, #tpu.memory_space<vmem>>
        %dma_wait3A_163 = arith.constant 0 : i32
        %dma_wait3A_164 = arith.constant 0 : i32
        %dma_wait3A_165 = tpu.memref_slice %arg2[%dma_wait3A_163, %dma_wait3A_164] : memref<10000x128xf32, #tpu.memory_space<hbm>> -> memref<10000x128xf32, #tpu.memory_space<hbm>>
        tpu.wait_indirect_dma semaphore(%arg19 : memref<!tpu.dma_semaphore, #tpu.memory_space<semaphore_mem>>) src(%dma_wait3A_165 : memref<10000x128xf32, #tpu.memory_space<hbm>>) dst(%arg15 : memref<64x128xf32, #tpu.memory_space<vmem>>)
        %dma_start3A = arith.constant 0 : i32
        %dma_start3A_166 = tpu.memref_slice %arg12[%sub3A_81, %dma_start3A] : memref<40x64xi32, #tpu.memory_space<vmem>> -> memref<1x64xi32, #tpu.memory_space<vmem>>
        %dma_start3A_167 = tpu.memref_squeeze %dma_start3A_166 : memref<1x64xi32, #tpu.memory_space<vmem>> -> memref<64xi32, #tpu.memory_space<vmem>>
        %dma_start3A_168 = arith.constant 0 : i32
        %dma_start3A_169 = arith.constant 0 : i32
        %dma_start3A_170 = tpu.memref_slice %arg26[%dma_start3A_168, %dma_start3A_169] : memref<10112x128xf32, #tpu.memory_space<vmem_shared>> -> memref<10112x128xf32, #tpu.memory_space<vmem_shared>>
        tpu.enqueue_indirect_dma source(%arg15 : memref<64x128xf32, #tpu.memory_space<vmem>>) target(%dma_start3A_170 : memref<10112x128xf32, #tpu.memory_space<vmem_shared>>) offsets(%dma_start3A_167 : memref<64xi32, #tpu.memory_space<vmem>>) semaphore(%arg23 : memref<!tpu.dma_semaphore, #tpu.memory_space<semaphore_mem>>) {add = true}
        "tpu.region"() ({
          %run_scoped3A = tpu.sem_alloc : memref<!tpu.dma_semaphore, #tpu.memory_space<semaphore_mem>>
          %dma_start3A_171 = arith.constant 0 : i32
          %dma_start3A_172 = tpu.memref_slice %arg12[%sub3A_81, %dma_start3A_171] : memref<40x64xi32, #tpu.memory_space<vmem>> -> memref<1x64xi32, #tpu.memory_space<vmem>>
          %dma_start3A_173 = tpu.memref_squeeze %dma_start3A_172 : memref<1x64xi32, #tpu.memory_space<vmem>> -> memref<64xi32, #tpu.memory_space<vmem>>
          %dma_start3A_174 = arith.constant 0 : i32
          %dma_start3A_175 = tpu.memref_slice %arg27[%dma_start3A_174] : memref<10240xf32, #tpu.memory_space<vmem_shared>> -> memref<10240xf32, #tpu.memory_space<vmem_shared>>
          tpu.enqueue_indirect_dma source(%arg25 : memref<64xf32, #tpu.memory_space<vmem>>) target(%dma_start3A_175 : memref<10240xf32, #tpu.memory_space<vmem_shared>>) offsets(%dma_start3A_173 : memref<64xi32, #tpu.memory_space<vmem>>) semaphore(%run_scoped3A : memref<!tpu.dma_semaphore, #tpu.memory_space<semaphore_mem>>) {add = true}
          %dma_wait3A_176 = arith.constant 0 : i32
          %dma_wait3A_177 = tpu.memref_slice %arg12[%sub3A_81, %dma_wait3A_176] : memref<40x64xi32, #tpu.memory_space<vmem>> -> memref<1x64xi32, #tpu.memory_space<vmem>>
          %dma_wait3A_178 = tpu.memref_squeeze %dma_wait3A_177 : memref<1x64xi32, #tpu.memory_space<vmem>> -> memref<64xi32, #tpu.memory_space<vmem>>
          %dma_wait3A_179 = arith.constant 0 : i32
          %dma_wait3A_180 = tpu.memref_slice %arg27[%dma_wait3A_179] : memref<10240xf32, #tpu.memory_space<vmem_shared>> -> memref<10240xf32, #tpu.memory_space<vmem_shared>>
          tpu.wait_indirect_dma semaphore(%run_scoped3A : memref<!tpu.dma_semaphore, #tpu.memory_space<semaphore_mem>>) src(%arg25 : memref<64xf32, #tpu.memory_space<vmem>>) dst(%dma_wait3A_180 : memref<10240xf32, #tpu.memory_space<vmem_shared>>)
          tpu.yield
        }) : () -> ()
      } else {
      }
      %mul3A_89 = arith.constant 4 : i32
      %mul3A_90 = arith.muli %mul3A_89, %scan3A_68 : i32
      %add3A_91 = arith.constant 1 : i32
      %add3A_92 = arith.addi %mul3A_90, %add3A_91 : i32
      %ge3A_93 = arith.constant 4 : i32
      %ge3A_94 = arith.cmpi sge, %add3A_92, %ge3A_93 : i32
      %convert_element_type3A_95 = arith.extui %ge3A_94 : i1 to i32
      %cond3A_96 = arith.constant 0 : i32
      %cond3A_97 = arith.cmpi ne, %convert_element_type3A_95, %cond3A_96 : i32
      scf.if %cond3A_97 {
        %dma_wait3A = arith.constant 0 : i32
        %dma_wait3A_161 = arith.constant 0 : i32
        %dma_wait3A_162 = tpu.memref_slice %arg12[%dma_wait3A, %dma_wait3A_161] : memref<40x64xi32, #tpu.memory_space<vmem>> -> memref<1x64xi32, #tpu.memory_space<vmem>>
        %dma_wait3A_163 = tpu.memref_squeeze %dma_wait3A_162 : memref<1x64xi32, #tpu.memory_space<vmem>> -> memref<64xi32, #tpu.memory_space<vmem>>
        %dma_wait3A_164 = arith.constant 0 : i32
        %dma_wait3A_165 = arith.constant 0 : i32
        %dma_wait3A_166 = tpu.memref_slice %arg26[%dma_wait3A_164, %dma_wait3A_165] : memref<10112x128xf32, #tpu.memory_space<vmem_shared>> -> memref<10112x128xf32, #tpu.memory_space<vmem_shared>>
        tpu.wait_indirect_dma semaphore(%arg22 : memref<!tpu.dma_semaphore, #tpu.memory_space<semaphore_mem>>) src(%arg14 : memref<64x128xf32, #tpu.memory_space<vmem>>) dst(%dma_wait3A_166 : memref<10112x128xf32, #tpu.memory_space<vmem_shared>>)
      } else {
      }
      %lt3A_98 = arith.constant 40 : i32
      %lt3A_99 = arith.cmpi slt, %add3A_92, %lt3A_98 : i32
      %convert_element_type3A_100 = arith.extui %lt3A_99 : i1 to i32
      %cond3A_101 = arith.constant 0 : i32
      %cond3A_102 = arith.cmpi ne, %convert_element_type3A_100, %cond3A_101 : i32
      scf.if %cond3A_102 {
        %dma_start3A = arith.constant 0 : i32
        %dma_start3A_161 = tpu.memref_slice %arg11[%add3A_92, %dma_start3A] : memref<40x64xi32, #tpu.memory_space<vmem>> -> memref<1x64xi32, #tpu.memory_space<vmem>>
        %dma_start3A_162 = tpu.memref_squeeze %dma_start3A_161 : memref<1x64xi32, #tpu.memory_space<vmem>> -> memref<64xi32, #tpu.memory_space<vmem>>
        %dma_start3A_163 = arith.constant 0 : i32
        %dma_start3A_164 = arith.constant 0 : i32
        %dma_start3A_165 = tpu.memref_slice %arg2[%dma_start3A_163, %dma_start3A_164] : memref<10000x128xf32, #tpu.memory_space<hbm>> -> memref<10000x128xf32, #tpu.memory_space<hbm>>
        tpu.enqueue_indirect_dma source(%dma_start3A_165 : memref<10000x128xf32, #tpu.memory_space<hbm>>) target(%arg14 : memref<64x128xf32, #tpu.memory_space<vmem>>) offsets(%dma_start3A_162 : memref<64xi32, #tpu.memory_space<vmem>>) semaphore(%arg18 : memref<!tpu.dma_semaphore, #tpu.memory_space<semaphore_mem>>)
      } else {
      }
      %sub3A_103 = arith.constant 2 : i32
      %sub3A_104 = arith.subi %add3A_92, %sub3A_103 : i32
      %ge3A_105 = arith.constant 2 : i32
      %ge3A_106 = arith.cmpi sge, %add3A_92, %ge3A_105 : i32
      %lt3A_107 = arith.constant 42 : i32
      %lt3A_108 = arith.cmpi slt, %add3A_92, %lt3A_107 : i32
      %and3A_109 = arith.andi %ge3A_106, %lt3A_108 : i1
      %convert_element_type3A_110 = arith.extui %and3A_109 : i1 to i32
      %cond3A_111 = arith.constant 0 : i32
      %cond3A_112 = arith.cmpi ne, %convert_element_type3A_110, %cond3A_111 : i32
      scf.if %cond3A_112 {
        %dma_wait3A = arith.constant 0 : i32
        %dma_wait3A_161 = tpu.memref_slice %arg11[%sub3A_104, %dma_wait3A] : memref<40x64xi32, #tpu.memory_space<vmem>> -> memref<1x64xi32, #tpu.memory_space<vmem>>
        %dma_wait3A_162 = tpu.memref_squeeze %dma_wait3A_161 : memref<1x64xi32, #tpu.memory_space<vmem>> -> memref<64xi32, #tpu.memory_space<vmem>>
        %dma_wait3A_163 = arith.constant 0 : i32
        %dma_wait3A_164 = arith.constant 0 : i32
        %dma_wait3A_165 = tpu.memref_slice %arg2[%dma_wait3A_163, %dma_wait3A_164] : memref<10000x128xf32, #tpu.memory_space<hbm>> -> memref<10000x128xf32, #tpu.memory_space<hbm>>
        tpu.wait_indirect_dma semaphore(%arg20 : memref<!tpu.dma_semaphore, #tpu.memory_space<semaphore_mem>>) src(%dma_wait3A_165 : memref<10000x128xf32, #tpu.memory_space<hbm>>) dst(%arg16 : memref<64x128xf32, #tpu.memory_space<vmem>>)
        %dma_start3A = arith.constant 0 : i32
        %dma_start3A_166 = tpu.memref_slice %arg12[%sub3A_104, %dma_start3A] : memref<40x64xi32, #tpu.memory_space<vmem>> -> memref<1x64xi32, #tpu.memory_space<vmem>>
        %dma_start3A_167 = tpu.memref_squeeze %dma_start3A_166 : memref<1x64xi32, #tpu.memory_space<vmem>> -> memref<64xi32, #tpu.memory_space<vmem>>
        %dma_start3A_168 = arith.constant 0 : i32
        %dma_start3A_169 = arith.constant 0 : i32
        %dma_start3A_170 = tpu.memref_slice %arg26[%dma_start3A_168, %dma_start3A_169] : memref<10112x128xf32, #tpu.memory_space<vmem_shared>> -> memref<10112x128xf32, #tpu.memory_space<vmem_shared>>
        tpu.enqueue_indirect_dma source(%arg16 : memref<64x128xf32, #tpu.memory_space<vmem>>) target(%dma_start3A_170 : memref<10112x128xf32, #tpu.memory_space<vmem_shared>>) offsets(%dma_start3A_167 : memref<64xi32, #tpu.memory_space<vmem>>) semaphore(%arg24 : memref<!tpu.dma_semaphore, #tpu.memory_space<semaphore_mem>>) {add = true}
        "tpu.region"() ({
          %run_scoped3A = tpu.sem_alloc : memref<!tpu.dma_semaphore, #tpu.memory_space<semaphore_mem>>
          %dma_start3A_171 = arith.constant 0 : i32
          %dma_start3A_172 = tpu.memref_slice %arg12[%sub3A_104, %dma_start3A_171] : memref<40x64xi32, #tpu.memory_space<vmem>> -> memref<1x64xi32, #tpu.memory_space<vmem>>
          %dma_start3A_173 = tpu.memref_squeeze %dma_start3A_172 : memref<1x64xi32, #tpu.memory_space<vmem>> -> memref<64xi32, #tpu.memory_space<vmem>>
          %dma_start3A_174 = arith.constant 0 : i32
          %dma_start3A_175 = tpu.memref_slice %arg27[%dma_start3A_174] : memref<10240xf32, #tpu.memory_space<vmem_shared>> -> memref<10240xf32, #tpu.memory_space<vmem_shared>>
          tpu.enqueue_indirect_dma source(%arg25 : memref<64xf32, #tpu.memory_space<vmem>>) target(%dma_start3A_175 : memref<10240xf32, #tpu.memory_space<vmem_shared>>) offsets(%dma_start3A_173 : memref<64xi32, #tpu.memory_space<vmem>>) semaphore(%run_scoped3A : memref<!tpu.dma_semaphore, #tpu.memory_space<semaphore_mem>>) {add = true}
          %dma_wait3A_176 = arith.constant 0 : i32
          %dma_wait3A_177 = tpu.memref_slice %arg12[%sub3A_104, %dma_wait3A_176] : memref<40x64xi32, #tpu.memory_space<vmem>> -> memref<1x64xi32, #tpu.memory_space<vmem>>
          %dma_wait3A_178 = tpu.memref_squeeze %dma_wait3A_177 : memref<1x64xi32, #tpu.memory_space<vmem>> -> memref<64xi32, #tpu.memory_space<vmem>>
          %dma_wait3A_179 = arith.constant 0 : i32
          %dma_wait3A_180 = tpu.memref_slice %arg27[%dma_wait3A_179] : memref<10240xf32, #tpu.memory_space<vmem_shared>> -> memref<10240xf32, #tpu.memory_space<vmem_shared>>
          tpu.wait_indirect_dma semaphore(%run_scoped3A : memref<!tpu.dma_semaphore, #tpu.memory_space<semaphore_mem>>) src(%arg25 : memref<64xf32, #tpu.memory_space<vmem>>) dst(%dma_wait3A_180 : memref<10240xf32, #tpu.memory_space<vmem_shared>>)
          tpu.yield
        }) : () -> ()
      } else {
      }
      %mul3A_113 = arith.constant 4 : i32
      %mul3A_114 = arith.muli %mul3A_113, %scan3A_68 : i32
      %add3A_115 = arith.constant 2 : i32
      %add3A_116 = arith.addi %mul3A_114, %add3A_115 : i32
      %ge3A_117 = arith.constant 4 : i32
      %ge3A_118 = arith.cmpi sge, %add3A_116, %ge3A_117 : i32
      %convert_element_type3A_119 = arith.extui %ge3A_118 : i1 to i32
      %cond3A_120 = arith.constant 0 : i32
      %cond3A_121 = arith.cmpi ne, %convert_element_type3A_119, %cond3A_120 : i32
      scf.if %cond3A_121 {
        %dma_wait3A = arith.constant 0 : i32
        %dma_wait3A_161 = arith.constant 0 : i32
        %dma_wait3A_162 = tpu.memref_slice %arg12[%dma_wait3A, %dma_wait3A_161] : memref<40x64xi32, #tpu.memory_space<vmem>> -> memref<1x64xi32, #tpu.memory_space<vmem>>
        %dma_wait3A_163 = tpu.memref_squeeze %dma_wait3A_162 : memref<1x64xi32, #tpu.memory_space<vmem>> -> memref<64xi32, #tpu.memory_space<vmem>>
        %dma_wait3A_164 = arith.constant 0 : i32
        %dma_wait3A_165 = arith.constant 0 : i32
        %dma_wait3A_166 = tpu.memref_slice %arg26[%dma_wait3A_164, %dma_wait3A_165] : memref<10112x128xf32, #tpu.memory_space<vmem_shared>> -> memref<10112x128xf32, #tpu.memory_space<vmem_shared>>
        tpu.wait_indirect_dma semaphore(%arg23 : memref<!tpu.dma_semaphore, #tpu.memory_space<semaphore_mem>>) src(%arg15 : memref<64x128xf32, #tpu.memory_space<vmem>>) dst(%dma_wait3A_166 : memref<10112x128xf32, #tpu.memory_space<vmem_shared>>)
      } else {
      }
      %lt3A_122 = arith.constant 40 : i32
      %lt3A_123 = arith.cmpi slt, %add3A_116, %lt3A_122 : i32
      %convert_element_type3A_124 = arith.extui %lt3A_123 : i1 to i32
      %cond3A_125 = arith.constant 0 : i32
      %cond3A_126 = arith.cmpi ne, %convert_element_type3A_124, %cond3A_125 : i32
      scf.if %cond3A_126 {
        %dma_start3A = arith.constant 0 : i32
        %dma_start3A_161 = tpu.memref_slice %arg11[%add3A_116, %dma_start3A] : memref<40x64xi32, #tpu.memory_space<vmem>> -> memref<1x64xi32, #tpu.memory_space<vmem>>
        %dma_start3A_162 = tpu.memref_squeeze %dma_start3A_161 : memref<1x64xi32, #tpu.memory_space<vmem>> -> memref<64xi32, #tpu.memory_space<vmem>>
        %dma_start3A_163 = arith.constant 0 : i32
        %dma_start3A_164 = arith.constant 0 : i32
        %dma_start3A_165 = tpu.memref_slice %arg2[%dma_start3A_163, %dma_start3A_164] : memref<10000x128xf32, #tpu.memory_space<hbm>> -> memref<10000x128xf32, #tpu.memory_space<hbm>>
        tpu.enqueue_indirect_dma source(%dma_start3A_165 : memref<10000x128xf32, #tpu.memory_space<hbm>>) target(%arg15 : memref<64x128xf32, #tpu.memory_space<vmem>>) offsets(%dma_start3A_162 : memref<64xi32, #tpu.memory_space<vmem>>) semaphore(%arg19 : memref<!tpu.dma_semaphore, #tpu.memory_space<semaphore_mem>>)
      } else {
      }
      %sub3A_127 = arith.constant 2 : i32
      %sub3A_128 = arith.subi %add3A_116, %sub3A_127 : i32
      %ge3A_129 = arith.constant 2 : i32
      %ge3A_130 = arith.cmpi sge, %add3A_116, %ge3A_129 : i32
      %lt3A_131 = arith.constant 42 : i32
      %lt3A_132 = arith.cmpi slt, %add3A_116, %lt3A_131 : i32
      %and3A_133 = arith.andi %ge3A_130, %lt3A_132 : i1
      %convert_element_type3A_134 = arith.extui %and3A_133 : i1 to i32
      %cond3A_135 = arith.constant 0 : i32
      %cond3A_136 = arith.cmpi ne, %convert_element_type3A_134, %cond3A_135 : i32
      scf.if %cond3A_136 {
        %dma_wait3A = arith.constant 0 : i32
        %dma_wait3A_161 = tpu.memref_slice %arg11[%sub3A_128, %dma_wait3A] : memref<40x64xi32, #tpu.memory_space<vmem>> -> memref<1x64xi32, #tpu.memory_space<vmem>>
        %dma_wait3A_162 = tpu.memref_squeeze %dma_wait3A_161 : memref<1x64xi32, #tpu.memory_space<vmem>> -> memref<64xi32, #tpu.memory_space<vmem>>
        %dma_wait3A_163 = arith.constant 0 : i32
        %dma_wait3A_164 = arith.constant 0 : i32
        %dma_wait3A_165 = tpu.memref_slice %arg2[%dma_wait3A_163, %dma_wait3A_164] : memref<10000x128xf32, #tpu.memory_space<hbm>> -> memref<10000x128xf32, #tpu.memory_space<hbm>>
        tpu.wait_indirect_dma semaphore(%arg17 : memref<!tpu.dma_semaphore, #tpu.memory_space<semaphore_mem>>) src(%dma_wait3A_165 : memref<10000x128xf32, #tpu.memory_space<hbm>>) dst(%arg13 : memref<64x128xf32, #tpu.memory_space<vmem>>)
        %dma_start3A = arith.constant 0 : i32
        %dma_start3A_166 = tpu.memref_slice %arg12[%sub3A_128, %dma_start3A] : memref<40x64xi32, #tpu.memory_space<vmem>> -> memref<1x64xi32, #tpu.memory_space<vmem>>
        %dma_start3A_167 = tpu.memref_squeeze %dma_start3A_166 : memref<1x64xi32, #tpu.memory_space<vmem>> -> memref<64xi32, #tpu.memory_space<vmem>>
        %dma_start3A_168 = arith.constant 0 : i32
        %dma_start3A_169 = arith.constant 0 : i32
        %dma_start3A_170 = tpu.memref_slice %arg26[%dma_start3A_168, %dma_start3A_169] : memref<10112x128xf32, #tpu.memory_space<vmem_shared>> -> memref<10112x128xf32, #tpu.memory_space<vmem_shared>>
        tpu.enqueue_indirect_dma source(%arg13 : memref<64x128xf32, #tpu.memory_space<vmem>>) target(%dma_start3A_170 : memref<10112x128xf32, #tpu.memory_space<vmem_shared>>) offsets(%dma_start3A_167 : memref<64xi32, #tpu.memory_space<vmem>>) semaphore(%arg21 : memref<!tpu.dma_semaphore, #tpu.memory_space<semaphore_mem>>) {add = true}
        "tpu.region"() ({
          %run_scoped3A = tpu.sem_alloc : memref<!tpu.dma_semaphore, #tpu.memory_space<semaphore_mem>>
          %dma_start3A_171 = arith.constant 0 : i32
          %dma_start3A_172 = tpu.memref_slice %arg12[%sub3A_128, %dma_start3A_171] : memref<40x64xi32, #tpu.memory_space<vmem>> -> memref<1x64xi32, #tpu.memory_space<vmem>>
          %dma_start3A_173 = tpu.memref_squeeze %dma_start3A_172 : memref<1x64xi32, #tpu.memory_space<vmem>> -> memref<64xi32, #tpu.memory_space<vmem>>
          %dma_start3A_174 = arith.constant 0 : i32
          %dma_start3A_175 = tpu.memref_slice %arg27[%dma_start3A_174] : memref<10240xf32, #tpu.memory_space<vmem_shared>> -> memref<10240xf32, #tpu.memory_space<vmem_shared>>
          tpu.enqueue_indirect_dma source(%arg25 : memref<64xf32, #tpu.memory_space<vmem>>) target(%dma_start3A_175 : memref<10240xf32, #tpu.memory_space<vmem_shared>>) offsets(%dma_start3A_173 : memref<64xi32, #tpu.memory_space<vmem>>) semaphore(%run_scoped3A : memref<!tpu.dma_semaphore, #tpu.memory_space<semaphore_mem>>) {add = true}
          %dma_wait3A_176 = arith.constant 0 : i32
          %dma_wait3A_177 = tpu.memref_slice %arg12[%sub3A_128, %dma_wait3A_176] : memref<40x64xi32, #tpu.memory_space<vmem>> -> memref<1x64xi32, #tpu.memory_space<vmem>>
          %dma_wait3A_178 = tpu.memref_squeeze %dma_wait3A_177 : memref<1x64xi32, #tpu.memory_space<vmem>> -> memref<64xi32, #tpu.memory_space<vmem>>
          %dma_wait3A_179 = arith.constant 0 : i32
          %dma_wait3A_180 = tpu.memref_slice %arg27[%dma_wait3A_179] : memref<10240xf32, #tpu.memory_space<vmem_shared>> -> memref<10240xf32, #tpu.memory_space<vmem_shared>>
          tpu.wait_indirect_dma semaphore(%run_scoped3A : memref<!tpu.dma_semaphore, #tpu.memory_space<semaphore_mem>>) src(%arg25 : memref<64xf32, #tpu.memory_space<vmem>>) dst(%dma_wait3A_180 : memref<10240xf32, #tpu.memory_space<vmem_shared>>)
          tpu.yield
        }) : () -> ()
      } else {
      }
      %mul3A_137 = arith.constant 4 : i32
      %mul3A_138 = arith.muli %mul3A_137, %scan3A_68 : i32
      %add3A_139 = arith.constant 3 : i32
      %add3A_140 = arith.addi %mul3A_138, %add3A_139 : i32
      %ge3A_141 = arith.constant 4 : i32
      %ge3A_142 = arith.cmpi sge, %add3A_140, %ge3A_141 : i32
      %convert_element_type3A_143 = arith.extui %ge3A_142 : i1 to i32
      %cond3A_144 = arith.constant 0 : i32
      %cond3A_145 = arith.cmpi ne, %convert_element_type3A_143, %cond3A_144 : i32
      scf.if %cond3A_145 {
        %dma_wait3A = arith.constant 0 : i32
        %dma_wait3A_161 = arith.constant 0 : i32
        %dma_wait3A_162 = tpu.memref_slice %arg12[%dma_wait3A, %dma_wait3A_161] : memref<40x64xi32, #tpu.memory_space<vmem>> -> memref<1x64xi32, #tpu.memory_space<vmem>>
        %dma_wait3A_163 = tpu.memref_squeeze %dma_wait3A_162 : memref<1x64xi32, #tpu.memory_space<vmem>> -> memref<64xi32, #tpu.memory_space<vmem>>
        %dma_wait3A_164 = arith.constant 0 : i32
        %dma_wait3A_165 = arith.constant 0 : i32
        %dma_wait3A_166 = tpu.memref_slice %arg26[%dma_wait3A_164, %dma_wait3A_165] : memref<10112x128xf32, #tpu.memory_space<vmem_shared>> -> memref<10112x128xf32, #tpu.memory_space<vmem_shared>>
        tpu.wait_indirect_dma semaphore(%arg24 : memref<!tpu.dma_semaphore, #tpu.memory_space<semaphore_mem>>) src(%arg16 : memref<64x128xf32, #tpu.memory_space<vmem>>) dst(%dma_wait3A_166 : memref<10112x128xf32, #tpu.memory_space<vmem_shared>>)
      } else {
      }
      %lt3A_146 = arith.constant 40 : i32
      %lt3A_147 = arith.cmpi slt, %add3A_140, %lt3A_146 : i32
      %convert_element_type3A_148 = arith.extui %lt3A_147 : i1 to i32
      %cond3A_149 = arith.constant 0 : i32
      %cond3A_150 = arith.cmpi ne, %convert_element_type3A_148, %cond3A_149 : i32
      scf.if %cond3A_150 {
        %dma_start3A = arith.constant 0 : i32
        %dma_start3A_161 = tpu.memref_slice %arg11[%add3A_140, %dma_start3A] : memref<40x64xi32, #tpu.memory_space<vmem>> -> memref<1x64xi32, #tpu.memory_space<vmem>>
        %dma_start3A_162 = tpu.memref_squeeze %dma_start3A_161 : memref<1x64xi32, #tpu.memory_space<vmem>> -> memref<64xi32, #tpu.memory_space<vmem>>
        %dma_start3A_163 = arith.constant 0 : i32
        %dma_start3A_164 = arith.constant 0 : i32
        %dma_start3A_165 = tpu.memref_slice %arg2[%dma_start3A_163, %dma_start3A_164] : memref<10000x128xf32, #tpu.memory_space<hbm>> -> memref<10000x128xf32, #tpu.memory_space<hbm>>
        tpu.enqueue_indirect_dma source(%dma_start3A_165 : memref<10000x128xf32, #tpu.memory_space<hbm>>) target(%arg16 : memref<64x128xf32, #tpu.memory_space<vmem>>) offsets(%dma_start3A_162 : memref<64xi32, #tpu.memory_space<vmem>>) semaphore(%arg20 : memref<!tpu.dma_semaphore, #tpu.memory_space<semaphore_mem>>)
      } else {
      }
      %sub3A_151 = arith.constant 2 : i32
      %sub3A_152 = arith.subi %add3A_140, %sub3A_151 : i32
      %ge3A_153 = arith.constant 2 : i32
      %ge3A_154 = arith.cmpi sge, %add3A_140, %ge3A_153 : i32
      %lt3A_155 = arith.constant 42 : i32
      %lt3A_156 = arith.cmpi slt, %add3A_140, %lt3A_155 : i32
      %and3A_157 = arith.andi %ge3A_154, %lt3A_156 : i1
      %convert_element_type3A_158 = arith.extui %and3A_157 : i1 to i32
      %cond3A_159 = arith.constant 0 : i32
      %cond3A_160 = arith.cmpi ne, %convert_element_type3A_158, %cond3A_159 : i32
      scf.if %cond3A_160 {
        %dma_wait3A = arith.constant 0 : i32
        %dma_wait3A_161 = tpu.memref_slice %arg11[%sub3A_152, %dma_wait3A] : memref<40x64xi32, #tpu.memory_space<vmem>> -> memref<1x64xi32, #tpu.memory_space<vmem>>
        %dma_wait3A_162 = tpu.memref_squeeze %dma_wait3A_161 : memref<1x64xi32, #tpu.memory_space<vmem>> -> memref<64xi32, #tpu.memory_space<vmem>>
        %dma_wait3A_163 = arith.constant 0 : i32
        %dma_wait3A_164 = arith.constant 0 : i32
        %dma_wait3A_165 = tpu.memref_slice %arg2[%dma_wait3A_163, %dma_wait3A_164] : memref<10000x128xf32, #tpu.memory_space<hbm>> -> memref<10000x128xf32, #tpu.memory_space<hbm>>
        tpu.wait_indirect_dma semaphore(%arg18 : memref<!tpu.dma_semaphore, #tpu.memory_space<semaphore_mem>>) src(%dma_wait3A_165 : memref<10000x128xf32, #tpu.memory_space<hbm>>) dst(%arg14 : memref<64x128xf32, #tpu.memory_space<vmem>>)
        %dma_start3A = arith.constant 0 : i32
        %dma_start3A_166 = tpu.memref_slice %arg12[%sub3A_152, %dma_start3A] : memref<40x64xi32, #tpu.memory_space<vmem>> -> memref<1x64xi32, #tpu.memory_space<vmem>>
        %dma_start3A_167 = tpu.memref_squeeze %dma_start3A_166 : memref<1x64xi32, #tpu.memory_space<vmem>> -> memref<64xi32, #tpu.memory_space<vmem>>
        %dma_start3A_168 = arith.constant 0 : i32
        %dma_start3A_169 = arith.constant 0 : i32
        %dma_start3A_170 = tpu.memref_slice %arg26[%dma_start3A_168, %dma_start3A_169] : memref<10112x128xf32, #tpu.memory_space<vmem_shared>> -> memref<10112x128xf32, #tpu.memory_space<vmem_shared>>
        tpu.enqueue_indirect_dma source(%arg14 : memref<64x128xf32, #tpu.memory_space<vmem>>) target(%dma_start3A_170 : memref<10112x128xf32, #tpu.memory_space<vmem_shared>>) offsets(%dma_start3A_167 : memref<64xi32, #tpu.memory_space<vmem>>) semaphore(%arg22 : memref<!tpu.dma_semaphore, #tpu.memory_space<semaphore_mem>>) {add = true}
        "tpu.region"() ({
          %run_scoped3A = tpu.sem_alloc : memref<!tpu.dma_semaphore, #tpu.memory_space<semaphore_mem>>
          %dma_start3A_171 = arith.constant 0 : i32
          %dma_start3A_172 = tpu.memref_slice %arg12[%sub3A_152, %dma_start3A_171] : memref<40x64xi32, #tpu.memory_space<vmem>> -> memref<1x64xi32, #tpu.memory_space<vmem>>
          %dma_start3A_173 = tpu.memref_squeeze %dma_start3A_172 : memref<1x64xi32, #tpu.memory_space<vmem>> -> memref<64xi32, #tpu.memory_space<vmem>>
          %dma_start3A_174 = arith.constant 0 : i32
          %dma_start3A_175 = tpu.memref_slice %arg27[%dma_start3A_174] : memref<10240xf32, #tpu.memory_space<vmem_shared>> -> memref<10240xf32, #tpu.memory_space<vmem_shared>>
          tpu.enqueue_indirect_dma source(%arg25 : memref<64xf32, #tpu.memory_space<vmem>>) target(%dma_start3A_175 : memref<10240xf32, #tpu.memory_space<vmem_shared>>) offsets(%dma_start3A_173 : memref<64xi32, #tpu.memory_space<vmem>>) semaphore(%run_scoped3A : memref<!tpu.dma_semaphore, #tpu.memory_space<semaphore_mem>>) {add = true}
          %dma_wait3A_176 = arith.constant 0 : i32
          %dma_wait3A_177 = tpu.memref_slice %arg12[%sub3A_152, %dma_wait3A_176] : memref<40x64xi32, #tpu.memory_space<vmem>> -> memref<1x64xi32, #tpu.memory_space<vmem>>
          %dma_wait3A_178 = tpu.memref_squeeze %dma_wait3A_177 : memref<1x64xi32, #tpu.memory_space<vmem>> -> memref<64xi32, #tpu.memory_space<vmem>>
          %dma_wait3A_179 = arith.constant 0 : i32
          %dma_wait3A_180 = tpu.memref_slice %arg27[%dma_wait3A_179] : memref<10240xf32, #tpu.memory_space<vmem_shared>> -> memref<10240xf32, #tpu.memory_space<vmem_shared>>
          tpu.wait_indirect_dma semaphore(%run_scoped3A : memref<!tpu.dma_semaphore, #tpu.memory_space<semaphore_mem>>) src(%arg25 : memref<64xf32, #tpu.memory_space<vmem>>) dst(%dma_wait3A_180 : memref<10240xf32, #tpu.memory_space<vmem_shared>>)
          tpu.yield
        }) : () -> ()
      } else {
      }
    }
    %scan3A_59 = arith.constant 11 : i32
    %barrier3A_60 = arith.constant 0 : index
    tpu.barrier barrier_id(%barrier3A_60)
    %eq3A = arith.constant 0 : i32
    %eq3A_61 = arith.cmpi eq, %arg0, %eq3A : i32
    %convert_element_type3A = arith.extui %eq3A_61 : i1 to i32
    %cond3A = arith.constant 0 : i32
    %cond3A_62 = arith.cmpi ne, %convert_element_type3A, %cond3A : i32
    scf.if %cond3A_62 {
      "tpu.region"() ({
        %run_scoped3A = tpu.sem_alloc : memref<!tpu.dma_semaphore, #tpu.memory_space<semaphore_mem>>
        %dma_start3A = arith.constant 0 : i32
        %dma_start3A_68 = tpu.memref_slice %arg7[%mul3A_4, %dma_start3A] : memref<10112x128xf32, #tpu.memory_space<hbm>> -> memref<632x128xf32, #tpu.memory_space<hbm>>
        %dma_start3A_69 = arith.constant 0 : i32
        %dma_start3A_70 = tpu.memref_slice %arg26[%mul3A_4, %dma_start3A_69] : memref<10112x128xf32, #tpu.memory_space<vmem_shared>> -> memref<632x128xf32, #tpu.memory_space<vmem_shared>>
        tpu.enqueue_dma source(%dma_start3A_70 : memref<632x128xf32, #tpu.memory_space<vmem_shared>>) target(%dma_start3A_68 : memref<632x128xf32, #tpu.memory_space<hbm>>) target_semaphore(%run_scoped3A : memref<!tpu.dma_semaphore, #tpu.memory_space<semaphore_mem>>)
        %dma_wait3A = arith.constant 0 : i32
        %dma_wait3A_71 = tpu.memref_slice %arg7[%mul3A_4, %dma_wait3A] : memref<10112x128xf32, #tpu.memory_space<hbm>> -> memref<632x128xf32, #tpu.memory_space<hbm>>
        %dma_wait3A_72 = arith.constant 0 : i32
        %dma_wait3A_73 = tpu.memref_slice %arg26[%mul3A_4, %dma_wait3A_72] : memref<10112x128xf32, #tpu.memory_space<vmem_shared>> -> memref<632x128xf32, #tpu.memory_space<vmem_shared>>
        tpu.wait_dma2 semaphore(%run_scoped3A : memref<!tpu.dma_semaphore, #tpu.memory_space<semaphore_mem>>) src(%dma_wait3A_73 : memref<632x128xf32, #tpu.memory_space<vmem_shared>>) dst(%dma_wait3A_71 : memref<632x128xf32, #tpu.memory_space<hbm>>)
        tpu.yield
      }) : () -> ()
      "tpu.region"() ({
        %run_scoped3A = tpu.sem_alloc : memref<!tpu.dma_semaphore, #tpu.memory_space<semaphore_mem>>
        %dma_start3A = tpu.memref_slice %arg9[%mul3A_6] : memref<10240xf32, #tpu.memory_space<hbm>> -> memref<640xf32, #tpu.memory_space<hbm>>
        %dma_start3A_68 = tpu.memref_slice %arg27[%mul3A_6] : memref<10240xf32, #tpu.memory_space<vmem_shared>> -> memref<640xf32, #tpu.memory_space<vmem_shared>>
        tpu.enqueue_dma source(%dma_start3A_68 : memref<640xf32, #tpu.memory_space<vmem_shared>>) target(%dma_start3A : memref<640xf32, #tpu.memory_space<hbm>>) target_semaphore(%run_scoped3A : memref<!tpu.dma_semaphore, #tpu.memory_space<semaphore_mem>>)
        %dma_wait3A = tpu.memref_slice %arg9[%mul3A_6] : memref<10240xf32, #tpu.memory_space<hbm>> -> memref<640xf32, #tpu.memory_space<hbm>>
        %dma_wait3A_69 = tpu.memref_slice %arg27[%mul3A_6] : memref<10240xf32, #tpu.memory_space<vmem_shared>> -> memref<640xf32, #tpu.memory_space<vmem_shared>>
        tpu.wait_dma2 semaphore(%run_scoped3A : memref<!tpu.dma_semaphore, #tpu.memory_space<semaphore_mem>>) src(%dma_wait3A_69 : memref<640xf32, #tpu.memory_space<vmem_shared>>) dst(%dma_wait3A : memref<640xf32, #tpu.memory_space<hbm>>)
        tpu.yield
      }) : () -> ()
    } else {
    }
    %eq3A_63 = arith.constant 1 : i32
    %eq3A_64 = arith.cmpi eq, %arg0, %eq3A_63 : i32
    %convert_element_type3A_65 = arith.extui %eq3A_64 : i1 to i32
    %cond3A_66 = arith.constant 0 : i32
    %cond3A_67 = arith.cmpi ne, %convert_element_type3A_65, %cond3A_66 : i32
    scf.if %cond3A_67 {
      "tpu.region"() ({
        %run_scoped3A = tpu.sem_alloc : memref<!tpu.dma_semaphore, #tpu.memory_space<semaphore_mem>>
        %dma_start3A = arith.constant 0 : i32
        %dma_start3A_68 = tpu.memref_slice %arg8[%mul3A_4, %dma_start3A] : memref<10112x128xf32, #tpu.memory_space<hbm>> -> memref<632x128xf32, #tpu.memory_space<hbm>>
        %dma_start3A_69 = arith.constant 0 : i32
        %dma_start3A_70 = tpu.memref_slice %arg26[%mul3A_4, %dma_start3A_69] : memref<10112x128xf32, #tpu.memory_space<vmem_shared>> -> memref<632x128xf32, #tpu.memory_space<vmem_shared>>
        tpu.enqueue_dma source(%dma_start3A_70 : memref<632x128xf32, #tpu.memory_space<vmem_shared>>) target(%dma_start3A_68 : memref<632x128xf32, #tpu.memory_space<hbm>>) target_semaphore(%run_scoped3A : memref<!tpu.dma_semaphore, #tpu.memory_space<semaphore_mem>>)
        %dma_wait3A = arith.constant 0 : i32
        %dma_wait3A_71 = tpu.memref_slice %arg8[%mul3A_4, %dma_wait3A] : memref<10112x128xf32, #tpu.memory_space<hbm>> -> memref<632x128xf32, #tpu.memory_space<hbm>>
        %dma_wait3A_72 = arith.constant 0 : i32
        %dma_wait3A_73 = tpu.memref_slice %arg26[%mul3A_4, %dma_wait3A_72] : memref<10112x128xf32, #tpu.memory_space<vmem_shared>> -> memref<632x128xf32, #tpu.memory_space<vmem_shared>>
        tpu.wait_dma2 semaphore(%run_scoped3A : memref<!tpu.dma_semaphore, #tpu.memory_space<semaphore_mem>>) src(%dma_wait3A_73 : memref<632x128xf32, #tpu.memory_space<vmem_shared>>) dst(%dma_wait3A_71 : memref<632x128xf32, #tpu.memory_space<hbm>>)
        tpu.yield
      }) : () -> ()
      "tpu.region"() ({
        %run_scoped3A = tpu.sem_alloc : memref<!tpu.dma_semaphore, #tpu.memory_space<semaphore_mem>>
        %dma_start3A = tpu.memref_slice %arg10[%mul3A_6] : memref<10240xf32, #tpu.memory_space<hbm>> -> memref<640xf32, #tpu.memory_space<hbm>>
        %dma_start3A_68 = tpu.memref_slice %arg27[%mul3A_6] : memref<10240xf32, #tpu.memory_space<vmem_shared>> -> memref<640xf32, #tpu.memory_space<vmem_shared>>
        tpu.enqueue_dma source(%dma_start3A_68 : memref<640xf32, #tpu.memory_space<vmem_shared>>) target(%dma_start3A : memref<640xf32, #tpu.memory_space<hbm>>) target_semaphore(%run_scoped3A : memref<!tpu.dma_semaphore, #tpu.memory_space<semaphore_mem>>)
        %dma_wait3A = tpu.memref_slice %arg10[%mul3A_6] : memref<10240xf32, #tpu.memory_space<hbm>> -> memref<640xf32, #tpu.memory_space<hbm>>
        %dma_wait3A_69 = tpu.memref_slice %arg27[%mul3A_6] : memref<10240xf32, #tpu.memory_space<vmem_shared>> -> memref<640xf32, #tpu.memory_space<vmem_shared>>
        tpu.wait_dma2 semaphore(%run_scoped3A : memref<!tpu.dma_semaphore, #tpu.memory_space<semaphore_mem>>) src(%dma_wait3A_69 : memref<640xf32, #tpu.memory_space<vmem_shared>>) dst(%dma_wait3A : memref<640xf32, #tpu.memory_space<hbm>>)
        tpu.yield
      }) : () -> ()
    } else {
    }
    return
  }
}

#map = affine_map<(d0, d1) -> (0, 0)>
#map1 = affine_map<(d0, d1) -> (0)>
module attributes {stable_mosaic.version = 14 : i64} {
  func.func @_sc_agg_body(%arg0: i32, %arg1: i32, %arg2: memref<10000x128xf32, #tpu.memory_space<hbm>>, %arg3: memref<5120x64xi32, #tpu.memory_space<hbm>>, %arg4: memref<5120x64xi32, #tpu.memory_space<hbm>>, %arg5: memref<10112x128xf32, #tpu.memory_space<hbm>>, %arg6: memref<10240xf32, #tpu.memory_space<hbm>>, %arg7: memref<10112x128xf32, #tpu.memory_space<hbm>>, %arg8: memref<10112x128xf32, #tpu.memory_space<hbm>>, %arg9: memref<10240xf32, #tpu.memory_space<hbm>>, %arg10: memref<10240xf32, #tpu.memory_space<hbm>>, %arg11: memref<40x64xi32, #tpu.memory_space<vmem>>, %arg12: memref<40x64xi32, #tpu.memory_space<vmem>>, %arg13: memref<64x128xf32, #tpu.memory_space<vmem>>, %arg14: memref<64x128xf32, #tpu.memory_space<vmem>>, %arg15: memref<64x128xf32, #tpu.memory_space<vmem>>, %arg16: memref<64x128xf32, #tpu.memory_space<vmem>>, %arg17: memref<!tpu.dma_semaphore, #tpu.memory_space<semaphore_mem>>, %arg18: memref<!tpu.dma_semaphore, #tpu.memory_space<semaphore_mem>>, %arg19: memref<!tpu.dma_semaphore, #tpu.memory_space<semaphore_mem>>, %arg20: memref<!tpu.dma_semaphore, #tpu.memory_space<semaphore_mem>>, %arg21: memref<!tpu.dma_semaphore, #tpu.memory_space<semaphore_mem>>, %arg22: memref<!tpu.dma_semaphore, #tpu.memory_space<semaphore_mem>>, %arg23: memref<!tpu.dma_semaphore, #tpu.memory_space<semaphore_mem>>, %arg24: memref<!tpu.dma_semaphore, #tpu.memory_space<semaphore_mem>>, %arg25: memref<64xf32, #tpu.memory_space<vmem>>, %arg26: memref<10112x128xf32, #tpu.memory_space<vmem_shared>>, %arg27: memref<10240xf32, #tpu.memory_space<vmem_shared>>) attributes {dimension_semantics = [#tpu.dimension_semantics<core_parallel>, #tpu.dimension_semantics<subcore_parallel>], iteration_bounds = array<i64: 2, 16>, scalar_prefetch = 0 : i64, scratch_operands = 17 : i64, tpu.core_type = #tpu.core_type<sc_vector_subcore>, window_params = [{transform_indices = #map}, {transform_indices = #map}, {transform_indices = #map}, {transform_indices = #map}, {transform_indices = #map1}, {transform_indices = #map}, {transform_indices = #map}, {transform_indices = #map1}, {transform_indices = #map1}]} {
    %mul3A = arith.constant 16 : i32
    %mul3A_0 = arith.muli %arg0, %mul3A : i32
    %add3A = arith.addi %mul3A_0, %arg1 : i32
    %mul3A_1 = arith.constant 160 : i32
    %mul3A_2 = arith.muli %add3A, %mul3A_1 : i32
    %mul3A_3 = arith.constant 632 : i32
    %mul3A_4 = arith.muli %arg1, %mul3A_3 : i32
    %mul3A_5 = arith.constant 640 : i32
    %mul3A_6 = arith.muli %arg1, %mul3A_5 : i32
    "tpu.region"() ({
      %run_scoped3A = tpu.sem_alloc : memref<!tpu.dma_semaphore, #tpu.memory_space<semaphore_mem>>
      %dma_start3A = arith.constant 0 : i32
      %dma_start3A_68 = tpu.memref_slice %arg26[%mul3A_4, %dma_start3A] : memref<10112x128xf32, #tpu.memory_space<vmem_shared>> -> memref<632x128xf32, #tpu.memory_space<vmem_shared>>
      %dma_start3A_69 = arith.constant 0 : i32
      %dma_start3A_70 = tpu.memref_slice %arg5[%mul3A_4, %dma_start3A_69] : memref<10112x128xf32, #tpu.memory_space<hbm>> -> memref<632x128xf32, #tpu.memory_space<hbm>>
      tpu.enqueue_dma source(%dma_start3A_70 : memref<632x128xf32, #tpu.memory_space<hbm>>) target(%dma_start3A_68 : memref<632x128xf32, #tpu.memory_space<vmem_shared>>) target_semaphore(%run_scoped3A : memref<!tpu.dma_semaphore, #tpu.memory_space<semaphore_mem>>)
      %dma_wait3A = arith.constant 0 : i32
      %dma_wait3A_71 = tpu.memref_slice %arg26[%mul3A_4, %dma_wait3A] : memref<10112x128xf32, #tpu.memory_space<vmem_shared>> -> memref<632x128xf32, #tpu.memory_space<vmem_shared>>
      %dma_wait3A_72 = arith.constant 0 : i32
      %dma_wait3A_73 = tpu.memref_slice %arg5[%mul3A_4, %dma_wait3A_72] : memref<10112x128xf32, #tpu.memory_space<hbm>> -> memref<632x128xf32, #tpu.memory_space<hbm>>
      tpu.wait_dma2 semaphore(%run_scoped3A : memref<!tpu.dma_semaphore, #tpu.memory_space<semaphore_mem>>) src(%dma_wait3A_73 : memref<632x128xf32, #tpu.memory_space<hbm>>) dst(%dma_wait3A_71 : memref<632x128xf32, #tpu.memory_space<vmem_shared>>)
      tpu.yield
    }) : () -> ()
    "tpu.region"() ({
      %run_scoped3A = tpu.sem_alloc : memref<!tpu.dma_semaphore, #tpu.memory_space<semaphore_mem>>
      %dma_start3A = tpu.memref_slice %arg27[%mul3A_6] : memref<10240xf32, #tpu.memory_space<vmem_shared>> -> memref<640xf32, #tpu.memory_space<vmem_shared>>
      %dma_start3A_68 = tpu.memref_slice %arg6[%mul3A_6] : memref<10240xf32, #tpu.memory_space<hbm>> -> memref<640xf32, #tpu.memory_space<hbm>>
      tpu.enqueue_dma source(%dma_start3A_68 : memref<640xf32, #tpu.memory_space<hbm>>) target(%dma_start3A : memref<640xf32, #tpu.memory_space<vmem_shared>>) target_semaphore(%run_scoped3A : memref<!tpu.dma_semaphore, #tpu.memory_space<semaphore_mem>>)
      %dma_wait3A = tpu.memref_slice %arg27[%mul3A_6] : memref<10240xf32, #tpu.memory_space<vmem_shared>> -> memref<640xf32, #tpu.memory_space<vmem_shared>>
      %dma_wait3A_69 = tpu.memref_slice %arg6[%mul3A_6] : memref<10240xf32, #tpu.memory_space<hbm>> -> memref<640xf32, #tpu.memory_space<hbm>>
      tpu.wait_dma2 semaphore(%run_scoped3A : memref<!tpu.dma_semaphore, #tpu.memory_space<semaphore_mem>>) src(%dma_wait3A_69 : memref<640xf32, #tpu.memory_space<hbm>>) dst(%dma_wait3A : memref<640xf32, #tpu.memory_space<vmem_shared>>)
      tpu.yield
    }) : () -> ()
    %broadcast_in_dim3A = arith.constant 1.000000e+00 : f32
    %broadcast_in_dim3A_7 = vector.broadcast %broadcast_in_dim3A : f32 to vector<16xf32>
    %swap3A = arith.constant 0 : index
    %swap3A_8 = tpu.vector_load %arg25[%swap3A] {strides = array<i32>} : memref<64xf32, #tpu.memory_space<vmem>>, vector<16xf32>,
    %swap3A_9 = vector.shape_cast %swap3A_8 : vector<16xf32> to vector<16xf32>
    %swap3A_10 = vector.shape_cast %broadcast_in_dim3A_7 : vector<16xf32> to vector<16xf32>
    tpu.vector_store %arg25[%swap3A], %swap3A_10 {strides = array<i32>} : memref<64xf32, #tpu.memory_space<vmem>>, vector<16xf32>,
    %broadcast_in_dim3A_11 = arith.constant 1.000000e+00 : f32
    %broadcast_in_dim3A_12 = vector.broadcast %broadcast_in_dim3A_11 : f32 to vector<16xf32>
    %swap3A_13 = arith.constant 16 : index
    %swap3A_14 = tpu.vector_load %arg25[%swap3A_13] {strides = array<i32>} : memref<64xf32, #tpu.memory_space<vmem>>, vector<16xf32>,
    %swap3A_15 = vector.shape_cast %swap3A_14 : vector<16xf32> to vector<16xf32>
    %swap3A_16 = vector.shape_cast %broadcast_in_dim3A_12 : vector<16xf32> to vector<16xf32>
    tpu.vector_store %arg25[%swap3A_13], %swap3A_16 {strides = array<i32>} : memref<64xf32, #tpu.memory_space<vmem>>, vector<16xf32>,
    %broadcast_in_dim3A_17 = arith.constant 1.000000e+00 : f32
    %broadcast_in_dim3A_18 = vector.broadcast %broadcast_in_dim3A_17 : f32 to vector<16xf32>
    %swap3A_19 = arith.constant 32 : index
    %swap3A_20 = tpu.vector_load %arg25[%swap3A_19] {strides = array<i32>} : memref<64xf32, #tpu.memory_space<vmem>>, vector<16xf32>,
    %swap3A_21 = vector.shape_cast %swap3A_20 : vector<16xf32> to vector<16xf32>
    %swap3A_22 = vector.shape_cast %broadcast_in_dim3A_18 : vector<16xf32> to vector<16xf32>
    tpu.vector_store %arg25[%swap3A_19], %swap3A_22 {strides = array<i32>} : memref<64xf32, #tpu.memory_space<vmem>>, vector<16xf32>,
    %broadcast_in_dim3A_23 = arith.constant 1.000000e+00 : f32
    %broadcast_in_dim3A_24 = vector.broadcast %broadcast_in_dim3A_23 : f32 to vector<16xf32>
    %swap3A_25 = arith.constant 48 : index
    %swap3A_26 = tpu.vector_load %arg25[%swap3A_25] {strides = array<i32>} : memref<64xf32, #tpu.memory_space<vmem>>, vector<16xf32>,
    %swap3A_27 = vector.shape_cast %swap3A_26 : vector<16xf32> to vector<16xf32>
    %swap3A_28 = vector.shape_cast %broadcast_in_dim3A_24 : vector<16xf32> to vector<16xf32>
    tpu.vector_store %arg25[%swap3A_25], %swap3A_28 {strides = array<i32>} : memref<64xf32, #tpu.memory_space<vmem>>, vector<16xf32>,
    %barrier3A = arith.constant 0 : index
    tpu.barrier barrier_id(%barrier3A)
    %add3A_29 = arith.constant 0 : i32
    %add3A_30 = arith.addi %mul3A_2, %add3A_29 : i32
    "tpu.region"() ({
      %run_scoped3A = tpu.sem_alloc : memref<!tpu.dma_semaphore, #tpu.memory_space<semaphore_mem>>
      %dma_start3A = arith.constant 0 : i32
      %dma_start3A_68 = tpu.memref_slice %arg3[%add3A_30, %dma_start3A] : memref<5120x64xi32, #tpu.memory_space<hbm>> -> memref<40x64xi32, #tpu.memory_space<hbm>>
      %dma_start3A_69 = arith.constant 0 : i32
      %dma_start3A_70 = tpu.memref_slice %arg3[%add3A_30, %dma_start3A_69] : memref<5120x64xi32, #tpu.memory_space<hbm>> -> memref<40x64xi32, #tpu.memory_space<hbm>>
      tpu.enqueue_dma source(%dma_start3A_70 : memref<40x64xi32, #tpu.memory_space<hbm>>) target(%arg11 : memref<40x64xi32, #tpu.memory_space<vmem>>) target_semaphore(%run_scoped3A : memref<!tpu.dma_semaphore, #tpu.memory_space<semaphore_mem>>)
      %dma_wait3A = arith.constant 0 : i32
      %dma_wait3A_71 = tpu.memref_slice %arg3[%add3A_30, %dma_wait3A] : memref<5120x64xi32, #tpu.memory_space<hbm>> -> memref<40x64xi32, #tpu.memory_space<hbm>>
      %dma_wait3A_72 = arith.constant 0 : i32
      %dma_wait3A_73 = tpu.memref_slice %arg3[%add3A_30, %dma_wait3A_72] : memref<5120x64xi32, #tpu.memory_space<hbm>> -> memref<40x64xi32, #tpu.memory_space<hbm>>
      tpu.wait_dma2 semaphore(%run_scoped3A : memref<!tpu.dma_semaphore, #tpu.memory_space<semaphore_mem>>) src(%dma_wait3A_73 : memref<40x64xi32, #tpu.memory_space<hbm>>) dst(%arg11 : memref<40x64xi32, #tpu.memory_space<vmem>>)
      tpu.yield
    }) : () -> ()
    "tpu.region"() ({
      %run_scoped3A = tpu.sem_alloc : memref<!tpu.dma_semaphore, #tpu.memory_space<semaphore_mem>>
      %dma_start3A = arith.constant 0 : i32
      %dma_start3A_68 = tpu.memref_slice %arg4[%add3A_30, %dma_start3A] : memref<5120x64xi32, #tpu.memory_space<hbm>> -> memref<40x64xi32, #tpu.memory_space<hbm>>
      %dma_start3A_69 = arith.constant 0 : i32
      %dma_start3A_70 = tpu.memref_slice %arg4[%add3A_30, %dma_start3A_69] : memref<5120x64xi32, #tpu.memory_space<hbm>> -> memref<40x64xi32, #tpu.memory_space<hbm>>
      tpu.enqueue_dma source(%dma_start3A_70 : memref<40x64xi32, #tpu.memory_space<hbm>>) target(%arg12 : memref<40x64xi32, #tpu.memory_space<vmem>>) target_semaphore(%run_scoped3A : memref<!tpu.dma_semaphore, #tpu.memory_space<semaphore_mem>>)
      %dma_wait3A = arith.constant 0 : i32
      %dma_wait3A_71 = tpu.memref_slice %arg4[%add3A_30, %dma_wait3A] : memref<5120x64xi32, #tpu.memory_space<hbm>> -> memref<40x64xi32, #tpu.memory_space<hbm>>
      %dma_wait3A_72 = arith.constant 0 : i32
      %dma_wait3A_73 = tpu.memref_slice %arg4[%add3A_30, %dma_wait3A_72] : memref<5120x64xi32, #tpu.memory_space<hbm>> -> memref<40x64xi32, #tpu.memory_space<hbm>>
      tpu.wait_dma2 semaphore(%run_scoped3A : memref<!tpu.dma_semaphore, #tpu.memory_space<semaphore_mem>>) src(%dma_wait3A_73 : memref<40x64xi32, #tpu.memory_space<hbm>>) dst(%arg12 : memref<40x64xi32, #tpu.memory_space<vmem>>)
      tpu.yield
    }) : () -> ()
    %scan3A = arith.constant 0 : i32
    %scan3A_31 = arith.constant 0 : i32
    %scan3A_32 = arith.constant 11 : i32
    %scan3A_33 = arith.addi %scan3A_31, %scan3A_32 : i32
    %scan3A_34 = arith.constant 1 : i32
    scf.for %scan3A_68 = %scan3A_31 to %scan3A_33 step %scan3A_34  : i32 {
      %mul3A_69 = arith.constant 4 : i32
      %mul3A_70 = arith.muli %mul3A_69, %scan3A_68 : i32
      %add3A_71 = arith.constant 0 : i32
      %add3A_72 = arith.addi %mul3A_70, %add3A_71 : i32
      %ge3A = arith.constant 4 : i32
      %ge3A_73 = arith.cmpi sge, %add3A_72, %ge3A : i32
      %convert_element_type3A_74 = arith.extui %ge3A_73 : i1 to i32
      %cond3A_75 = arith.constant 0 : i32
      %cond3A_76 = arith.cmpi ne, %convert_element_type3A_74, %cond3A_75 : i32
      scf.if %cond3A_76 {
        %dma_wait3A = arith.constant 0 : i32
        %dma_wait3A_161 = arith.constant 0 : i32
        %dma_wait3A_162 = tpu.memref_slice %arg12[%dma_wait3A, %dma_wait3A_161] : memref<40x64xi32, #tpu.memory_space<vmem>> -> memref<1x64xi32, #tpu.memory_space<vmem>>
        %dma_wait3A_163 = tpu.memref_squeeze %dma_wait3A_162 : memref<1x64xi32, #tpu.memory_space<vmem>> -> memref<64xi32, #tpu.memory_space<vmem>>
        %dma_wait3A_164 = arith.constant 0 : i32
        %dma_wait3A_165 = arith.constant 0 : i32
        %dma_wait3A_166 = tpu.memref_slice %arg26[%dma_wait3A_164, %dma_wait3A_165] : memref<10112x128xf32, #tpu.memory_space<vmem_shared>> -> memref<10112x128xf32, #tpu.memory_space<vmem_shared>>
        tpu.wait_indirect_dma semaphore(%arg21 : memref<!tpu.dma_semaphore, #tpu.memory_space<semaphore_mem>>) src(%arg13 : memref<64x128xf32, #tpu.memory_space<vmem>>) dst(%dma_wait3A_166 : memref<10112x128xf32, #tpu.memory_space<vmem_shared>>)
      } else {
      }
      %lt3A = arith.constant 40 : i32
      %lt3A_77 = arith.cmpi slt, %add3A_72, %lt3A : i32
      %convert_element_type3A_78 = arith.extui %lt3A_77 : i1 to i32
      %cond3A_79 = arith.constant 0 : i32
      %cond3A_80 = arith.cmpi ne, %convert_element_type3A_78, %cond3A_79 : i32
      scf.if %cond3A_80 {
        %dma_start3A = arith.constant 0 : i32
        %dma_start3A_161 = tpu.memref_slice %arg11[%add3A_72, %dma_start3A] : memref<40x64xi32, #tpu.memory_space<vmem>> -> memref<1x64xi32, #tpu.memory_space<vmem>>
        %dma_start3A_162 = tpu.memref_squeeze %dma_start3A_161 : memref<1x64xi32, #tpu.memory_space<vmem>> -> memref<64xi32, #tpu.memory_space<vmem>>
        %dma_start3A_163 = arith.constant 0 : i32
        %dma_start3A_164 = arith.constant 0 : i32
        %dma_start3A_165 = tpu.memref_slice %arg2[%dma_start3A_163, %dma_start3A_164] : memref<10000x128xf32, #tpu.memory_space<hbm>> -> memref<10000x128xf32, #tpu.memory_space<hbm>>
        tpu.enqueue_indirect_dma source(%dma_start3A_165 : memref<10000x128xf32, #tpu.memory_space<hbm>>) target(%arg13 : memref<64x128xf32, #tpu.memory_space<vmem>>) offsets(%dma_start3A_162 : memref<64xi32, #tpu.memory_space<vmem>>) semaphore(%arg17 : memref<!tpu.dma_semaphore, #tpu.memory_space<semaphore_mem>>)
      } else {
      }
      %sub3A = arith.constant 2 : i32
      %sub3A_81 = arith.subi %add3A_72, %sub3A : i32
      %ge3A_82 = arith.constant 2 : i32
      %ge3A_83 = arith.cmpi sge, %add3A_72, %ge3A_82 : i32
      %lt3A_84 = arith.constant 42 : i32
      %lt3A_85 = arith.cmpi slt, %add3A_72, %lt3A_84 : i32
      %and3A = arith.andi %ge3A_83, %lt3A_85 : i1
      %convert_element_type3A_86 = arith.extui %and3A : i1 to i32
      %cond3A_87 = arith.constant 0 : i32
      %cond3A_88 = arith.cmpi ne, %convert_element_type3A_86, %cond3A_87 : i32
      scf.if %cond3A_88 {
        %dma_wait3A = arith.constant 0 : i32
        %dma_wait3A_161 = tpu.memref_slice %arg11[%sub3A_81, %dma_wait3A] : memref<40x64xi32, #tpu.memory_space<vmem>> -> memref<1x64xi32, #tpu.memory_space<vmem>>
        %dma_wait3A_162 = tpu.memref_squeeze %dma_wait3A_161 : memref<1x64xi32, #tpu.memory_space<vmem>> -> memref<64xi32, #tpu.memory_space<vmem>>
        %dma_wait3A_163 = arith.constant 0 : i32
        %dma_wait3A_164 = arith.constant 0 : i32
        %dma_wait3A_165 = tpu.memref_slice %arg2[%dma_wait3A_163, %dma_wait3A_164] : memref<10000x128xf32, #tpu.memory_space<hbm>> -> memref<10000x128xf32, #tpu.memory_space<hbm>>
        tpu.wait_indirect_dma semaphore(%arg19 : memref<!tpu.dma_semaphore, #tpu.memory_space<semaphore_mem>>) src(%dma_wait3A_165 : memref<10000x128xf32, #tpu.memory_space<hbm>>) dst(%arg15 : memref<64x128xf32, #tpu.memory_space<vmem>>)
        %dma_start3A = arith.constant 0 : i32
        %dma_start3A_166 = tpu.memref_slice %arg12[%sub3A_81, %dma_start3A] : memref<40x64xi32, #tpu.memory_space<vmem>> -> memref<1x64xi32, #tpu.memory_space<vmem>>
        %dma_start3A_167 = tpu.memref_squeeze %dma_start3A_166 : memref<1x64xi32, #tpu.memory_space<vmem>> -> memref<64xi32, #tpu.memory_space<vmem>>
        %dma_start3A_168 = arith.constant 0 : i32
        %dma_start3A_169 = arith.constant 0 : i32
        %dma_start3A_170 = tpu.memref_slice %arg26[%dma_start3A_168, %dma_start3A_169] : memref<10112x128xf32, #tpu.memory_space<vmem_shared>> -> memref<10112x128xf32, #tpu.memory_space<vmem_shared>>
        tpu.enqueue_indirect_dma source(%arg15 : memref<64x128xf32, #tpu.memory_space<vmem>>) target(%dma_start3A_170 : memref<10112x128xf32, #tpu.memory_space<vmem_shared>>) offsets(%dma_start3A_167 : memref<64xi32, #tpu.memory_space<vmem>>) semaphore(%arg23 : memref<!tpu.dma_semaphore, #tpu.memory_space<semaphore_mem>>) {add = true}
        "tpu.region"() ({
          %run_scoped3A = tpu.sem_alloc : memref<!tpu.dma_semaphore, #tpu.memory_space<semaphore_mem>>
          %dma_start3A_171 = arith.constant 0 : i32
          %dma_start3A_172 = tpu.memref_slice %arg12[%sub3A_81, %dma_start3A_171] : memref<40x64xi32, #tpu.memory_space<vmem>> -> memref<1x64xi32, #tpu.memory_space<vmem>>
          %dma_start3A_173 = tpu.memref_squeeze %dma_start3A_172 : memref<1x64xi32, #tpu.memory_space<vmem>> -> memref<64xi32, #tpu.memory_space<vmem>>
          %dma_start3A_174 = arith.constant 0 : i32
          %dma_start3A_175 = tpu.memref_slice %arg27[%dma_start3A_174] : memref<10240xf32, #tpu.memory_space<vmem_shared>> -> memref<10240xf32, #tpu.memory_space<vmem_shared>>
          tpu.enqueue_indirect_dma source(%arg25 : memref<64xf32, #tpu.memory_space<vmem>>) target(%dma_start3A_175 : memref<10240xf32, #tpu.memory_space<vmem_shared>>) offsets(%dma_start3A_173 : memref<64xi32, #tpu.memory_space<vmem>>) semaphore(%run_scoped3A : memref<!tpu.dma_semaphore, #tpu.memory_space<semaphore_mem>>) {add = true}
          %dma_wait3A_176 = arith.constant 0 : i32
          %dma_wait3A_177 = tpu.memref_slice %arg12[%sub3A_81, %dma_wait3A_176] : memref<40x64xi32, #tpu.memory_space<vmem>> -> memref<1x64xi32, #tpu.memory_space<vmem>>
          %dma_wait3A_178 = tpu.memref_squeeze %dma_wait3A_177 : memref<1x64xi32, #tpu.memory_space<vmem>> -> memref<64xi32, #tpu.memory_space<vmem>>
          %dma_wait3A_179 = arith.constant 0 : i32
          %dma_wait3A_180 = tpu.memref_slice %arg27[%dma_wait3A_179] : memref<10240xf32, #tpu.memory_space<vmem_shared>> -> memref<10240xf32, #tpu.memory_space<vmem_shared>>
          tpu.wait_indirect_dma semaphore(%run_scoped3A : memref<!tpu.dma_semaphore, #tpu.memory_space<semaphore_mem>>) src(%arg25 : memref<64xf32, #tpu.memory_space<vmem>>) dst(%dma_wait3A_180 : memref<10240xf32, #tpu.memory_space<vmem_shared>>)
          tpu.yield
        }) : () -> ()
      } else {
      }
      %mul3A_89 = arith.constant 4 : i32
      %mul3A_90 = arith.muli %mul3A_89, %scan3A_68 : i32
      %add3A_91 = arith.constant 1 : i32
      %add3A_92 = arith.addi %mul3A_90, %add3A_91 : i32
      %ge3A_93 = arith.constant 4 : i32
      %ge3A_94 = arith.cmpi sge, %add3A_92, %ge3A_93 : i32
      %convert_element_type3A_95 = arith.extui %ge3A_94 : i1 to i32
      %cond3A_96 = arith.constant 0 : i32
      %cond3A_97 = arith.cmpi ne, %convert_element_type3A_95, %cond3A_96 : i32
      scf.if %cond3A_97 {
        %dma_wait3A = arith.constant 0 : i32
        %dma_wait3A_161 = arith.constant 0 : i32
        %dma_wait3A_162 = tpu.memref_slice %arg12[%dma_wait3A, %dma_wait3A_161] : memref<40x64xi32, #tpu.memory_space<vmem>> -> memref<1x64xi32, #tpu.memory_space<vmem>>
        %dma_wait3A_163 = tpu.memref_squeeze %dma_wait3A_162 : memref<1x64xi32, #tpu.memory_space<vmem>> -> memref<64xi32, #tpu.memory_space<vmem>>
        %dma_wait3A_164 = arith.constant 0 : i32
        %dma_wait3A_165 = arith.constant 0 : i32
        %dma_wait3A_166 = tpu.memref_slice %arg26[%dma_wait3A_164, %dma_wait3A_165] : memref<10112x128xf32, #tpu.memory_space<vmem_shared>> -> memref<10112x128xf32, #tpu.memory_space<vmem_shared>>
        tpu.wait_indirect_dma semaphore(%arg22 : memref<!tpu.dma_semaphore, #tpu.memory_space<semaphore_mem>>) src(%arg14 : memref<64x128xf32, #tpu.memory_space<vmem>>) dst(%dma_wait3A_166 : memref<10112x128xf32, #tpu.memory_space<vmem_shared>>)
      } else {
      }
      %lt3A_98 = arith.constant 40 : i32
      %lt3A_99 = arith.cmpi slt, %add3A_92, %lt3A_98 : i32
      %convert_element_type3A_100 = arith.extui %lt3A_99 : i1 to i32
      %cond3A_101 = arith.constant 0 : i32
      %cond3A_102 = arith.cmpi ne, %convert_element_type3A_100, %cond3A_101 : i32
      scf.if %cond3A_102 {
        %dma_start3A = arith.constant 0 : i32
        %dma_start3A_161 = tpu.memref_slice %arg11[%add3A_92, %dma_start3A] : memref<40x64xi32, #tpu.memory_space<vmem>> -> memref<1x64xi32, #tpu.memory_space<vmem>>
        %dma_start3A_162 = tpu.memref_squeeze %dma_start3A_161 : memref<1x64xi32, #tpu.memory_space<vmem>> -> memref<64xi32, #tpu.memory_space<vmem>>
        %dma_start3A_163 = arith.constant 0 : i32
        %dma_start3A_164 = arith.constant 0 : i32
        %dma_start3A_165 = tpu.memref_slice %arg2[%dma_start3A_163, %dma_start3A_164] : memref<10000x128xf32, #tpu.memory_space<hbm>> -> memref<10000x128xf32, #tpu.memory_space<hbm>>
        tpu.enqueue_indirect_dma source(%dma_start3A_165 : memref<10000x128xf32, #tpu.memory_space<hbm>>) target(%arg14 : memref<64x128xf32, #tpu.memory_space<vmem>>) offsets(%dma_start3A_162 : memref<64xi32, #tpu.memory_space<vmem>>) semaphore(%arg18 : memref<!tpu.dma_semaphore, #tpu.memory_space<semaphore_mem>>)
      } else {
      }
      %sub3A_103 = arith.constant 2 : i32
      %sub3A_104 = arith.subi %add3A_92, %sub3A_103 : i32
      %ge3A_105 = arith.constant 2 : i32
      %ge3A_106 = arith.cmpi sge, %add3A_92, %ge3A_105 : i32
      %lt3A_107 = arith.constant 42 : i32
      %lt3A_108 = arith.cmpi slt, %add3A_92, %lt3A_107 : i32
      %and3A_109 = arith.andi %ge3A_106, %lt3A_108 : i1
      %convert_element_type3A_110 = arith.extui %and3A_109 : i1 to i32
      %cond3A_111 = arith.constant 0 : i32
      %cond3A_112 = arith.cmpi ne, %convert_element_type3A_110, %cond3A_111 : i32
      scf.if %cond3A_112 {
        %dma_wait3A = arith.constant 0 : i32
        %dma_wait3A_161 = tpu.memref_slice %arg11[%sub3A_104, %dma_wait3A] : memref<40x64xi32, #tpu.memory_space<vmem>> -> memref<1x64xi32, #tpu.memory_space<vmem>>
        %dma_wait3A_162 = tpu.memref_squeeze %dma_wait3A_161 : memref<1x64xi32, #tpu.memory_space<vmem>> -> memref<64xi32, #tpu.memory_space<vmem>>
        %dma_wait3A_163 = arith.constant 0 : i32
        %dma_wait3A_164 = arith.constant 0 : i32
        %dma_wait3A_165 = tpu.memref_slice %arg2[%dma_wait3A_163, %dma_wait3A_164] : memref<10000x128xf32, #tpu.memory_space<hbm>> -> memref<10000x128xf32, #tpu.memory_space<hbm>>
        tpu.wait_indirect_dma semaphore(%arg20 : memref<!tpu.dma_semaphore, #tpu.memory_space<semaphore_mem>>) src(%dma_wait3A_165 : memref<10000x128xf32, #tpu.memory_space<hbm>>) dst(%arg16 : memref<64x128xf32, #tpu.memory_space<vmem>>)
        %dma_start3A = arith.constant 0 : i32
        %dma_start3A_166 = tpu.memref_slice %arg12[%sub3A_104, %dma_start3A] : memref<40x64xi32, #tpu.memory_space<vmem>> -> memref<1x64xi32, #tpu.memory_space<vmem>>
        %dma_start3A_167 = tpu.memref_squeeze %dma_start3A_166 : memref<1x64xi32, #tpu.memory_space<vmem>> -> memref<64xi32, #tpu.memory_space<vmem>>
        %dma_start3A_168 = arith.constant 0 : i32
        %dma_start3A_169 = arith.constant 0 : i32
        %dma_start3A_170 = tpu.memref_slice %arg26[%dma_start3A_168, %dma_start3A_169] : memref<10112x128xf32, #tpu.memory_space<vmem_shared>> -> memref<10112x128xf32, #tpu.memory_space<vmem_shared>>
        tpu.enqueue_indirect_dma source(%arg16 : memref<64x128xf32, #tpu.memory_space<vmem>>) target(%dma_start3A_170 : memref<10112x128xf32, #tpu.memory_space<vmem_shared>>) offsets(%dma_start3A_167 : memref<64xi32, #tpu.memory_space<vmem>>) semaphore(%arg24 : memref<!tpu.dma_semaphore, #tpu.memory_space<semaphore_mem>>) {add = true}
        "tpu.region"() ({
          %run_scoped3A = tpu.sem_alloc : memref<!tpu.dma_semaphore, #tpu.memory_space<semaphore_mem>>
          %dma_start3A_171 = arith.constant 0 : i32
          %dma_start3A_172 = tpu.memref_slice %arg12[%sub3A_104, %dma_start3A_171] : memref<40x64xi32, #tpu.memory_space<vmem>> -> memref<1x64xi32, #tpu.memory_space<vmem>>
          %dma_start3A_173 = tpu.memref_squeeze %dma_start3A_172 : memref<1x64xi32, #tpu.memory_space<vmem>> -> memref<64xi32, #tpu.memory_space<vmem>>
          %dma_start3A_174 = arith.constant 0 : i32
          %dma_start3A_175 = tpu.memref_slice %arg27[%dma_start3A_174] : memref<10240xf32, #tpu.memory_space<vmem_shared>> -> memref<10240xf32, #tpu.memory_space<vmem_shared>>
          tpu.enqueue_indirect_dma source(%arg25 : memref<64xf32, #tpu.memory_space<vmem>>) target(%dma_start3A_175 : memref<10240xf32, #tpu.memory_space<vmem_shared>>) offsets(%dma_start3A_173 : memref<64xi32, #tpu.memory_space<vmem>>) semaphore(%run_scoped3A : memref<!tpu.dma_semaphore, #tpu.memory_space<semaphore_mem>>) {add = true}
          %dma_wait3A_176 = arith.constant 0 : i32
          %dma_wait3A_177 = tpu.memref_slice %arg12[%sub3A_104, %dma_wait3A_176] : memref<40x64xi32, #tpu.memory_space<vmem>> -> memref<1x64xi32, #tpu.memory_space<vmem>>
          %dma_wait3A_178 = tpu.memref_squeeze %dma_wait3A_177 : memref<1x64xi32, #tpu.memory_space<vmem>> -> memref<64xi32, #tpu.memory_space<vmem>>
          %dma_wait3A_179 = arith.constant 0 : i32
          %dma_wait3A_180 = tpu.memref_slice %arg27[%dma_wait3A_179] : memref<10240xf32, #tpu.memory_space<vmem_shared>> -> memref<10240xf32, #tpu.memory_space<vmem_shared>>
          tpu.wait_indirect_dma semaphore(%run_scoped3A : memref<!tpu.dma_semaphore, #tpu.memory_space<semaphore_mem>>) src(%arg25 : memref<64xf32, #tpu.memory_space<vmem>>) dst(%dma_wait3A_180 : memref<10240xf32, #tpu.memory_space<vmem_shared>>)
          tpu.yield
        }) : () -> ()
      } else {
      }
      %mul3A_113 = arith.constant 4 : i32
      %mul3A_114 = arith.muli %mul3A_113, %scan3A_68 : i32
      %add3A_115 = arith.constant 2 : i32
      %add3A_116 = arith.addi %mul3A_114, %add3A_115 : i32
      %ge3A_117 = arith.constant 4 : i32
      %ge3A_118 = arith.cmpi sge, %add3A_116, %ge3A_117 : i32
      %convert_element_type3A_119 = arith.extui %ge3A_118 : i1 to i32
      %cond3A_120 = arith.constant 0 : i32
      %cond3A_121 = arith.cmpi ne, %convert_element_type3A_119, %cond3A_120 : i32
      scf.if %cond3A_121 {
        %dma_wait3A = arith.constant 0 : i32
        %dma_wait3A_161 = arith.constant 0 : i32
        %dma_wait3A_162 = tpu.memref_slice %arg12[%dma_wait3A, %dma_wait3A_161] : memref<40x64xi32, #tpu.memory_space<vmem>> -> memref<1x64xi32, #tpu.memory_space<vmem>>
        %dma_wait3A_163 = tpu.memref_squeeze %dma_wait3A_162 : memref<1x64xi32, #tpu.memory_space<vmem>> -> memref<64xi32, #tpu.memory_space<vmem>>
        %dma_wait3A_164 = arith.constant 0 : i32
        %dma_wait3A_165 = arith.constant 0 : i32
        %dma_wait3A_166 = tpu.memref_slice %arg26[%dma_wait3A_164, %dma_wait3A_165] : memref<10112x128xf32, #tpu.memory_space<vmem_shared>> -> memref<10112x128xf32, #tpu.memory_space<vmem_shared>>
        tpu.wait_indirect_dma semaphore(%arg23 : memref<!tpu.dma_semaphore, #tpu.memory_space<semaphore_mem>>) src(%arg15 : memref<64x128xf32, #tpu.memory_space<vmem>>) dst(%dma_wait3A_166 : memref<10112x128xf32, #tpu.memory_space<vmem_shared>>)
      } else {
      }
      %lt3A_122 = arith.constant 40 : i32
      %lt3A_123 = arith.cmpi slt, %add3A_116, %lt3A_122 : i32
      %convert_element_type3A_124 = arith.extui %lt3A_123 : i1 to i32
      %cond3A_125 = arith.constant 0 : i32
      %cond3A_126 = arith.cmpi ne, %convert_element_type3A_124, %cond3A_125 : i32
      scf.if %cond3A_126 {
        %dma_start3A = arith.constant 0 : i32
        %dma_start3A_161 = tpu.memref_slice %arg11[%add3A_116, %dma_start3A] : memref<40x64xi32, #tpu.memory_space<vmem>> -> memref<1x64xi32, #tpu.memory_space<vmem>>
        %dma_start3A_162 = tpu.memref_squeeze %dma_start3A_161 : memref<1x64xi32, #tpu.memory_space<vmem>> -> memref<64xi32, #tpu.memory_space<vmem>>
        %dma_start3A_163 = arith.constant 0 : i32
        %dma_start3A_164 = arith.constant 0 : i32
        %dma_start3A_165 = tpu.memref_slice %arg2[%dma_start3A_163, %dma_start3A_164] : memref<10000x128xf32, #tpu.memory_space<hbm>> -> memref<10000x128xf32, #tpu.memory_space<hbm>>
        tpu.enqueue_indirect_dma source(%dma_start3A_165 : memref<10000x128xf32, #tpu.memory_space<hbm>>) target(%arg15 : memref<64x128xf32, #tpu.memory_space<vmem>>) offsets(%dma_start3A_162 : memref<64xi32, #tpu.memory_space<vmem>>) semaphore(%arg19 : memref<!tpu.dma_semaphore, #tpu.memory_space<semaphore_mem>>)
      } else {
      }
      %sub3A_127 = arith.constant 2 : i32
      %sub3A_128 = arith.subi %add3A_116, %sub3A_127 : i32
      %ge3A_129 = arith.constant 2 : i32
      %ge3A_130 = arith.cmpi sge, %add3A_116, %ge3A_129 : i32
      %lt3A_131 = arith.constant 42 : i32
      %lt3A_132 = arith.cmpi slt, %add3A_116, %lt3A_131 : i32
      %and3A_133 = arith.andi %ge3A_130, %lt3A_132 : i1
      %convert_element_type3A_134 = arith.extui %and3A_133 : i1 to i32
      %cond3A_135 = arith.constant 0 : i32
      %cond3A_136 = arith.cmpi ne, %convert_element_type3A_134, %cond3A_135 : i32
      scf.if %cond3A_136 {
        %dma_wait3A = arith.constant 0 : i32
        %dma_wait3A_161 = tpu.memref_slice %arg11[%sub3A_128, %dma_wait3A] : memref<40x64xi32, #tpu.memory_space<vmem>> -> memref<1x64xi32, #tpu.memory_space<vmem>>
        %dma_wait3A_162 = tpu.memref_squeeze %dma_wait3A_161 : memref<1x64xi32, #tpu.memory_space<vmem>> -> memref<64xi32, #tpu.memory_space<vmem>>
        %dma_wait3A_163 = arith.constant 0 : i32
        %dma_wait3A_164 = arith.constant 0 : i32
        %dma_wait3A_165 = tpu.memref_slice %arg2[%dma_wait3A_163, %dma_wait3A_164] : memref<10000x128xf32, #tpu.memory_space<hbm>> -> memref<10000x128xf32, #tpu.memory_space<hbm>>
        tpu.wait_indirect_dma semaphore(%arg17 : memref<!tpu.dma_semaphore, #tpu.memory_space<semaphore_mem>>) src(%dma_wait3A_165 : memref<10000x128xf32, #tpu.memory_space<hbm>>) dst(%arg13 : memref<64x128xf32, #tpu.memory_space<vmem>>)
        %dma_start3A = arith.constant 0 : i32
        %dma_start3A_166 = tpu.memref_slice %arg12[%sub3A_128, %dma_start3A] : memref<40x64xi32, #tpu.memory_space<vmem>> -> memref<1x64xi32, #tpu.memory_space<vmem>>
        %dma_start3A_167 = tpu.memref_squeeze %dma_start3A_166 : memref<1x64xi32, #tpu.memory_space<vmem>> -> memref<64xi32, #tpu.memory_space<vmem>>
        %dma_start3A_168 = arith.constant 0 : i32
        %dma_start3A_169 = arith.constant 0 : i32
        %dma_start3A_170 = tpu.memref_slice %arg26[%dma_start3A_168, %dma_start3A_169] : memref<10112x128xf32, #tpu.memory_space<vmem_shared>> -> memref<10112x128xf32, #tpu.memory_space<vmem_shared>>
        tpu.enqueue_indirect_dma source(%arg13 : memref<64x128xf32, #tpu.memory_space<vmem>>) target(%dma_start3A_170 : memref<10112x128xf32, #tpu.memory_space<vmem_shared>>) offsets(%dma_start3A_167 : memref<64xi32, #tpu.memory_space<vmem>>) semaphore(%arg21 : memref<!tpu.dma_semaphore, #tpu.memory_space<semaphore_mem>>) {add = true}
        "tpu.region"() ({
          %run_scoped3A = tpu.sem_alloc : memref<!tpu.dma_semaphore, #tpu.memory_space<semaphore_mem>>
          %dma_start3A_171 = arith.constant 0 : i32
          %dma_start3A_172 = tpu.memref_slice %arg12[%sub3A_128, %dma_start3A_171] : memref<40x64xi32, #tpu.memory_space<vmem>> -> memref<1x64xi32, #tpu.memory_space<vmem>>
          %dma_start3A_173 = tpu.memref_squeeze %dma_start3A_172 : memref<1x64xi32, #tpu.memory_space<vmem>> -> memref<64xi32, #tpu.memory_space<vmem>>
          %dma_start3A_174 = arith.constant 0 : i32
          %dma_start3A_175 = tpu.memref_slice %arg27[%dma_start3A_174] : memref<10240xf32, #tpu.memory_space<vmem_shared>> -> memref<10240xf32, #tpu.memory_space<vmem_shared>>
          tpu.enqueue_indirect_dma source(%arg25 : memref<64xf32, #tpu.memory_space<vmem>>) target(%dma_start3A_175 : memref<10240xf32, #tpu.memory_space<vmem_shared>>) offsets(%dma_start3A_173 : memref<64xi32, #tpu.memory_space<vmem>>) semaphore(%run_scoped3A : memref<!tpu.dma_semaphore, #tpu.memory_space<semaphore_mem>>) {add = true}
          %dma_wait3A_176 = arith.constant 0 : i32
          %dma_wait3A_177 = tpu.memref_slice %arg12[%sub3A_128, %dma_wait3A_176] : memref<40x64xi32, #tpu.memory_space<vmem>> -> memref<1x64xi32, #tpu.memory_space<vmem>>
          %dma_wait3A_178 = tpu.memref_squeeze %dma_wait3A_177 : memref<1x64xi32, #tpu.memory_space<vmem>> -> memref<64xi32, #tpu.memory_space<vmem>>
          %dma_wait3A_179 = arith.constant 0 : i32
          %dma_wait3A_180 = tpu.memref_slice %arg27[%dma_wait3A_179] : memref<10240xf32, #tpu.memory_space<vmem_shared>> -> memref<10240xf32, #tpu.memory_space<vmem_shared>>
          tpu.wait_indirect_dma semaphore(%run_scoped3A : memref<!tpu.dma_semaphore, #tpu.memory_space<semaphore_mem>>) src(%arg25 : memref<64xf32, #tpu.memory_space<vmem>>) dst(%dma_wait3A_180 : memref<10240xf32, #tpu.memory_space<vmem_shared>>)
          tpu.yield
        }) : () -> ()
      } else {
      }
      %mul3A_137 = arith.constant 4 : i32
      %mul3A_138 = arith.muli %mul3A_137, %scan3A_68 : i32
      %add3A_139 = arith.constant 3 : i32
      %add3A_140 = arith.addi %mul3A_138, %add3A_139 : i32
      %ge3A_141 = arith.constant 4 : i32
      %ge3A_142 = arith.cmpi sge, %add3A_140, %ge3A_141 : i32
      %convert_element_type3A_143 = arith.extui %ge3A_142 : i1 to i32
      %cond3A_144 = arith.constant 0 : i32
      %cond3A_145 = arith.cmpi ne, %convert_element_type3A_143, %cond3A_144 : i32
      scf.if %cond3A_145 {
        %dma_wait3A = arith.constant 0 : i32
        %dma_wait3A_161 = arith.constant 0 : i32
        %dma_wait3A_162 = tpu.memref_slice %arg12[%dma_wait3A, %dma_wait3A_161] : memref<40x64xi32, #tpu.memory_space<vmem>> -> memref<1x64xi32, #tpu.memory_space<vmem>>
        %dma_wait3A_163 = tpu.memref_squeeze %dma_wait3A_162 : memref<1x64xi32, #tpu.memory_space<vmem>> -> memref<64xi32, #tpu.memory_space<vmem>>
        %dma_wait3A_164 = arith.constant 0 : i32
        %dma_wait3A_165 = arith.constant 0 : i32
        %dma_wait3A_166 = tpu.memref_slice %arg26[%dma_wait3A_164, %dma_wait3A_165] : memref<10112x128xf32, #tpu.memory_space<vmem_shared>> -> memref<10112x128xf32, #tpu.memory_space<vmem_shared>>
        tpu.wait_indirect_dma semaphore(%arg24 : memref<!tpu.dma_semaphore, #tpu.memory_space<semaphore_mem>>) src(%arg16 : memref<64x128xf32, #tpu.memory_space<vmem>>) dst(%dma_wait3A_166 : memref<10112x128xf32, #tpu.memory_space<vmem_shared>>)
      } else {
      }
      %lt3A_146 = arith.constant 40 : i32
      %lt3A_147 = arith.cmpi slt, %add3A_140, %lt3A_146 : i32
      %convert_element_type3A_148 = arith.extui %lt3A_147 : i1 to i32
      %cond3A_149 = arith.constant 0 : i32
      %cond3A_150 = arith.cmpi ne, %convert_element_type3A_148, %cond3A_149 : i32
      scf.if %cond3A_150 {
        %dma_start3A = arith.constant 0 : i32
        %dma_start3A_161 = tpu.memref_slice %arg11[%add3A_140, %dma_start3A] : memref<40x64xi32, #tpu.memory_space<vmem>> -> memref<1x64xi32, #tpu.memory_space<vmem>>
        %dma_start3A_162 = tpu.memref_squeeze %dma_start3A_161 : memref<1x64xi32, #tpu.memory_space<vmem>> -> memref<64xi32, #tpu.memory_space<vmem>>
        %dma_start3A_163 = arith.constant 0 : i32
        %dma_start3A_164 = arith.constant 0 : i32
        %dma_start3A_165 = tpu.memref_slice %arg2[%dma_start3A_163, %dma_start3A_164] : memref<10000x128xf32, #tpu.memory_space<hbm>> -> memref<10000x128xf32, #tpu.memory_space<hbm>>
        tpu.enqueue_indirect_dma source(%dma_start3A_165 : memref<10000x128xf32, #tpu.memory_space<hbm>>) target(%arg16 : memref<64x128xf32, #tpu.memory_space<vmem>>) offsets(%dma_start3A_162 : memref<64xi32, #tpu.memory_space<vmem>>) semaphore(%arg20 : memref<!tpu.dma_semaphore, #tpu.memory_space<semaphore_mem>>)
      } else {
      }
      %sub3A_151 = arith.constant 2 : i32
      %sub3A_152 = arith.subi %add3A_140, %sub3A_151 : i32
      %ge3A_153 = arith.constant 2 : i32
      %ge3A_154 = arith.cmpi sge, %add3A_140, %ge3A_153 : i32
      %lt3A_155 = arith.constant 42 : i32
      %lt3A_156 = arith.cmpi slt, %add3A_140, %lt3A_155 : i32
      %and3A_157 = arith.andi %ge3A_154, %lt3A_156 : i1
      %convert_element_type3A_158 = arith.extui %and3A_157 : i1 to i32
      %cond3A_159 = arith.constant 0 : i32
      %cond3A_160 = arith.cmpi ne, %convert_element_type3A_158, %cond3A_159 : i32
      scf.if %cond3A_160 {
        %dma_wait3A = arith.constant 0 : i32
        %dma_wait3A_161 = tpu.memref_slice %arg11[%sub3A_152, %dma_wait3A] : memref<40x64xi32, #tpu.memory_space<vmem>> -> memref<1x64xi32, #tpu.memory_space<vmem>>
        %dma_wait3A_162 = tpu.memref_squeeze %dma_wait3A_161 : memref<1x64xi32, #tpu.memory_space<vmem>> -> memref<64xi32, #tpu.memory_space<vmem>>
        %dma_wait3A_163 = arith.constant 0 : i32
        %dma_wait3A_164 = arith.constant 0 : i32
        %dma_wait3A_165 = tpu.memref_slice %arg2[%dma_wait3A_163, %dma_wait3A_164] : memref<10000x128xf32, #tpu.memory_space<hbm>> -> memref<10000x128xf32, #tpu.memory_space<hbm>>
        tpu.wait_indirect_dma semaphore(%arg18 : memref<!tpu.dma_semaphore, #tpu.memory_space<semaphore_mem>>) src(%dma_wait3A_165 : memref<10000x128xf32, #tpu.memory_space<hbm>>) dst(%arg14 : memref<64x128xf32, #tpu.memory_space<vmem>>)
        %dma_start3A = arith.constant 0 : i32
        %dma_start3A_166 = tpu.memref_slice %arg12[%sub3A_152, %dma_start3A] : memref<40x64xi32, #tpu.memory_space<vmem>> -> memref<1x64xi32, #tpu.memory_space<vmem>>
        %dma_start3A_167 = tpu.memref_squeeze %dma_start3A_166 : memref<1x64xi32, #tpu.memory_space<vmem>> -> memref<64xi32, #tpu.memory_space<vmem>>
        %dma_start3A_168 = arith.constant 0 : i32
        %dma_start3A_169 = arith.constant 0 : i32
        %dma_start3A_170 = tpu.memref_slice %arg26[%dma_start3A_168, %dma_start3A_169] : memref<10112x128xf32, #tpu.memory_space<vmem_shared>> -> memref<10112x128xf32, #tpu.memory_space<vmem_shared>>
        tpu.enqueue_indirect_dma source(%arg14 : memref<64x128xf32, #tpu.memory_space<vmem>>) target(%dma_start3A_170 : memref<10112x128xf32, #tpu.memory_space<vmem_shared>>) offsets(%dma_start3A_167 : memref<64xi32, #tpu.memory_space<vmem>>) semaphore(%arg22 : memref<!tpu.dma_semaphore, #tpu.memory_space<semaphore_mem>>) {add = true}
        "tpu.region"() ({
          %run_scoped3A = tpu.sem_alloc : memref<!tpu.dma_semaphore, #tpu.memory_space<semaphore_mem>>
          %dma_start3A_171 = arith.constant 0 : i32
          %dma_start3A_172 = tpu.memref_slice %arg12[%sub3A_152, %dma_start3A_171] : memref<40x64xi32, #tpu.memory_space<vmem>> -> memref<1x64xi32, #tpu.memory_space<vmem>>
          %dma_start3A_173 = tpu.memref_squeeze %dma_start3A_172 : memref<1x64xi32, #tpu.memory_space<vmem>> -> memref<64xi32, #tpu.memory_space<vmem>>
          %dma_start3A_174 = arith.constant 0 : i32
          %dma_start3A_175 = tpu.memref_slice %arg27[%dma_start3A_174] : memref<10240xf32, #tpu.memory_space<vmem_shared>> -> memref<10240xf32, #tpu.memory_space<vmem_shared>>
          tpu.enqueue_indirect_dma source(%arg25 : memref<64xf32, #tpu.memory_space<vmem>>) target(%dma_start3A_175 : memref<10240xf32, #tpu.memory_space<vmem_shared>>) offsets(%dma_start3A_173 : memref<64xi32, #tpu.memory_space<vmem>>) semaphore(%run_scoped3A : memref<!tpu.dma_semaphore, #tpu.memory_space<semaphore_mem>>) {add = true}
          %dma_wait3A_176 = arith.constant 0 : i32
          %dma_wait3A_177 = tpu.memref_slice %arg12[%sub3A_152, %dma_wait3A_176] : memref<40x64xi32, #tpu.memory_space<vmem>> -> memref<1x64xi32, #tpu.memory_space<vmem>>
          %dma_wait3A_178 = tpu.memref_squeeze %dma_wait3A_177 : memref<1x64xi32, #tpu.memory_space<vmem>> -> memref<64xi32, #tpu.memory_space<vmem>>
          %dma_wait3A_179 = arith.constant 0 : i32
          %dma_wait3A_180 = tpu.memref_slice %arg27[%dma_wait3A_179] : memref<10240xf32, #tpu.memory_space<vmem_shared>> -> memref<10240xf32, #tpu.memory_space<vmem_shared>>
          tpu.wait_indirect_dma semaphore(%run_scoped3A : memref<!tpu.dma_semaphore, #tpu.memory_space<semaphore_mem>>) src(%arg25 : memref<64xf32, #tpu.memory_space<vmem>>) dst(%dma_wait3A_180 : memref<10240xf32, #tpu.memory_space<vmem_shared>>)
          tpu.yield
        }) : () -> ()
      } else {
      }
    }
    %scan3A_35 = arith.constant 11 : i32
    %add3A_36 = arith.constant 40 : i32
    %add3A_37 = arith.addi %mul3A_2, %add3A_36 : i32
    "tpu.region"() ({
      %run_scoped3A = tpu.sem_alloc : memref<!tpu.dma_semaphore, #tpu.memory_space<semaphore_mem>>
      %dma_start3A = arith.constant 0 : i32
      %dma_start3A_68 = tpu.memref_slice %arg3[%add3A_37, %dma_start3A] : memref<5120x64xi32, #tpu.memory_space<hbm>> -> memref<40x64xi32, #tpu.memory_space<hbm>>
      %dma_start3A_69 = arith.constant 0 : i32
      %dma_start3A_70 = tpu.memref_slice %arg3[%add3A_37, %dma_start3A_69] : memref<5120x64xi32, #tpu.memory_space<hbm>> -> memref<40x64xi32, #tpu.memory_space<hbm>>
      tpu.enqueue_dma source(%dma_start3A_70 : memref<40x64xi32, #tpu.memory_space<hbm>>) target(%arg11 : memref<40x64xi32, #tpu.memory_space<vmem>>) target_semaphore(%run_scoped3A : memref<!tpu.dma_semaphore, #tpu.memory_space<semaphore_mem>>)
      %dma_wait3A = arith.constant 0 : i32
      %dma_wait3A_71 = tpu.memref_slice %arg3[%add3A_37, %dma_wait3A] : memref<5120x64xi32, #tpu.memory_space<hbm>> -> memref<40x64xi32, #tpu.memory_space<hbm>>
      %dma_wait3A_72 = arith.constant 0 : i32
      %dma_wait3A_73 = tpu.memref_slice %arg3[%add3A_37, %dma_wait3A_72] : memref<5120x64xi32, #tpu.memory_space<hbm>> -> memref<40x64xi32, #tpu.memory_space<hbm>>
      tpu.wait_dma2 semaphore(%run_scoped3A : memref<!tpu.dma_semaphore, #tpu.memory_space<semaphore_mem>>) src(%dma_wait3A_73 : memref<40x64xi32, #tpu.memory_space<hbm>>) dst(%arg11 : memref<40x64xi32, #tpu.memory_space<vmem>>)
      tpu.yield
    }) : () -> ()
    "tpu.region"() ({
      %run_scoped3A = tpu.sem_alloc : memref<!tpu.dma_semaphore, #tpu.memory_space<semaphore_mem>>
      %dma_start3A = arith.constant 0 : i32
      %dma_start3A_68 = tpu.memref_slice %arg4[%add3A_37, %dma_start3A] : memref<5120x64xi32, #tpu.memory_space<hbm>> -> memref<40x64xi32, #tpu.memory_space<hbm>>
      %dma_start3A_69 = arith.constant 0 : i32
      %dma_start3A_70 = tpu.memref_slice %arg4[%add3A_37, %dma_start3A_69] : memref<5120x64xi32, #tpu.memory_space<hbm>> -> memref<40x64xi32, #tpu.memory_space<hbm>>
      tpu.enqueue_dma source(%dma_start3A_70 : memref<40x64xi32, #tpu.memory_space<hbm>>) target(%arg12 : memref<40x64xi32, #tpu.memory_space<vmem>>) target_semaphore(%run_scoped3A : memref<!tpu.dma_semaphore, #tpu.memory_space<semaphore_mem>>)
      %dma_wait3A = arith.constant 0 : i32
      %dma_wait3A_71 = tpu.memref_slice %arg4[%add3A_37, %dma_wait3A] : memref<5120x64xi32, #tpu.memory_space<hbm>> -> memref<40x64xi32, #tpu.memory_space<hbm>>
      %dma_wait3A_72 = arith.constant 0 : i32
      %dma_wait3A_73 = tpu.memref_slice %arg4[%add3A_37, %dma_wait3A_72] : memref<5120x64xi32, #tpu.memory_space<hbm>> -> memref<40x64xi32, #tpu.memory_space<hbm>>
      tpu.wait_dma2 semaphore(%run_scoped3A : memref<!tpu.dma_semaphore, #tpu.memory_space<semaphore_mem>>) src(%dma_wait3A_73 : memref<40x64xi32, #tpu.memory_space<hbm>>) dst(%arg12 : memref<40x64xi32, #tpu.memory_space<vmem>>)
      tpu.yield
    }) : () -> ()
    %scan3A_38 = arith.constant 0 : i32
    %scan3A_39 = arith.constant 0 : i32
    %scan3A_40 = arith.constant 11 : i32
    %scan3A_41 = arith.addi %scan3A_39, %scan3A_40 : i32
    %scan3A_42 = arith.constant 1 : i32
    scf.for %scan3A_68 = %scan3A_39 to %scan3A_41 step %scan3A_42  : i32 {
      %mul3A_69 = arith.constant 4 : i32
      %mul3A_70 = arith.muli %mul3A_69, %scan3A_68 : i32
      %add3A_71 = arith.constant 0 : i32
      %add3A_72 = arith.addi %mul3A_70, %add3A_71 : i32
      %ge3A = arith.constant 4 : i32
      %ge3A_73 = arith.cmpi sge, %add3A_72, %ge3A : i32
      %convert_element_type3A_74 = arith.extui %ge3A_73 : i1 to i32
      %cond3A_75 = arith.constant 0 : i32
      %cond3A_76 = arith.cmpi ne, %convert_element_type3A_74, %cond3A_75 : i32
      scf.if %cond3A_76 {
        %dma_wait3A = arith.constant 0 : i32
        %dma_wait3A_161 = arith.constant 0 : i32
        %dma_wait3A_162 = tpu.memref_slice %arg12[%dma_wait3A, %dma_wait3A_161] : memref<40x64xi32, #tpu.memory_space<vmem>> -> memref<1x64xi32, #tpu.memory_space<vmem>>
        %dma_wait3A_163 = tpu.memref_squeeze %dma_wait3A_162 : memref<1x64xi32, #tpu.memory_space<vmem>> -> memref<64xi32, #tpu.memory_space<vmem>>
        %dma_wait3A_164 = arith.constant 0 : i32
        %dma_wait3A_165 = arith.constant 0 : i32
        %dma_wait3A_166 = tpu.memref_slice %arg26[%dma_wait3A_164, %dma_wait3A_165] : memref<10112x128xf32, #tpu.memory_space<vmem_shared>> -> memref<10112x128xf32, #tpu.memory_space<vmem_shared>>
        tpu.wait_indirect_dma semaphore(%arg21 : memref<!tpu.dma_semaphore, #tpu.memory_space<semaphore_mem>>) src(%arg13 : memref<64x128xf32, #tpu.memory_space<vmem>>) dst(%dma_wait3A_166 : memref<10112x128xf32, #tpu.memory_space<vmem_shared>>)
      } else {
      }
      %lt3A = arith.constant 40 : i32
      %lt3A_77 = arith.cmpi slt, %add3A_72, %lt3A : i32
      %convert_element_type3A_78 = arith.extui %lt3A_77 : i1 to i32
      %cond3A_79 = arith.constant 0 : i32
      %cond3A_80 = arith.cmpi ne, %convert_element_type3A_78, %cond3A_79 : i32
      scf.if %cond3A_80 {
        %dma_start3A = arith.constant 0 : i32
        %dma_start3A_161 = tpu.memref_slice %arg11[%add3A_72, %dma_start3A] : memref<40x64xi32, #tpu.memory_space<vmem>> -> memref<1x64xi32, #tpu.memory_space<vmem>>
        %dma_start3A_162 = tpu.memref_squeeze %dma_start3A_161 : memref<1x64xi32, #tpu.memory_space<vmem>> -> memref<64xi32, #tpu.memory_space<vmem>>
        %dma_start3A_163 = arith.constant 0 : i32
        %dma_start3A_164 = arith.constant 0 : i32
        %dma_start3A_165 = tpu.memref_slice %arg2[%dma_start3A_163, %dma_start3A_164] : memref<10000x128xf32, #tpu.memory_space<hbm>> -> memref<10000x128xf32, #tpu.memory_space<hbm>>
        tpu.enqueue_indirect_dma source(%dma_start3A_165 : memref<10000x128xf32, #tpu.memory_space<hbm>>) target(%arg13 : memref<64x128xf32, #tpu.memory_space<vmem>>) offsets(%dma_start3A_162 : memref<64xi32, #tpu.memory_space<vmem>>) semaphore(%arg17 : memref<!tpu.dma_semaphore, #tpu.memory_space<semaphore_mem>>)
      } else {
      }
      %sub3A = arith.constant 2 : i32
      %sub3A_81 = arith.subi %add3A_72, %sub3A : i32
      %ge3A_82 = arith.constant 2 : i32
      %ge3A_83 = arith.cmpi sge, %add3A_72, %ge3A_82 : i32
      %lt3A_84 = arith.constant 42 : i32
      %lt3A_85 = arith.cmpi slt, %add3A_72, %lt3A_84 : i32
      %and3A = arith.andi %ge3A_83, %lt3A_85 : i1
      %convert_element_type3A_86 = arith.extui %and3A : i1 to i32
      %cond3A_87 = arith.constant 0 : i32
      %cond3A_88 = arith.cmpi ne, %convert_element_type3A_86, %cond3A_87 : i32
      scf.if %cond3A_88 {
        %dma_wait3A = arith.constant 0 : i32
        %dma_wait3A_161 = tpu.memref_slice %arg11[%sub3A_81, %dma_wait3A] : memref<40x64xi32, #tpu.memory_space<vmem>> -> memref<1x64xi32, #tpu.memory_space<vmem>>
        %dma_wait3A_162 = tpu.memref_squeeze %dma_wait3A_161 : memref<1x64xi32, #tpu.memory_space<vmem>> -> memref<64xi32, #tpu.memory_space<vmem>>
        %dma_wait3A_163 = arith.constant 0 : i32
        %dma_wait3A_164 = arith.constant 0 : i32
        %dma_wait3A_165 = tpu.memref_slice %arg2[%dma_wait3A_163, %dma_wait3A_164] : memref<10000x128xf32, #tpu.memory_space<hbm>> -> memref<10000x128xf32, #tpu.memory_space<hbm>>
        tpu.wait_indirect_dma semaphore(%arg19 : memref<!tpu.dma_semaphore, #tpu.memory_space<semaphore_mem>>) src(%dma_wait3A_165 : memref<10000x128xf32, #tpu.memory_space<hbm>>) dst(%arg15 : memref<64x128xf32, #tpu.memory_space<vmem>>)
        %dma_start3A = arith.constant 0 : i32
        %dma_start3A_166 = tpu.memref_slice %arg12[%sub3A_81, %dma_start3A] : memref<40x64xi32, #tpu.memory_space<vmem>> -> memref<1x64xi32, #tpu.memory_space<vmem>>
        %dma_start3A_167 = tpu.memref_squeeze %dma_start3A_166 : memref<1x64xi32, #tpu.memory_space<vmem>> -> memref<64xi32, #tpu.memory_space<vmem>>
        %dma_start3A_168 = arith.constant 0 : i32
        %dma_start3A_169 = arith.constant 0 : i32
        %dma_start3A_170 = tpu.memref_slice %arg26[%dma_start3A_168, %dma_start3A_169] : memref<10112x128xf32, #tpu.memory_space<vmem_shared>> -> memref<10112x128xf32, #tpu.memory_space<vmem_shared>>
        tpu.enqueue_indirect_dma source(%arg15 : memref<64x128xf32, #tpu.memory_space<vmem>>) target(%dma_start3A_170 : memref<10112x128xf32, #tpu.memory_space<vmem_shared>>) offsets(%dma_start3A_167 : memref<64xi32, #tpu.memory_space<vmem>>) semaphore(%arg23 : memref<!tpu.dma_semaphore, #tpu.memory_space<semaphore_mem>>) {add = true}
        "tpu.region"() ({
          %run_scoped3A = tpu.sem_alloc : memref<!tpu.dma_semaphore, #tpu.memory_space<semaphore_mem>>
          %dma_start3A_171 = arith.constant 0 : i32
          %dma_start3A_172 = tpu.memref_slice %arg12[%sub3A_81, %dma_start3A_171] : memref<40x64xi32, #tpu.memory_space<vmem>> -> memref<1x64xi32, #tpu.memory_space<vmem>>
          %dma_start3A_173 = tpu.memref_squeeze %dma_start3A_172 : memref<1x64xi32, #tpu.memory_space<vmem>> -> memref<64xi32, #tpu.memory_space<vmem>>
          %dma_start3A_174 = arith.constant 0 : i32
          %dma_start3A_175 = tpu.memref_slice %arg27[%dma_start3A_174] : memref<10240xf32, #tpu.memory_space<vmem_shared>> -> memref<10240xf32, #tpu.memory_space<vmem_shared>>
          tpu.enqueue_indirect_dma source(%arg25 : memref<64xf32, #tpu.memory_space<vmem>>) target(%dma_start3A_175 : memref<10240xf32, #tpu.memory_space<vmem_shared>>) offsets(%dma_start3A_173 : memref<64xi32, #tpu.memory_space<vmem>>) semaphore(%run_scoped3A : memref<!tpu.dma_semaphore, #tpu.memory_space<semaphore_mem>>) {add = true}
          %dma_wait3A_176 = arith.constant 0 : i32
          %dma_wait3A_177 = tpu.memref_slice %arg12[%sub3A_81, %dma_wait3A_176] : memref<40x64xi32, #tpu.memory_space<vmem>> -> memref<1x64xi32, #tpu.memory_space<vmem>>
          %dma_wait3A_178 = tpu.memref_squeeze %dma_wait3A_177 : memref<1x64xi32, #tpu.memory_space<vmem>> -> memref<64xi32, #tpu.memory_space<vmem>>
          %dma_wait3A_179 = arith.constant 0 : i32
          %dma_wait3A_180 = tpu.memref_slice %arg27[%dma_wait3A_179] : memref<10240xf32, #tpu.memory_space<vmem_shared>> -> memref<10240xf32, #tpu.memory_space<vmem_shared>>
          tpu.wait_indirect_dma semaphore(%run_scoped3A : memref<!tpu.dma_semaphore, #tpu.memory_space<semaphore_mem>>) src(%arg25 : memref<64xf32, #tpu.memory_space<vmem>>) dst(%dma_wait3A_180 : memref<10240xf32, #tpu.memory_space<vmem_shared>>)
          tpu.yield
        }) : () -> ()
      } else {
      }
      %mul3A_89 = arith.constant 4 : i32
      %mul3A_90 = arith.muli %mul3A_89, %scan3A_68 : i32
      %add3A_91 = arith.constant 1 : i32
      %add3A_92 = arith.addi %mul3A_90, %add3A_91 : i32
      %ge3A_93 = arith.constant 4 : i32
      %ge3A_94 = arith.cmpi sge, %add3A_92, %ge3A_93 : i32
      %convert_element_type3A_95 = arith.extui %ge3A_94 : i1 to i32
      %cond3A_96 = arith.constant 0 : i32
      %cond3A_97 = arith.cmpi ne, %convert_element_type3A_95, %cond3A_96 : i32
      scf.if %cond3A_97 {
        %dma_wait3A = arith.constant 0 : i32
        %dma_wait3A_161 = arith.constant 0 : i32
        %dma_wait3A_162 = tpu.memref_slice %arg12[%dma_wait3A, %dma_wait3A_161] : memref<40x64xi32, #tpu.memory_space<vmem>> -> memref<1x64xi32, #tpu.memory_space<vmem>>
        %dma_wait3A_163 = tpu.memref_squeeze %dma_wait3A_162 : memref<1x64xi32, #tpu.memory_space<vmem>> -> memref<64xi32, #tpu.memory_space<vmem>>
        %dma_wait3A_164 = arith.constant 0 : i32
        %dma_wait3A_165 = arith.constant 0 : i32
        %dma_wait3A_166 = tpu.memref_slice %arg26[%dma_wait3A_164, %dma_wait3A_165] : memref<10112x128xf32, #tpu.memory_space<vmem_shared>> -> memref<10112x128xf32, #tpu.memory_space<vmem_shared>>
        tpu.wait_indirect_dma semaphore(%arg22 : memref<!tpu.dma_semaphore, #tpu.memory_space<semaphore_mem>>) src(%arg14 : memref<64x128xf32, #tpu.memory_space<vmem>>) dst(%dma_wait3A_166 : memref<10112x128xf32, #tpu.memory_space<vmem_shared>>)
      } else {
      }
      %lt3A_98 = arith.constant 40 : i32
      %lt3A_99 = arith.cmpi slt, %add3A_92, %lt3A_98 : i32
      %convert_element_type3A_100 = arith.extui %lt3A_99 : i1 to i32
      %cond3A_101 = arith.constant 0 : i32
      %cond3A_102 = arith.cmpi ne, %convert_element_type3A_100, %cond3A_101 : i32
      scf.if %cond3A_102 {
        %dma_start3A = arith.constant 0 : i32
        %dma_start3A_161 = tpu.memref_slice %arg11[%add3A_92, %dma_start3A] : memref<40x64xi32, #tpu.memory_space<vmem>> -> memref<1x64xi32, #tpu.memory_space<vmem>>
        %dma_start3A_162 = tpu.memref_squeeze %dma_start3A_161 : memref<1x64xi32, #tpu.memory_space<vmem>> -> memref<64xi32, #tpu.memory_space<vmem>>
        %dma_start3A_163 = arith.constant 0 : i32
        %dma_start3A_164 = arith.constant 0 : i32
        %dma_start3A_165 = tpu.memref_slice %arg2[%dma_start3A_163, %dma_start3A_164] : memref<10000x128xf32, #tpu.memory_space<hbm>> -> memref<10000x128xf32, #tpu.memory_space<hbm>>
        tpu.enqueue_indirect_dma source(%dma_start3A_165 : memref<10000x128xf32, #tpu.memory_space<hbm>>) target(%arg14 : memref<64x128xf32, #tpu.memory_space<vmem>>) offsets(%dma_start3A_162 : memref<64xi32, #tpu.memory_space<vmem>>) semaphore(%arg18 : memref<!tpu.dma_semaphore, #tpu.memory_space<semaphore_mem>>)
      } else {
      }
      %sub3A_103 = arith.constant 2 : i32
      %sub3A_104 = arith.subi %add3A_92, %sub3A_103 : i32
      %ge3A_105 = arith.constant 2 : i32
      %ge3A_106 = arith.cmpi sge, %add3A_92, %ge3A_105 : i32
      %lt3A_107 = arith.constant 42 : i32
      %lt3A_108 = arith.cmpi slt, %add3A_92, %lt3A_107 : i32
      %and3A_109 = arith.andi %ge3A_106, %lt3A_108 : i1
      %convert_element_type3A_110 = arith.extui %and3A_109 : i1 to i32
      %cond3A_111 = arith.constant 0 : i32
      %cond3A_112 = arith.cmpi ne, %convert_element_type3A_110, %cond3A_111 : i32
      scf.if %cond3A_112 {
        %dma_wait3A = arith.constant 0 : i32
        %dma_wait3A_161 = tpu.memref_slice %arg11[%sub3A_104, %dma_wait3A] : memref<40x64xi32, #tpu.memory_space<vmem>> -> memref<1x64xi32, #tpu.memory_space<vmem>>
        %dma_wait3A_162 = tpu.memref_squeeze %dma_wait3A_161 : memref<1x64xi32, #tpu.memory_space<vmem>> -> memref<64xi32, #tpu.memory_space<vmem>>
        %dma_wait3A_163 = arith.constant 0 : i32
        %dma_wait3A_164 = arith.constant 0 : i32
        %dma_wait3A_165 = tpu.memref_slice %arg2[%dma_wait3A_163, %dma_wait3A_164] : memref<10000x128xf32, #tpu.memory_space<hbm>> -> memref<10000x128xf32, #tpu.memory_space<hbm>>
        tpu.wait_indirect_dma semaphore(%arg20 : memref<!tpu.dma_semaphore, #tpu.memory_space<semaphore_mem>>) src(%dma_wait3A_165 : memref<10000x128xf32, #tpu.memory_space<hbm>>) dst(%arg16 : memref<64x128xf32, #tpu.memory_space<vmem>>)
        %dma_start3A = arith.constant 0 : i32
        %dma_start3A_166 = tpu.memref_slice %arg12[%sub3A_104, %dma_start3A] : memref<40x64xi32, #tpu.memory_space<vmem>> -> memref<1x64xi32, #tpu.memory_space<vmem>>
        %dma_start3A_167 = tpu.memref_squeeze %dma_start3A_166 : memref<1x64xi32, #tpu.memory_space<vmem>> -> memref<64xi32, #tpu.memory_space<vmem>>
        %dma_start3A_168 = arith.constant 0 : i32
        %dma_start3A_169 = arith.constant 0 : i32
        %dma_start3A_170 = tpu.memref_slice %arg26[%dma_start3A_168, %dma_start3A_169] : memref<10112x128xf32, #tpu.memory_space<vmem_shared>> -> memref<10112x128xf32, #tpu.memory_space<vmem_shared>>
        tpu.enqueue_indirect_dma source(%arg16 : memref<64x128xf32, #tpu.memory_space<vmem>>) target(%dma_start3A_170 : memref<10112x128xf32, #tpu.memory_space<vmem_shared>>) offsets(%dma_start3A_167 : memref<64xi32, #tpu.memory_space<vmem>>) semaphore(%arg24 : memref<!tpu.dma_semaphore, #tpu.memory_space<semaphore_mem>>) {add = true}
        "tpu.region"() ({
          %run_scoped3A = tpu.sem_alloc : memref<!tpu.dma_semaphore, #tpu.memory_space<semaphore_mem>>
          %dma_start3A_171 = arith.constant 0 : i32
          %dma_start3A_172 = tpu.memref_slice %arg12[%sub3A_104, %dma_start3A_171] : memref<40x64xi32, #tpu.memory_space<vmem>> -> memref<1x64xi32, #tpu.memory_space<vmem>>
          %dma_start3A_173 = tpu.memref_squeeze %dma_start3A_172 : memref<1x64xi32, #tpu.memory_space<vmem>> -> memref<64xi32, #tpu.memory_space<vmem>>
          %dma_start3A_174 = arith.constant 0 : i32
          %dma_start3A_175 = tpu.memref_slice %arg27[%dma_start3A_174] : memref<10240xf32, #tpu.memory_space<vmem_shared>> -> memref<10240xf32, #tpu.memory_space<vmem_shared>>
          tpu.enqueue_indirect_dma source(%arg25 : memref<64xf32, #tpu.memory_space<vmem>>) target(%dma_start3A_175 : memref<10240xf32, #tpu.memory_space<vmem_shared>>) offsets(%dma_start3A_173 : memref<64xi32, #tpu.memory_space<vmem>>) semaphore(%run_scoped3A : memref<!tpu.dma_semaphore, #tpu.memory_space<semaphore_mem>>) {add = true}
          %dma_wait3A_176 = arith.constant 0 : i32
          %dma_wait3A_177 = tpu.memref_slice %arg12[%sub3A_104, %dma_wait3A_176] : memref<40x64xi32, #tpu.memory_space<vmem>> -> memref<1x64xi32, #tpu.memory_space<vmem>>
          %dma_wait3A_178 = tpu.memref_squeeze %dma_wait3A_177 : memref<1x64xi32, #tpu.memory_space<vmem>> -> memref<64xi32, #tpu.memory_space<vmem>>
          %dma_wait3A_179 = arith.constant 0 : i32
          %dma_wait3A_180 = tpu.memref_slice %arg27[%dma_wait3A_179] : memref<10240xf32, #tpu.memory_space<vmem_shared>> -> memref<10240xf32, #tpu.memory_space<vmem_shared>>
          tpu.wait_indirect_dma semaphore(%run_scoped3A : memref<!tpu.dma_semaphore, #tpu.memory_space<semaphore_mem>>) src(%arg25 : memref<64xf32, #tpu.memory_space<vmem>>) dst(%dma_wait3A_180 : memref<10240xf32, #tpu.memory_space<vmem_shared>>)
          tpu.yield
        }) : () -> ()
      } else {
      }
      %mul3A_113 = arith.constant 4 : i32
      %mul3A_114 = arith.muli %mul3A_113, %scan3A_68 : i32
      %add3A_115 = arith.constant 2 : i32
      %add3A_116 = arith.addi %mul3A_114, %add3A_115 : i32
      %ge3A_117 = arith.constant 4 : i32
      %ge3A_118 = arith.cmpi sge, %add3A_116, %ge3A_117 : i32
      %convert_element_type3A_119 = arith.extui %ge3A_118 : i1 to i32
      %cond3A_120 = arith.constant 0 : i32
      %cond3A_121 = arith.cmpi ne, %convert_element_type3A_119, %cond3A_120 : i32
      scf.if %cond3A_121 {
        %dma_wait3A = arith.constant 0 : i32
        %dma_wait3A_161 = arith.constant 0 : i32
        %dma_wait3A_162 = tpu.memref_slice %arg12[%dma_wait3A, %dma_wait3A_161] : memref<40x64xi32, #tpu.memory_space<vmem>> -> memref<1x64xi32, #tpu.memory_space<vmem>>
        %dma_wait3A_163 = tpu.memref_squeeze %dma_wait3A_162 : memref<1x64xi32, #tpu.memory_space<vmem>> -> memref<64xi32, #tpu.memory_space<vmem>>
        %dma_wait3A_164 = arith.constant 0 : i32
        %dma_wait3A_165 = arith.constant 0 : i32
        %dma_wait3A_166 = tpu.memref_slice %arg26[%dma_wait3A_164, %dma_wait3A_165] : memref<10112x128xf32, #tpu.memory_space<vmem_shared>> -> memref<10112x128xf32, #tpu.memory_space<vmem_shared>>
        tpu.wait_indirect_dma semaphore(%arg23 : memref<!tpu.dma_semaphore, #tpu.memory_space<semaphore_mem>>) src(%arg15 : memref<64x128xf32, #tpu.memory_space<vmem>>) dst(%dma_wait3A_166 : memref<10112x128xf32, #tpu.memory_space<vmem_shared>>)
      } else {
      }
      %lt3A_122 = arith.constant 40 : i32
      %lt3A_123 = arith.cmpi slt, %add3A_116, %lt3A_122 : i32
      %convert_element_type3A_124 = arith.extui %lt3A_123 : i1 to i32
      %cond3A_125 = arith.constant 0 : i32
      %cond3A_126 = arith.cmpi ne, %convert_element_type3A_124, %cond3A_125 : i32
      scf.if %cond3A_126 {
        %dma_start3A = arith.constant 0 : i32
        %dma_start3A_161 = tpu.memref_slice %arg11[%add3A_116, %dma_start3A] : memref<40x64xi32, #tpu.memory_space<vmem>> -> memref<1x64xi32, #tpu.memory_space<vmem>>
        %dma_start3A_162 = tpu.memref_squeeze %dma_start3A_161 : memref<1x64xi32, #tpu.memory_space<vmem>> -> memref<64xi32, #tpu.memory_space<vmem>>
        %dma_start3A_163 = arith.constant 0 : i32
        %dma_start3A_164 = arith.constant 0 : i32
        %dma_start3A_165 = tpu.memref_slice %arg2[%dma_start3A_163, %dma_start3A_164] : memref<10000x128xf32, #tpu.memory_space<hbm>> -> memref<10000x128xf32, #tpu.memory_space<hbm>>
        tpu.enqueue_indirect_dma source(%dma_start3A_165 : memref<10000x128xf32, #tpu.memory_space<hbm>>) target(%arg15 : memref<64x128xf32, #tpu.memory_space<vmem>>) offsets(%dma_start3A_162 : memref<64xi32, #tpu.memory_space<vmem>>) semaphore(%arg19 : memref<!tpu.dma_semaphore, #tpu.memory_space<semaphore_mem>>)
      } else {
      }
      %sub3A_127 = arith.constant 2 : i32
      %sub3A_128 = arith.subi %add3A_116, %sub3A_127 : i32
      %ge3A_129 = arith.constant 2 : i32
      %ge3A_130 = arith.cmpi sge, %add3A_116, %ge3A_129 : i32
      %lt3A_131 = arith.constant 42 : i32
      %lt3A_132 = arith.cmpi slt, %add3A_116, %lt3A_131 : i32
      %and3A_133 = arith.andi %ge3A_130, %lt3A_132 : i1
      %convert_element_type3A_134 = arith.extui %and3A_133 : i1 to i32
      %cond3A_135 = arith.constant 0 : i32
      %cond3A_136 = arith.cmpi ne, %convert_element_type3A_134, %cond3A_135 : i32
      scf.if %cond3A_136 {
        %dma_wait3A = arith.constant 0 : i32
        %dma_wait3A_161 = tpu.memref_slice %arg11[%sub3A_128, %dma_wait3A] : memref<40x64xi32, #tpu.memory_space<vmem>> -> memref<1x64xi32, #tpu.memory_space<vmem>>
        %dma_wait3A_162 = tpu.memref_squeeze %dma_wait3A_161 : memref<1x64xi32, #tpu.memory_space<vmem>> -> memref<64xi32, #tpu.memory_space<vmem>>
        %dma_wait3A_163 = arith.constant 0 : i32
        %dma_wait3A_164 = arith.constant 0 : i32
        %dma_wait3A_165 = tpu.memref_slice %arg2[%dma_wait3A_163, %dma_wait3A_164] : memref<10000x128xf32, #tpu.memory_space<hbm>> -> memref<10000x128xf32, #tpu.memory_space<hbm>>
        tpu.wait_indirect_dma semaphore(%arg17 : memref<!tpu.dma_semaphore, #tpu.memory_space<semaphore_mem>>) src(%dma_wait3A_165 : memref<10000x128xf32, #tpu.memory_space<hbm>>) dst(%arg13 : memref<64x128xf32, #tpu.memory_space<vmem>>)
        %dma_start3A = arith.constant 0 : i32
        %dma_start3A_166 = tpu.memref_slice %arg12[%sub3A_128, %dma_start3A] : memref<40x64xi32, #tpu.memory_space<vmem>> -> memref<1x64xi32, #tpu.memory_space<vmem>>
        %dma_start3A_167 = tpu.memref_squeeze %dma_start3A_166 : memref<1x64xi32, #tpu.memory_space<vmem>> -> memref<64xi32, #tpu.memory_space<vmem>>
        %dma_start3A_168 = arith.constant 0 : i32
        %dma_start3A_169 = arith.constant 0 : i32
        %dma_start3A_170 = tpu.memref_slice %arg26[%dma_start3A_168, %dma_start3A_169] : memref<10112x128xf32, #tpu.memory_space<vmem_shared>> -> memref<10112x128xf32, #tpu.memory_space<vmem_shared>>
        tpu.enqueue_indirect_dma source(%arg13 : memref<64x128xf32, #tpu.memory_space<vmem>>) target(%dma_start3A_170 : memref<10112x128xf32, #tpu.memory_space<vmem_shared>>) offsets(%dma_start3A_167 : memref<64xi32, #tpu.memory_space<vmem>>) semaphore(%arg21 : memref<!tpu.dma_semaphore, #tpu.memory_space<semaphore_mem>>) {add = true}
        "tpu.region"() ({
          %run_scoped3A = tpu.sem_alloc : memref<!tpu.dma_semaphore, #tpu.memory_space<semaphore_mem>>
          %dma_start3A_171 = arith.constant 0 : i32
          %dma_start3A_172 = tpu.memref_slice %arg12[%sub3A_128, %dma_start3A_171] : memref<40x64xi32, #tpu.memory_space<vmem>> -> memref<1x64xi32, #tpu.memory_space<vmem>>
          %dma_start3A_173 = tpu.memref_squeeze %dma_start3A_172 : memref<1x64xi32, #tpu.memory_space<vmem>> -> memref<64xi32, #tpu.memory_space<vmem>>
          %dma_start3A_174 = arith.constant 0 : i32
          %dma_start3A_175 = tpu.memref_slice %arg27[%dma_start3A_174] : memref<10240xf32, #tpu.memory_space<vmem_shared>> -> memref<10240xf32, #tpu.memory_space<vmem_shared>>
          tpu.enqueue_indirect_dma source(%arg25 : memref<64xf32, #tpu.memory_space<vmem>>) target(%dma_start3A_175 : memref<10240xf32, #tpu.memory_space<vmem_shared>>) offsets(%dma_start3A_173 : memref<64xi32, #tpu.memory_space<vmem>>) semaphore(%run_scoped3A : memref<!tpu.dma_semaphore, #tpu.memory_space<semaphore_mem>>) {add = true}
          %dma_wait3A_176 = arith.constant 0 : i32
          %dma_wait3A_177 = tpu.memref_slice %arg12[%sub3A_128, %dma_wait3A_176] : memref<40x64xi32, #tpu.memory_space<vmem>> -> memref<1x64xi32, #tpu.memory_space<vmem>>
          %dma_wait3A_178 = tpu.memref_squeeze %dma_wait3A_177 : memref<1x64xi32, #tpu.memory_space<vmem>> -> memref<64xi32, #tpu.memory_space<vmem>>
          %dma_wait3A_179 = arith.constant 0 : i32
          %dma_wait3A_180 = tpu.memref_slice %arg27[%dma_wait3A_179] : memref<10240xf32, #tpu.memory_space<vmem_shared>> -> memref<10240xf32, #tpu.memory_space<vmem_shared>>
          tpu.wait_indirect_dma semaphore(%run_scoped3A : memref<!tpu.dma_semaphore, #tpu.memory_space<semaphore_mem>>) src(%arg25 : memref<64xf32, #tpu.memory_space<vmem>>) dst(%dma_wait3A_180 : memref<10240xf32, #tpu.memory_space<vmem_shared>>)
          tpu.yield
        }) : () -> ()
      } else {
      }
      %mul3A_137 = arith.constant 4 : i32
      %mul3A_138 = arith.muli %mul3A_137, %scan3A_68 : i32
      %add3A_139 = arith.constant 3 : i32
      %add3A_140 = arith.addi %mul3A_138, %add3A_139 : i32
      %ge3A_141 = arith.constant 4 : i32
      %ge3A_142 = arith.cmpi sge, %add3A_140, %ge3A_141 : i32
      %convert_element_type3A_143 = arith.extui %ge3A_142 : i1 to i32
      %cond3A_144 = arith.constant 0 : i32
      %cond3A_145 = arith.cmpi ne, %convert_element_type3A_143, %cond3A_144 : i32
      scf.if %cond3A_145 {
        %dma_wait3A = arith.constant 0 : i32
        %dma_wait3A_161 = arith.constant 0 : i32
        %dma_wait3A_162 = tpu.memref_slice %arg12[%dma_wait3A, %dma_wait3A_161] : memref<40x64xi32, #tpu.memory_space<vmem>> -> memref<1x64xi32, #tpu.memory_space<vmem>>
        %dma_wait3A_163 = tpu.memref_squeeze %dma_wait3A_162 : memref<1x64xi32, #tpu.memory_space<vmem>> -> memref<64xi32, #tpu.memory_space<vmem>>
        %dma_wait3A_164 = arith.constant 0 : i32
        %dma_wait3A_165 = arith.constant 0 : i32
        %dma_wait3A_166 = tpu.memref_slice %arg26[%dma_wait3A_164, %dma_wait3A_165] : memref<10112x128xf32, #tpu.memory_space<vmem_shared>> -> memref<10112x128xf32, #tpu.memory_space<vmem_shared>>
        tpu.wait_indirect_dma semaphore(%arg24 : memref<!tpu.dma_semaphore, #tpu.memory_space<semaphore_mem>>) src(%arg16 : memref<64x128xf32, #tpu.memory_space<vmem>>) dst(%dma_wait3A_166 : memref<10112x128xf32, #tpu.memory_space<vmem_shared>>)
      } else {
      }
      %lt3A_146 = arith.constant 40 : i32
      %lt3A_147 = arith.cmpi slt, %add3A_140, %lt3A_146 : i32
      %convert_element_type3A_148 = arith.extui %lt3A_147 : i1 to i32
      %cond3A_149 = arith.constant 0 : i32
      %cond3A_150 = arith.cmpi ne, %convert_element_type3A_148, %cond3A_149 : i32
      scf.if %cond3A_150 {
        %dma_start3A = arith.constant 0 : i32
        %dma_start3A_161 = tpu.memref_slice %arg11[%add3A_140, %dma_start3A] : memref<40x64xi32, #tpu.memory_space<vmem>> -> memref<1x64xi32, #tpu.memory_space<vmem>>
        %dma_start3A_162 = tpu.memref_squeeze %dma_start3A_161 : memref<1x64xi32, #tpu.memory_space<vmem>> -> memref<64xi32, #tpu.memory_space<vmem>>
        %dma_start3A_163 = arith.constant 0 : i32
        %dma_start3A_164 = arith.constant 0 : i32
        %dma_start3A_165 = tpu.memref_slice %arg2[%dma_start3A_163, %dma_start3A_164] : memref<10000x128xf32, #tpu.memory_space<hbm>> -> memref<10000x128xf32, #tpu.memory_space<hbm>>
        tpu.enqueue_indirect_dma source(%dma_start3A_165 : memref<10000x128xf32, #tpu.memory_space<hbm>>) target(%arg16 : memref<64x128xf32, #tpu.memory_space<vmem>>) offsets(%dma_start3A_162 : memref<64xi32, #tpu.memory_space<vmem>>) semaphore(%arg20 : memref<!tpu.dma_semaphore, #tpu.memory_space<semaphore_mem>>)
      } else {
      }
      %sub3A_151 = arith.constant 2 : i32
      %sub3A_152 = arith.subi %add3A_140, %sub3A_151 : i32
      %ge3A_153 = arith.constant 2 : i32
      %ge3A_154 = arith.cmpi sge, %add3A_140, %ge3A_153 : i32
      %lt3A_155 = arith.constant 42 : i32
      %lt3A_156 = arith.cmpi slt, %add3A_140, %lt3A_155 : i32
      %and3A_157 = arith.andi %ge3A_154, %lt3A_156 : i1
      %convert_element_type3A_158 = arith.extui %and3A_157 : i1 to i32
      %cond3A_159 = arith.constant 0 : i32
      %cond3A_160 = arith.cmpi ne, %convert_element_type3A_158, %cond3A_159 : i32
      scf.if %cond3A_160 {
        %dma_wait3A = arith.constant 0 : i32
        %dma_wait3A_161 = tpu.memref_slice %arg11[%sub3A_152, %dma_wait3A] : memref<40x64xi32, #tpu.memory_space<vmem>> -> memref<1x64xi32, #tpu.memory_space<vmem>>
        %dma_wait3A_162 = tpu.memref_squeeze %dma_wait3A_161 : memref<1x64xi32, #tpu.memory_space<vmem>> -> memref<64xi32, #tpu.memory_space<vmem>>
        %dma_wait3A_163 = arith.constant 0 : i32
        %dma_wait3A_164 = arith.constant 0 : i32
        %dma_wait3A_165 = tpu.memref_slice %arg2[%dma_wait3A_163, %dma_wait3A_164] : memref<10000x128xf32, #tpu.memory_space<hbm>> -> memref<10000x128xf32, #tpu.memory_space<hbm>>
        tpu.wait_indirect_dma semaphore(%arg18 : memref<!tpu.dma_semaphore, #tpu.memory_space<semaphore_mem>>) src(%dma_wait3A_165 : memref<10000x128xf32, #tpu.memory_space<hbm>>) dst(%arg14 : memref<64x128xf32, #tpu.memory_space<vmem>>)
        %dma_start3A = arith.constant 0 : i32
        %dma_start3A_166 = tpu.memref_slice %arg12[%sub3A_152, %dma_start3A] : memref<40x64xi32, #tpu.memory_space<vmem>> -> memref<1x64xi32, #tpu.memory_space<vmem>>
        %dma_start3A_167 = tpu.memref_squeeze %dma_start3A_166 : memref<1x64xi32, #tpu.memory_space<vmem>> -> memref<64xi32, #tpu.memory_space<vmem>>
        %dma_start3A_168 = arith.constant 0 : i32
        %dma_start3A_169 = arith.constant 0 : i32
        %dma_start3A_170 = tpu.memref_slice %arg26[%dma_start3A_168, %dma_start3A_169] : memref<10112x128xf32, #tpu.memory_space<vmem_shared>> -> memref<10112x128xf32, #tpu.memory_space<vmem_shared>>
        tpu.enqueue_indirect_dma source(%arg14 : memref<64x128xf32, #tpu.memory_space<vmem>>) target(%dma_start3A_170 : memref<10112x128xf32, #tpu.memory_space<vmem_shared>>) offsets(%dma_start3A_167 : memref<64xi32, #tpu.memory_space<vmem>>) semaphore(%arg22 : memref<!tpu.dma_semaphore, #tpu.memory_space<semaphore_mem>>) {add = true}
        "tpu.region"() ({
          %run_scoped3A = tpu.sem_alloc : memref<!tpu.dma_semaphore, #tpu.memory_space<semaphore_mem>>
          %dma_start3A_171 = arith.constant 0 : i32
          %dma_start3A_172 = tpu.memref_slice %arg12[%sub3A_152, %dma_start3A_171] : memref<40x64xi32, #tpu.memory_space<vmem>> -> memref<1x64xi32, #tpu.memory_space<vmem>>
          %dma_start3A_173 = tpu.memref_squeeze %dma_start3A_172 : memref<1x64xi32, #tpu.memory_space<vmem>> -> memref<64xi32, #tpu.memory_space<vmem>>
          %dma_start3A_174 = arith.constant 0 : i32
          %dma_start3A_175 = tpu.memref_slice %arg27[%dma_start3A_174] : memref<10240xf32, #tpu.memory_space<vmem_shared>> -> memref<10240xf32, #tpu.memory_space<vmem_shared>>
          tpu.enqueue_indirect_dma source(%arg25 : memref<64xf32, #tpu.memory_space<vmem>>) target(%dma_start3A_175 : memref<10240xf32, #tpu.memory_space<vmem_shared>>) offsets(%dma_start3A_173 : memref<64xi32, #tpu.memory_space<vmem>>) semaphore(%run_scoped3A : memref<!tpu.dma_semaphore, #tpu.memory_space<semaphore_mem>>) {add = true}
          %dma_wait3A_176 = arith.constant 0 : i32
          %dma_wait3A_177 = tpu.memref_slice %arg12[%sub3A_152, %dma_wait3A_176] : memref<40x64xi32, #tpu.memory_space<vmem>> -> memref<1x64xi32, #tpu.memory_space<vmem>>
          %dma_wait3A_178 = tpu.memref_squeeze %dma_wait3A_177 : memref<1x64xi32, #tpu.memory_space<vmem>> -> memref<64xi32, #tpu.memory_space<vmem>>
          %dma_wait3A_179 = arith.constant 0 : i32
          %dma_wait3A_180 = tpu.memref_slice %arg27[%dma_wait3A_179] : memref<10240xf32, #tpu.memory_space<vmem_shared>> -> memref<10240xf32, #tpu.memory_space<vmem_shared>>
          tpu.wait_indirect_dma semaphore(%run_scoped3A : memref<!tpu.dma_semaphore, #tpu.memory_space<semaphore_mem>>) src(%arg25 : memref<64xf32, #tpu.memory_space<vmem>>) dst(%dma_wait3A_180 : memref<10240xf32, #tpu.memory_space<vmem_shared>>)
          tpu.yield
        }) : () -> ()
      } else {
      }
    }
    %scan3A_43 = arith.constant 11 : i32
    %add3A_44 = arith.constant 80 : i32
    %add3A_45 = arith.addi %mul3A_2, %add3A_44 : i32
    "tpu.region"() ({
      %run_scoped3A = tpu.sem_alloc : memref<!tpu.dma_semaphore, #tpu.memory_space<semaphore_mem>>
      %dma_start3A = arith.constant 0 : i32
      %dma_start3A_68 = tpu.memref_slice %arg3[%add3A_45, %dma_start3A] : memref<5120x64xi32, #tpu.memory_space<hbm>> -> memref<40x64xi32, #tpu.memory_space<hbm>>
      %dma_start3A_69 = arith.constant 0 : i32
      %dma_start3A_70 = tpu.memref_slice %arg3[%add3A_45, %dma_start3A_69] : memref<5120x64xi32, #tpu.memory_space<hbm>> -> memref<40x64xi32, #tpu.memory_space<hbm>>
      tpu.enqueue_dma source(%dma_start3A_70 : memref<40x64xi32, #tpu.memory_space<hbm>>) target(%arg11 : memref<40x64xi32, #tpu.memory_space<vmem>>) target_semaphore(%run_scoped3A : memref<!tpu.dma_semaphore, #tpu.memory_space<semaphore_mem>>)
      %dma_wait3A = arith.constant 0 : i32
      %dma_wait3A_71 = tpu.memref_slice %arg3[%add3A_45, %dma_wait3A] : memref<5120x64xi32, #tpu.memory_space<hbm>> -> memref<40x64xi32, #tpu.memory_space<hbm>>
      %dma_wait3A_72 = arith.constant 0 : i32
      %dma_wait3A_73 = tpu.memref_slice %arg3[%add3A_45, %dma_wait3A_72] : memref<5120x64xi32, #tpu.memory_space<hbm>> -> memref<40x64xi32, #tpu.memory_space<hbm>>
      tpu.wait_dma2 semaphore(%run_scoped3A : memref<!tpu.dma_semaphore, #tpu.memory_space<semaphore_mem>>) src(%dma_wait3A_73 : memref<40x64xi32, #tpu.memory_space<hbm>>) dst(%arg11 : memref<40x64xi32, #tpu.memory_space<vmem>>)
      tpu.yield
    }) : () -> ()
    "tpu.region"() ({
      %run_scoped3A = tpu.sem_alloc : memref<!tpu.dma_semaphore, #tpu.memory_space<semaphore_mem>>
      %dma_start3A = arith.constant 0 : i32
      %dma_start3A_68 = tpu.memref_slice %arg4[%add3A_45, %dma_start3A] : memref<5120x64xi32, #tpu.memory_space<hbm>> -> memref<40x64xi32, #tpu.memory_space<hbm>>
      %dma_start3A_69 = arith.constant 0 : i32
      %dma_start3A_70 = tpu.memref_slice %arg4[%add3A_45, %dma_start3A_69] : memref<5120x64xi32, #tpu.memory_space<hbm>> -> memref<40x64xi32, #tpu.memory_space<hbm>>
      tpu.enqueue_dma source(%dma_start3A_70 : memref<40x64xi32, #tpu.memory_space<hbm>>) target(%arg12 : memref<40x64xi32, #tpu.memory_space<vmem>>) target_semaphore(%run_scoped3A : memref<!tpu.dma_semaphore, #tpu.memory_space<semaphore_mem>>)
      %dma_wait3A = arith.constant 0 : i32
      %dma_wait3A_71 = tpu.memref_slice %arg4[%add3A_45, %dma_wait3A] : memref<5120x64xi32, #tpu.memory_space<hbm>> -> memref<40x64xi32, #tpu.memory_space<hbm>>
      %dma_wait3A_72 = arith.constant 0 : i32
      %dma_wait3A_73 = tpu.memref_slice %arg4[%add3A_45, %dma_wait3A_72] : memref<5120x64xi32, #tpu.memory_space<hbm>> -> memref<40x64xi32, #tpu.memory_space<hbm>>
      tpu.wait_dma2 semaphore(%run_scoped3A : memref<!tpu.dma_semaphore, #tpu.memory_space<semaphore_mem>>) src(%dma_wait3A_73 : memref<40x64xi32, #tpu.memory_space<hbm>>) dst(%arg12 : memref<40x64xi32, #tpu.memory_space<vmem>>)
      tpu.yield
    }) : () -> ()
    %scan3A_46 = arith.constant 0 : i32
    %scan3A_47 = arith.constant 0 : i32
    %scan3A_48 = arith.constant 11 : i32
    %scan3A_49 = arith.addi %scan3A_47, %scan3A_48 : i32
    %scan3A_50 = arith.constant 1 : i32
    scf.for %scan3A_68 = %scan3A_47 to %scan3A_49 step %scan3A_50  : i32 {
      %mul3A_69 = arith.constant 4 : i32
      %mul3A_70 = arith.muli %mul3A_69, %scan3A_68 : i32
      %add3A_71 = arith.constant 0 : i32
      %add3A_72 = arith.addi %mul3A_70, %add3A_71 : i32
      %ge3A = arith.constant 4 : i32
      %ge3A_73 = arith.cmpi sge, %add3A_72, %ge3A : i32
      %convert_element_type3A_74 = arith.extui %ge3A_73 : i1 to i32
      %cond3A_75 = arith.constant 0 : i32
      %cond3A_76 = arith.cmpi ne, %convert_element_type3A_74, %cond3A_75 : i32
      scf.if %cond3A_76 {
        %dma_wait3A = arith.constant 0 : i32
        %dma_wait3A_161 = arith.constant 0 : i32
        %dma_wait3A_162 = tpu.memref_slice %arg12[%dma_wait3A, %dma_wait3A_161] : memref<40x64xi32, #tpu.memory_space<vmem>> -> memref<1x64xi32, #tpu.memory_space<vmem>>
        %dma_wait3A_163 = tpu.memref_squeeze %dma_wait3A_162 : memref<1x64xi32, #tpu.memory_space<vmem>> -> memref<64xi32, #tpu.memory_space<vmem>>
        %dma_wait3A_164 = arith.constant 0 : i32
        %dma_wait3A_165 = arith.constant 0 : i32
        %dma_wait3A_166 = tpu.memref_slice %arg26[%dma_wait3A_164, %dma_wait3A_165] : memref<10112x128xf32, #tpu.memory_space<vmem_shared>> -> memref<10112x128xf32, #tpu.memory_space<vmem_shared>>
        tpu.wait_indirect_dma semaphore(%arg21 : memref<!tpu.dma_semaphore, #tpu.memory_space<semaphore_mem>>) src(%arg13 : memref<64x128xf32, #tpu.memory_space<vmem>>) dst(%dma_wait3A_166 : memref<10112x128xf32, #tpu.memory_space<vmem_shared>>)
      } else {
      }
      %lt3A = arith.constant 40 : i32
      %lt3A_77 = arith.cmpi slt, %add3A_72, %lt3A : i32
      %convert_element_type3A_78 = arith.extui %lt3A_77 : i1 to i32
      %cond3A_79 = arith.constant 0 : i32
      %cond3A_80 = arith.cmpi ne, %convert_element_type3A_78, %cond3A_79 : i32
      scf.if %cond3A_80 {
        %dma_start3A = arith.constant 0 : i32
        %dma_start3A_161 = tpu.memref_slice %arg11[%add3A_72, %dma_start3A] : memref<40x64xi32, #tpu.memory_space<vmem>> -> memref<1x64xi32, #tpu.memory_space<vmem>>
        %dma_start3A_162 = tpu.memref_squeeze %dma_start3A_161 : memref<1x64xi32, #tpu.memory_space<vmem>> -> memref<64xi32, #tpu.memory_space<vmem>>
        %dma_start3A_163 = arith.constant 0 : i32
        %dma_start3A_164 = arith.constant 0 : i32
        %dma_start3A_165 = tpu.memref_slice %arg2[%dma_start3A_163, %dma_start3A_164] : memref<10000x128xf32, #tpu.memory_space<hbm>> -> memref<10000x128xf32, #tpu.memory_space<hbm>>
        tpu.enqueue_indirect_dma source(%dma_start3A_165 : memref<10000x128xf32, #tpu.memory_space<hbm>>) target(%arg13 : memref<64x128xf32, #tpu.memory_space<vmem>>) offsets(%dma_start3A_162 : memref<64xi32, #tpu.memory_space<vmem>>) semaphore(%arg17 : memref<!tpu.dma_semaphore, #tpu.memory_space<semaphore_mem>>)
      } else {
      }
      %sub3A = arith.constant 2 : i32
      %sub3A_81 = arith.subi %add3A_72, %sub3A : i32
      %ge3A_82 = arith.constant 2 : i32
      %ge3A_83 = arith.cmpi sge, %add3A_72, %ge3A_82 : i32
      %lt3A_84 = arith.constant 42 : i32
      %lt3A_85 = arith.cmpi slt, %add3A_72, %lt3A_84 : i32
      %and3A = arith.andi %ge3A_83, %lt3A_85 : i1
      %convert_element_type3A_86 = arith.extui %and3A : i1 to i32
      %cond3A_87 = arith.constant 0 : i32
      %cond3A_88 = arith.cmpi ne, %convert_element_type3A_86, %cond3A_87 : i32
      scf.if %cond3A_88 {
        %dma_wait3A = arith.constant 0 : i32
        %dma_wait3A_161 = tpu.memref_slice %arg11[%sub3A_81, %dma_wait3A] : memref<40x64xi32, #tpu.memory_space<vmem>> -> memref<1x64xi32, #tpu.memory_space<vmem>>
        %dma_wait3A_162 = tpu.memref_squeeze %dma_wait3A_161 : memref<1x64xi32, #tpu.memory_space<vmem>> -> memref<64xi32, #tpu.memory_space<vmem>>
        %dma_wait3A_163 = arith.constant 0 : i32
        %dma_wait3A_164 = arith.constant 0 : i32
        %dma_wait3A_165 = tpu.memref_slice %arg2[%dma_wait3A_163, %dma_wait3A_164] : memref<10000x128xf32, #tpu.memory_space<hbm>> -> memref<10000x128xf32, #tpu.memory_space<hbm>>
        tpu.wait_indirect_dma semaphore(%arg19 : memref<!tpu.dma_semaphore, #tpu.memory_space<semaphore_mem>>) src(%dma_wait3A_165 : memref<10000x128xf32, #tpu.memory_space<hbm>>) dst(%arg15 : memref<64x128xf32, #tpu.memory_space<vmem>>)
        %dma_start3A = arith.constant 0 : i32
        %dma_start3A_166 = tpu.memref_slice %arg12[%sub3A_81, %dma_start3A] : memref<40x64xi32, #tpu.memory_space<vmem>> -> memref<1x64xi32, #tpu.memory_space<vmem>>
        %dma_start3A_167 = tpu.memref_squeeze %dma_start3A_166 : memref<1x64xi32, #tpu.memory_space<vmem>> -> memref<64xi32, #tpu.memory_space<vmem>>
        %dma_start3A_168 = arith.constant 0 : i32
        %dma_start3A_169 = arith.constant 0 : i32
        %dma_start3A_170 = tpu.memref_slice %arg26[%dma_start3A_168, %dma_start3A_169] : memref<10112x128xf32, #tpu.memory_space<vmem_shared>> -> memref<10112x128xf32, #tpu.memory_space<vmem_shared>>
        tpu.enqueue_indirect_dma source(%arg15 : memref<64x128xf32, #tpu.memory_space<vmem>>) target(%dma_start3A_170 : memref<10112x128xf32, #tpu.memory_space<vmem_shared>>) offsets(%dma_start3A_167 : memref<64xi32, #tpu.memory_space<vmem>>) semaphore(%arg23 : memref<!tpu.dma_semaphore, #tpu.memory_space<semaphore_mem>>) {add = true}
        "tpu.region"() ({
          %run_scoped3A = tpu.sem_alloc : memref<!tpu.dma_semaphore, #tpu.memory_space<semaphore_mem>>
          %dma_start3A_171 = arith.constant 0 : i32
          %dma_start3A_172 = tpu.memref_slice %arg12[%sub3A_81, %dma_start3A_171] : memref<40x64xi32, #tpu.memory_space<vmem>> -> memref<1x64xi32, #tpu.memory_space<vmem>>
          %dma_start3A_173 = tpu.memref_squeeze %dma_start3A_172 : memref<1x64xi32, #tpu.memory_space<vmem>> -> memref<64xi32, #tpu.memory_space<vmem>>
          %dma_start3A_174 = arith.constant 0 : i32
          %dma_start3A_175 = tpu.memref_slice %arg27[%dma_start3A_174] : memref<10240xf32, #tpu.memory_space<vmem_shared>> -> memref<10240xf32, #tpu.memory_space<vmem_shared>>
          tpu.enqueue_indirect_dma source(%arg25 : memref<64xf32, #tpu.memory_space<vmem>>) target(%dma_start3A_175 : memref<10240xf32, #tpu.memory_space<vmem_shared>>) offsets(%dma_start3A_173 : memref<64xi32, #tpu.memory_space<vmem>>) semaphore(%run_scoped3A : memref<!tpu.dma_semaphore, #tpu.memory_space<semaphore_mem>>) {add = true}
          %dma_wait3A_176 = arith.constant 0 : i32
          %dma_wait3A_177 = tpu.memref_slice %arg12[%sub3A_81, %dma_wait3A_176] : memref<40x64xi32, #tpu.memory_space<vmem>> -> memref<1x64xi32, #tpu.memory_space<vmem>>
          %dma_wait3A_178 = tpu.memref_squeeze %dma_wait3A_177 : memref<1x64xi32, #tpu.memory_space<vmem>> -> memref<64xi32, #tpu.memory_space<vmem>>
          %dma_wait3A_179 = arith.constant 0 : i32
          %dma_wait3A_180 = tpu.memref_slice %arg27[%dma_wait3A_179] : memref<10240xf32, #tpu.memory_space<vmem_shared>> -> memref<10240xf32, #tpu.memory_space<vmem_shared>>
          tpu.wait_indirect_dma semaphore(%run_scoped3A : memref<!tpu.dma_semaphore, #tpu.memory_space<semaphore_mem>>) src(%arg25 : memref<64xf32, #tpu.memory_space<vmem>>) dst(%dma_wait3A_180 : memref<10240xf32, #tpu.memory_space<vmem_shared>>)
          tpu.yield
        }) : () -> ()
      } else {
      }
      %mul3A_89 = arith.constant 4 : i32
      %mul3A_90 = arith.muli %mul3A_89, %scan3A_68 : i32
      %add3A_91 = arith.constant 1 : i32
      %add3A_92 = arith.addi %mul3A_90, %add3A_91 : i32
      %ge3A_93 = arith.constant 4 : i32
      %ge3A_94 = arith.cmpi sge, %add3A_92, %ge3A_93 : i32
      %convert_element_type3A_95 = arith.extui %ge3A_94 : i1 to i32
      %cond3A_96 = arith.constant 0 : i32
      %cond3A_97 = arith.cmpi ne, %convert_element_type3A_95, %cond3A_96 : i32
      scf.if %cond3A_97 {
        %dma_wait3A = arith.constant 0 : i32
        %dma_wait3A_161 = arith.constant 0 : i32
        %dma_wait3A_162 = tpu.memref_slice %arg12[%dma_wait3A, %dma_wait3A_161] : memref<40x64xi32, #tpu.memory_space<vmem>> -> memref<1x64xi32, #tpu.memory_space<vmem>>
        %dma_wait3A_163 = tpu.memref_squeeze %dma_wait3A_162 : memref<1x64xi32, #tpu.memory_space<vmem>> -> memref<64xi32, #tpu.memory_space<vmem>>
        %dma_wait3A_164 = arith.constant 0 : i32
        %dma_wait3A_165 = arith.constant 0 : i32
        %dma_wait3A_166 = tpu.memref_slice %arg26[%dma_wait3A_164, %dma_wait3A_165] : memref<10112x128xf32, #tpu.memory_space<vmem_shared>> -> memref<10112x128xf32, #tpu.memory_space<vmem_shared>>
        tpu.wait_indirect_dma semaphore(%arg22 : memref<!tpu.dma_semaphore, #tpu.memory_space<semaphore_mem>>) src(%arg14 : memref<64x128xf32, #tpu.memory_space<vmem>>) dst(%dma_wait3A_166 : memref<10112x128xf32, #tpu.memory_space<vmem_shared>>)
      } else {
      }
      %lt3A_98 = arith.constant 40 : i32
      %lt3A_99 = arith.cmpi slt, %add3A_92, %lt3A_98 : i32
      %convert_element_type3A_100 = arith.extui %lt3A_99 : i1 to i32
      %cond3A_101 = arith.constant 0 : i32
      %cond3A_102 = arith.cmpi ne, %convert_element_type3A_100, %cond3A_101 : i32
      scf.if %cond3A_102 {
        %dma_start3A = arith.constant 0 : i32
        %dma_start3A_161 = tpu.memref_slice %arg11[%add3A_92, %dma_start3A] : memref<40x64xi32, #tpu.memory_space<vmem>> -> memref<1x64xi32, #tpu.memory_space<vmem>>
        %dma_start3A_162 = tpu.memref_squeeze %dma_start3A_161 : memref<1x64xi32, #tpu.memory_space<vmem>> -> memref<64xi32, #tpu.memory_space<vmem>>
        %dma_start3A_163 = arith.constant 0 : i32
        %dma_start3A_164 = arith.constant 0 : i32
        %dma_start3A_165 = tpu.memref_slice %arg2[%dma_start3A_163, %dma_start3A_164] : memref<10000x128xf32, #tpu.memory_space<hbm>> -> memref<10000x128xf32, #tpu.memory_space<hbm>>
        tpu.enqueue_indirect_dma source(%dma_start3A_165 : memref<10000x128xf32, #tpu.memory_space<hbm>>) target(%arg14 : memref<64x128xf32, #tpu.memory_space<vmem>>) offsets(%dma_start3A_162 : memref<64xi32, #tpu.memory_space<vmem>>) semaphore(%arg18 : memref<!tpu.dma_semaphore, #tpu.memory_space<semaphore_mem>>)
      } else {
      }
      %sub3A_103 = arith.constant 2 : i32
      %sub3A_104 = arith.subi %add3A_92, %sub3A_103 : i32
      %ge3A_105 = arith.constant 2 : i32
      %ge3A_106 = arith.cmpi sge, %add3A_92, %ge3A_105 : i32
      %lt3A_107 = arith.constant 42 : i32
      %lt3A_108 = arith.cmpi slt, %add3A_92, %lt3A_107 : i32
      %and3A_109 = arith.andi %ge3A_106, %lt3A_108 : i1
      %convert_element_type3A_110 = arith.extui %and3A_109 : i1 to i32
      %cond3A_111 = arith.constant 0 : i32
      %cond3A_112 = arith.cmpi ne, %convert_element_type3A_110, %cond3A_111 : i32
      scf.if %cond3A_112 {
        %dma_wait3A = arith.constant 0 : i32
        %dma_wait3A_161 = tpu.memref_slice %arg11[%sub3A_104, %dma_wait3A] : memref<40x64xi32, #tpu.memory_space<vmem>> -> memref<1x64xi32, #tpu.memory_space<vmem>>
        %dma_wait3A_162 = tpu.memref_squeeze %dma_wait3A_161 : memref<1x64xi32, #tpu.memory_space<vmem>> -> memref<64xi32, #tpu.memory_space<vmem>>
        %dma_wait3A_163 = arith.constant 0 : i32
        %dma_wait3A_164 = arith.constant 0 : i32
        %dma_wait3A_165 = tpu.memref_slice %arg2[%dma_wait3A_163, %dma_wait3A_164] : memref<10000x128xf32, #tpu.memory_space<hbm>> -> memref<10000x128xf32, #tpu.memory_space<hbm>>
        tpu.wait_indirect_dma semaphore(%arg20 : memref<!tpu.dma_semaphore, #tpu.memory_space<semaphore_mem>>) src(%dma_wait3A_165 : memref<10000x128xf32, #tpu.memory_space<hbm>>) dst(%arg16 : memref<64x128xf32, #tpu.memory_space<vmem>>)
        %dma_start3A = arith.constant 0 : i32
        %dma_start3A_166 = tpu.memref_slice %arg12[%sub3A_104, %dma_start3A] : memref<40x64xi32, #tpu.memory_space<vmem>> -> memref<1x64xi32, #tpu.memory_space<vmem>>
        %dma_start3A_167 = tpu.memref_squeeze %dma_start3A_166 : memref<1x64xi32, #tpu.memory_space<vmem>> -> memref<64xi32, #tpu.memory_space<vmem>>
        %dma_start3A_168 = arith.constant 0 : i32
        %dma_start3A_169 = arith.constant 0 : i32
        %dma_start3A_170 = tpu.memref_slice %arg26[%dma_start3A_168, %dma_start3A_169] : memref<10112x128xf32, #tpu.memory_space<vmem_shared>> -> memref<10112x128xf32, #tpu.memory_space<vmem_shared>>
        tpu.enqueue_indirect_dma source(%arg16 : memref<64x128xf32, #tpu.memory_space<vmem>>) target(%dma_start3A_170 : memref<10112x128xf32, #tpu.memory_space<vmem_shared>>) offsets(%dma_start3A_167 : memref<64xi32, #tpu.memory_space<vmem>>) semaphore(%arg24 : memref<!tpu.dma_semaphore, #tpu.memory_space<semaphore_mem>>) {add = true}
        "tpu.region"() ({
          %run_scoped3A = tpu.sem_alloc : memref<!tpu.dma_semaphore, #tpu.memory_space<semaphore_mem>>
          %dma_start3A_171 = arith.constant 0 : i32
          %dma_start3A_172 = tpu.memref_slice %arg12[%sub3A_104, %dma_start3A_171] : memref<40x64xi32, #tpu.memory_space<vmem>> -> memref<1x64xi32, #tpu.memory_space<vmem>>
          %dma_start3A_173 = tpu.memref_squeeze %dma_start3A_172 : memref<1x64xi32, #tpu.memory_space<vmem>> -> memref<64xi32, #tpu.memory_space<vmem>>
          %dma_start3A_174 = arith.constant 0 : i32
          %dma_start3A_175 = tpu.memref_slice %arg27[%dma_start3A_174] : memref<10240xf32, #tpu.memory_space<vmem_shared>> -> memref<10240xf32, #tpu.memory_space<vmem_shared>>
          tpu.enqueue_indirect_dma source(%arg25 : memref<64xf32, #tpu.memory_space<vmem>>) target(%dma_start3A_175 : memref<10240xf32, #tpu.memory_space<vmem_shared>>) offsets(%dma_start3A_173 : memref<64xi32, #tpu.memory_space<vmem>>) semaphore(%run_scoped3A : memref<!tpu.dma_semaphore, #tpu.memory_space<semaphore_mem>>) {add = true}
          %dma_wait3A_176 = arith.constant 0 : i32
          %dma_wait3A_177 = tpu.memref_slice %arg12[%sub3A_104, %dma_wait3A_176] : memref<40x64xi32, #tpu.memory_space<vmem>> -> memref<1x64xi32, #tpu.memory_space<vmem>>
          %dma_wait3A_178 = tpu.memref_squeeze %dma_wait3A_177 : memref<1x64xi32, #tpu.memory_space<vmem>> -> memref<64xi32, #tpu.memory_space<vmem>>
          %dma_wait3A_179 = arith.constant 0 : i32
          %dma_wait3A_180 = tpu.memref_slice %arg27[%dma_wait3A_179] : memref<10240xf32, #tpu.memory_space<vmem_shared>> -> memref<10240xf32, #tpu.memory_space<vmem_shared>>
          tpu.wait_indirect_dma semaphore(%run_scoped3A : memref<!tpu.dma_semaphore, #tpu.memory_space<semaphore_mem>>) src(%arg25 : memref<64xf32, #tpu.memory_space<vmem>>) dst(%dma_wait3A_180 : memref<10240xf32, #tpu.memory_space<vmem_shared>>)
          tpu.yield
        }) : () -> ()
      } else {
      }
      %mul3A_113 = arith.constant 4 : i32
      %mul3A_114 = arith.muli %mul3A_113, %scan3A_68 : i32
      %add3A_115 = arith.constant 2 : i32
      %add3A_116 = arith.addi %mul3A_114, %add3A_115 : i32
      %ge3A_117 = arith.constant 4 : i32
      %ge3A_118 = arith.cmpi sge, %add3A_116, %ge3A_117 : i32
      %convert_element_type3A_119 = arith.extui %ge3A_118 : i1 to i32
      %cond3A_120 = arith.constant 0 : i32
      %cond3A_121 = arith.cmpi ne, %convert_element_type3A_119, %cond3A_120 : i32
      scf.if %cond3A_121 {
        %dma_wait3A = arith.constant 0 : i32
        %dma_wait3A_161 = arith.constant 0 : i32
        %dma_wait3A_162 = tpu.memref_slice %arg12[%dma_wait3A, %dma_wait3A_161] : memref<40x64xi32, #tpu.memory_space<vmem>> -> memref<1x64xi32, #tpu.memory_space<vmem>>
        %dma_wait3A_163 = tpu.memref_squeeze %dma_wait3A_162 : memref<1x64xi32, #tpu.memory_space<vmem>> -> memref<64xi32, #tpu.memory_space<vmem>>
        %dma_wait3A_164 = arith.constant 0 : i32
        %dma_wait3A_165 = arith.constant 0 : i32
        %dma_wait3A_166 = tpu.memref_slice %arg26[%dma_wait3A_164, %dma_wait3A_165] : memref<10112x128xf32, #tpu.memory_space<vmem_shared>> -> memref<10112x128xf32, #tpu.memory_space<vmem_shared>>
        tpu.wait_indirect_dma semaphore(%arg23 : memref<!tpu.dma_semaphore, #tpu.memory_space<semaphore_mem>>) src(%arg15 : memref<64x128xf32, #tpu.memory_space<vmem>>) dst(%dma_wait3A_166 : memref<10112x128xf32, #tpu.memory_space<vmem_shared>>)
      } else {
      }
      %lt3A_122 = arith.constant 40 : i32
      %lt3A_123 = arith.cmpi slt, %add3A_116, %lt3A_122 : i32
      %convert_element_type3A_124 = arith.extui %lt3A_123 : i1 to i32
      %cond3A_125 = arith.constant 0 : i32
      %cond3A_126 = arith.cmpi ne, %convert_element_type3A_124, %cond3A_125 : i32
      scf.if %cond3A_126 {
        %dma_start3A = arith.constant 0 : i32
        %dma_start3A_161 = tpu.memref_slice %arg11[%add3A_116, %dma_start3A] : memref<40x64xi32, #tpu.memory_space<vmem>> -> memref<1x64xi32, #tpu.memory_space<vmem>>
        %dma_start3A_162 = tpu.memref_squeeze %dma_start3A_161 : memref<1x64xi32, #tpu.memory_space<vmem>> -> memref<64xi32, #tpu.memory_space<vmem>>
        %dma_start3A_163 = arith.constant 0 : i32
        %dma_start3A_164 = arith.constant 0 : i32
        %dma_start3A_165 = tpu.memref_slice %arg2[%dma_start3A_163, %dma_start3A_164] : memref<10000x128xf32, #tpu.memory_space<hbm>> -> memref<10000x128xf32, #tpu.memory_space<hbm>>
        tpu.enqueue_indirect_dma source(%dma_start3A_165 : memref<10000x128xf32, #tpu.memory_space<hbm>>) target(%arg15 : memref<64x128xf32, #tpu.memory_space<vmem>>) offsets(%dma_start3A_162 : memref<64xi32, #tpu.memory_space<vmem>>) semaphore(%arg19 : memref<!tpu.dma_semaphore, #tpu.memory_space<semaphore_mem>>)
      } else {
      }
      %sub3A_127 = arith.constant 2 : i32
      %sub3A_128 = arith.subi %add3A_116, %sub3A_127 : i32
      %ge3A_129 = arith.constant 2 : i32
      %ge3A_130 = arith.cmpi sge, %add3A_116, %ge3A_129 : i32
      %lt3A_131 = arith.constant 42 : i32
      %lt3A_132 = arith.cmpi slt, %add3A_116, %lt3A_131 : i32
      %and3A_133 = arith.andi %ge3A_130, %lt3A_132 : i1
      %convert_element_type3A_134 = arith.extui %and3A_133 : i1 to i32
      %cond3A_135 = arith.constant 0 : i32
      %cond3A_136 = arith.cmpi ne, %convert_element_type3A_134, %cond3A_135 : i32
      scf.if %cond3A_136 {
        %dma_wait3A = arith.constant 0 : i32
        %dma_wait3A_161 = tpu.memref_slice %arg11[%sub3A_128, %dma_wait3A] : memref<40x64xi32, #tpu.memory_space<vmem>> -> memref<1x64xi32, #tpu.memory_space<vmem>>
        %dma_wait3A_162 = tpu.memref_squeeze %dma_wait3A_161 : memref<1x64xi32, #tpu.memory_space<vmem>> -> memref<64xi32, #tpu.memory_space<vmem>>
        %dma_wait3A_163 = arith.constant 0 : i32
        %dma_wait3A_164 = arith.constant 0 : i32
        %dma_wait3A_165 = tpu.memref_slice %arg2[%dma_wait3A_163, %dma_wait3A_164] : memref<10000x128xf32, #tpu.memory_space<hbm>> -> memref<10000x128xf32, #tpu.memory_space<hbm>>
        tpu.wait_indirect_dma semaphore(%arg17 : memref<!tpu.dma_semaphore, #tpu.memory_space<semaphore_mem>>) src(%dma_wait3A_165 : memref<10000x128xf32, #tpu.memory_space<hbm>>) dst(%arg13 : memref<64x128xf32, #tpu.memory_space<vmem>>)
        %dma_start3A = arith.constant 0 : i32
        %dma_start3A_166 = tpu.memref_slice %arg12[%sub3A_128, %dma_start3A] : memref<40x64xi32, #tpu.memory_space<vmem>> -> memref<1x64xi32, #tpu.memory_space<vmem>>
        %dma_start3A_167 = tpu.memref_squeeze %dma_start3A_166 : memref<1x64xi32, #tpu.memory_space<vmem>> -> memref<64xi32, #tpu.memory_space<vmem>>
        %dma_start3A_168 = arith.constant 0 : i32
        %dma_start3A_169 = arith.constant 0 : i32
        %dma_start3A_170 = tpu.memref_slice %arg26[%dma_start3A_168, %dma_start3A_169] : memref<10112x128xf32, #tpu.memory_space<vmem_shared>> -> memref<10112x128xf32, #tpu.memory_space<vmem_shared>>
        tpu.enqueue_indirect_dma source(%arg13 : memref<64x128xf32, #tpu.memory_space<vmem>>) target(%dma_start3A_170 : memref<10112x128xf32, #tpu.memory_space<vmem_shared>>) offsets(%dma_start3A_167 : memref<64xi32, #tpu.memory_space<vmem>>) semaphore(%arg21 : memref<!tpu.dma_semaphore, #tpu.memory_space<semaphore_mem>>) {add = true}
        "tpu.region"() ({
          %run_scoped3A = tpu.sem_alloc : memref<!tpu.dma_semaphore, #tpu.memory_space<semaphore_mem>>
          %dma_start3A_171 = arith.constant 0 : i32
          %dma_start3A_172 = tpu.memref_slice %arg12[%sub3A_128, %dma_start3A_171] : memref<40x64xi32, #tpu.memory_space<vmem>> -> memref<1x64xi32, #tpu.memory_space<vmem>>
          %dma_start3A_173 = tpu.memref_squeeze %dma_start3A_172 : memref<1x64xi32, #tpu.memory_space<vmem>> -> memref<64xi32, #tpu.memory_space<vmem>>
          %dma_start3A_174 = arith.constant 0 : i32
          %dma_start3A_175 = tpu.memref_slice %arg27[%dma_start3A_174] : memref<10240xf32, #tpu.memory_space<vmem_shared>> -> memref<10240xf32, #tpu.memory_space<vmem_shared>>
          tpu.enqueue_indirect_dma source(%arg25 : memref<64xf32, #tpu.memory_space<vmem>>) target(%dma_start3A_175 : memref<10240xf32, #tpu.memory_space<vmem_shared>>) offsets(%dma_start3A_173 : memref<64xi32, #tpu.memory_space<vmem>>) semaphore(%run_scoped3A : memref<!tpu.dma_semaphore, #tpu.memory_space<semaphore_mem>>) {add = true}
          %dma_wait3A_176 = arith.constant 0 : i32
          %dma_wait3A_177 = tpu.memref_slice %arg12[%sub3A_128, %dma_wait3A_176] : memref<40x64xi32, #tpu.memory_space<vmem>> -> memref<1x64xi32, #tpu.memory_space<vmem>>
          %dma_wait3A_178 = tpu.memref_squeeze %dma_wait3A_177 : memref<1x64xi32, #tpu.memory_space<vmem>> -> memref<64xi32, #tpu.memory_space<vmem>>
          %dma_wait3A_179 = arith.constant 0 : i32
          %dma_wait3A_180 = tpu.memref_slice %arg27[%dma_wait3A_179] : memref<10240xf32, #tpu.memory_space<vmem_shared>> -> memref<10240xf32, #tpu.memory_space<vmem_shared>>
          tpu.wait_indirect_dma semaphore(%run_scoped3A : memref<!tpu.dma_semaphore, #tpu.memory_space<semaphore_mem>>) src(%arg25 : memref<64xf32, #tpu.memory_space<vmem>>) dst(%dma_wait3A_180 : memref<10240xf32, #tpu.memory_space<vmem_shared>>)
          tpu.yield
        }) : () -> ()
      } else {
      }
      %mul3A_137 = arith.constant 4 : i32
      %mul3A_138 = arith.muli %mul3A_137, %scan3A_68 : i32
      %add3A_139 = arith.constant 3 : i32
      %add3A_140 = arith.addi %mul3A_138, %add3A_139 : i32
      %ge3A_141 = arith.constant 4 : i32
      %ge3A_142 = arith.cmpi sge, %add3A_140, %ge3A_141 : i32
      %convert_element_type3A_143 = arith.extui %ge3A_142 : i1 to i32
      %cond3A_144 = arith.constant 0 : i32
      %cond3A_145 = arith.cmpi ne, %convert_element_type3A_143, %cond3A_144 : i32
      scf.if %cond3A_145 {
        %dma_wait3A = arith.constant 0 : i32
        %dma_wait3A_161 = arith.constant 0 : i32
        %dma_wait3A_162 = tpu.memref_slice %arg12[%dma_wait3A, %dma_wait3A_161] : memref<40x64xi32, #tpu.memory_space<vmem>> -> memref<1x64xi32, #tpu.memory_space<vmem>>
        %dma_wait3A_163 = tpu.memref_squeeze %dma_wait3A_162 : memref<1x64xi32, #tpu.memory_space<vmem>> -> memref<64xi32, #tpu.memory_space<vmem>>
        %dma_wait3A_164 = arith.constant 0 : i32
        %dma_wait3A_165 = arith.constant 0 : i32
        %dma_wait3A_166 = tpu.memref_slice %arg26[%dma_wait3A_164, %dma_wait3A_165] : memref<10112x128xf32, #tpu.memory_space<vmem_shared>> -> memref<10112x128xf32, #tpu.memory_space<vmem_shared>>
        tpu.wait_indirect_dma semaphore(%arg24 : memref<!tpu.dma_semaphore, #tpu.memory_space<semaphore_mem>>) src(%arg16 : memref<64x128xf32, #tpu.memory_space<vmem>>) dst(%dma_wait3A_166 : memref<10112x128xf32, #tpu.memory_space<vmem_shared>>)
      } else {
      }
      %lt3A_146 = arith.constant 40 : i32
      %lt3A_147 = arith.cmpi slt, %add3A_140, %lt3A_146 : i32
      %convert_element_type3A_148 = arith.extui %lt3A_147 : i1 to i32
      %cond3A_149 = arith.constant 0 : i32
      %cond3A_150 = arith.cmpi ne, %convert_element_type3A_148, %cond3A_149 : i32
      scf.if %cond3A_150 {
        %dma_start3A = arith.constant 0 : i32
        %dma_start3A_161 = tpu.memref_slice %arg11[%add3A_140, %dma_start3A] : memref<40x64xi32, #tpu.memory_space<vmem>> -> memref<1x64xi32, #tpu.memory_space<vmem>>
        %dma_start3A_162 = tpu.memref_squeeze %dma_start3A_161 : memref<1x64xi32, #tpu.memory_space<vmem>> -> memref<64xi32, #tpu.memory_space<vmem>>
        %dma_start3A_163 = arith.constant 0 : i32
        %dma_start3A_164 = arith.constant 0 : i32
        %dma_start3A_165 = tpu.memref_slice %arg2[%dma_start3A_163, %dma_start3A_164] : memref<10000x128xf32, #tpu.memory_space<hbm>> -> memref<10000x128xf32, #tpu.memory_space<hbm>>
        tpu.enqueue_indirect_dma source(%dma_start3A_165 : memref<10000x128xf32, #tpu.memory_space<hbm>>) target(%arg16 : memref<64x128xf32, #tpu.memory_space<vmem>>) offsets(%dma_start3A_162 : memref<64xi32, #tpu.memory_space<vmem>>) semaphore(%arg20 : memref<!tpu.dma_semaphore, #tpu.memory_space<semaphore_mem>>)
      } else {
      }
      %sub3A_151 = arith.constant 2 : i32
      %sub3A_152 = arith.subi %add3A_140, %sub3A_151 : i32
      %ge3A_153 = arith.constant 2 : i32
      %ge3A_154 = arith.cmpi sge, %add3A_140, %ge3A_153 : i32
      %lt3A_155 = arith.constant 42 : i32
      %lt3A_156 = arith.cmpi slt, %add3A_140, %lt3A_155 : i32
      %and3A_157 = arith.andi %ge3A_154, %lt3A_156 : i1
      %convert_element_type3A_158 = arith.extui %and3A_157 : i1 to i32
      %cond3A_159 = arith.constant 0 : i32
      %cond3A_160 = arith.cmpi ne, %convert_element_type3A_158, %cond3A_159 : i32
      scf.if %cond3A_160 {
        %dma_wait3A = arith.constant 0 : i32
        %dma_wait3A_161 = tpu.memref_slice %arg11[%sub3A_152, %dma_wait3A] : memref<40x64xi32, #tpu.memory_space<vmem>> -> memref<1x64xi32, #tpu.memory_space<vmem>>
        %dma_wait3A_162 = tpu.memref_squeeze %dma_wait3A_161 : memref<1x64xi32, #tpu.memory_space<vmem>> -> memref<64xi32, #tpu.memory_space<vmem>>
        %dma_wait3A_163 = arith.constant 0 : i32
        %dma_wait3A_164 = arith.constant 0 : i32
        %dma_wait3A_165 = tpu.memref_slice %arg2[%dma_wait3A_163, %dma_wait3A_164] : memref<10000x128xf32, #tpu.memory_space<hbm>> -> memref<10000x128xf32, #tpu.memory_space<hbm>>
        tpu.wait_indirect_dma semaphore(%arg18 : memref<!tpu.dma_semaphore, #tpu.memory_space<semaphore_mem>>) src(%dma_wait3A_165 : memref<10000x128xf32, #tpu.memory_space<hbm>>) dst(%arg14 : memref<64x128xf32, #tpu.memory_space<vmem>>)
        %dma_start3A = arith.constant 0 : i32
        %dma_start3A_166 = tpu.memref_slice %arg12[%sub3A_152, %dma_start3A] : memref<40x64xi32, #tpu.memory_space<vmem>> -> memref<1x64xi32, #tpu.memory_space<vmem>>
        %dma_start3A_167 = tpu.memref_squeeze %dma_start3A_166 : memref<1x64xi32, #tpu.memory_space<vmem>> -> memref<64xi32, #tpu.memory_space<vmem>>
        %dma_start3A_168 = arith.constant 0 : i32
        %dma_start3A_169 = arith.constant 0 : i32
        %dma_start3A_170 = tpu.memref_slice %arg26[%dma_start3A_168, %dma_start3A_169] : memref<10112x128xf32, #tpu.memory_space<vmem_shared>> -> memref<10112x128xf32, #tpu.memory_space<vmem_shared>>
        tpu.enqueue_indirect_dma source(%arg14 : memref<64x128xf32, #tpu.memory_space<vmem>>) target(%dma_start3A_170 : memref<10112x128xf32, #tpu.memory_space<vmem_shared>>) offsets(%dma_start3A_167 : memref<64xi32, #tpu.memory_space<vmem>>) semaphore(%arg22 : memref<!tpu.dma_semaphore, #tpu.memory_space<semaphore_mem>>) {add = true}
        "tpu.region"() ({
          %run_scoped3A = tpu.sem_alloc : memref<!tpu.dma_semaphore, #tpu.memory_space<semaphore_mem>>
          %dma_start3A_171 = arith.constant 0 : i32
          %dma_start3A_172 = tpu.memref_slice %arg12[%sub3A_152, %dma_start3A_171] : memref<40x64xi32, #tpu.memory_space<vmem>> -> memref<1x64xi32, #tpu.memory_space<vmem>>
          %dma_start3A_173 = tpu.memref_squeeze %dma_start3A_172 : memref<1x64xi32, #tpu.memory_space<vmem>> -> memref<64xi32, #tpu.memory_space<vmem>>
          %dma_start3A_174 = arith.constant 0 : i32
          %dma_start3A_175 = tpu.memref_slice %arg27[%dma_start3A_174] : memref<10240xf32, #tpu.memory_space<vmem_shared>> -> memref<10240xf32, #tpu.memory_space<vmem_shared>>
          tpu.enqueue_indirect_dma source(%arg25 : memref<64xf32, #tpu.memory_space<vmem>>) target(%dma_start3A_175 : memref<10240xf32, #tpu.memory_space<vmem_shared>>) offsets(%dma_start3A_173 : memref<64xi32, #tpu.memory_space<vmem>>) semaphore(%run_scoped3A : memref<!tpu.dma_semaphore, #tpu.memory_space<semaphore_mem>>) {add = true}
          %dma_wait3A_176 = arith.constant 0 : i32
          %dma_wait3A_177 = tpu.memref_slice %arg12[%sub3A_152, %dma_wait3A_176] : memref<40x64xi32, #tpu.memory_space<vmem>> -> memref<1x64xi32, #tpu.memory_space<vmem>>
          %dma_wait3A_178 = tpu.memref_squeeze %dma_wait3A_177 : memref<1x64xi32, #tpu.memory_space<vmem>> -> memref<64xi32, #tpu.memory_space<vmem>>
          %dma_wait3A_179 = arith.constant 0 : i32
          %dma_wait3A_180 = tpu.memref_slice %arg27[%dma_wait3A_179] : memref<10240xf32, #tpu.memory_space<vmem_shared>> -> memref<10240xf32, #tpu.memory_space<vmem_shared>>
          tpu.wait_indirect_dma semaphore(%run_scoped3A : memref<!tpu.dma_semaphore, #tpu.memory_space<semaphore_mem>>) src(%arg25 : memref<64xf32, #tpu.memory_space<vmem>>) dst(%dma_wait3A_180 : memref<10240xf32, #tpu.memory_space<vmem_shared>>)
          tpu.yield
        }) : () -> ()
      } else {
      }
    }
    %scan3A_51 = arith.constant 11 : i32
    %add3A_52 = arith.constant 120 : i32
    %add3A_53 = arith.addi %mul3A_2, %add3A_52 : i32
    "tpu.region"() ({
      %run_scoped3A = tpu.sem_alloc : memref<!tpu.dma_semaphore, #tpu.memory_space<semaphore_mem>>
      %dma_start3A = arith.constant 0 : i32
      %dma_start3A_68 = tpu.memref_slice %arg3[%add3A_53, %dma_start3A] : memref<5120x64xi32, #tpu.memory_space<hbm>> -> memref<40x64xi32, #tpu.memory_space<hbm>>
      %dma_start3A_69 = arith.constant 0 : i32
      %dma_start3A_70 = tpu.memref_slice %arg3[%add3A_53, %dma_start3A_69] : memref<5120x64xi32, #tpu.memory_space<hbm>> -> memref<40x64xi32, #tpu.memory_space<hbm>>
      tpu.enqueue_dma source(%dma_start3A_70 : memref<40x64xi32, #tpu.memory_space<hbm>>) target(%arg11 : memref<40x64xi32, #tpu.memory_space<vmem>>) target_semaphore(%run_scoped3A : memref<!tpu.dma_semaphore, #tpu.memory_space<semaphore_mem>>)
      %dma_wait3A = arith.constant 0 : i32
      %dma_wait3A_71 = tpu.memref_slice %arg3[%add3A_53, %dma_wait3A] : memref<5120x64xi32, #tpu.memory_space<hbm>> -> memref<40x64xi32, #tpu.memory_space<hbm>>
      %dma_wait3A_72 = arith.constant 0 : i32
      %dma_wait3A_73 = tpu.memref_slice %arg3[%add3A_53, %dma_wait3A_72] : memref<5120x64xi32, #tpu.memory_space<hbm>> -> memref<40x64xi32, #tpu.memory_space<hbm>>
      tpu.wait_dma2 semaphore(%run_scoped3A : memref<!tpu.dma_semaphore, #tpu.memory_space<semaphore_mem>>) src(%dma_wait3A_73 : memref<40x64xi32, #tpu.memory_space<hbm>>) dst(%arg11 : memref<40x64xi32, #tpu.memory_space<vmem>>)
      tpu.yield
    }) : () -> ()
    "tpu.region"() ({
      %run_scoped3A = tpu.sem_alloc : memref<!tpu.dma_semaphore, #tpu.memory_space<semaphore_mem>>
      %dma_start3A = arith.constant 0 : i32
      %dma_start3A_68 = tpu.memref_slice %arg4[%add3A_53, %dma_start3A] : memref<5120x64xi32, #tpu.memory_space<hbm>> -> memref<40x64xi32, #tpu.memory_space<hbm>>
      %dma_start3A_69 = arith.constant 0 : i32
      %dma_start3A_70 = tpu.memref_slice %arg4[%add3A_53, %dma_start3A_69] : memref<5120x64xi32, #tpu.memory_space<hbm>> -> memref<40x64xi32, #tpu.memory_space<hbm>>
      tpu.enqueue_dma source(%dma_start3A_70 : memref<40x64xi32, #tpu.memory_space<hbm>>) target(%arg12 : memref<40x64xi32, #tpu.memory_space<vmem>>) target_semaphore(%run_scoped3A : memref<!tpu.dma_semaphore, #tpu.memory_space<semaphore_mem>>)
      %dma_wait3A = arith.constant 0 : i32
      %dma_wait3A_71 = tpu.memref_slice %arg4[%add3A_53, %dma_wait3A] : memref<5120x64xi32, #tpu.memory_space<hbm>> -> memref<40x64xi32, #tpu.memory_space<hbm>>
      %dma_wait3A_72 = arith.constant 0 : i32
      %dma_wait3A_73 = tpu.memref_slice %arg4[%add3A_53, %dma_wait3A_72] : memref<5120x64xi32, #tpu.memory_space<hbm>> -> memref<40x64xi32, #tpu.memory_space<hbm>>
      tpu.wait_dma2 semaphore(%run_scoped3A : memref<!tpu.dma_semaphore, #tpu.memory_space<semaphore_mem>>) src(%dma_wait3A_73 : memref<40x64xi32, #tpu.memory_space<hbm>>) dst(%arg12 : memref<40x64xi32, #tpu.memory_space<vmem>>)
      tpu.yield
    }) : () -> ()
    %scan3A_54 = arith.constant 0 : i32
    %scan3A_55 = arith.constant 0 : i32
    %scan3A_56 = arith.constant 11 : i32
    %scan3A_57 = arith.addi %scan3A_55, %scan3A_56 : i32
    %scan3A_58 = arith.constant 1 : i32
    scf.for %scan3A_68 = %scan3A_55 to %scan3A_57 step %scan3A_58  : i32 {
      %mul3A_69 = arith.constant 4 : i32
      %mul3A_70 = arith.muli %mul3A_69, %scan3A_68 : i32
      %add3A_71 = arith.constant 0 : i32
      %add3A_72 = arith.addi %mul3A_70, %add3A_71 : i32
      %ge3A = arith.constant 4 : i32
      %ge3A_73 = arith.cmpi sge, %add3A_72, %ge3A : i32
      %convert_element_type3A_74 = arith.extui %ge3A_73 : i1 to i32
      %cond3A_75 = arith.constant 0 : i32
      %cond3A_76 = arith.cmpi ne, %convert_element_type3A_74, %cond3A_75 : i32
      scf.if %cond3A_76 {
        %dma_wait3A = arith.constant 0 : i32
        %dma_wait3A_161 = arith.constant 0 : i32
        %dma_wait3A_162 = tpu.memref_slice %arg12[%dma_wait3A, %dma_wait3A_161] : memref<40x64xi32, #tpu.memory_space<vmem>> -> memref<1x64xi32, #tpu.memory_space<vmem>>
        %dma_wait3A_163 = tpu.memref_squeeze %dma_wait3A_162 : memref<1x64xi32, #tpu.memory_space<vmem>> -> memref<64xi32, #tpu.memory_space<vmem>>
        %dma_wait3A_164 = arith.constant 0 : i32
        %dma_wait3A_165 = arith.constant 0 : i32
        %dma_wait3A_166 = tpu.memref_slice %arg26[%dma_wait3A_164, %dma_wait3A_165] : memref<10112x128xf32, #tpu.memory_space<vmem_shared>> -> memref<10112x128xf32, #tpu.memory_space<vmem_shared>>
        tpu.wait_indirect_dma semaphore(%arg21 : memref<!tpu.dma_semaphore, #tpu.memory_space<semaphore_mem>>) src(%arg13 : memref<64x128xf32, #tpu.memory_space<vmem>>) dst(%dma_wait3A_166 : memref<10112x128xf32, #tpu.memory_space<vmem_shared>>)
      } else {
      }
      %lt3A = arith.constant 40 : i32
      %lt3A_77 = arith.cmpi slt, %add3A_72, %lt3A : i32
      %convert_element_type3A_78 = arith.extui %lt3A_77 : i1 to i32
      %cond3A_79 = arith.constant 0 : i32
      %cond3A_80 = arith.cmpi ne, %convert_element_type3A_78, %cond3A_79 : i32
      scf.if %cond3A_80 {
        %dma_start3A = arith.constant 0 : i32
        %dma_start3A_161 = tpu.memref_slice %arg11[%add3A_72, %dma_start3A] : memref<40x64xi32, #tpu.memory_space<vmem>> -> memref<1x64xi32, #tpu.memory_space<vmem>>
        %dma_start3A_162 = tpu.memref_squeeze %dma_start3A_161 : memref<1x64xi32, #tpu.memory_space<vmem>> -> memref<64xi32, #tpu.memory_space<vmem>>
        %dma_start3A_163 = arith.constant 0 : i32
        %dma_start3A_164 = arith.constant 0 : i32
        %dma_start3A_165 = tpu.memref_slice %arg2[%dma_start3A_163, %dma_start3A_164] : memref<10000x128xf32, #tpu.memory_space<hbm>> -> memref<10000x128xf32, #tpu.memory_space<hbm>>
        tpu.enqueue_indirect_dma source(%dma_start3A_165 : memref<10000x128xf32, #tpu.memory_space<hbm>>) target(%arg13 : memref<64x128xf32, #tpu.memory_space<vmem>>) offsets(%dma_start3A_162 : memref<64xi32, #tpu.memory_space<vmem>>) semaphore(%arg17 : memref<!tpu.dma_semaphore, #tpu.memory_space<semaphore_mem>>)
      } else {
      }
      %sub3A = arith.constant 2 : i32
      %sub3A_81 = arith.subi %add3A_72, %sub3A : i32
      %ge3A_82 = arith.constant 2 : i32
      %ge3A_83 = arith.cmpi sge, %add3A_72, %ge3A_82 : i32
      %lt3A_84 = arith.constant 42 : i32
      %lt3A_85 = arith.cmpi slt, %add3A_72, %lt3A_84 : i32
      %and3A = arith.andi %ge3A_83, %lt3A_85 : i1
      %convert_element_type3A_86 = arith.extui %and3A : i1 to i32
      %cond3A_87 = arith.constant 0 : i32
      %cond3A_88 = arith.cmpi ne, %convert_element_type3A_86, %cond3A_87 : i32
      scf.if %cond3A_88 {
        %dma_wait3A = arith.constant 0 : i32
        %dma_wait3A_161 = tpu.memref_slice %arg11[%sub3A_81, %dma_wait3A] : memref<40x64xi32, #tpu.memory_space<vmem>> -> memref<1x64xi32, #tpu.memory_space<vmem>>
        %dma_wait3A_162 = tpu.memref_squeeze %dma_wait3A_161 : memref<1x64xi32, #tpu.memory_space<vmem>> -> memref<64xi32, #tpu.memory_space<vmem>>
        %dma_wait3A_163 = arith.constant 0 : i32
        %dma_wait3A_164 = arith.constant 0 : i32
        %dma_wait3A_165 = tpu.memref_slice %arg2[%dma_wait3A_163, %dma_wait3A_164] : memref<10000x128xf32, #tpu.memory_space<hbm>> -> memref<10000x128xf32, #tpu.memory_space<hbm>>
        tpu.wait_indirect_dma semaphore(%arg19 : memref<!tpu.dma_semaphore, #tpu.memory_space<semaphore_mem>>) src(%dma_wait3A_165 : memref<10000x128xf32, #tpu.memory_space<hbm>>) dst(%arg15 : memref<64x128xf32, #tpu.memory_space<vmem>>)
        %dma_start3A = arith.constant 0 : i32
        %dma_start3A_166 = tpu.memref_slice %arg12[%sub3A_81, %dma_start3A] : memref<40x64xi32, #tpu.memory_space<vmem>> -> memref<1x64xi32, #tpu.memory_space<vmem>>
        %dma_start3A_167 = tpu.memref_squeeze %dma_start3A_166 : memref<1x64xi32, #tpu.memory_space<vmem>> -> memref<64xi32, #tpu.memory_space<vmem>>
        %dma_start3A_168 = arith.constant 0 : i32
        %dma_start3A_169 = arith.constant 0 : i32
        %dma_start3A_170 = tpu.memref_slice %arg26[%dma_start3A_168, %dma_start3A_169] : memref<10112x128xf32, #tpu.memory_space<vmem_shared>> -> memref<10112x128xf32, #tpu.memory_space<vmem_shared>>
        tpu.enqueue_indirect_dma source(%arg15 : memref<64x128xf32, #tpu.memory_space<vmem>>) target(%dma_start3A_170 : memref<10112x128xf32, #tpu.memory_space<vmem_shared>>) offsets(%dma_start3A_167 : memref<64xi32, #tpu.memory_space<vmem>>) semaphore(%arg23 : memref<!tpu.dma_semaphore, #tpu.memory_space<semaphore_mem>>) {add = true}
        "tpu.region"() ({
          %run_scoped3A = tpu.sem_alloc : memref<!tpu.dma_semaphore, #tpu.memory_space<semaphore_mem>>
          %dma_start3A_171 = arith.constant 0 : i32
          %dma_start3A_172 = tpu.memref_slice %arg12[%sub3A_81, %dma_start3A_171] : memref<40x64xi32, #tpu.memory_space<vmem>> -> memref<1x64xi32, #tpu.memory_space<vmem>>
          %dma_start3A_173 = tpu.memref_squeeze %dma_start3A_172 : memref<1x64xi32, #tpu.memory_space<vmem>> -> memref<64xi32, #tpu.memory_space<vmem>>
          %dma_start3A_174 = arith.constant 0 : i32
          %dma_start3A_175 = tpu.memref_slice %arg27[%dma_start3A_174] : memref<10240xf32, #tpu.memory_space<vmem_shared>> -> memref<10240xf32, #tpu.memory_space<vmem_shared>>
          tpu.enqueue_indirect_dma source(%arg25 : memref<64xf32, #tpu.memory_space<vmem>>) target(%dma_start3A_175 : memref<10240xf32, #tpu.memory_space<vmem_shared>>) offsets(%dma_start3A_173 : memref<64xi32, #tpu.memory_space<vmem>>) semaphore(%run_scoped3A : memref<!tpu.dma_semaphore, #tpu.memory_space<semaphore_mem>>) {add = true}
          %dma_wait3A_176 = arith.constant 0 : i32
          %dma_wait3A_177 = tpu.memref_slice %arg12[%sub3A_81, %dma_wait3A_176] : memref<40x64xi32, #tpu.memory_space<vmem>> -> memref<1x64xi32, #tpu.memory_space<vmem>>
          %dma_wait3A_178 = tpu.memref_squeeze %dma_wait3A_177 : memref<1x64xi32, #tpu.memory_space<vmem>> -> memref<64xi32, #tpu.memory_space<vmem>>
          %dma_wait3A_179 = arith.constant 0 : i32
          %dma_wait3A_180 = tpu.memref_slice %arg27[%dma_wait3A_179] : memref<10240xf32, #tpu.memory_space<vmem_shared>> -> memref<10240xf32, #tpu.memory_space<vmem_shared>>
          tpu.wait_indirect_dma semaphore(%run_scoped3A : memref<!tpu.dma_semaphore, #tpu.memory_space<semaphore_mem>>) src(%arg25 : memref<64xf32, #tpu.memory_space<vmem>>) dst(%dma_wait3A_180 : memref<10240xf32, #tpu.memory_space<vmem_shared>>)
          tpu.yield
        }) : () -> ()
      } else {
      }
      %mul3A_89 = arith.constant 4 : i32
      %mul3A_90 = arith.muli %mul3A_89, %scan3A_68 : i32
      %add3A_91 = arith.constant 1 : i32
      %add3A_92 = arith.addi %mul3A_90, %add3A_91 : i32
      %ge3A_93 = arith.constant 4 : i32
      %ge3A_94 = arith.cmpi sge, %add3A_92, %ge3A_93 : i32
      %convert_element_type3A_95 = arith.extui %ge3A_94 : i1 to i32
      %cond3A_96 = arith.constant 0 : i32
      %cond3A_97 = arith.cmpi ne, %convert_element_type3A_95, %cond3A_96 : i32
      scf.if %cond3A_97 {
        %dma_wait3A = arith.constant 0 : i32
        %dma_wait3A_161 = arith.constant 0 : i32
        %dma_wait3A_162 = tpu.memref_slice %arg12[%dma_wait3A, %dma_wait3A_161] : memref<40x64xi32, #tpu.memory_space<vmem>> -> memref<1x64xi32, #tpu.memory_space<vmem>>
        %dma_wait3A_163 = tpu.memref_squeeze %dma_wait3A_162 : memref<1x64xi32, #tpu.memory_space<vmem>> -> memref<64xi32, #tpu.memory_space<vmem>>
        %dma_wait3A_164 = arith.constant 0 : i32
        %dma_wait3A_165 = arith.constant 0 : i32
        %dma_wait3A_166 = tpu.memref_slice %arg26[%dma_wait3A_164, %dma_wait3A_165] : memref<10112x128xf32, #tpu.memory_space<vmem_shared>> -> memref<10112x128xf32, #tpu.memory_space<vmem_shared>>
        tpu.wait_indirect_dma semaphore(%arg22 : memref<!tpu.dma_semaphore, #tpu.memory_space<semaphore_mem>>) src(%arg14 : memref<64x128xf32, #tpu.memory_space<vmem>>) dst(%dma_wait3A_166 : memref<10112x128xf32, #tpu.memory_space<vmem_shared>>)
      } else {
      }
      %lt3A_98 = arith.constant 40 : i32
      %lt3A_99 = arith.cmpi slt, %add3A_92, %lt3A_98 : i32
      %convert_element_type3A_100 = arith.extui %lt3A_99 : i1 to i32
      %cond3A_101 = arith.constant 0 : i32
      %cond3A_102 = arith.cmpi ne, %convert_element_type3A_100, %cond3A_101 : i32
      scf.if %cond3A_102 {
        %dma_start3A = arith.constant 0 : i32
        %dma_start3A_161 = tpu.memref_slice %arg11[%add3A_92, %dma_start3A] : memref<40x64xi32, #tpu.memory_space<vmem>> -> memref<1x64xi32, #tpu.memory_space<vmem>>
        %dma_start3A_162 = tpu.memref_squeeze %dma_start3A_161 : memref<1x64xi32, #tpu.memory_space<vmem>> -> memref<64xi32, #tpu.memory_space<vmem>>
        %dma_start3A_163 = arith.constant 0 : i32
        %dma_start3A_164 = arith.constant 0 : i32
        %dma_start3A_165 = tpu.memref_slice %arg2[%dma_start3A_163, %dma_start3A_164] : memref<10000x128xf32, #tpu.memory_space<hbm>> -> memref<10000x128xf32, #tpu.memory_space<hbm>>
        tpu.enqueue_indirect_dma source(%dma_start3A_165 : memref<10000x128xf32, #tpu.memory_space<hbm>>) target(%arg14 : memref<64x128xf32, #tpu.memory_space<vmem>>) offsets(%dma_start3A_162 : memref<64xi32, #tpu.memory_space<vmem>>) semaphore(%arg18 : memref<!tpu.dma_semaphore, #tpu.memory_space<semaphore_mem>>)
      } else {
      }
      %sub3A_103 = arith.constant 2 : i32
      %sub3A_104 = arith.subi %add3A_92, %sub3A_103 : i32
      %ge3A_105 = arith.constant 2 : i32
      %ge3A_106 = arith.cmpi sge, %add3A_92, %ge3A_105 : i32
      %lt3A_107 = arith.constant 42 : i32
      %lt3A_108 = arith.cmpi slt, %add3A_92, %lt3A_107 : i32
      %and3A_109 = arith.andi %ge3A_106, %lt3A_108 : i1
      %convert_element_type3A_110 = arith.extui %and3A_109 : i1 to i32
      %cond3A_111 = arith.constant 0 : i32
      %cond3A_112 = arith.cmpi ne, %convert_element_type3A_110, %cond3A_111 : i32
      scf.if %cond3A_112 {
        %dma_wait3A = arith.constant 0 : i32
        %dma_wait3A_161 = tpu.memref_slice %arg11[%sub3A_104, %dma_wait3A] : memref<40x64xi32, #tpu.memory_space<vmem>> -> memref<1x64xi32, #tpu.memory_space<vmem>>
        %dma_wait3A_162 = tpu.memref_squeeze %dma_wait3A_161 : memref<1x64xi32, #tpu.memory_space<vmem>> -> memref<64xi32, #tpu.memory_space<vmem>>
        %dma_wait3A_163 = arith.constant 0 : i32
        %dma_wait3A_164 = arith.constant 0 : i32
        %dma_wait3A_165 = tpu.memref_slice %arg2[%dma_wait3A_163, %dma_wait3A_164] : memref<10000x128xf32, #tpu.memory_space<hbm>> -> memref<10000x128xf32, #tpu.memory_space<hbm>>
        tpu.wait_indirect_dma semaphore(%arg20 : memref<!tpu.dma_semaphore, #tpu.memory_space<semaphore_mem>>) src(%dma_wait3A_165 : memref<10000x128xf32, #tpu.memory_space<hbm>>) dst(%arg16 : memref<64x128xf32, #tpu.memory_space<vmem>>)
        %dma_start3A = arith.constant 0 : i32
        %dma_start3A_166 = tpu.memref_slice %arg12[%sub3A_104, %dma_start3A] : memref<40x64xi32, #tpu.memory_space<vmem>> -> memref<1x64xi32, #tpu.memory_space<vmem>>
        %dma_start3A_167 = tpu.memref_squeeze %dma_start3A_166 : memref<1x64xi32, #tpu.memory_space<vmem>> -> memref<64xi32, #tpu.memory_space<vmem>>
        %dma_start3A_168 = arith.constant 0 : i32
        %dma_start3A_169 = arith.constant 0 : i32
        %dma_start3A_170 = tpu.memref_slice %arg26[%dma_start3A_168, %dma_start3A_169] : memref<10112x128xf32, #tpu.memory_space<vmem_shared>> -> memref<10112x128xf32, #tpu.memory_space<vmem_shared>>
        tpu.enqueue_indirect_dma source(%arg16 : memref<64x128xf32, #tpu.memory_space<vmem>>) target(%dma_start3A_170 : memref<10112x128xf32, #tpu.memory_space<vmem_shared>>) offsets(%dma_start3A_167 : memref<64xi32, #tpu.memory_space<vmem>>) semaphore(%arg24 : memref<!tpu.dma_semaphore, #tpu.memory_space<semaphore_mem>>) {add = true}
        "tpu.region"() ({
          %run_scoped3A = tpu.sem_alloc : memref<!tpu.dma_semaphore, #tpu.memory_space<semaphore_mem>>
          %dma_start3A_171 = arith.constant 0 : i32
          %dma_start3A_172 = tpu.memref_slice %arg12[%sub3A_104, %dma_start3A_171] : memref<40x64xi32, #tpu.memory_space<vmem>> -> memref<1x64xi32, #tpu.memory_space<vmem>>
          %dma_start3A_173 = tpu.memref_squeeze %dma_start3A_172 : memref<1x64xi32, #tpu.memory_space<vmem>> -> memref<64xi32, #tpu.memory_space<vmem>>
          %dma_start3A_174 = arith.constant 0 : i32
          %dma_start3A_175 = tpu.memref_slice %arg27[%dma_start3A_174] : memref<10240xf32, #tpu.memory_space<vmem_shared>> -> memref<10240xf32, #tpu.memory_space<vmem_shared>>
          tpu.enqueue_indirect_dma source(%arg25 : memref<64xf32, #tpu.memory_space<vmem>>) target(%dma_start3A_175 : memref<10240xf32, #tpu.memory_space<vmem_shared>>) offsets(%dma_start3A_173 : memref<64xi32, #tpu.memory_space<vmem>>) semaphore(%run_scoped3A : memref<!tpu.dma_semaphore, #tpu.memory_space<semaphore_mem>>) {add = true}
          %dma_wait3A_176 = arith.constant 0 : i32
          %dma_wait3A_177 = tpu.memref_slice %arg12[%sub3A_104, %dma_wait3A_176] : memref<40x64xi32, #tpu.memory_space<vmem>> -> memref<1x64xi32, #tpu.memory_space<vmem>>
          %dma_wait3A_178 = tpu.memref_squeeze %dma_wait3A_177 : memref<1x64xi32, #tpu.memory_space<vmem>> -> memref<64xi32, #tpu.memory_space<vmem>>
          %dma_wait3A_179 = arith.constant 0 : i32
          %dma_wait3A_180 = tpu.memref_slice %arg27[%dma_wait3A_179] : memref<10240xf32, #tpu.memory_space<vmem_shared>> -> memref<10240xf32, #tpu.memory_space<vmem_shared>>
          tpu.wait_indirect_dma semaphore(%run_scoped3A : memref<!tpu.dma_semaphore, #tpu.memory_space<semaphore_mem>>) src(%arg25 : memref<64xf32, #tpu.memory_space<vmem>>) dst(%dma_wait3A_180 : memref<10240xf32, #tpu.memory_space<vmem_shared>>)
          tpu.yield
        }) : () -> ()
      } else {
      }
      %mul3A_113 = arith.constant 4 : i32
      %mul3A_114 = arith.muli %mul3A_113, %scan3A_68 : i32
      %add3A_115 = arith.constant 2 : i32
      %add3A_116 = arith.addi %mul3A_114, %add3A_115 : i32
      %ge3A_117 = arith.constant 4 : i32
      %ge3A_118 = arith.cmpi sge, %add3A_116, %ge3A_117 : i32
      %convert_element_type3A_119 = arith.extui %ge3A_118 : i1 to i32
      %cond3A_120 = arith.constant 0 : i32
      %cond3A_121 = arith.cmpi ne, %convert_element_type3A_119, %cond3A_120 : i32
      scf.if %cond3A_121 {
        %dma_wait3A = arith.constant 0 : i32
        %dma_wait3A_161 = arith.constant 0 : i32
        %dma_wait3A_162 = tpu.memref_slice %arg12[%dma_wait3A, %dma_wait3A_161] : memref<40x64xi32, #tpu.memory_space<vmem>> -> memref<1x64xi32, #tpu.memory_space<vmem>>
        %dma_wait3A_163 = tpu.memref_squeeze %dma_wait3A_162 : memref<1x64xi32, #tpu.memory_space<vmem>> -> memref<64xi32, #tpu.memory_space<vmem>>
        %dma_wait3A_164 = arith.constant 0 : i32
        %dma_wait3A_165 = arith.constant 0 : i32
        %dma_wait3A_166 = tpu.memref_slice %arg26[%dma_wait3A_164, %dma_wait3A_165] : memref<10112x128xf32, #tpu.memory_space<vmem_shared>> -> memref<10112x128xf32, #tpu.memory_space<vmem_shared>>
        tpu.wait_indirect_dma semaphore(%arg23 : memref<!tpu.dma_semaphore, #tpu.memory_space<semaphore_mem>>) src(%arg15 : memref<64x128xf32, #tpu.memory_space<vmem>>) dst(%dma_wait3A_166 : memref<10112x128xf32, #tpu.memory_space<vmem_shared>>)
      } else {
      }
      %lt3A_122 = arith.constant 40 : i32
      %lt3A_123 = arith.cmpi slt, %add3A_116, %lt3A_122 : i32
      %convert_element_type3A_124 = arith.extui %lt3A_123 : i1 to i32
      %cond3A_125 = arith.constant 0 : i32
      %cond3A_126 = arith.cmpi ne, %convert_element_type3A_124, %cond3A_125 : i32
      scf.if %cond3A_126 {
        %dma_start3A = arith.constant 0 : i32
        %dma_start3A_161 = tpu.memref_slice %arg11[%add3A_116, %dma_start3A] : memref<40x64xi32, #tpu.memory_space<vmem>> -> memref<1x64xi32, #tpu.memory_space<vmem>>
        %dma_start3A_162 = tpu.memref_squeeze %dma_start3A_161 : memref<1x64xi32, #tpu.memory_space<vmem>> -> memref<64xi32, #tpu.memory_space<vmem>>
        %dma_start3A_163 = arith.constant 0 : i32
        %dma_start3A_164 = arith.constant 0 : i32
        %dma_start3A_165 = tpu.memref_slice %arg2[%dma_start3A_163, %dma_start3A_164] : memref<10000x128xf32, #tpu.memory_space<hbm>> -> memref<10000x128xf32, #tpu.memory_space<hbm>>
        tpu.enqueue_indirect_dma source(%dma_start3A_165 : memref<10000x128xf32, #tpu.memory_space<hbm>>) target(%arg15 : memref<64x128xf32, #tpu.memory_space<vmem>>) offsets(%dma_start3A_162 : memref<64xi32, #tpu.memory_space<vmem>>) semaphore(%arg19 : memref<!tpu.dma_semaphore, #tpu.memory_space<semaphore_mem>>)
      } else {
      }
      %sub3A_127 = arith.constant 2 : i32
      %sub3A_128 = arith.subi %add3A_116, %sub3A_127 : i32
      %ge3A_129 = arith.constant 2 : i32
      %ge3A_130 = arith.cmpi sge, %add3A_116, %ge3A_129 : i32
      %lt3A_131 = arith.constant 42 : i32
      %lt3A_132 = arith.cmpi slt, %add3A_116, %lt3A_131 : i32
      %and3A_133 = arith.andi %ge3A_130, %lt3A_132 : i1
      %convert_element_type3A_134 = arith.extui %and3A_133 : i1 to i32
      %cond3A_135 = arith.constant 0 : i32
      %cond3A_136 = arith.cmpi ne, %convert_element_type3A_134, %cond3A_135 : i32
      scf.if %cond3A_136 {
        %dma_wait3A = arith.constant 0 : i32
        %dma_wait3A_161 = tpu.memref_slice %arg11[%sub3A_128, %dma_wait3A] : memref<40x64xi32, #tpu.memory_space<vmem>> -> memref<1x64xi32, #tpu.memory_space<vmem>>
        %dma_wait3A_162 = tpu.memref_squeeze %dma_wait3A_161 : memref<1x64xi32, #tpu.memory_space<vmem>> -> memref<64xi32, #tpu.memory_space<vmem>>
        %dma_wait3A_163 = arith.constant 0 : i32
        %dma_wait3A_164 = arith.constant 0 : i32
        %dma_wait3A_165 = tpu.memref_slice %arg2[%dma_wait3A_163, %dma_wait3A_164] : memref<10000x128xf32, #tpu.memory_space<hbm>> -> memref<10000x128xf32, #tpu.memory_space<hbm>>
        tpu.wait_indirect_dma semaphore(%arg17 : memref<!tpu.dma_semaphore, #tpu.memory_space<semaphore_mem>>) src(%dma_wait3A_165 : memref<10000x128xf32, #tpu.memory_space<hbm>>) dst(%arg13 : memref<64x128xf32, #tpu.memory_space<vmem>>)
        %dma_start3A = arith.constant 0 : i32
        %dma_start3A_166 = tpu.memref_slice %arg12[%sub3A_128, %dma_start3A] : memref<40x64xi32, #tpu.memory_space<vmem>> -> memref<1x64xi32, #tpu.memory_space<vmem>>
        %dma_start3A_167 = tpu.memref_squeeze %dma_start3A_166 : memref<1x64xi32, #tpu.memory_space<vmem>> -> memref<64xi32, #tpu.memory_space<vmem>>
        %dma_start3A_168 = arith.constant 0 : i32
        %dma_start3A_169 = arith.constant 0 : i32
        %dma_start3A_170 = tpu.memref_slice %arg26[%dma_start3A_168, %dma_start3A_169] : memref<10112x128xf32, #tpu.memory_space<vmem_shared>> -> memref<10112x128xf32, #tpu.memory_space<vmem_shared>>
        tpu.enqueue_indirect_dma source(%arg13 : memref<64x128xf32, #tpu.memory_space<vmem>>) target(%dma_start3A_170 : memref<10112x128xf32, #tpu.memory_space<vmem_shared>>) offsets(%dma_start3A_167 : memref<64xi32, #tpu.memory_space<vmem>>) semaphore(%arg21 : memref<!tpu.dma_semaphore, #tpu.memory_space<semaphore_mem>>) {add = true}
        "tpu.region"() ({
          %run_scoped3A = tpu.sem_alloc : memref<!tpu.dma_semaphore, #tpu.memory_space<semaphore_mem>>
          %dma_start3A_171 = arith.constant 0 : i32
          %dma_start3A_172 = tpu.memref_slice %arg12[%sub3A_128, %dma_start3A_171] : memref<40x64xi32, #tpu.memory_space<vmem>> -> memref<1x64xi32, #tpu.memory_space<vmem>>
          %dma_start3A_173 = tpu.memref_squeeze %dma_start3A_172 : memref<1x64xi32, #tpu.memory_space<vmem>> -> memref<64xi32, #tpu.memory_space<vmem>>
          %dma_start3A_174 = arith.constant 0 : i32
          %dma_start3A_175 = tpu.memref_slice %arg27[%dma_start3A_174] : memref<10240xf32, #tpu.memory_space<vmem_shared>> -> memref<10240xf32, #tpu.memory_space<vmem_shared>>
          tpu.enqueue_indirect_dma source(%arg25 : memref<64xf32, #tpu.memory_space<vmem>>) target(%dma_start3A_175 : memref<10240xf32, #tpu.memory_space<vmem_shared>>) offsets(%dma_start3A_173 : memref<64xi32, #tpu.memory_space<vmem>>) semaphore(%run_scoped3A : memref<!tpu.dma_semaphore, #tpu.memory_space<semaphore_mem>>) {add = true}
          %dma_wait3A_176 = arith.constant 0 : i32
          %dma_wait3A_177 = tpu.memref_slice %arg12[%sub3A_128, %dma_wait3A_176] : memref<40x64xi32, #tpu.memory_space<vmem>> -> memref<1x64xi32, #tpu.memory_space<vmem>>
          %dma_wait3A_178 = tpu.memref_squeeze %dma_wait3A_177 : memref<1x64xi32, #tpu.memory_space<vmem>> -> memref<64xi32, #tpu.memory_space<vmem>>
          %dma_wait3A_179 = arith.constant 0 : i32
          %dma_wait3A_180 = tpu.memref_slice %arg27[%dma_wait3A_179] : memref<10240xf32, #tpu.memory_space<vmem_shared>> -> memref<10240xf32, #tpu.memory_space<vmem_shared>>
          tpu.wait_indirect_dma semaphore(%run_scoped3A : memref<!tpu.dma_semaphore, #tpu.memory_space<semaphore_mem>>) src(%arg25 : memref<64xf32, #tpu.memory_space<vmem>>) dst(%dma_wait3A_180 : memref<10240xf32, #tpu.memory_space<vmem_shared>>)
          tpu.yield
        }) : () -> ()
      } else {
      }
      %mul3A_137 = arith.constant 4 : i32
      %mul3A_138 = arith.muli %mul3A_137, %scan3A_68 : i32
      %add3A_139 = arith.constant 3 : i32
      %add3A_140 = arith.addi %mul3A_138, %add3A_139 : i32
      %ge3A_141 = arith.constant 4 : i32
      %ge3A_142 = arith.cmpi sge, %add3A_140, %ge3A_141 : i32
      %convert_element_type3A_143 = arith.extui %ge3A_142 : i1 to i32
      %cond3A_144 = arith.constant 0 : i32
      %cond3A_145 = arith.cmpi ne, %convert_element_type3A_143, %cond3A_144 : i32
      scf.if %cond3A_145 {
        %dma_wait3A = arith.constant 0 : i32
        %dma_wait3A_161 = arith.constant 0 : i32
        %dma_wait3A_162 = tpu.memref_slice %arg12[%dma_wait3A, %dma_wait3A_161] : memref<40x64xi32, #tpu.memory_space<vmem>> -> memref<1x64xi32, #tpu.memory_space<vmem>>
        %dma_wait3A_163 = tpu.memref_squeeze %dma_wait3A_162 : memref<1x64xi32, #tpu.memory_space<vmem>> -> memref<64xi32, #tpu.memory_space<vmem>>
        %dma_wait3A_164 = arith.constant 0 : i32
        %dma_wait3A_165 = arith.constant 0 : i32
        %dma_wait3A_166 = tpu.memref_slice %arg26[%dma_wait3A_164, %dma_wait3A_165] : memref<10112x128xf32, #tpu.memory_space<vmem_shared>> -> memref<10112x128xf32, #tpu.memory_space<vmem_shared>>
        tpu.wait_indirect_dma semaphore(%arg24 : memref<!tpu.dma_semaphore, #tpu.memory_space<semaphore_mem>>) src(%arg16 : memref<64x128xf32, #tpu.memory_space<vmem>>) dst(%dma_wait3A_166 : memref<10112x128xf32, #tpu.memory_space<vmem_shared>>)
      } else {
      }
      %lt3A_146 = arith.constant 40 : i32
      %lt3A_147 = arith.cmpi slt, %add3A_140, %lt3A_146 : i32
      %convert_element_type3A_148 = arith.extui %lt3A_147 : i1 to i32
      %cond3A_149 = arith.constant 0 : i32
      %cond3A_150 = arith.cmpi ne, %convert_element_type3A_148, %cond3A_149 : i32
      scf.if %cond3A_150 {
        %dma_start3A = arith.constant 0 : i32
        %dma_start3A_161 = tpu.memref_slice %arg11[%add3A_140, %dma_start3A] : memref<40x64xi32, #tpu.memory_space<vmem>> -> memref<1x64xi32, #tpu.memory_space<vmem>>
        %dma_start3A_162 = tpu.memref_squeeze %dma_start3A_161 : memref<1x64xi32, #tpu.memory_space<vmem>> -> memref<64xi32, #tpu.memory_space<vmem>>
        %dma_start3A_163 = arith.constant 0 : i32
        %dma_start3A_164 = arith.constant 0 : i32
        %dma_start3A_165 = tpu.memref_slice %arg2[%dma_start3A_163, %dma_start3A_164] : memref<10000x128xf32, #tpu.memory_space<hbm>> -> memref<10000x128xf32, #tpu.memory_space<hbm>>
        tpu.enqueue_indirect_dma source(%dma_start3A_165 : memref<10000x128xf32, #tpu.memory_space<hbm>>) target(%arg16 : memref<64x128xf32, #tpu.memory_space<vmem>>) offsets(%dma_start3A_162 : memref<64xi32, #tpu.memory_space<vmem>>) semaphore(%arg20 : memref<!tpu.dma_semaphore, #tpu.memory_space<semaphore_mem>>)
      } else {
      }
      %sub3A_151 = arith.constant 2 : i32
      %sub3A_152 = arith.subi %add3A_140, %sub3A_151 : i32
      %ge3A_153 = arith.constant 2 : i32
      %ge3A_154 = arith.cmpi sge, %add3A_140, %ge3A_153 : i32
      %lt3A_155 = arith.constant 42 : i32
      %lt3A_156 = arith.cmpi slt, %add3A_140, %lt3A_155 : i32
      %and3A_157 = arith.andi %ge3A_154, %lt3A_156 : i1
      %convert_element_type3A_158 = arith.extui %and3A_157 : i1 to i32
      %cond3A_159 = arith.constant 0 : i32
      %cond3A_160 = arith.cmpi ne, %convert_element_type3A_158, %cond3A_159 : i32
      scf.if %cond3A_160 {
        %dma_wait3A = arith.constant 0 : i32
        %dma_wait3A_161 = tpu.memref_slice %arg11[%sub3A_152, %dma_wait3A] : memref<40x64xi32, #tpu.memory_space<vmem>> -> memref<1x64xi32, #tpu.memory_space<vmem>>
        %dma_wait3A_162 = tpu.memref_squeeze %dma_wait3A_161 : memref<1x64xi32, #tpu.memory_space<vmem>> -> memref<64xi32, #tpu.memory_space<vmem>>
        %dma_wait3A_163 = arith.constant 0 : i32
        %dma_wait3A_164 = arith.constant 0 : i32
        %dma_wait3A_165 = tpu.memref_slice %arg2[%dma_wait3A_163, %dma_wait3A_164] : memref<10000x128xf32, #tpu.memory_space<hbm>> -> memref<10000x128xf32, #tpu.memory_space<hbm>>
        tpu.wait_indirect_dma semaphore(%arg18 : memref<!tpu.dma_semaphore, #tpu.memory_space<semaphore_mem>>) src(%dma_wait3A_165 : memref<10000x128xf32, #tpu.memory_space<hbm>>) dst(%arg14 : memref<64x128xf32, #tpu.memory_space<vmem>>)
        %dma_start3A = arith.constant 0 : i32
        %dma_start3A_166 = tpu.memref_slice %arg12[%sub3A_152, %dma_start3A] : memref<40x64xi32, #tpu.memory_space<vmem>> -> memref<1x64xi32, #tpu.memory_space<vmem>>
        %dma_start3A_167 = tpu.memref_squeeze %dma_start3A_166 : memref<1x64xi32, #tpu.memory_space<vmem>> -> memref<64xi32, #tpu.memory_space<vmem>>
        %dma_start3A_168 = arith.constant 0 : i32
        %dma_start3A_169 = arith.constant 0 : i32
        %dma_start3A_170 = tpu.memref_slice %arg26[%dma_start3A_168, %dma_start3A_169] : memref<10112x128xf32, #tpu.memory_space<vmem_shared>> -> memref<10112x128xf32, #tpu.memory_space<vmem_shared>>
        tpu.enqueue_indirect_dma source(%arg14 : memref<64x128xf32, #tpu.memory_space<vmem>>) target(%dma_start3A_170 : memref<10112x128xf32, #tpu.memory_space<vmem_shared>>) offsets(%dma_start3A_167 : memref<64xi32, #tpu.memory_space<vmem>>) semaphore(%arg22 : memref<!tpu.dma_semaphore, #tpu.memory_space<semaphore_mem>>) {add = true}
        "tpu.region"() ({
          %run_scoped3A = tpu.sem_alloc : memref<!tpu.dma_semaphore, #tpu.memory_space<semaphore_mem>>
          %dma_start3A_171 = arith.constant 0 : i32
          %dma_start3A_172 = tpu.memref_slice %arg12[%sub3A_152, %dma_start3A_171] : memref<40x64xi32, #tpu.memory_space<vmem>> -> memref<1x64xi32, #tpu.memory_space<vmem>>
          %dma_start3A_173 = tpu.memref_squeeze %dma_start3A_172 : memref<1x64xi32, #tpu.memory_space<vmem>> -> memref<64xi32, #tpu.memory_space<vmem>>
          %dma_start3A_174 = arith.constant 0 : i32
          %dma_start3A_175 = tpu.memref_slice %arg27[%dma_start3A_174] : memref<10240xf32, #tpu.memory_space<vmem_shared>> -> memref<10240xf32, #tpu.memory_space<vmem_shared>>
          tpu.enqueue_indirect_dma source(%arg25 : memref<64xf32, #tpu.memory_space<vmem>>) target(%dma_start3A_175 : memref<10240xf32, #tpu.memory_space<vmem_shared>>) offsets(%dma_start3A_173 : memref<64xi32, #tpu.memory_space<vmem>>) semaphore(%run_scoped3A : memref<!tpu.dma_semaphore, #tpu.memory_space<semaphore_mem>>) {add = true}
          %dma_wait3A_176 = arith.constant 0 : i32
          %dma_wait3A_177 = tpu.memref_slice %arg12[%sub3A_152, %dma_wait3A_176] : memref<40x64xi32, #tpu.memory_space<vmem>> -> memref<1x64xi32, #tpu.memory_space<vmem>>
          %dma_wait3A_178 = tpu.memref_squeeze %dma_wait3A_177 : memref<1x64xi32, #tpu.memory_space<vmem>> -> memref<64xi32, #tpu.memory_space<vmem>>
          %dma_wait3A_179 = arith.constant 0 : i32
          %dma_wait3A_180 = tpu.memref_slice %arg27[%dma_wait3A_179] : memref<10240xf32, #tpu.memory_space<vmem_shared>> -> memref<10240xf32, #tpu.memory_space<vmem_shared>>
          tpu.wait_indirect_dma semaphore(%run_scoped3A : memref<!tpu.dma_semaphore, #tpu.memory_space<semaphore_mem>>) src(%arg25 : memref<64xf32, #tpu.memory_space<vmem>>) dst(%dma_wait3A_180 : memref<10240xf32, #tpu.memory_space<vmem_shared>>)
          tpu.yield
        }) : () -> ()
      } else {
      }
    }
    %scan3A_59 = arith.constant 11 : i32
    %barrier3A_60 = arith.constant 0 : index
    tpu.barrier barrier_id(%barrier3A_60)
    %eq3A = arith.constant 0 : i32
    %eq3A_61 = arith.cmpi eq, %arg0, %eq3A : i32
    %convert_element_type3A = arith.extui %eq3A_61 : i1 to i32
    %cond3A = arith.constant 0 : i32
    %cond3A_62 = arith.cmpi ne, %convert_element_type3A, %cond3A : i32
    scf.if %cond3A_62 {
      "tpu.region"() ({
        %run_scoped3A = tpu.sem_alloc : memref<!tpu.dma_semaphore, #tpu.memory_space<semaphore_mem>>
        %dma_start3A = arith.constant 0 : i32
        %dma_start3A_68 = tpu.memref_slice %arg7[%mul3A_4, %dma_start3A] : memref<10112x128xf32, #tpu.memory_space<hbm>> -> memref<632x128xf32, #tpu.memory_space<hbm>>
        %dma_start3A_69 = arith.constant 0 : i32
        %dma_start3A_70 = tpu.memref_slice %arg26[%mul3A_4, %dma_start3A_69] : memref<10112x128xf32, #tpu.memory_space<vmem_shared>> -> memref<632x128xf32, #tpu.memory_space<vmem_shared>>
        tpu.enqueue_dma source(%dma_start3A_70 : memref<632x128xf32, #tpu.memory_space<vmem_shared>>) target(%dma_start3A_68 : memref<632x128xf32, #tpu.memory_space<hbm>>) target_semaphore(%run_scoped3A : memref<!tpu.dma_semaphore, #tpu.memory_space<semaphore_mem>>)
        %dma_wait3A = arith.constant 0 : i32
        %dma_wait3A_71 = tpu.memref_slice %arg7[%mul3A_4, %dma_wait3A] : memref<10112x128xf32, #tpu.memory_space<hbm>> -> memref<632x128xf32, #tpu.memory_space<hbm>>
        %dma_wait3A_72 = arith.constant 0 : i32
        %dma_wait3A_73 = tpu.memref_slice %arg26[%mul3A_4, %dma_wait3A_72] : memref<10112x128xf32, #tpu.memory_space<vmem_shared>> -> memref<632x128xf32, #tpu.memory_space<vmem_shared>>
        tpu.wait_dma2 semaphore(%run_scoped3A : memref<!tpu.dma_semaphore, #tpu.memory_space<semaphore_mem>>) src(%dma_wait3A_73 : memref<632x128xf32, #tpu.memory_space<vmem_shared>>) dst(%dma_wait3A_71 : memref<632x128xf32, #tpu.memory_space<hbm>>)
        tpu.yield
      }) : () -> ()
      "tpu.region"() ({
        %run_scoped3A = tpu.sem_alloc : memref<!tpu.dma_semaphore, #tpu.memory_space<semaphore_mem>>
        %dma_start3A = tpu.memref_slice %arg9[%mul3A_6] : memref<10240xf32, #tpu.memory_space<hbm>> -> memref<640xf32, #tpu.memory_space<hbm>>
        %dma_start3A_68 = tpu.memref_slice %arg27[%mul3A_6] : memref<10240xf32, #tpu.memory_space<vmem_shared>> -> memref<640xf32, #tpu.memory_space<vmem_shared>>
        tpu.enqueue_dma source(%dma_start3A_68 : memref<640xf32, #tpu.memory_space<vmem_shared>>) target(%dma_start3A : memref<640xf32, #tpu.memory_space<hbm>>) target_semaphore(%run_scoped3A : memref<!tpu.dma_semaphore, #tpu.memory_space<semaphore_mem>>)
        %dma_wait3A = tpu.memref_slice %arg9[%mul3A_6] : memref<10240xf32, #tpu.memory_space<hbm>> -> memref<640xf32, #tpu.memory_space<hbm>>
        %dma_wait3A_69 = tpu.memref_slice %arg27[%mul3A_6] : memref<10240xf32, #tpu.memory_space<vmem_shared>> -> memref<640xf32, #tpu.memory_space<vmem_shared>>
        tpu.wait_dma2 semaphore(%run_scoped3A : memref<!tpu.dma_semaphore, #tpu.memory_space<semaphore_mem>>) src(%dma_wait3A_69 : memref<640xf32, #tpu.memory_space<vmem_shared>>) dst(%dma_wait3A : memref<640xf32, #tpu.memory_space<hbm>>)
        tpu.yield
      }) : () -> ()
    } else {
    }
    %eq3A_63 = arith.constant 1 : i32
    %eq3A_64 = arith.cmpi eq, %arg0, %eq3A_63 : i32
    %convert_element_type3A_65 = arith.extui %eq3A_64 : i1 to i32
    %cond3A_66 = arith.constant 0 : i32
    %cond3A_67 = arith.cmpi ne, %convert_element_type3A_65, %cond3A_66 : i32
    scf.if %cond3A_67 {
      "tpu.region"() ({
        %run_scoped3A = tpu.sem_alloc : memref<!tpu.dma_semaphore, #tpu.memory_space<semaphore_mem>>
        %dma_start3A = arith.constant 0 : i32
        %dma_start3A_68 = tpu.memref_slice %arg8[%mul3A_4, %dma_start3A] : memref<10112x128xf32, #tpu.memory_space<hbm>> -> memref<632x128xf32, #tpu.memory_space<hbm>>
        %dma_start3A_69 = arith.constant 0 : i32
        %dma_start3A_70 = tpu.memref_slice %arg26[%mul3A_4, %dma_start3A_69] : memref<10112x128xf32, #tpu.memory_space<vmem_shared>> -> memref<632x128xf32, #tpu.memory_space<vmem_shared>>
        tpu.enqueue_dma source(%dma_start3A_70 : memref<632x128xf32, #tpu.memory_space<vmem_shared>>) target(%dma_start3A_68 : memref<632x128xf32, #tpu.memory_space<hbm>>) target_semaphore(%run_scoped3A : memref<!tpu.dma_semaphore, #tpu.memory_space<semaphore_mem>>)
        %dma_wait3A = arith.constant 0 : i32
        %dma_wait3A_71 = tpu.memref_slice %arg8[%mul3A_4, %dma_wait3A] : memref<10112x128xf32, #tpu.memory_space<hbm>> -> memref<632x128xf32, #tpu.memory_space<hbm>>
        %dma_wait3A_72 = arith.constant 0 : i32
        %dma_wait3A_73 = tpu.memref_slice %arg26[%mul3A_4, %dma_wait3A_72] : memref<10112x128xf32, #tpu.memory_space<vmem_shared>> -> memref<632x128xf32, #tpu.memory_space<vmem_shared>>
        tpu.wait_dma2 semaphore(%run_scoped3A : memref<!tpu.dma_semaphore, #tpu.memory_space<semaphore_mem>>) src(%dma_wait3A_73 : memref<632x128xf32, #tpu.memory_space<vmem_shared>>) dst(%dma_wait3A_71 : memref<632x128xf32, #tpu.memory_space<hbm>>)
        tpu.yield
      }) : () -> ()
      "tpu.region"() ({
        %run_scoped3A = tpu.sem_alloc : memref<!tpu.dma_semaphore, #tpu.memory_space<semaphore_mem>>
        %dma_start3A = tpu.memref_slice %arg10[%mul3A_6] : memref<10240xf32, #tpu.memory_space<hbm>> -> memref<640xf32, #tpu.memory_space<hbm>>
        %dma_start3A_68 = tpu.memref_slice %arg27[%mul3A_6] : memref<10240xf32, #tpu.memory_space<vmem_shared>> -> memref<640xf32, #tpu.memory_space<vmem_shared>>
        tpu.enqueue_dma source(%dma_start3A_68 : memref<640xf32, #tpu.memory_space<vmem_shared>>) target(%dma_start3A : memref<640xf32, #tpu.memory_space<hbm>>) target_semaphore(%run_scoped3A : memref<!tpu.dma_semaphore, #tpu.memory_space<semaphore_mem>>)
        %dma_wait3A = tpu.memref_slice %arg10[%mul3A_6] : memref<10240xf32, #tpu.memory_space<hbm>> -> memref<640xf32, #tpu.memory_space<hbm>>
        %dma_wait3A_69 = tpu.memref_slice %arg27[%mul3A_6] : memref<10240xf32, #tpu.memory_space<vmem_shared>> -> memref<640xf32, #tpu.memory_space<vmem_shared>>
        tpu.wait_dma2 semaphore(%run_scoped3A : memref<!tpu.dma_semaphore, #tpu.memory_space<semaphore_mem>>) src(%dma_wait3A_69 : memref<640xf32, #tpu.memory_space<vmem_shared>>) dst(%dma_wait3A : memref<640xf32, #tpu.memory_space<hbm>>)
        tpu.yield
      }) : () -> ()
    } else {
    }
    return
  }
}

module attributes {stable_mosaic.version = 14 : i64} {
  func.func @_tc_layer_body(%arg0: i32, %arg1: memref<2000x128xf32, #tpu.memory_space<vmem>>, %arg2: memref<2000x128xf32, #tpu.memory_space<vmem>>, %arg3: memref<2000x128xf32, #tpu.memory_space<vmem>>, %arg4: memref<2000x1xf32, #tpu.memory_space<vmem>>, %arg5: memref<2000x1xf32, #tpu.memory_space<vmem>>, %arg6: memref<128x128xf32, #tpu.memory_space<vmem>>, %arg7: memref<128x128xf32, #tpu.memory_space<vmem>>, %arg8: memref<1x128xf32, #tpu.memory_space<vmem>>, %arg9: memref<2000x128xf32, #tpu.memory_space<vmem>>) attributes {dimension_semantics = [#tpu.dimension_semantics<arbitrary>], iteration_bounds = array<i64: 5>, scalar_prefetch = 0 : i64, scratch_operands = 0 : i64, tpu.core_type = #tpu.core_type<tc>, window_params = [{transform_indices = @transform_0, window_bounds = array<i64: 2000, 128>}, {transform_indices = @transform_1, window_bounds = array<i64: 2000, 128>}, {transform_indices = @transform_2, window_bounds = array<i64: 2000, 128>}, {transform_indices = @transform_3, window_bounds = array<i64: 2000, 1>}, {transform_indices = @transform_4, window_bounds = array<i64: 2000, 1>}, {pipeline_mode = #tpu.pipeline_mode<synchronous>, transform_indices = @transform_5, window_bounds = array<i64: 128, 128>}, {pipeline_mode = #tpu.pipeline_mode<synchronous>, transform_indices = @transform_6, window_bounds = array<i64: 128, 128>}, {pipeline_mode = #tpu.pipeline_mode<synchronous>, transform_indices = @transform_7, window_bounds = array<i64: 1, 128>}, {transform_indices = @transform_8, window_bounds = array<i64: 2000, 128>}]} {
    %get3A = arith.constant 0 : index
    %get3A_0 = arith.constant 0 : index
    %get3A_1 = vector.load %arg2[%get3A, %get3A_0] : memref<2000x128xf32, #tpu.memory_space<vmem>>, vector<2000x128xf32>
    %get3A_2 = arith.constant 0 : index
    %get3A_3 = arith.constant 0 : index
    %get3A_4 = vector.load %arg3[%get3A_2, %get3A_3] : memref<2000x128xf32, #tpu.memory_space<vmem>>, vector<2000x128xf32>
    %add3A = arith.addf %get3A_1, %get3A_4 : vector<2000x128xf32>
    %get3A_5 = arith.constant 0 : index
    %get3A_6 = arith.constant 0 : index
    %get3A_7 = vector.load %arg4[%get3A_5, %get3A_6] : memref<2000x1xf32, #tpu.memory_space<vmem>>, vector<2000x1xf32>
    %get3A_8 = arith.constant 0 : index
    %get3A_9 = arith.constant 0 : index
    %get3A_10 = vector.load %arg5[%get3A_8, %get3A_9] : memref<2000x1xf32, #tpu.memory_space<vmem>>, vector<2000x1xf32>
    %add3A_11 = arith.addf %get3A_7, %get3A_10 : vector<2000x1xf32>
    %max3A = arith.constant 1.000000e+00 : f32
    %max3A_12 = vector.broadcast %max3A : f32 to vector<2000x1xf32>
    %max3A_13 = arith.maximumf %add3A_11, %max3A_12 : vector<2000x1xf32>
    %div3A = vector.broadcast %max3A_13 : vector<2000x1xf32> to vector<2000x128xf32>
    %div3A_14 = arith.divf %add3A, %div3A : vector<2000x128xf32>
    %get3A_15 = arith.constant 0 : index
    %get3A_16 = arith.constant 0 : index
    %get3A_17 = vector.load %arg1[%get3A_15, %get3A_16] : memref<2000x128xf32, #tpu.memory_space<vmem>>, vector<2000x128xf32>
    %get3A_18 = arith.constant 0 : index
    %get3A_19 = arith.constant 0 : index
    %get3A_20 = vector.load %arg6[%get3A_18, %get3A_19] : memref<128x128xf32, #tpu.memory_space<vmem>>, vector<128x128xf32>
    %dot_general3A = arith.constant dense<0.000000e+00> : vector<2000x128xf32>
    %dot_general3A_21 = tpu.matmul %get3A_17, %get3A_20, %dot_general3A {dimension_numbers = #tpu.dot_dimension_numbers<[1], [0], [0], [1], [0, 0, 1, 1], [], []>, transpose_lhs_hint = false} : vector<2000x128xf32>, vector<128x128xf32>, vector<2000x128xf32> -> vector<2000x128xf32>
    %get3A_22 = arith.constant 0 : index
    %get3A_23 = arith.constant 0 : index
    %get3A_24 = vector.load %arg7[%get3A_22, %get3A_23] : memref<128x128xf32, #tpu.memory_space<vmem>>, vector<128x128xf32>
    %dot_general3A_25 = arith.constant dense<0.000000e+00> : vector<2000x128xf32>
    %dot_general3A_26 = tpu.matmul %div3A_14, %get3A_24, %dot_general3A_25 {dimension_numbers = #tpu.dot_dimension_numbers<[1], [0], [0], [1], [0, 0, 1, 1], [], []>, transpose_lhs_hint = false} : vector<2000x128xf32>, vector<128x128xf32>, vector<2000x128xf32> -> vector<2000x128xf32>
    %add3A_27 = arith.addf %dot_general3A_21, %dot_general3A_26 : vector<2000x128xf32>
    %get3A_28 = arith.constant 0 : index
    %get3A_29 = arith.constant 0 : index
    %get3A_30 = vector.load %arg8[%get3A_28, %get3A_29] : memref<1x128xf32, #tpu.memory_space<vmem>>, vector<1x128xf32>
    %add3A_31 = vector.broadcast %get3A_30 : vector<1x128xf32> to vector<2000x128xf32>
    %add3A_32 = arith.addf %add3A_27, %add3A_31 : vector<2000x128xf32>
    %max3A_33 = arith.constant 0.000000e+00 : f32
    %max3A_34 = vector.broadcast %max3A_33 : f32 to vector<2000x128xf32>
    %max3A_35 = arith.maximumf %add3A_32, %max3A_34 : vector<2000x128xf32>
    %swap3A = arith.constant 0 : index
    %swap3A_36 = arith.constant 0 : index
    %swap3A_37 = vector.load %arg9[%swap3A, %swap3A_36] : memref<2000x128xf32, #tpu.memory_space<vmem>>, vector<2000x128xf32>
    tpu.vector_store %arg9[%swap3A, %swap3A_36], %max3A_35 {strides = array<i32>} : memref<2000x128xf32, #tpu.memory_space<vmem>>, vector<2000x128xf32>,
    return
  }
  func.func @transform_0(%arg0: i32) -> (i32, i32) {
    %c0_i32 = arith.constant 0 : i32
    %c0_i32_0 = arith.constant 0 : i32
    return %arg0, %c0_i32 : i32, i32
  }
  func.func @transform_1(%arg0: i32) -> (i32, i32) {
    %c0_i32 = arith.constant 0 : i32
    %c0_i32_0 = arith.constant 0 : i32
    return %arg0, %c0_i32 : i32, i32
  }
  func.func @transform_2(%arg0: i32) -> (i32, i32) {
    %c0_i32 = arith.constant 0 : i32
    %c0_i32_0 = arith.constant 0 : i32
    return %arg0, %c0_i32 : i32, i32
  }
  func.func @transform_3(%arg0: i32) -> (i32, i32) {
    %c0_i32 = arith.constant 0 : i32
    %c0_i32_0 = arith.constant 0 : i32
    return %arg0, %c0_i32 : i32, i32
  }
  func.func @transform_4(%arg0: i32) -> (i32, i32) {
    %c0_i32 = arith.constant 0 : i32
    %c0_i32_0 = arith.constant 0 : i32
    return %arg0, %c0_i32 : i32, i32
  }
  func.func @transform_5(%arg0: i32) -> (i32, i32) {
    %c0_i32 = arith.constant 0 : i32
    %c0_i32_0 = arith.constant 0 : i32
    %c0_i32_1 = arith.constant 0 : i32
    return %c0_i32, %c0_i32_0 : i32, i32
  }
  func.func @transform_6(%arg0: i32) -> (i32, i32) {
    %c0_i32 = arith.constant 0 : i32
    %c0_i32_0 = arith.constant 0 : i32
    %c0_i32_1 = arith.constant 0 : i32
    return %c0_i32, %c0_i32_0 : i32, i32
  }
  func.func @transform_7(%arg0: i32) -> (i32, i32) {
    %c0_i32 = arith.constant 0 : i32
    %c0_i32_0 = arith.constant 0 : i32
    %c0_i32_1 = arith.constant 0 : i32
    return %c0_i32, %c0_i32_0 : i32, i32
  }
  func.func @transform_8(%arg0: i32) -> (i32, i32) {
    %c0_i32 = arith.constant 0 : i32
    %c0_i32_0 = arith.constant 0 : i32
    return %arg0, %c0_i32 : i32, i32
  }
}

module attributes {stable_mosaic.version = 14 : i64} {
  func.func @_tc_layer_body(%arg0: i32, %arg1: memref<2000x128xf32, #tpu.memory_space<vmem>>, %arg2: memref<2000x128xf32, #tpu.memory_space<vmem>>, %arg3: memref<2000x128xf32, #tpu.memory_space<vmem>>, %arg4: memref<2000x1xf32, #tpu.memory_space<vmem>>, %arg5: memref<2000x1xf32, #tpu.memory_space<vmem>>, %arg6: memref<128x128xf32, #tpu.memory_space<vmem>>, %arg7: memref<128x128xf32, #tpu.memory_space<vmem>>, %arg8: memref<1x128xf32, #tpu.memory_space<vmem>>, %arg9: memref<2000x128xf32, #tpu.memory_space<vmem>>) attributes {dimension_semantics = [#tpu.dimension_semantics<arbitrary>], iteration_bounds = array<i64: 5>, scalar_prefetch = 0 : i64, scratch_operands = 0 : i64, tpu.core_type = #tpu.core_type<tc>, window_params = [{transform_indices = @transform_0, window_bounds = array<i64: 2000, 128>}, {transform_indices = @transform_1, window_bounds = array<i64: 2000, 128>}, {transform_indices = @transform_2, window_bounds = array<i64: 2000, 128>}, {transform_indices = @transform_3, window_bounds = array<i64: 2000, 1>}, {transform_indices = @transform_4, window_bounds = array<i64: 2000, 1>}, {pipeline_mode = #tpu.pipeline_mode<synchronous>, transform_indices = @transform_5, window_bounds = array<i64: 128, 128>}, {pipeline_mode = #tpu.pipeline_mode<synchronous>, transform_indices = @transform_6, window_bounds = array<i64: 128, 128>}, {pipeline_mode = #tpu.pipeline_mode<synchronous>, transform_indices = @transform_7, window_bounds = array<i64: 1, 128>}, {transform_indices = @transform_8, window_bounds = array<i64: 2000, 128>}]} {
    %get3A = arith.constant 0 : index
    %get3A_0 = arith.constant 0 : index
    %get3A_1 = vector.load %arg2[%get3A, %get3A_0] : memref<2000x128xf32, #tpu.memory_space<vmem>>, vector<2000x128xf32>
    %get3A_2 = arith.constant 0 : index
    %get3A_3 = arith.constant 0 : index
    %get3A_4 = vector.load %arg3[%get3A_2, %get3A_3] : memref<2000x128xf32, #tpu.memory_space<vmem>>, vector<2000x128xf32>
    %add3A = arith.addf %get3A_1, %get3A_4 : vector<2000x128xf32>
    %get3A_5 = arith.constant 0 : index
    %get3A_6 = arith.constant 0 : index
    %get3A_7 = vector.load %arg4[%get3A_5, %get3A_6] : memref<2000x1xf32, #tpu.memory_space<vmem>>, vector<2000x1xf32>
    %get3A_8 = arith.constant 0 : index
    %get3A_9 = arith.constant 0 : index
    %get3A_10 = vector.load %arg5[%get3A_8, %get3A_9] : memref<2000x1xf32, #tpu.memory_space<vmem>>, vector<2000x1xf32>
    %add3A_11 = arith.addf %get3A_7, %get3A_10 : vector<2000x1xf32>
    %max3A = arith.constant 1.000000e+00 : f32
    %max3A_12 = vector.broadcast %max3A : f32 to vector<2000x1xf32>
    %max3A_13 = arith.maximumf %add3A_11, %max3A_12 : vector<2000x1xf32>
    %div3A = vector.broadcast %max3A_13 : vector<2000x1xf32> to vector<2000x128xf32>
    %div3A_14 = arith.divf %add3A, %div3A : vector<2000x128xf32>
    %get3A_15 = arith.constant 0 : index
    %get3A_16 = arith.constant 0 : index
    %get3A_17 = vector.load %arg1[%get3A_15, %get3A_16] : memref<2000x128xf32, #tpu.memory_space<vmem>>, vector<2000x128xf32>
    %get3A_18 = arith.constant 0 : index
    %get3A_19 = arith.constant 0 : index
    %get3A_20 = vector.load %arg6[%get3A_18, %get3A_19] : memref<128x128xf32, #tpu.memory_space<vmem>>, vector<128x128xf32>
    %dot_general3A = arith.constant dense<0.000000e+00> : vector<2000x128xf32>
    %dot_general3A_21 = tpu.matmul %get3A_17, %get3A_20, %dot_general3A {dimension_numbers = #tpu.dot_dimension_numbers<[1], [0], [0], [1], [0, 0, 1, 1], [], []>, transpose_lhs_hint = false} : vector<2000x128xf32>, vector<128x128xf32>, vector<2000x128xf32> -> vector<2000x128xf32>
    %get3A_22 = arith.constant 0 : index
    %get3A_23 = arith.constant 0 : index
    %get3A_24 = vector.load %arg7[%get3A_22, %get3A_23] : memref<128x128xf32, #tpu.memory_space<vmem>>, vector<128x128xf32>
    %dot_general3A_25 = arith.constant dense<0.000000e+00> : vector<2000x128xf32>
    %dot_general3A_26 = tpu.matmul %div3A_14, %get3A_24, %dot_general3A_25 {dimension_numbers = #tpu.dot_dimension_numbers<[1], [0], [0], [1], [0, 0, 1, 1], [], []>, transpose_lhs_hint = false} : vector<2000x128xf32>, vector<128x128xf32>, vector<2000x128xf32> -> vector<2000x128xf32>
    %add3A_27 = arith.addf %dot_general3A_21, %dot_general3A_26 : vector<2000x128xf32>
    %get3A_28 = arith.constant 0 : index
    %get3A_29 = arith.constant 0 : index
    %get3A_30 = vector.load %arg8[%get3A_28, %get3A_29] : memref<1x128xf32, #tpu.memory_space<vmem>>, vector<1x128xf32>
    %add3A_31 = vector.broadcast %get3A_30 : vector<1x128xf32> to vector<2000x128xf32>
    %add3A_32 = arith.addf %add3A_27, %add3A_31 : vector<2000x128xf32>
    %swap3A = arith.constant 0 : index
    %swap3A_33 = arith.constant 0 : index
    %swap3A_34 = vector.load %arg9[%swap3A, %swap3A_33] : memref<2000x128xf32, #tpu.memory_space<vmem>>, vector<2000x128xf32>
    tpu.vector_store %arg9[%swap3A, %swap3A_33], %add3A_32 {strides = array<i32>} : memref<2000x128xf32, #tpu.memory_space<vmem>>, vector<2000x128xf32>,
    return
  }
  func.func @transform_0(%arg0: i32) -> (i32, i32) {
    %c0_i32 = arith.constant 0 : i32
    %c0_i32_0 = arith.constant 0 : i32
    return %arg0, %c0_i32 : i32, i32
  }
  func.func @transform_1(%arg0: i32) -> (i32, i32) {
    %c0_i32 = arith.constant 0 : i32
    %c0_i32_0 = arith.constant 0 : i32
    return %arg0, %c0_i32 : i32, i32
  }
  func.func @transform_2(%arg0: i32) -> (i32, i32) {
    %c0_i32 = arith.constant 0 : i32
    %c0_i32_0 = arith.constant 0 : i32
    return %arg0, %c0_i32 : i32, i32
  }
  func.func @transform_3(%arg0: i32) -> (i32, i32) {
    %c0_i32 = arith.constant 0 : i32
    %c0_i32_0 = arith.constant 0 : i32
    return %arg0, %c0_i32 : i32, i32
  }
  func.func @transform_4(%arg0: i32) -> (i32, i32) {
    %c0_i32 = arith.constant 0 : i32
    %c0_i32_0 = arith.constant 0 : i32
    return %arg0, %c0_i32 : i32, i32
  }
  func.func @transform_5(%arg0: i32) -> (i32, i32) {
    %c0_i32 = arith.constant 0 : i32
    %c0_i32_0 = arith.constant 0 : i32
    %c0_i32_1 = arith.constant 0 : i32
    return %c0_i32, %c0_i32_0 : i32, i32
  }
  func.func @transform_6(%arg0: i32) -> (i32, i32) {
    %c0_i32 = arith.constant 0 : i32
    %c0_i32_0 = arith.constant 0 : i32
    %c0_i32_1 = arith.constant 0 : i32
    return %c0_i32, %c0_i32_0 : i32, i32
  }
  func.func @transform_7(%arg0: i32) -> (i32, i32) {
    %c0_i32 = arith.constant 0 : i32
    %c0_i32_0 = arith.constant 0 : i32
    %c0_i32_1 = arith.constant 0 : i32
    return %c0_i32, %c0_i32_0 : i32, i32
  }
  func.func @transform_8(%arg0: i32) -> (i32, i32) {
    %c0_i32 = arith.constant 0 : i32
    %c0_i32_0 = arith.constant 0 : i32
    return %arg0, %c0_i32 : i32, i32
  }
}

</mosaic_0001>

<sc_bundles>
// kernel: kernel.6.cloned.1.call-start
scs
__scs_entry_jumppad:
0x0: {  	(pc) =	sbr.rel $0x88, $3  }
0x1: {  	(tag) =	ssettag $0x0;
	lr =	simm.s32 $0x1  }
0x2: {  	[smem:$0x3F98] =	sst lr;
	_ =	strace $0xD0000000  }
0x3: {  	_ = 	snop  }
0x4: {  	_ = 	snop  }
0x5: {  	_ = 	snop  }
0x6: {  	_ = 	snop  }
0x7: {  	_ = 	snop  }
__scs_overlays_trampoline_lowered:
0x8: {  	[smem:$0x3FA7] =	sst s0  }
0x9: {  	[smem:$0x3FA8] =	sst s1  }
0xa: {  	[smem:$0x3FA9] =	sst s2  }
0xb: {  	[smem:$0x3FAA] =	sst s3  }
0xc: {  	[smem:$0x3FAB] =	sst s4  }
0xd: {  	[smem:$0x3FAC] =	sst s5  }
0xe: {  	[smem:$0x3FAD] =	sst s6  }
0xf: {  	[smem:$0x3FAE] =	sst s7  }
0x10: {  	[smem:$0x3FAF] =	sst s8  }
0x11: {  	[smem:$0x3FB0] =	sst s9;
	s0 =	simm.s32 @!p0 $0x0  }
0x12: {  	s1 =	sld [smem:$0x3F96];
	s0 =	simm.s32 @p0 $0x1  }
0x13: {  	[smem:$0x3FB1] =	sst s0;
	s0 =	simm.s32 @!p1 $0x0  }
0x14: {  	s2 =	sld [smem:$0x3F95];
	s0 =	simm.s32 @p1 $0x1  }
0x15: {  	[smem:$0x3FB2] =	sst s0;
	s0 =	simm.s32 @!p2 $0x0  }
0x16: {  	s3 =	sld [smem:$0x3FDB];
	s0 =	simm.s32 @p2 $0x1  }
0x17: {  	s4 =	simm.s32 $0x1BF5;
	[smem:$0x3FB4] =	sst s0  }
0x18: {  	s0 =	sld [smem:$0x3F97];
	_ =	swait.ge [sflag:s4], $0x0  }
0x19: {  	s7 =	sld [smem:$0x3F98]  }
0x1a: {  	s8 =	sadd.s32 $0xFFFFE003, lr  }
0x1b: {  	s9 =	sadd.s32 $0xFFFFFEF7, lr;
	s5 =	simm.s32 $0xFFFFFFFF;
	p2 =	slt.u32 s8, $0xFFFFF086  }
0x1c: {  	p1 =	slt.u32 s9, $0xF7A;
	s5 =	simm.s32 @!p2 $0x0  }
0x1d: {  	s5 =	simm.s32 @p1 $0x1;
	p0 =	seq.s32 s7, s2  }
0x1e: {  	s7 =	smul.u32 @!p0 $0xF7A, s2;
	p2 =	seq.s32 @!p0 s5, $0x0  }
0x1f: {  	s9 =	smul.u32 $0xF7A, s1;
	s8 =	simm.s32 @!p0 $0x1BF5;
	p2 =	por !p2, p0  }
0x20: {  	[sflag:s8] =	ssyncset.s32 @!p0 $0xFFFFF086;
	s6 =	sadd.s32 @!p0 s3, s7;
	s7 =	simm.s32 @!p0 $0x108  }
0x21: {  	s3 =	sadd.s32 s3, s9;
	s6 =	sadd.s32 @!p0 $0x88, s6;
	s7 =	simm.s32 @p2 $0x1082  }
0x22: {  	[simem:s7], [sflag:s8] =	dma.local @!p0 [hbm:s6], $0xF7A  }
0x23: {  	s9 =	sor.u32 $0xD0000000, s2;
	s6 =	simm.s32 $0x108;
	_ =	swait.ge @!p0 [sflag:s8], $0x0  }
0x24: {  	s3 =	sadd.s32 $0x88, s3;
	s6 =	simm.s32 @!p1 $0x1082;
	[sflag:s4] =	ssyncset.s32 $0xFFFFF086  }
0x25: {  	[simem:s6], [sflag:s4] =	dma.local [hbm:s3], $0xF7A  }
0x26: {  	[smem:$0x3F98] =	sst s1;
	(tag) =	ssettag s2;
	_ =	strace s9  }
0x27: {  	s1 =	sld [smem:$0x3FA8]  }
0x28: {  	s2 =	sld [smem:$0x3FA9]  }
0x29: {  	s4 =	sld [smem:$0x3FAB]  }
0x2a: {  	p0 =	seq.s32 s5, $0x0;
	s5 =	sld [smem:$0x3FAC]  }
0x2b: {  	s6 =	sld [smem:$0x3FAD]  }
0x2c: {  	s7 =	sld [smem:$0x3FAE]  }
0x2d: {  	s3 =	simm.s32 $0x108;
	s8 =	sld [smem:$0x3FAF]  }
0x2e: {  	s3 =	simm.s32 @!p0 $0x1082;
	s9 =	sld [smem:$0x3FB0]  }
0x2f: {  	lr =	sadd.s32 s0, s3;
	s0 =	sld [smem:$0x3FA7]  }
0x30: {  	s3 =	sld [smem:$0x3FAA]  }
0x31: {  	[smem:$0x3FB3] =	sst s10  }
0x32: {  	s10 =	sld [smem:$0x3FB1];
	_ =	sdelay $0x3  }
0x33: {  	p0 =	seq.s32 s10, $0x1;
	s10 =	sld [smem:$0x3FB3];
	_ =	sdelay $0x3  }
0x34: {  	[smem:$0x3FB3] =	sst s10  }
0x35: {  	s10 =	sld [smem:$0x3FB2];
	_ =	sdelay $0x3  }
0x36: {  	p1 =	seq.s32 s10, $0x1;
	s10 =	sld [smem:$0x3FB3];
	_ =	sdelay $0x3  }
0x37: {  	[smem:$0x3FB3] =	sst s10  }
0x38: {  	s10 =	sld [smem:$0x3FB4]  }
0x39: {  	_ = 	snop;
	(pc) =	sbr.ind lr, $3  }
0x3a: {  	_ = 	snop  }
0x3b: {  	_ = 	snop  }
0x3c: {  	p2 =	seq.s32 s10, $0x1;
	s10 =	sld [smem:$0x3FB3]  }
0x3d: {  	_ =	shalt  }
0x3e: {  	_ =	shalt  }
0x3f: {  	_ =	shalt  }
0x40: {  	_ =	shalt  }
0x41: {  	_ =	shalt  }
0x42: {  	_ =	shalt  }
0x43: {  	_ =	shalt  }
0x44: {  	_ =	shalt  }
0x45: {  	_ =	shalt  }
0x46: {  	_ =	shalt  }
0x47: {  	_ =	shalt  }
0x48: {  	_ =	shalt  }
0x49: {  	_ =	shalt  }
0x4a: {  	_ =	shalt  }
0x4b: {  	_ =	shalt  }
0x4c: {  	_ =	shalt  }
0x4d: {  	_ =	shalt  }
0x4e: {  	_ =	shalt  }
0x4f: {  	_ =	shalt  }
0x50: {  	_ =	shalt  }
0x51: {  	_ =	shalt  }
0x52: {  	_ =	shalt  }
0x53: {  	_ =	shalt  }
0x54: {  	_ =	shalt  }
0x55: {  	_ =	shalt  }
0x56: {  	_ =	shalt  }
0x57: {  	_ =	shalt  }
0x58: {  	_ =	shalt  }
0x59: {  	_ =	shalt  }
0x5a: {  	_ =	shalt  }
0x5b: {  	_ =	shalt  }
0x5c: {  	_ =	shalt  }
0x5d: {  	_ =	shalt  }
0x5e: {  	_ =	shalt  }
0x5f: {  	_ =	shalt  }
0x60: {  	_ =	shalt  }
0x61: {  	_ =	shalt  }
0x62: {  	_ =	shalt  }
0x63: {  	_ =	shalt  }
0x64: {  	_ =	shalt  }
0x65: {  	_ =	shalt  }
0x66: {  	_ =	shalt  }
0x67: {  	_ =	shalt  }
0x68: {  	_ =	shalt  }
0x69: {  	_ =	shalt  }
0x6a: {  	_ =	shalt  }
0x6b: {  	_ =	shalt  }
0x6c: {  	_ =	shalt  }
0x6d: {  	_ =	shalt  }
0x6e: {  	_ =	shalt  }
0x6f: {  	_ =	shalt  }
0x70: {  	_ =	shalt  }
0x71: {  	_ =	shalt  }
0x72: {  	_ =	shalt  }
0x73: {  	_ =	shalt  }
0x74: {  	_ =	shalt  }
0x75: {  	_ =	shalt  }
0x76: {  	_ =	shalt  }
0x77: {  	_ =	shalt  }
0x78: {  	_ =	shalt  }
0x79: {  	_ =	shalt  }
0x7a: {  	_ =	shalt  }
0x7b: {  	_ =	shalt  }
0x7c: {  	_ =	shalt  }
0x7d: {  	_ =	shalt  }
0x7e: {  	_ =	shalt  }
0x7f: {  	_ =	shalt  }
0x80: {  	_ =	shalt  }
0x81: {  	_ =	shalt  }
0x82: {  	_ =	shalt  }
0x83: {  	_ =	shalt  }
0x84: {  	_ =	shalt  }
0x85: {  	_ =	shalt  }
0x86: {  	_ =	shalt  }
0x87: {  	_ =	shalt  }
.Lfunc_end0:
.L_simem_size_0:
called_computation_lowered:
.L_overlay_start_0:
0x88: {  	s2 =	sld [smem:$0x3FD9]  }
0x89: {  	s3 =	sld [smem:$0x3FFE];
	_ =	sdelay $0x1  }
0x8a: {  	s1 =	srdreg.scid  }
0x8b: {  	s0 =	sand.u32 $0x1, s1  }
0x8c: {  	s17 =	sshll.u32 s0, $0xA;
	s2 =	sadd.s32 s3, s2  }
0x8d: {  	s2 =	sadd.s32 s2, s17  }
0x8e: {  	[smem:$0x3FBF] =	sst s2  }
0x8f: {  	_ = 	snop  }
0x90: {  	s2 =	sld [smem:$0x3FC9]  }
0x91: {  	s18 =	sld [smem:$0x3FD0];
	(tm) =	ssettm $0x1  }
0x92: {  	s4 =	sld [smem:$0x3FFB];
	_ =	sdelay $0x3  }
0x93: {  	_ =	strace s4  }
0x94: {  	s4 =	sld [smem:$0x3FFC];
	_ =	sdelay $0x3  }
0x95: {  	_ =	strace s4  }
0x96: {  	s4 =	sld [smem:$0x3FFD];
	_ =	sdelay $0x3  }
0x97: {  	_ =	strace s4  }
0x98: {  	_ =	strace $0x8FFFFFFF  }
0x99: {  	s19 =	sld [smem:$0x3FDB];
	_ =	sdelay $0x1  }
0x9a: {  	s5 =	simm.s32 $_scs_section_size  }
0x9b: {  	s6 =	simm.s32 $_size__tile_overlayer_lowered;
	s7 =	simm.s32 $_tile_overlayer_lowered  }
0x9c: {  	s22 =	simm.s32 $0x1BFF;
	s21 =	sshll.u32 s7, $0x1;
	s4 =	sadd.s32 s5, s19  }
0x9d: {  	s8 =	simm.s32 $0x0;
	s20 =	sshll.u32 s6, $0x1;
	s6 =	sadd.s32 s21, s4  }
0x9e: {  	[timem:s8], [sflag:s22] =	dma.local [hbm:s6], s20  }
0x9f: {  	_ =	swait.ge [sflag:s22], s20  }
0xa0: {  	s5 =	ssub.s32 $0x0, s20;
	[sflag:s22] =	ssyncset.done $0x0  }
0xa1: {  	[sflag:s22] =	ssyncadd.s32 s5;
	_ =	sdelay $0x1  }
0xa2: {  	s23 =	simm.s32 $0x1B8B  }
0xa3: {  	_ =	swait.ge [sflag:s23], $0x1  }
0xa4: {  	[sflag:s23] =	ssyncset.done $0x0  }
0xa5: {  	s25 =	simm.s32 $0x1B8E;
	s24 =	sld [smem:$0x3FFE];
	[sflag:s23] =	ssyncadd.s32 $0xFFFFFFFF  }
0xa6: {  	s26 =	simm.s32 $execute0_lowered;
	[smem:$0x3FD2] =	sst s25  }
0xa7: {  	s6 =	sshll.u32 s26, $0x1;
	_ =	strace $0x80000046;
	[dreg:$0x1] =	wrdreg $0xFFFFFFFF  }
0xa8: {  	s28 =	simm.s32 $_size_execute0_lowered;
	s4 =	sadd.s32 s4, s6;
	[dreg:$0x0] =	wrdreg $0x0  }
0xa9: {  	s6 =	sshll.u32 s28, $0x1;
	[dreg:$0x2] =	wrdreg s4  }
0xaa: {  	[dreg:$0x3] =	wrdreg s6  }
0xab: {  	[dreg:$0x4] =	wrdreg $0xC0  }
0xac: {  	_ =	task [dreg:s8], $0x5FFFF  }
0xad: {  	[dreg:$0x1] =	wrdreg $0xFFFFFFFF  }
0xae: {  	[dreg:$0x0] =	wrdreg $0x60  }
0xaf: {  	[dreg:$0x2] =	wrdreg s2  }
0xb0: {  	[dreg:$0x3] =	wrdreg s18  }
0xb1: {  	[dreg:$0x4] =	wrdreg s24  }
0xb2: {  	[dreg:$0x5] =	wrdreg $0xA8800  }
0xb3: {  	[dreg:$0x6] =	wrdreg $0x1E4800  }
0xb4: {  	[dreg:$0x7] =	wrdreg $0x9  }
0xb5: {  	_ =	task.clear_ibuf [dreg:s8], $0x8FFFF;
	_ =	strace $0x90000046  }
0xb6: {  	s29 =	simm.s32 $0x9;
	_ =	strace $0x80000048  }
0xb7: {  	_ =	swait.ge [sflag:s29], $0x1  }
0xb8: {  	[sflag:s29] =	ssyncadd.s32 $0xFFFFFFFF  }
0xb9: {  	_ =	strace $0x90000048  }
0xba: {  	_ =	sfence  }
0xbb: {  	s30 =	sld [smem:$0x0];
	_ =	sdelay $0x2  }
0xbc: {  	s31 =	sshll.u32 s1, $0xD;
	s1 =	sshrl.u32 s1, $0x2  }
0xbd: {  	s3 =	sand.u32 $0x4000, s31;
	s1 =	sadd.s32 s1, s30  }
0xbe: {  	s0 =	sor.u32 s3, s0;
	s1 =	sshll.u32 s1, $0x11  }
0xbf: {  	s0 =	sor.u32 s1, s0  }
0xc0: {  	s0 =	sadd.s32 $0x8F2B, s0  }
0xc1: {  	[sflag:s0] =	ssyncadd.remote.s32 $0x1  }
0xc2: {  	_ =	sfence.sel $0xFFFF  }
0xc3: {  	[dreg:$0x0] =	wrdreg $0xFFFFFFFF;
	(pc) =	sbr.abs _section_cstart, $3  }
0xc4: {  	[dreg:$0x1] =	wrdreg $0xFFFFFFFF  }
0xc5: {  	_ =	task.clear_ibuf [dreg:s8], $0x2FFFF;
	_ =	strace $0x9FFFFFFF  }
0xc6: {  	(tm) =	ssettm $0x7FFFFFFF  }
0xc7: {  	_ =	shalt  }
tec
execute0_lowered:
.L_overlay_start_1:
0x0: {  	(tag) =	ssettag $0x1  }
0x1: {  	s1 =	rddreg [dreg:$0x0]  }
0x2: {  	s0 =	rddreg [dreg:$0x1]  }
0x3: {  	s3 =	rddreg [dreg:$0x2]  }
0x4: {  	s2 =	rddreg [dreg:$0x3]  }
0x5: {  	s4 =	rddreg [dreg:$0x4];
	s5 =	simm.s32 $0x0  }
0x6: {  	s19 =	stileid.u32;
	s7 =	srdreg.scid;
	s28 =	simm.s32 $0x4800  }
0x7: {  	s29 =	simm.s32 $0x6800;
	s30 =	simm.s32 $0x8800;
	s6 =	smul.u32 $0x2780, s19  }
0x8: {  	s31 =	simm.s32 $0x5;
	[smem:$0x7FF] =	sst s5;
	s8 =	smul.u32 $0x280, s19  }
0x9: {  	s7 =	sand.u32 $0x1, s7;
	s9 =	sadd.s32 $0x2600, s3;
	s13 =	smul.u32 $0x4F000, s19  }
0xa: {  	s17 =	sadd.s32 $0x3F000, s3;
	s20 =	sadd.s32 $0x66800, s3;
	_ =	strace $0x80000047  }
0xb: {  	s11 =	sshll.u32 s7, $0x4;
	s15 =	ssub.s32 $0x2, s7;
	p0 =	seq.s32 s7, $0x1  }
0xc: {  	s7 =	simm.s32 $0x6;
	s10 =	sadd.s32 s6, s3;
	s11 =	sor.u32 s19, s11  }
0xd: {  	s12 =	sshrl.u32 s8, $0x3;
	s18 =	sshrl.u32 s15, $0x1;
	s16 =	smul.u32 $0x5000, s11  }
0xe: {  	s13 =	sshrl.u32 s13, $0x2;
	s17 =	smov.u32 @p0 s20;
	s11 =	smul.u32 $0xA00, s11  }
0xf: {  	s14 =	sadd.s32 s12, s3;
	s15 =	ssub.s32 s15, s18;
	s21 =	sadd.s32 s13, s2  }
0x10: {  	s20 =	sadd.s32 s17, s6;
	[dreg:$0xe] =	wrdreg s21;
	s22 =	sadd.s32 s0, s11  }
0x11: {  	s16 =	sshrl.u32 s16, $0x3;
	s11 =	sadd.s32 s9, s11;
	[dreg:$0x6] =	wrdreg s22  }
0x12: {  	s23 =	sadd.s32 $0x280, s16;
	[dreg:$0x7] =	wrdreg s11;
	s22 =	sadd.s32 $0x16600, s10  }
0x13: {  	s6 =	simm.s32 $0xA;
	s24 =	sadd.s32 s0, s23;
	[dreg:$0xf] =	wrdreg s22  }
0x14: {  	s25 =	sadd.s32 $0x500, s16;
	s18 =	sadd.s32 s9, s23;
	[dreg:$0x8] =	wrdreg s24  }
0x15: {  	s16 =	sadd.s32 $0x780, s16;
	s26 =	sadd.s32 s0, s25;
	[dreg:$0x9] =	wrdreg s18  }
0x16: {  	s10 =	simm.s32 $0x0;
	s11 =	sadd.s32 s9, s25;
	[dreg:$0xa] =	wrdreg s26  }
0x17: {  	s0 =	sadd.s32 s0, s16;
	s23 =	sshll.u32 s19, $0x6;
	[dreg:$0xb] =	wrdreg s11  }
0x18: {  	s25 =	sadd.s32 $0x3DE00, s14;
	s22 =	simm.s32 $0x9;
	[dreg:$0xc] =	wrdreg s0  }
0x19: {  	s18 =	sadd.s32 s9, s16;
	s0 =	sadd.s32 $0x3E400, s3;
	s3 =	sadd.s32 $0x3EA00, s3  }
0x1a: {  	s16 =	sor.u32 $0x1C09, s23;
	s24 =	sadd.s32 s8, s4;
	[dreg:$0x11] =	wrdreg s25  }
.Ltmp0:
0x1b: {  	s26 =	smax.u32 s15, $0x1;
	[dreg:$0xd] =	wrdreg s18;
	(pc) =	sbr.rel .LBB2_1-.Ltmp0, $4  }
0x1c: {  	s23 =	simm.s32 $0x1400;
	s25 =	simm.s32 $0x2800;
	[dreg:$0x10] =	wrdreg s24  }
0x1d: {  	s8 =	simm.s32 $0x4;
	s9 =	simm.s32 $0x7;
	[dreg:$0x12] =	wrdreg s26  }
0x1e: {  	s0 =	smov.u32 @p0 s3;
	s24 =	simm.s32 $0x40;
	s26 =	simm.s32 $0x80  }
0x1f: {  	v0 =	vimm.f32 $1.000000000e+00;
	s3 =	simm.s32 $0xA800;
	s21 =	sadd.s32 s0, s12;
	s0 =	simm.s32 $0x3  }
.LBB2_21:
0x20: {  	[bflag:$0x0] =	sbarrier.arrive $0xFFFF  }
0x21: {  	[hbm:s20], [sflag:s16] =	dma.local [spmem:s11], $0x2780  }
0x22: {  	_ =	swait.ge [sflag:s22], $0x2780  }
0x23: {  	[sflag:s22] =	ssyncset.done $0x0  }
0x24: {  	[sflag:s22] =	ssyncadd.s32 $0xFFFFD880  }
0x25: {  	[hbm:s21], [sflag:s16] =	dma.local [spmem:s12], $0x50  }
0x26: {  	_ =	swait.ge [sflag:s22], $0x50  }
0x27: {  	s10 =	sadd.s32 $0x1, s10;
	s19 =	rddreg [dreg:$0x12]  }
0x28: {  	p0 =	sne.s32 s10, s19  }
.Ltmp1:
0x29: {  	_ = 	snop;
	(pc) =	sbr.rel @!p0 .LBB2_22-.Ltmp1, $3  }
0x2a: {  	_ =	sdelay $0x1  }
0x2b: {  	[sflag:s22] =	ssyncset.done $0x0  }
0x2c: {  	[sflag:s22] =	ssyncadd.s32 $0xFFFFFFB0  }
.LBB2_1:
0x2d: {  	s11 =	rddreg [dreg:$0xe]  }
0x2e: {  	s12 =	rddreg [dreg:$0xf];
	s11 =	sshrl.u32 s11, $0x3  }
0x2f: {  	[spmem:s11], [sflag:s16] =	dma.local [hbm:s12], $0x2780  }
0x30: {  	_ =	swait.ge [sflag:s22], $0x2780  }
0x31: {  	[sflag:s22] =	ssyncset.done $0x0;
	s17 =	rddreg [dreg:$0x10]  }
0x32: {  	s13 =	rddreg [dreg:$0x11];
	[sflag:s22] =	ssyncadd.s32 $0xFFFFD880;
	s12 =	sshrl.u32 s17, $0x3  }
0x33: {  	[spmem:s12], [sflag:s16] =	dma.local [hbm:s13], $0x50  }
0x34: {  	_ =	swait.ge [sflag:s22], $0x50  }
0x35: {  	[sflag:s22] =	ssyncset.done $0x0  }
0x36: {  	[sflag:s22] =	ssyncadd.s32 $0xFFFFFFB0  }
0x37: {  	[tilespmem:$0xA800] =	vst v0  }
0x38: {  	[tilespmem:$0xA810] =	vst v0  }
0x39: {  	[tilespmem:$0xA820] =	vst v0  }
0x3a: {  	[tilespmem:$0xA830] =	vst v0  }
0x3b: {  	[bflag:$0x0] =	sbarrier.arrive $0xFFFF  }
0x3c: {  	s18 =	rddreg [dreg:$0x6]  }
0x3d: {  	[tilespmem:s5], [sflag:$0x9] =	stream.linear.gather [hbm4b:s18+s5], $0x1400, $0x38;
	[tilespmem:$0x1E700] =	vst v63  }
0x3e: {  	_ =	swait.ge [sflag:s22], $0x1400  }
0x3f: {  	[sflag:s22] =	ssyncset.done $0x0  }
.Ltmp2:
0x40: {  	s19 =	rddreg [dreg:$0x7];
	[sflag:s22] =	ssyncadd.s32 $0xFFFFEC00;
	(pc) =	sbr.rel .LBB2_2-.Ltmp2, $4  }
0x41: {  	[tilespmem:s23], [sflag:$0x9] =	stream.linear.gather [hbm4b:s19+s5], $0x1400, $0x38;
	[tilespmem:$0x1E700] =	vst v63  }
0x42: {  	_ =	swait.ge [sflag:s22], $0x1400  }
0x43: {  	[sflag:s22] =	ssyncset.done $0x0  }
0x44: {  	s14 =	simm.s32 $0x0;
	s13 =	simm.s32 $0x3;
	[sflag:s22] =	ssyncadd.s32 $0xFFFFEC00  }
.LBB2_23:
0x45: {  	[tilespmem:s25], [sflag:$0x1] =	stream.indirect.gather [hbm4b:s1+s24], $0x80, s5, s24, $0xb8;
	[tilespmem:$0x1E700] =	vst v63  }
0x46: {  	s15 =	simm.s32 $0x1;
	s17 =	simm.s32 $0x2  }
0x47: {  	[tilespmem:s28], [sflag:$0x2] =	stream.indirect.gather [hbm4b:s1+s24], $0x80, s26, s24, $0xb8;
	[tilespmem:$0x1E700] =	vst v63  }
.LBB2_4:
0x48: {  	s18 =	sshll.u32 s17, $0x7  }
0x49: {  	s18 =	sand.u32 $0x3FFFFF80, s18  }
0x4a: {  	[tilespmem:s29], [sflag:$0x3] =	stream.indirect.gather [hbm4b:s1+s24], $0x80, s18, s24, $0xb8;
	[tilespmem:$0x1E700] =	vst v63  }
.LBB2_5:
0x4b: {  	p1 =	sgt.u32 s17, $0x29  }
0x4c: {  	s17 =	simm.s32 @!p1 $0x1  }
0x4d: {  	_ =	swait.ge @!p1 [sflag:s17], $0x2000  }
0x4e: {  	[sflag:s17] =	ssyncset.done @!p1 $0x0  }
0x4f: {  	[sflag:s17] =	ssyncadd.s32 @!p1 $0xFFFFE000;
	s17 =	sshra.s32 @!p1 s14, $0x2  }
0x50: {  	s18 =	simm.s32 @!p1 $0x40;
	s19 =	simm.s32 @!p1 $0x2800;
	s17 =	sadd.s32 @!p1 $0x1400, s17  }
0x51: {  	[spmem:s2] =	stream.indirect.scatter.add.f32 @!p1 [tilespmem:s19], [sflag:$0x5], $0x80, s17, s18, $0xb8;
	[tilespmem:$0x1E700] =	vst v63  }
0x52: {  	s19 =	simm.s32 @!p1 $0xA800  }
0x53: {  	[spmem:s4] =	stream.indirect.scatter.add.f32 @!p1 [tilespmem:s19], [sflag:$0xA], $0x1, s17, s18, $0xb8;
	[tilespmem:$0x1E700] =	vst v63  }
0x54: {  	s17 =	simm.s32 @!p1 $0xA  }
0x55: {  	_ =	swait.ge @!p1 [sflag:s17], $0x40  }
0x56: {  	[sflag:s17] =	ssyncset.done @!p1 $0x0  }
0x57: {  	[sflag:s17] =	ssyncadd.s32 @!p1 $0xFFFFFFC0;
	s17 =	simm.s32 @!p0 $0x8  }
0x58: {  	p1 =	seq.s32 @!p0 s14, $0x5000;
	_ =	swait.ge @!p0 [sflag:s17], $0x2000  }
0x59: {  	p1 =	por p0, !p1;
	[sflag:s17] =	ssyncset.done @!p0 $0x0  }
0x5a: {  	[sflag:s17] =	ssyncadd.s32 @!p0 $0xFFFFE000;
	s17 =	sshra.s32 @p1 s14, $0x2  }
0x5b: {  	p0 =	sgt.u32 s13, $0x29;
	s17 =	sadd.s32 @p1 $0x180, s17  }
0x5c: {  	[tilespmem:s30], [sflag:$0x4] =	stream.indirect.gather @p1 [hbm4b:s1+s24], $0x80, s17, s24, $0xb8;
	[tilespmem:$0x1E700] =	vst v63  }
0x5d: {  	s17 =	simm.s32 @!p0 $0x2  }
0x5e: {  	s14 =	sadd.s32 $0x800, s14;
	s15 =	sshll.u32 @!p0 s15, $0x7;
	_ =	swait.ge @!p0 [sflag:s17], $0x2000  }
0x5f: {  	s18 =	simm.s32 @!p0 $0x4800;
	s15 =	sand.u32 @!p0 $0x3FFFFF80, s15;
	[sflag:s17] =	ssyncset.done @!p0 $0x0  }
0x60: {  	s15 =	sadd.s32 @!p0 $0x1400, s15;
	[sflag:s17] =	ssyncadd.s32 @!p0 $0xFFFFE000;
	s17 =	simm.s32 @!p0 $0x40  }
0x61: {  	[spmem:s2] =	stream.indirect.scatter.add.f32 @!p0 [tilespmem:s18], [sflag:$0x6], $0x80, s15, s17, $0xb8;
	[tilespmem:$0x1E700] =	vst v63  }
0x62: {  	p1 =	sne.s32 s14, $0x5800;
	s18 =	simm.s32 @!p0 $0xA800  }
0x63: {  	[spmem:s4] =	stream.indirect.scatter.add.f32 @!p0 [tilespmem:s18], [sflag:$0x9], $0x1, s15, s17, $0xb8;
	[tilespmem:$0x1E700] =	vst v63  }
.Ltmp3:
0x64: {  	_ = 	snop;
	(pc) =	sbr.rel @!p1 .LBB2_6-.Ltmp3, $4  }
0x65: {  	s15 =	simm.s32 @!p0 $0x9  }
0x66: {  	_ =	swait.ge @!p0 [sflag:s15], $0x40  }
0x67: {  	[sflag:s15] =	ssyncset.done @!p0 $0x0  }
0x68: {  	s13 =	sadd.s32 $0x4, s13;
	[sflag:s15] =	ssyncadd.s32 @!p0 $0xFFFFFFC0  }
.LBB2_2:
0x69: {  	p0 =	seq.s32 s14, $0x0  }
.Ltmp4:
0x6a: {  	_ = 	snop;
	(pc) =	sbr.rel @p0 .LBB2_23-.Ltmp4, $1  }
0x6b: {  	_ =	sdelay $0x3  }
0x6c: {  	_ =	swait.ge [sflag:s31], $0x2000;
	p1 =	seq.s32 s14, $0x5000  }
0x6d: {  	[sflag:s31] =	ssyncset.done $0x0;
	s15 =	sshra.s32 @!p1 s14, $0x2  }
0x6e: {  	s18 =	simm.s32 @!p1 $0x40;
	s17 =	simm.s32 @!p1 $0x2800;
	[sflag:s31] =	ssyncadd.s32 $0xFFFFE000  }
0x6f: {  	[tilespmem:s17], [sflag:$0x1] =	stream.indirect.gather @!p1 [hbm4b:s1+s18], $0x80, s15, s18, $0xb8;
	[tilespmem:$0x1E700] =	vst v63  }
0x70: {  	s17 =	smov.u32 s14  }
0x71: {  	s17 =	simm.s32 @p1 $0x5000;
	_ =	swait.ge [sflag:s0], $0x2000  }
0x72: {  	[sflag:s0] =	ssyncset.done $0x0;
	s17 =	sshra.s32 s17, $0x2  }
0x73: {  	[sflag:s0] =	ssyncadd.s32 $0xFFFFE000;
	s19 =	sadd.s32 $0x1300, s17  }
0x74: {  	[spmem:s2] =	stream.indirect.scatter.add.f32 [tilespmem:s29], [sflag:$0x7], $0x80, s19, s24, $0xb8;
	[tilespmem:$0x1E700] =	vst v63  }
0x75: {  	_ = 	snop  }
0x76: {  	[spmem:s4] =	stream.indirect.scatter.add.f32 [tilespmem:s3], [sflag:$0xA], $0x1, s19, s24, $0xb8;
	[tilespmem:$0x1E700] =	vst v63  }
0x77: {  	_ =	swait.ge [sflag:s6], $0x40  }
0x78: {  	[sflag:s6] =	ssyncset.done $0x0  }
0x79: {  	[sflag:s6] =	ssyncadd.s32 $0xFFFFFFC0  }
0x7a: {  	_ =	swait.ge [sflag:s7], $0x2000  }
0x7b: {  	[sflag:s7] =	ssyncset.done $0x0  }
0x7c: {  	s15 =	sadd.s32 @!p1 $0x80, s15;
	s19 =	simm.s32 @!p1 $0x4800;
	[sflag:s7] =	ssyncadd.s32 $0xFFFFE000  }
0x7d: {  	[tilespmem:s19], [sflag:$0x2] =	stream.indirect.gather @!p1 [hbm4b:s1+s18], $0x80, s15, s18, $0xb8;
	[tilespmem:$0x1E700] =	vst v63  }
0x7e: {  	_ =	swait.ge [sflag:s8], $0x2000  }
0x7f: {  	[sflag:s8] =	ssyncset.done $0x0  }
0x80: {  	s17 =	sadd.s32 $0x1380, s17;
	[sflag:s8] =	ssyncadd.s32 $0xFFFFE000  }
0x81: {  	[spmem:s2] =	stream.indirect.scatter.add.f32 [tilespmem:s30], [sflag:$0x8], $0x80, s17, s24, $0xb8;
	[tilespmem:$0x1E700] =	vst v63  }
0x82: {  	_ = 	snop  }
0x83: {  	[spmem:s4] =	stream.indirect.scatter.add.f32 [tilespmem:s3], [sflag:$0xA], $0x1, s17, s24, $0xb8;
	[tilespmem:$0x1E700] =	vst v63  }
0x84: {  	_ =	swait.ge [sflag:s6], $0x40  }
.Ltmp5:
0x85: {  	[sflag:s6] =	ssyncset.done $0x0;
	(pc) =	sbr.rel @p1 .LBB2_5-.Ltmp5, $4  }
.Ltmp6:
0x86: {  	[sflag:s6] =	ssyncadd.s32 $0xFFFFFFC0;
	(pc) =	sbr.rel @!p1 .LBB2_4-.Ltmp6, $4  }
0x87: {  	_ =	swait.ge [sflag:s9], $0x2000  }
0x88: {  	[sflag:s9] =	ssyncset.done $0x0  }
0x89: {  	s15 =	sadd.s32 $0xFFFFFFFE, s13;
	s17 =	sadd.s32 $0xFFFFFFFF, s13;
	[sflag:s9] =	ssyncadd.s32 $0xFFFFE000  }
0x8a: {  	_ = 	snop  }
.LBB2_6:
0x8b: {  	s13 =	simm.s32 $0x0;
	s14 =	rddreg [dreg:$0x8]  }
0x8c: {  	[tilespmem:s13], [sflag:$0x9] =	stream.linear.gather [hbm4b:s14+s13], $0x1400, $0x38;
	[tilespmem:$0x1E700] =	vst v63  }
0x8d: {  	_ =	swait.ge [sflag:s22], $0x1400  }
0x8e: {  	[sflag:s22] =	ssyncset.done $0x0  }
.Ltmp7:
0x8f: {  	s19 =	rddreg [dreg:$0x9];
	[sflag:s22] =	ssyncadd.s32 $0xFFFFEC00;
	(pc) =	sbr.rel .LBB2_7-.Ltmp7, $4  }
0x90: {  	[tilespmem:s23], [sflag:$0x9] =	stream.linear.gather [hbm4b:s19+s13], $0x1400, $0x38;
	[tilespmem:$0x1E700] =	vst v63  }
0x91: {  	_ =	swait.ge [sflag:s22], $0x1400  }
0x92: {  	[sflag:s22] =	ssyncset.done $0x0  }
0x93: {  	s14 =	simm.s32 $0x3;
	[sflag:s22] =	ssyncadd.s32 $0xFFFFEC00  }
.LBB2_24:
0x94: {  	[tilespmem:s25], [sflag:$0x1] =	stream.indirect.gather [hbm4b:s1+s24], $0x80, s5, s24, $0xb8;
	[tilespmem:$0x1E700] =	vst v63  }
0x95: {  	s15 =	simm.s32 $0x1;
	s17 =	simm.s32 $0x2  }
0x96: {  	[tilespmem:s28], [sflag:$0x2] =	stream.indirect.gather [hbm4b:s1+s24], $0x80, s26, s24, $0xb8;
	[tilespmem:$0x1E700] =	vst v63  }
.LBB2_9:
0x97: {  	s18 =	sshll.u32 s17, $0x7  }
0x98: {  	s18 =	sand.u32 $0x3FFFFF80, s18  }
0x99: {  	[tilespmem:s29], [sflag:$0x3] =	stream.indirect.gather [hbm4b:s1+s24], $0x80, s18, s24, $0xb8;
	[tilespmem:$0x1E700] =	vst v63  }
.LBB2_10:
0x9a: {  	p1 =	sgt.u32 s17, $0x29  }
0x9b: {  	s17 =	simm.s32 @!p1 $0x1  }
0x9c: {  	_ =	swait.ge @!p1 [sflag:s17], $0x2000  }
0x9d: {  	[sflag:s17] =	ssyncset.done @!p1 $0x0  }
0x9e: {  	[sflag:s17] =	ssyncadd.s32 @!p1 $0xFFFFE000;
	s17 =	sshra.s32 @!p1 s13, $0x2  }
0x9f: {  	s18 =	simm.s32 @!p1 $0x40;
	s19 =	simm.s32 @!p1 $0x2800;
	s17 =	sadd.s32 @!p1 $0x1400, s17  }
0xa0: {  	[spmem:s2] =	stream.indirect.scatter.add.f32 @!p1 [tilespmem:s19], [sflag:$0x5], $0x80, s17, s18, $0xb8;
	[tilespmem:$0x1E700] =	vst v63  }
0xa1: {  	s19 =	simm.s32 @!p1 $0xA800  }
0xa2: {  	[spmem:s4] =	stream.indirect.scatter.add.f32 @!p1 [tilespmem:s19], [sflag:$0xA], $0x1, s17, s18, $0xb8;
	[tilespmem:$0x1E700] =	vst v63  }
0xa3: {  	s17 =	simm.s32 @!p1 $0xA  }
0xa4: {  	_ =	swait.ge @!p1 [sflag:s17], $0x40  }
0xa5: {  	[sflag:s17] =	ssyncset.done @!p1 $0x0  }
0xa6: {  	[sflag:s17] =	ssyncadd.s32 @!p1 $0xFFFFFFC0;
	s17 =	simm.s32 @!p0 $0x8  }
0xa7: {  	p1 =	seq.s32 @!p0 s13, $0x5000;
	_ =	swait.ge @!p0 [sflag:s17], $0x2000  }
0xa8: {  	p1 =	por p0, !p1;
	[sflag:s17] =	ssyncset.done @!p0 $0x0  }
0xa9: {  	[sflag:s17] =	ssyncadd.s32 @!p0 $0xFFFFE000;
	s17 =	sshra.s32 @p1 s13, $0x2  }
0xaa: {  	p0 =	sgt.u32 s14, $0x29;
	s17 =	sadd.s32 @p1 $0x180, s17  }
0xab: {  	[tilespmem:s30], [sflag:$0x4] =	stream.indirect.gather @p1 [hbm4b:s1+s24], $0x80, s17, s24, $0xb8;
	[tilespmem:$0x1E700] =	vst v63  }
0xac: {  	s17 =	simm.s32 @!p0 $0x2  }
0xad: {  	s13 =	sadd.s32 $0x800, s13;
	s15 =	sshll.u32 @!p0 s15, $0x7;
	_ =	swait.ge @!p0 [sflag:s17], $0x2000  }
0xae: {  	s18 =	simm.s32 @!p0 $0x4800;
	s15 =	sand.u32 @!p0 $0x3FFFFF80, s15;
	[sflag:s17] =	ssyncset.done @!p0 $0x0  }
0xaf: {  	s15 =	sadd.s32 @!p0 $0x1400, s15;
	[sflag:s17] =	ssyncadd.s32 @!p0 $0xFFFFE000;
	s17 =	simm.s32 @!p0 $0x40  }
0xb0: {  	[spmem:s2] =	stream.indirect.scatter.add.f32 @!p0 [tilespmem:s18], [sflag:$0x6], $0x80, s15, s17, $0xb8;
	[tilespmem:$0x1E700] =	vst v63  }
0xb1: {  	p1 =	sne.s32 s13, $0x5800;
	s18 =	simm.s32 @!p0 $0xA800  }
0xb2: {  	[spmem:s4] =	stream.indirect.scatter.add.f32 @!p0 [tilespmem:s18], [sflag:$0x9], $0x1, s15, s17, $0xb8;
	[tilespmem:$0x1E700] =	vst v63  }
.Ltmp8:
0xb3: {  	_ = 	snop;
	(pc) =	sbr.rel @!p1 .LBB2_11-.Ltmp8, $4  }
0xb4: {  	s15 =	simm.s32 @!p0 $0x9  }
0xb5: {  	_ =	swait.ge @!p0 [sflag:s15], $0x40  }
0xb6: {  	[sflag:s15] =	ssyncset.done @!p0 $0x0  }
0xb7: {  	s14 =	sadd.s32 $0x4, s14;
	[sflag:s15] =	ssyncadd.s32 @!p0 $0xFFFFFFC0  }
.LBB2_7:
0xb8: {  	p0 =	seq.s32 s13, $0x0  }
.Ltmp9:
0xb9: {  	_ = 	snop;
	(pc) =	sbr.rel @p0 .LBB2_24-.Ltmp9, $1  }
0xba: {  	_ =	sdelay $0x3  }
0xbb: {  	_ =	swait.ge [sflag:s31], $0x2000;
	p1 =	seq.s32 s13, $0x5000  }
0xbc: {  	[sflag:s31] =	ssyncset.done $0x0;
	s15 =	sshra.s32 @!p1 s13, $0x2  }
0xbd: {  	s18 =	simm.s32 @!p1 $0x40;
	s17 =	simm.s32 @!p1 $0x2800;
	[sflag:s31] =	ssyncadd.s32 $0xFFFFE000  }
0xbe: {  	[tilespmem:s17], [sflag:$0x1] =	stream.indirect.gather @!p1 [hbm4b:s1+s18], $0x80, s15, s18, $0xb8;
	[tilespmem:$0x1E700] =	vst v63  }
0xbf: {  	s17 =	smov.u32 s13  }
0xc0: {  	s17 =	simm.s32 @p1 $0x5000;
	_ =	swait.ge [sflag:s0], $0x2000  }
0xc1: {  	[sflag:s0] =	ssyncset.done $0x0;
	s17 =	sshra.s32 s17, $0x2  }
0xc2: {  	[sflag:s0] =	ssyncadd.s32 $0xFFFFE000;
	s19 =	sadd.s32 $0x1300, s17  }
0xc3: {  	[spmem:s2] =	stream.indirect.scatter.add.f32 [tilespmem:s29], [sflag:$0x7], $0x80, s19, s24, $0xb8;
	[tilespmem:$0x1E700] =	vst v63  }
0xc4: {  	_ = 	snop  }
0xc5: {  	[spmem:s4] =	stream.indirect.scatter.add.f32 [tilespmem:s3], [sflag:$0xA], $0x1, s19, s24, $0xb8;
	[tilespmem:$0x1E700] =	vst v63  }
0xc6: {  	_ =	swait.ge [sflag:s6], $0x40  }
0xc7: {  	[sflag:s6] =	ssyncset.done $0x0  }
0xc8: {  	[sflag:s6] =	ssyncadd.s32 $0xFFFFFFC0  }
0xc9: {  	_ =	swait.ge [sflag:s7], $0x2000  }
0xca: {  	[sflag:s7] =	ssyncset.done $0x0  }
0xcb: {  	s15 =	sadd.s32 @!p1 $0x80, s15;
	s19 =	simm.s32 @!p1 $0x4800;
	[sflag:s7] =	ssyncadd.s32 $0xFFFFE000  }
0xcc: {  	[tilespmem:s19], [sflag:$0x2] =	stream.indirect.gather @!p1 [hbm4b:s1+s18], $0x80, s15, s18, $0xb8;
	[tilespmem:$0x1E700] =	vst v63  }
0xcd: {  	_ =	swait.ge [sflag:s8], $0x2000  }
0xce: {  	[sflag:s8] =	ssyncset.done $0x0  }
0xcf: {  	s17 =	sadd.s32 $0x1380, s17;
	[sflag:s8] =	ssyncadd.s32 $0xFFFFE000  }
0xd0: {  	[spmem:s2] =	stream.indirect.scatter.add.f32 [tilespmem:s30], [sflag:$0x8], $0x80, s17, s24, $0xb8;
	[tilespmem:$0x1E700] =	vst v63  }
0xd1: {  	_ = 	snop  }
0xd2: {  	[spmem:s4] =	stream.indirect.scatter.add.f32 [tilespmem:s3], [sflag:$0xA], $0x1, s17, s24, $0xb8;
	[tilespmem:$0x1E700] =	vst v63  }
0xd3: {  	_ =	swait.ge [sflag:s6], $0x40  }
.Ltmp10:
0xd4: {  	[sflag:s6] =	ssyncset.done $0x0;
	(pc) =	sbr.rel @p1 .LBB2_10-.Ltmp10, $4  }
.Ltmp11:
0xd5: {  	[sflag:s6] =	ssyncadd.s32 $0xFFFFFFC0;
	(pc) =	sbr.rel @!p1 .LBB2_9-.Ltmp11, $4  }
0xd6: {  	_ =	swait.ge [sflag:s9], $0x2000  }
0xd7: {  	[sflag:s9] =	ssyncset.done $0x0  }
0xd8: {  	s15 =	sadd.s32 $0xFFFFFFFE, s14;
	s17 =	sadd.s32 $0xFFFFFFFF, s14;
	[sflag:s9] =	ssyncadd.s32 $0xFFFFE000  }
0xd9: {  	_ = 	snop  }
.LBB2_11:
0xda: {  	s13 =	simm.s32 $0x0;
	s14 =	rddreg [dreg:$0xa]  }
0xdb: {  	[tilespmem:s13], [sflag:$0x9] =	stream.linear.gather [hbm4b:s14+s13], $0x1400, $0x38;
	[tilespmem:$0x1E700] =	vst v63  }
0xdc: {  	_ =	swait.ge [sflag:s22], $0x1400  }
0xdd: {  	[sflag:s22] =	ssyncset.done $0x0  }
.Ltmp12:
0xde: {  	s19 =	rddreg [dreg:$0xb];
	[sflag:s22] =	ssyncadd.s32 $0xFFFFEC00;
	(pc) =	sbr.rel .LBB2_12-.Ltmp12, $4  }
0xdf: {  	[tilespmem:s23], [sflag:$0x9] =	stream.linear.gather [hbm4b:s19+s13], $0x1400, $0x38;
	[tilespmem:$0x1E700] =	vst v63  }
0xe0: {  	_ =	swait.ge [sflag:s22], $0x1400  }
0xe1: {  	[sflag:s22] =	ssyncset.done $0x0  }
0xe2: {  	s14 =	simm.s32 $0x3;
	[sflag:s22] =	ssyncadd.s32 $0xFFFFEC00  }
.LBB2_25:
0xe3: {  	[tilespmem:s25], [sflag:$0x1] =	stream.indirect.gather [hbm4b:s1+s24], $0x80, s5, s24, $0xb8;
	[tilespmem:$0x1E700] =	vst v63  }
0xe4: {  	s15 =	simm.s32 $0x1;
	s17 =	simm.s32 $0x2  }
0xe5: {  	[tilespmem:s28], [sflag:$0x2] =	stream.indirect.gather [hbm4b:s1+s24], $0x80, s26, s24, $0xb8;
	[tilespmem:$0x1E700] =	vst v63  }
.LBB2_14:
0xe6: {  	s18 =	sshll.u32 s17, $0x7  }
0xe7: {  	s18 =	sand.u32 $0x3FFFFF80, s18  }
0xe8: {  	[tilespmem:s29], [sflag:$0x3] =	stream.indirect.gather [hbm4b:s1+s24], $0x80, s18, s24, $0xb8;
	[tilespmem:$0x1E700] =	vst v63  }
.LBB2_15:
0xe9: {  	p1 =	sgt.u32 s17, $0x29  }
0xea: {  	s17 =	simm.s32 @!p1 $0x1  }
0xeb: {  	_ =	swait.ge @!p1 [sflag:s17], $0x2000  }
0xec: {  	[sflag:s17] =	ssyncset.done @!p1 $0x0  }
0xed: {  	[sflag:s17] =	ssyncadd.s32 @!p1 $0xFFFFE000;
	s17 =	sshra.s32 @!p1 s13, $0x2  }
0xee: {  	s18 =	simm.s32 @!p1 $0x40;
	s19 =	simm.s32 @!p1 $0x2800;
	s17 =	sadd.s32 @!p1 $0x1400, s17  }
0xef: {  	[spmem:s2] =	stream.indirect.scatter.add.f32 @!p1 [tilespmem:s19], [sflag:$0x5], $0x80, s17, s18, $0xb8;
	[tilespmem:$0x1E700] =	vst v63  }
0xf0: {  	s19 =	simm.s32 @!p1 $0xA800  }
0xf1: {  	[spmem:s4] =	stream.indirect.scatter.add.f32 @!p1 [tilespmem:s19], [sflag:$0xA], $0x1, s17, s18, $0xb8;
	[tilespmem:$0x1E700] =	vst v63  }
0xf2: {  	s17 =	simm.s32 @!p1 $0xA  }
0xf3: {  	_ =	swait.ge @!p1 [sflag:s17], $0x40  }
0xf4: {  	[sflag:s17] =	ssyncset.done @!p1 $0x0  }
0xf5: {  	[sflag:s17] =	ssyncadd.s32 @!p1 $0xFFFFFFC0;
	s17 =	simm.s32 @!p0 $0x8  }
0xf6: {  	p1 =	seq.s32 @!p0 s13, $0x5000;
	_ =	swait.ge @!p0 [sflag:s17], $0x2000  }
0xf7: {  	p1 =	por p0, !p1;
	[sflag:s17] =	ssyncset.done @!p0 $0x0  }
0xf8: {  	[sflag:s17] =	ssyncadd.s32 @!p0 $0xFFFFE000;
	s17 =	sshra.s32 @p1 s13, $0x2  }
0xf9: {  	p0 =	sgt.u32 s14, $0x29;
	s17 =	sadd.s32 @p1 $0x180, s17  }
0xfa: {  	[tilespmem:s30], [sflag:$0x4] =	stream.indirect.gather @p1 [hbm4b:s1+s24], $0x80, s17, s24, $0xb8;
	[tilespmem:$0x1E700] =	vst v63  }
0xfb: {  	s17 =	simm.s32 @!p0 $0x2  }
0xfc: {  	s13 =	sadd.s32 $0x800, s13;
	s15 =	sshll.u32 @!p0 s15, $0x7;
	_ =	swait.ge @!p0 [sflag:s17], $0x2000  }
0xfd: {  	s18 =	simm.s32 @!p0 $0x4800;
	s15 =	sand.u32 @!p0 $0x3FFFFF80, s15;
	[sflag:s17] =	ssyncset.done @!p0 $0x0  }
0xfe: {  	s15 =	sadd.s32 @!p0 $0x1400, s15;
	[sflag:s17] =	ssyncadd.s32 @!p0 $0xFFFFE000;
	s17 =	simm.s32 @!p0 $0x40  }
0xff: {  	[spmem:s2] =	stream.indirect.scatter.add.f32 @!p0 [tilespmem:s18], [sflag:$0x6], $0x80, s15, s17, $0xb8;
	[tilespmem:$0x1E700] =	vst v63  }
0x100: {  	p1 =	sne.s32 s13, $0x5800;
	s18 =	simm.s32 @!p0 $0xA800  }
0x101: {  	[spmem:s4] =	stream.indirect.scatter.add.f32 @!p0 [tilespmem:s18], [sflag:$0x9], $0x1, s15, s17, $0xb8;
	[tilespmem:$0x1E700] =	vst v63  }
.Ltmp13:
0x102: {  	_ = 	snop;
	(pc) =	sbr.rel @!p1 .LBB2_16-.Ltmp13, $4  }
0x103: {  	s15 =	simm.s32 @!p0 $0x9  }
0x104: {  	_ =	swait.ge @!p0 [sflag:s15], $0x40  }
0x105: {  	[sflag:s15] =	ssyncset.done @!p0 $0x0  }
0x106: {  	s14 =	sadd.s32 $0x4, s14;
	[sflag:s15] =	ssyncadd.s32 @!p0 $0xFFFFFFC0  }
.LBB2_12:
0x107: {  	p0 =	seq.s32 s13, $0x0  }
.Ltmp14:
0x108: {  	_ = 	snop;
	(pc) =	sbr.rel @p0 .LBB2_25-.Ltmp14, $1  }
0x109: {  	_ =	sdelay $0x3  }
0x10a: {  	_ =	swait.ge [sflag:s31], $0x2000;
	p1 =	seq.s32 s13, $0x5000  }
0x10b: {  	[sflag:s31] =	ssyncset.done $0x0;
	s15 =	sshra.s32 @!p1 s13, $0x2  }
0x10c: {  	s18 =	simm.s32 @!p1 $0x40;
	s17 =	simm.s32 @!p1 $0x2800;
	[sflag:s31] =	ssyncadd.s32 $0xFFFFE000  }
0x10d: {  	[tilespmem:s17], [sflag:$0x1] =	stream.indirect.gather @!p1 [hbm4b:s1+s18], $0x80, s15, s18, $0xb8;
	[tilespmem:$0x1E700] =	vst v63  }
0x10e: {  	s17 =	smov.u32 s13  }
0x10f: {  	s17 =	simm.s32 @p1 $0x5000;
	_ =	swait.ge [sflag:s0], $0x2000  }
0x110: {  	[sflag:s0] =	ssyncset.done $0x0;
	s17 =	sshra.s32 s17, $0x2  }
0x111: {  	[sflag:s0] =	ssyncadd.s32 $0xFFFFE000;
	s19 =	sadd.s32 $0x1300, s17  }
0x112: {  	[spmem:s2] =	stream.indirect.scatter.add.f32 [tilespmem:s29], [sflag:$0x7], $0x80, s19, s24, $0xb8;
	[tilespmem:$0x1E700] =	vst v63  }
0x113: {  	_ = 	snop  }
0x114: {  	[spmem:s4] =	stream.indirect.scatter.add.f32 [tilespmem:s3], [sflag:$0xA], $0x1, s19, s24, $0xb8;
	[tilespmem:$0x1E700] =	vst v63  }
0x115: {  	_ =	swait.ge [sflag:s6], $0x40  }
0x116: {  	[sflag:s6] =	ssyncset.done $0x0  }
0x117: {  	[sflag:s6] =	ssyncadd.s32 $0xFFFFFFC0  }
0x118: {  	_ =	swait.ge [sflag:s7], $0x2000  }
0x119: {  	[sflag:s7] =	ssyncset.done $0x0  }
0x11a: {  	s15 =	sadd.s32 @!p1 $0x80, s15;
	s19 =	simm.s32 @!p1 $0x4800;
	[sflag:s7] =	ssyncadd.s32 $0xFFFFE000  }
0x11b: {  	[tilespmem:s19], [sflag:$0x2] =	stream.indirect.gather @!p1 [hbm4b:s1+s18], $0x80, s15, s18, $0xb8;
	[tilespmem:$0x1E700] =	vst v63  }
0x11c: {  	_ =	swait.ge [sflag:s8], $0x2000  }
0x11d: {  	[sflag:s8] =	ssyncset.done $0x0  }
0x11e: {  	s17 =	sadd.s32 $0x1380, s17;
	[sflag:s8] =	ssyncadd.s32 $0xFFFFE000  }
0x11f: {  	[spmem:s2] =	stream.indirect.scatter.add.f32 [tilespmem:s30], [sflag:$0x8], $0x80, s17, s24, $0xb8;
	[tilespmem:$0x1E700] =	vst v63  }
0x120: {  	_ = 	snop  }
0x121: {  	[spmem:s4] =	stream.indirect.scatter.add.f32 [tilespmem:s3], [sflag:$0xA], $0x1, s17, s24, $0xb8;
	[tilespmem:$0x1E700] =	vst v63  }
0x122: {  	_ =	swait.ge [sflag:s6], $0x40  }
.Ltmp15:
0x123: {  	[sflag:s6] =	ssyncset.done $0x0;
	(pc) =	sbr.rel @p1 .LBB2_15-.Ltmp15, $4  }
.Ltmp16:
0x124: {  	[sflag:s6] =	ssyncadd.s32 $0xFFFFFFC0;
	(pc) =	sbr.rel @!p1 .LBB2_14-.Ltmp16, $4  }
0x125: {  	_ =	swait.ge [sflag:s9], $0x2000  }
0x126: {  	[sflag:s9] =	ssyncset.done $0x0  }
0x127: {  	s15 =	sadd.s32 $0xFFFFFFFE, s14;
	s17 =	sadd.s32 $0xFFFFFFFF, s14;
	[sflag:s9] =	ssyncadd.s32 $0xFFFFE000  }
0x128: {  	_ = 	snop  }
.LBB2_16:
0x129: {  	s13 =	simm.s32 $0x0;
	s14 =	rddreg [dreg:$0xc]  }
0x12a: {  	[tilespmem:s13], [sflag:$0x9] =	stream.linear.gather [hbm4b:s14+s13], $0x1400, $0x38;
	[tilespmem:$0x1E700] =	vst v63  }
0x12b: {  	_ =	swait.ge [sflag:s22], $0x1400  }
0x12c: {  	[sflag:s22] =	ssyncset.done $0x0  }
.Ltmp17:
0x12d: {  	s19 =	rddreg [dreg:$0xd];
	[sflag:s22] =	ssyncadd.s32 $0xFFFFEC00;
	(pc) =	sbr.rel .LBB2_17-.Ltmp17, $4  }
0x12e: {  	[tilespmem:s23], [sflag:$0x9] =	stream.linear.gather [hbm4b:s19+s13], $0x1400, $0x38;
	[tilespmem:$0x1E700] =	vst v63  }
0x12f: {  	_ =	swait.ge [sflag:s22], $0x1400  }
0x130: {  	[sflag:s22] =	ssyncset.done $0x0  }
0x131: {  	s14 =	simm.s32 $0x3;
	[sflag:s22] =	ssyncadd.s32 $0xFFFFEC00  }
.LBB2_26:
0x132: {  	[tilespmem:s25], [sflag:$0x1] =	stream.indirect.gather [hbm4b:s1+s24], $0x80, s5, s24, $0xb8;
	[tilespmem:$0x1E700] =	vst v63  }
0x133: {  	s15 =	simm.s32 $0x1;
	s17 =	simm.s32 $0x2  }
0x134: {  	[tilespmem:s28], [sflag:$0x2] =	stream.indirect.gather [hbm4b:s1+s24], $0x80, s26, s24, $0xb8;
	[tilespmem:$0x1E700] =	vst v63  }
.LBB2_19:
0x135: {  	s18 =	sshll.u32 s17, $0x7  }
0x136: {  	s18 =	sand.u32 $0x3FFFFF80, s18  }
0x137: {  	[tilespmem:s29], [sflag:$0x3] =	stream.indirect.gather [hbm4b:s1+s24], $0x80, s18, s24, $0xb8;
	[tilespmem:$0x1E700] =	vst v63  }
.LBB2_20:
0x138: {  	p1 =	sgt.u32 s17, $0x29  }
0x139: {  	s17 =	simm.s32 @!p1 $0x1  }
0x13a: {  	_ =	swait.ge @!p1 [sflag:s17], $0x2000  }
0x13b: {  	[sflag:s17] =	ssyncset.done @!p1 $0x0  }
0x13c: {  	[sflag:s17] =	ssyncadd.s32 @!p1 $0xFFFFE000;
	s17 =	sshra.s32 @!p1 s13, $0x2  }
0x13d: {  	s18 =	simm.s32 @!p1 $0x40;
	s19 =	simm.s32 @!p1 $0x2800;
	s17 =	sadd.s32 @!p1 $0x1400, s17  }
0x13e: {  	[spmem:s2] =	stream.indirect.scatter.add.f32 @!p1 [tilespmem:s19], [sflag:$0x5], $0x80, s17, s18, $0xb8;
	[tilespmem:$0x1E700] =	vst v63  }
0x13f: {  	s19 =	simm.s32 @!p1 $0xA800  }
0x140: {  	[spmem:s4] =	stream.indirect.scatter.add.f32 @!p1 [tilespmem:s19], [sflag:$0xA], $0x1, s17, s18, $0xb8;
	[tilespmem:$0x1E700] =	vst v63  }
0x141: {  	s17 =	simm.s32 @!p1 $0xA  }
0x142: {  	_ =	swait.ge @!p1 [sflag:s17], $0x40  }
0x143: {  	[sflag:s17] =	ssyncset.done @!p1 $0x0  }
0x144: {  	[sflag:s17] =	ssyncadd.s32 @!p1 $0xFFFFFFC0;
	s17 =	simm.s32 @!p0 $0x8  }
0x145: {  	p1 =	seq.s32 @!p0 s13, $0x5000;
	_ =	swait.ge @!p0 [sflag:s17], $0x2000  }
0x146: {  	p1 =	por p0, !p1;
	[sflag:s17] =	ssyncset.done @!p0 $0x0  }
0x147: {  	[sflag:s17] =	ssyncadd.s32 @!p0 $0xFFFFE000;
	s17 =	sshra.s32 @p1 s13, $0x2  }
0x148: {  	p0 =	sgt.u32 s14, $0x29;
	s17 =	sadd.s32 @p1 $0x180, s17  }
0x149: {  	[tilespmem:s30], [sflag:$0x4] =	stream.indirect.gather @p1 [hbm4b:s1+s24], $0x80, s17, s24, $0xb8;
	[tilespmem:$0x1E700] =	vst v63  }
0x14a: {  	s17 =	simm.s32 @!p0 $0x2  }
0x14b: {  	s13 =	sadd.s32 $0x800, s13;
	s15 =	sshll.u32 @!p0 s15, $0x7;
	_ =	swait.ge @!p0 [sflag:s17], $0x2000  }
0x14c: {  	s18 =	simm.s32 @!p0 $0x4800;
	s15 =	sand.u32 @!p0 $0x3FFFFF80, s15;
	[sflag:s17] =	ssyncset.done @!p0 $0x0  }
0x14d: {  	s15 =	sadd.s32 @!p0 $0x1400, s15;
	[sflag:s17] =	ssyncadd.s32 @!p0 $0xFFFFE000;
	s17 =	simm.s32 @!p0 $0x40  }
0x14e: {  	[spmem:s2] =	stream.indirect.scatter.add.f32 @!p0 [tilespmem:s18], [sflag:$0x6], $0x80, s15, s17, $0xb8;
	[tilespmem:$0x1E700] =	vst v63  }
0x14f: {  	p1 =	sne.s32 s13, $0x5800;
	s18 =	simm.s32 @!p0 $0xA800  }
0x150: {  	[spmem:s4] =	stream.indirect.scatter.add.f32 @!p0 [tilespmem:s18], [sflag:$0x9], $0x1, s15, s17, $0xb8;
	[tilespmem:$0x1E700] =	vst v63  }
.Ltmp18:
0x151: {  	_ = 	snop;
	(pc) =	sbr.rel @!p1 .LBB2_21-.Ltmp18, $4  }
0x152: {  	s15 =	simm.s32 @!p0 $0x9  }
0x153: {  	_ =	swait.ge @!p0 [sflag:s15], $0x40  }
0x154: {  	[sflag:s15] =	ssyncset.done @!p0 $0x0  }
0x155: {  	s14 =	sadd.s32 $0x4, s14;
	[sflag:s15] =	ssyncadd.s32 @!p0 $0xFFFFFFC0  }
.LBB2_17:
0x156: {  	p0 =	seq.s32 s13, $0x0  }
.Ltmp19:
0x157: {  	_ = 	snop;
	(pc) =	sbr.rel @p0 .LBB2_26-.Ltmp19, $1  }
0x158: {  	_ =	sdelay $0x3  }
0x159: {  	_ =	swait.ge [sflag:s31], $0x2000;
	p1 =	seq.s32 s13, $0x5000  }
0x15a: {  	[sflag:s31] =	ssyncset.done $0x0;
	s15 =	sshra.s32 @!p1 s13, $0x2  }
0x15b: {  	s18 =	simm.s32 @!p1 $0x40;
	s17 =	simm.s32 @!p1 $0x2800;
	[sflag:s31] =	ssyncadd.s32 $0xFFFFE000  }
0x15c: {  	[tilespmem:s17], [sflag:$0x1] =	stream.indirect.gather @!p1 [hbm4b:s1+s18], $0x80, s15, s18, $0xb8;
	[tilespmem:$0x1E700] =	vst v63  }
0x15d: {  	s17 =	smov.u32 s13  }
0x15e: {  	s17 =	simm.s32 @p1 $0x5000;
	_ =	swait.ge [sflag:s0], $0x2000  }
0x15f: {  	[sflag:s0] =	ssyncset.done $0x0;
	s17 =	sshra.s32 s17, $0x2  }
0x160: {  	[sflag:s0] =	ssyncadd.s32 $0xFFFFE000;
	s19 =	sadd.s32 $0x1300, s17  }
0x161: {  	[spmem:s2] =	stream.indirect.scatter.add.f32 [tilespmem:s29], [sflag:$0x7], $0x80, s19, s24, $0xb8;
	[tilespmem:$0x1E700] =	vst v63  }
0x162: {  	_ = 	snop  }
0x163: {  	[spmem:s4] =	stream.indirect.scatter.add.f32 [tilespmem:s3], [sflag:$0xA], $0x1, s19, s24, $0xb8;
	[tilespmem:$0x1E700] =	vst v63  }
0x164: {  	_ =	swait.ge [sflag:s6], $0x40  }
0x165: {  	[sflag:s6] =	ssyncset.done $0x0  }
0x166: {  	[sflag:s6] =	ssyncadd.s32 $0xFFFFFFC0  }
0x167: {  	_ =	swait.ge [sflag:s7], $0x2000  }
0x168: {  	[sflag:s7] =	ssyncset.done $0x0  }
0x169: {  	s15 =	sadd.s32 @!p1 $0x80, s15;
	s19 =	simm.s32 @!p1 $0x4800;
	[sflag:s7] =	ssyncadd.s32 $0xFFFFE000  }
0x16a: {  	[tilespmem:s19], [sflag:$0x2] =	stream.indirect.gather @!p1 [hbm4b:s1+s18], $0x80, s15, s18, $0xb8;
	[tilespmem:$0x1E700] =	vst v63  }
0x16b: {  	_ =	swait.ge [sflag:s8], $0x2000  }
0x16c: {  	[sflag:s8] =	ssyncset.done $0x0  }
0x16d: {  	s17 =	sadd.s32 $0x1380, s17;
	[sflag:s8] =	ssyncadd.s32 $0xFFFFE000  }
0x16e: {  	[spmem:s2] =	stream.indirect.scatter.add.f32 [tilespmem:s30], [sflag:$0x8], $0x80, s17, s24, $0xb8;
	[tilespmem:$0x1E700] =	vst v63  }
0x16f: {  	_ = 	snop  }
0x170: {  	[spmem:s4] =	stream.indirect.scatter.add.f32 [tilespmem:s3], [sflag:$0xA], $0x1, s17, s24, $0xb8;
	[tilespmem:$0x1E700] =	vst v63  }
0x171: {  	_ =	swait.ge [sflag:s6], $0x40  }
.Ltmp20:
0x172: {  	[sflag:s6] =	ssyncset.done $0x0;
	(pc) =	sbr.rel @p1 .LBB2_20-.Ltmp20, $4  }
.Ltmp21:
0x173: {  	[sflag:s6] =	ssyncadd.s32 $0xFFFFFFC0;
	(pc) =	sbr.rel @!p1 .LBB2_19-.Ltmp21, $4  }
0x174: {  	_ =	swait.ge [sflag:s9], $0x2000  }
0x175: {  	[sflag:s9] =	ssyncset.done $0x0  }
0x176: {  	s15 =	sadd.s32 $0xFFFFFFFE, s14;
	s17 =	sadd.s32 $0xFFFFFFFF, s14;
	[sflag:s9] =	ssyncadd.s32 $0xFFFFE000  }
0x177: {  	_ = 	snop  }
.LBB2_22:
0x178: {  	_ =	sfence.sel $0x180000  }
0x179: {  	[bflag:$0x0] =	sbarrier.arrive $0xFFFF  }
0x17a: {  	_ =	strace $0x90000047  }
0x17b: {  	s0 =	stileid.u32;
	[bflag:$0x2] =	sbarrier.arrive $0xFFFF  }
0x17c: {  	p0 =	sne.s32 s0, $0x0;
	s0 =	rddreg [dreg:$0x5]  }
0x17d: {  	s0 =	sadd.s32 @!p0 $0x100000, s0  }
0x17e: {  	[sflag:s0] =	ssyncadd.tile.s32 @!p0 $0x1;
	_ =	shalt  }
.Lfunc_end2:
_tile_overlayer_lowered:
.L_overlay_start_2:
0x17f: {  	(tag) =	ssettag $0x2  }
0x180: {  	s0 =	rddreg [dreg:$0x0];
	s2 =	stileid.u32  }
0x181: {  	s1 =	rddreg [dreg:$0x1];
	p0 =	sne.s32 s2, $0x0  }
0x182: {  	s3 =	rddreg [dreg:$0x2];
	[bflag:$0x3] =	sbarrier.arrive $0xFFFF;
	s2 =	simm.s32 @!p0 $0x1C09  }
0x183: {  	[timem:s3], [sflag:s2] =	dma.local @!p0 [hbm:s0], s1  }
0x184: {  	s0 =	simm.s32 @!p0 $0x9  }
0x185: {  	_ =	swait.ge @!p0 [sflag:s0], s1  }
0x186: {  	s1 =	ssub.s32 @!p0 $0x0, s1;
	[sflag:s0] =	ssyncset.done @!p0 $0x0  }
0x187: {  	[sflag:s0] =	ssyncadd.s32 @!p0 s1  }
0x188: {  	[bflag:$0x3] =	sbarrier.arrive $0xFFFF  }
0x189: {  	_ =	shalt  }

// kernel: kernel.9.cloned.1.call-start
scs
__scs_entry_jumppad:
0x0: {  	(pc) =	sbr.rel $0x88, $3  }
0x1: {  	(tag) =	ssettag $0x0;
	lr =	simm.s32 $0x1  }
0x2: {  	[smem:$0x3F98] =	sst lr;
	_ =	strace $0xD0000000  }
0x3: {  	_ = 	snop  }
0x4: {  	_ = 	snop  }
0x5: {  	_ = 	snop  }
0x6: {  	_ = 	snop  }
0x7: {  	_ = 	snop  }
__scs_overlays_trampoline_lowered:
0x8: {  	[smem:$0x3FA7] =	sst s0  }
0x9: {  	[smem:$0x3FA8] =	sst s1  }
0xa: {  	[smem:$0x3FA9] =	sst s2  }
0xb: {  	[smem:$0x3FAA] =	sst s3  }
0xc: {  	[smem:$0x3FAB] =	sst s4  }
0xd: {  	[smem:$0x3FAC] =	sst s5  }
0xe: {  	[smem:$0x3FAD] =	sst s6  }
0xf: {  	[smem:$0x3FAE] =	sst s7  }
0x10: {  	[smem:$0x3FAF] =	sst s8  }
0x11: {  	[smem:$0x3FB0] =	sst s9;
	s0 =	simm.s32 @!p0 $0x0  }
0x12: {  	s1 =	sld [smem:$0x3F96];
	s0 =	simm.s32 @p0 $0x1  }
0x13: {  	[smem:$0x3FB1] =	sst s0;
	s0 =	simm.s32 @!p1 $0x0  }
0x14: {  	s2 =	sld [smem:$0x3F95];
	s0 =	simm.s32 @p1 $0x1  }
0x15: {  	[smem:$0x3FB2] =	sst s0;
	s0 =	simm.s32 @!p2 $0x0  }
0x16: {  	s3 =	sld [smem:$0x3FDB];
	s0 =	simm.s32 @p2 $0x1  }
0x17: {  	s4 =	simm.s32 $0x1BF5;
	[smem:$0x3FB4] =	sst s0  }
0x18: {  	s0 =	sld [smem:$0x3F97];
	_ =	swait.ge [sflag:s4], $0x0  }
0x19: {  	s7 =	sld [smem:$0x3F98]  }
0x1a: {  	s8 =	sadd.s32 $0xFFFFE003, lr  }
0x1b: {  	s9 =	sadd.s32 $0xFFFFFEF7, lr;
	s5 =	simm.s32 $0xFFFFFFFF;
	p2 =	slt.u32 s8, $0xFFFFF086  }
0x1c: {  	p1 =	slt.u32 s9, $0xF7A;
	s5 =	simm.s32 @!p2 $0x0  }
0x1d: {  	s5 =	simm.s32 @p1 $0x1;
	p0 =	seq.s32 s7, s2  }
0x1e: {  	s7 =	smul.u32 @!p0 $0xF7A, s2;
	p2 =	seq.s32 @!p0 s5, $0x0  }
0x1f: {  	s9 =	smul.u32 $0xF7A, s1;
	s8 =	simm.s32 @!p0 $0x1BF5;
	p2 =	por !p2, p0  }
0x20: {  	[sflag:s8] =	ssyncset.s32 @!p0 $0xFFFFF086;
	s6 =	sadd.s32 @!p0 s3, s7;
	s7 =	simm.s32 @!p0 $0x108  }
0x21: {  	s3 =	sadd.s32 s3, s9;
	s6 =	sadd.s32 @!p0 $0x88, s6;
	s7 =	simm.s32 @p2 $0x1082  }
0x22: {  	[simem:s7], [sflag:s8] =	dma.local @!p0 [hbm:s6], $0xF7A  }
0x23: {  	s9 =	sor.u32 $0xD0000000, s2;
	s6 =	simm.s32 $0x108;
	_ =	swait.ge @!p0 [sflag:s8], $0x0  }
0x24: {  	s3 =	sadd.s32 $0x88, s3;
	s6 =	simm.s32 @!p1 $0x1082;
	[sflag:s4] =	ssyncset.s32 $0xFFFFF086  }
0x25: {  	[simem:s6], [sflag:s4] =	dma.local [hbm:s3], $0xF7A  }
0x26: {  	[smem:$0x3F98] =	sst s1;
	(tag) =	ssettag s2;
	_ =	strace s9  }
0x27: {  	s1 =	sld [smem:$0x3FA8]  }
0x28: {  	s2 =	sld [smem:$0x3FA9]  }
0x29: {  	s4 =	sld [smem:$0x3FAB]  }
0x2a: {  	p0 =	seq.s32 s5, $0x0;
	s5 =	sld [smem:$0x3FAC]  }
0x2b: {  	s6 =	sld [smem:$0x3FAD]  }
0x2c: {  	s7 =	sld [smem:$0x3FAE]  }
0x2d: {  	s3 =	simm.s32 $0x108;
	s8 =	sld [smem:$0x3FAF]  }
0x2e: {  	s3 =	simm.s32 @!p0 $0x1082;
	s9 =	sld [smem:$0x3FB0]  }
0x2f: {  	lr =	sadd.s32 s0, s3;
	s0 =	sld [smem:$0x3FA7]  }
0x30: {  	s3 =	sld [smem:$0x3FAA]  }
0x31: {  	[smem:$0x3FB3] =	sst s10  }
0x32: {  	s10 =	sld [smem:$0x3FB1];
	_ =	sdelay $0x3  }
0x33: {  	p0 =	seq.s32 s10, $0x1;
	s10 =	sld [smem:$0x3FB3];
	_ =	sdelay $0x3  }
0x34: {  	[smem:$0x3FB3] =	sst s10  }
0x35: {  	s10 =	sld [smem:$0x3FB2];
	_ =	sdelay $0x3  }
0x36: {  	p1 =	seq.s32 s10, $0x1;
	s10 =	sld [smem:$0x3FB3];
	_ =	sdelay $0x3  }
0x37: {  	[smem:$0x3FB3] =	sst s10  }
0x38: {  	s10 =	sld [smem:$0x3FB4]  }
0x39: {  	_ = 	snop;
	(pc) =	sbr.ind lr, $3  }
0x3a: {  	_ = 	snop  }
0x3b: {  	_ = 	snop  }
0x3c: {  	p2 =	seq.s32 s10, $0x1;
	s10 =	sld [smem:$0x3FB3]  }
0x3d: {  	_ =	shalt  }
0x3e: {  	_ =	shalt  }
0x3f: {  	_ =	shalt  }
0x40: {  	_ =	shalt  }
0x41: {  	_ =	shalt  }
0x42: {  	_ =	shalt  }
0x43: {  	_ =	shalt  }
0x44: {  	_ =	shalt  }
0x45: {  	_ =	shalt  }
0x46: {  	_ =	shalt  }
0x47: {  	_ =	shalt  }
0x48: {  	_ =	shalt  }
0x49: {  	_ =	shalt  }
0x4a: {  	_ =	shalt  }
0x4b: {  	_ =	shalt  }
0x4c: {  	_ =	shalt  }
0x4d: {  	_ =	shalt  }
0x4e: {  	_ =	shalt  }
0x4f: {  	_ =	shalt  }
0x50: {  	_ =	shalt  }
0x51: {  	_ =	shalt  }
0x52: {  	_ =	shalt  }
0x53: {  	_ =	shalt  }
0x54: {  	_ =	shalt  }
0x55: {  	_ =	shalt  }
0x56: {  	_ =	shalt  }
0x57: {  	_ =	shalt  }
0x58: {  	_ =	shalt  }
0x59: {  	_ =	shalt  }
0x5a: {  	_ =	shalt  }
0x5b: {  	_ =	shalt  }
0x5c: {  	_ =	shalt  }
0x5d: {  	_ =	shalt  }
0x5e: {  	_ =	shalt  }
0x5f: {  	_ =	shalt  }
0x60: {  	_ =	shalt  }
0x61: {  	_ =	shalt  }
0x62: {  	_ =	shalt  }
0x63: {  	_ =	shalt  }
0x64: {  	_ =	shalt  }
0x65: {  	_ =	shalt  }
0x66: {  	_ =	shalt  }
0x67: {  	_ =	shalt  }
0x68: {  	_ =	shalt  }
0x69: {  	_ =	shalt  }
0x6a: {  	_ =	shalt  }
0x6b: {  	_ =	shalt  }
0x6c: {  	_ =	shalt  }
0x6d: {  	_ =	shalt  }
0x6e: {  	_ =	shalt  }
0x6f: {  	_ =	shalt  }
0x70: {  	_ =	shalt  }
0x71: {  	_ =	shalt  }
0x72: {  	_ =	shalt  }
0x73: {  	_ =	shalt  }
0x74: {  	_ =	shalt  }
0x75: {  	_ =	shalt  }
0x76: {  	_ =	shalt  }
0x77: {  	_ =	shalt  }
0x78: {  	_ =	shalt  }
0x79: {  	_ =	shalt  }
0x7a: {  	_ =	shalt  }
0x7b: {  	_ =	shalt  }
0x7c: {  	_ =	shalt  }
0x7d: {  	_ =	shalt  }
0x7e: {  	_ =	shalt  }
0x7f: {  	_ =	shalt  }
0x80: {  	_ =	shalt  }
0x81: {  	_ =	shalt  }
0x82: {  	_ =	shalt  }
0x83: {  	_ =	shalt  }
0x84: {  	_ =	shalt  }
0x85: {  	_ =	shalt  }
0x86: {  	_ =	shalt  }
0x87: {  	_ =	shalt  }
.Lfunc_end0:
.L_simem_size_0:
called_computation.1_lowered:
.L_overlay_start_0:
0x88: {  	s2 =	sld [smem:$0x3FD9]  }
0x89: {  	s3 =	sld [smem:$0x3FFE];
	_ =	sdelay $0x1  }
0x8a: {  	s1 =	srdreg.scid  }
0x8b: {  	s0 =	sand.u32 $0x1, s1  }
0x8c: {  	s17 =	sshll.u32 s0, $0xA;
	s2 =	sadd.s32 s3, s2  }
0x8d: {  	s2 =	sadd.s32 s2, s17  }
0x8e: {  	[smem:$0x3FBF] =	sst s2  }
0x8f: {  	_ = 	snop  }
0x90: {  	s2 =	sld [smem:$0x3FD0];
	(tm) =	ssettm $0x1  }
0x91: {  	s18 =	sld [smem:$0x3FFB];
	_ =	sdelay $0x3  }
0x92: {  	_ =	strace s18  }
0x93: {  	s3 =	sld [smem:$0x3FFC];
	_ =	sdelay $0x3  }
0x94: {  	_ =	strace s3  }
0x95: {  	s3 =	sld [smem:$0x3FFD];
	_ =	sdelay $0x3  }
0x96: {  	_ =	strace s3  }
0x97: {  	_ =	strace $0x8FFFFFFF  }
0x98: {  	s19 =	sld [smem:$0x3FDB];
	_ =	sdelay $0x1  }
0x99: {  	s4 =	simm.s32 $_scs_section_size  }
0x9a: {  	s5 =	simm.s32 $_size__tile_overlayer_lowered;
	s6 =	simm.s32 $_tile_overlayer_lowered  }
0x9b: {  	s22 =	simm.s32 $0x1BFF;
	s21 =	sshll.u32 s6, $0x1;
	s3 =	sadd.s32 s4, s19  }
0x9c: {  	s7 =	simm.s32 $0x0;
	s20 =	sshll.u32 s5, $0x1;
	s5 =	sadd.s32 s21, s3  }
0x9d: {  	[timem:s7], [sflag:s22] =	dma.local [hbm:s5], s20  }
0x9e: {  	_ =	swait.ge [sflag:s22], s20  }
0x9f: {  	s4 =	ssub.s32 $0x0, s20;
	[sflag:s22] =	ssyncset.done $0x0  }
0xa0: {  	[sflag:s22] =	ssyncadd.s32 s4;
	_ =	sdelay $0x1  }
0xa1: {  	s23 =	simm.s32 $0x1B8B  }
0xa2: {  	_ =	swait.ge [sflag:s23], $0x1  }
0xa3: {  	[sflag:s23] =	ssyncset.done $0x0  }
0xa4: {  	s25 =	simm.s32 $0x1B8E;
	s24 =	sld [smem:$0x3FFE];
	[sflag:s23] =	ssyncadd.s32 $0xFFFFFFFF  }
0xa5: {  	s26 =	simm.s32 $execute0_lowered;
	[smem:$0x3FD2] =	sst s25  }
0xa6: {  	s5 =	sshll.u32 s26, $0x1;
	_ =	strace $0x80000049;
	[dreg:$0x1] =	wrdreg $0xFFFFFFFF  }
0xa7: {  	s28 =	simm.s32 $_size_execute0_lowered;
	s3 =	sadd.s32 s3, s5;
	[dreg:$0x0] =	wrdreg $0x0  }
0xa8: {  	s5 =	sshll.u32 s28, $0x1;
	[dreg:$0x2] =	wrdreg s3  }
0xa9: {  	[dreg:$0x3] =	wrdreg s5  }
0xaa: {  	[dreg:$0x4] =	wrdreg $0xC0  }
0xab: {  	_ =	task [dreg:s7], $0x5FFFF  }
0xac: {  	[dreg:$0x1] =	wrdreg $0xFFFFFFFF  }
0xad: {  	[dreg:$0x0] =	wrdreg $0x60  }
0xae: {  	[dreg:$0x2] =	wrdreg s2  }
0xaf: {  	[dreg:$0x3] =	wrdreg s24  }
0xb0: {  	[dreg:$0x4] =	wrdreg $0xA8800  }
0xb1: {  	[dreg:$0x5] =	wrdreg $0x1E4800  }
0xb2: {  	[dreg:$0x6] =	wrdreg $0x9  }
0xb3: {  	_ =	task.clear_ibuf [dreg:s7], $0x7FFFF;
	_ =	strace $0x90000049  }
0xb4: {  	s29 =	simm.s32 $0x9;
	_ =	strace $0x8000004B  }
0xb5: {  	_ =	swait.ge [sflag:s29], $0x1  }
0xb6: {  	[sflag:s29] =	ssyncadd.s32 $0xFFFFFFFF  }
0xb7: {  	_ =	strace $0x9000004B  }
0xb8: {  	_ =	sfence  }
0xb9: {  	s30 =	sld [smem:$0x0];
	_ =	sdelay $0x2  }
0xba: {  	s31 =	sshll.u32 s1, $0xD;
	s1 =	sshrl.u32 s1, $0x2  }
0xbb: {  	s3 =	sand.u32 $0x4000, s31;
	s1 =	sadd.s32 s1, s30  }
0xbc: {  	s0 =	sor.u32 s3, s0;
	s1 =	sshll.u32 s1, $0x11  }
0xbd: {  	s0 =	sor.u32 s1, s0  }
0xbe: {  	s0 =	sadd.s32 $0x8F2B, s0  }
0xbf: {  	[sflag:s0] =	ssyncadd.remote.s32 $0x1  }
0xc0: {  	_ =	sfence.sel $0xFFFF  }
0xc1: {  	[dreg:$0x0] =	wrdreg $0xFFFFFFFF;
	(pc) =	sbr.abs _section_cstart, $3  }
0xc2: {  	[dreg:$0x1] =	wrdreg $0xFFFFFFFF  }
0xc3: {  	_ =	task.clear_ibuf [dreg:s7], $0x2FFFF;
	_ =	strace $0x9FFFFFFF  }
0xc4: {  	(tm) =	ssettm $0x7FFFFFFF  }
0xc5: {  	_ =	shalt  }
tec
execute0_lowered:
.L_overlay_start_1:
0x0: {  	(tag) =	ssettag $0x1  }
0x1: {  	s1 =	rddreg [dreg:$0x0]  }
0x2: {  	s0 =	rddreg [dreg:$0x1]  }
0x3: {  	s2 =	rddreg [dreg:$0x2]  }
0x4: {  	s4 =	rddreg [dreg:$0x3];
	s5 =	simm.s32 $0x0;
	s19 =	stileid.u32  }
0x5: {  	s6 =	srdreg.scid;
	s28 =	simm.s32 $0x4800;
	s29 =	simm.s32 $0x6800  }
0x6: {  	s30 =	simm.s32 $0x8800;
	s31 =	simm.s32 $0x5;
	s3 =	smul.u32 $0x2780, s19  }
0x7: {  	[smem:$0x7FF] =	sst s5;
	s7 =	sadd.s32 $0x8E000, s0;
	s8 =	smul.u32 $0x280, s19  }
0x8: {  	s6 =	sand.u32 $0x1, s6;
	s9 =	sadd.s32 $0xA2000, s0;
	s13 =	smul.u32 $0x4F000, s19  }
0x9: {  	s17 =	sadd.s32 $0x3E400, s0;
	s20 =	sadd.s32 $0x65C00, s0;
	_ =	strace $0x8000004A  }
0xa: {  	s11 =	sshll.u32 s6, $0x4;
	s15 =	ssub.s32 $0x2, s6;
	p0 =	seq.s32 s6, $0x1  }
0xb: {  	s6 =	simm.s32 $0xA;
	s10 =	sadd.s32 s3, s0;
	s11 =	sor.u32 s19, s11  }
0xc: {  	s12 =	sshrl.u32 s8, $0x3;
	s18 =	sshrl.u32 s15, $0x1;
	s16 =	smul.u32 $0x5000, s11  }
0xd: {  	s13 =	sshrl.u32 s13, $0x2;
	s17 =	smov.u32 @p0 s20;
	s11 =	smul.u32 $0xA00, s11  }
0xe: {  	s14 =	sadd.s32 s12, s0;
	s15 =	ssub.s32 s15, s18;
	s21 =	sadd.s32 s13, s2  }
0xf: {  	s20 =	sadd.s32 s17, s3;
	[dreg:$0xd] =	wrdreg s21;
	s22 =	sadd.s32 s7, s11  }
0x10: {  	s16 =	sshrl.u32 s16, $0x3;
	s11 =	sadd.s32 s9, s11;
	[dreg:$0x5] =	wrdreg s22  }
0x11: {  	s23 =	sadd.s32 $0x280, s16;
	[dreg:$0x6] =	wrdreg s11;
	s22 =	sadd.s32 $0x16600, s10  }
0x12: {  	s3 =	simm.s32 $0xA800;
	s24 =	sadd.s32 s7, s23;
	[dreg:$0xe] =	wrdreg s22  }
0x13: {  	s25 =	sadd.s32 $0x500, s16;
	s18 =	sadd.s32 s9, s23;
	[dreg:$0x7] =	wrdreg s24  }
0x14: {  	s16 =	sadd.s32 $0x780, s16;
	s26 =	sadd.s32 s7, s25;
	[dreg:$0x8] =	wrdreg s18  }
0x15: {  	s10 =	simm.s32 $0x0;
	s11 =	sadd.s32 s9, s25;
	[dreg:$0x9] =	wrdreg s26  }
0x16: {  	s7 =	sadd.s32 s7, s16;
	s23 =	sshll.u32 s19, $0x6;
	[dreg:$0xa] =	wrdreg s11  }
0x17: {  	s25 =	sadd.s32 $0x3DE00, s14;
	s22 =	simm.s32 $0x9;
	[dreg:$0xb] =	wrdreg s7  }
0x18: {  	s18 =	sadd.s32 s9, s16;
	s7 =	sadd.s32 $0x2600, s0;
	s0 =	sadd.s32 $0x2C00, s0  }
0x19: {  	s16 =	sor.u32 $0x1C09, s23;
	s24 =	sadd.s32 s8, s4;
	[dreg:$0x10] =	wrdreg s25  }
.Ltmp0:
0x1a: {  	s26 =	smax.u32 s15, $0x1;
	[dreg:$0xc] =	wrdreg s18;
	(pc) =	sbr.rel .LBB2_1-.Ltmp0, $4  }
0x1b: {  	s23 =	simm.s32 $0x1400;
	s25 =	simm.s32 $0x2800;
	[dreg:$0xf] =	wrdreg s24  }
0x1c: {  	s8 =	simm.s32 $0x4;
	s9 =	simm.s32 $0x7;
	[dreg:$0x11] =	wrdreg s26  }
0x1d: {  	s7 =	smov.u32 @p0 s0;
	s24 =	simm.s32 $0x40;
	s26 =	simm.s32 $0x80  }
0x1e: {  	v0 =	vimm.f32 $1.000000000e+00;
	s0 =	simm.s32 $0x3;
	s21 =	sadd.s32 s7, s12;
	s7 =	simm.s32 $0x6  }
.LBB2_21:
0x1f: {  	[bflag:$0x0] =	sbarrier.arrive $0xFFFF  }
0x20: {  	[hbm:s20], [sflag:s16] =	dma.local [spmem:s11], $0x2780  }
0x21: {  	_ =	swait.ge [sflag:s22], $0x2780  }
0x22: {  	[sflag:s22] =	ssyncset.done $0x0  }
0x23: {  	[sflag:s22] =	ssyncadd.s32 $0xFFFFD880  }
0x24: {  	[hbm:s21], [sflag:s16] =	dma.local [spmem:s12], $0x50  }
0x25: {  	_ =	swait.ge [sflag:s22], $0x50  }
0x26: {  	s10 =	sadd.s32 $0x1, s10;
	s19 =	rddreg [dreg:$0x11]  }
0x27: {  	p0 =	sne.s32 s10, s19  }
.Ltmp1:
0x28: {  	_ = 	snop;
	(pc) =	sbr.rel @!p0 .LBB2_22-.Ltmp1, $3  }
0x29: {  	_ =	sdelay $0x1  }
0x2a: {  	[sflag:s22] =	ssyncset.done $0x0  }
0x2b: {  	[sflag:s22] =	ssyncadd.s32 $0xFFFFFFB0  }
.LBB2_1:
0x2c: {  	s11 =	rddreg [dreg:$0xd]  }
0x2d: {  	s12 =	rddreg [dreg:$0xe];
	s11 =	sshrl.u32 s11, $0x3  }
0x2e: {  	[spmem:s11], [sflag:s16] =	dma.local [hbm:s12], $0x2780  }
0x2f: {  	_ =	swait.ge [sflag:s22], $0x2780  }
0x30: {  	[sflag:s22] =	ssyncset.done $0x0;
	s17 =	rddreg [dreg:$0xf]  }
0x31: {  	s13 =	rddreg [dreg:$0x10];
	[sflag:s22] =	ssyncadd.s32 $0xFFFFD880;
	s12 =	sshrl.u32 s17, $0x3  }
0x32: {  	[spmem:s12], [sflag:s16] =	dma.local [hbm:s13], $0x50  }
0x33: {  	_ =	swait.ge [sflag:s22], $0x50  }
0x34: {  	[sflag:s22] =	ssyncset.done $0x0  }
0x35: {  	[sflag:s22] =	ssyncadd.s32 $0xFFFFFFB0  }
0x36: {  	[tilespmem:$0xA800] =	vst v0  }
0x37: {  	[tilespmem:$0xA810] =	vst v0  }
0x38: {  	[tilespmem:$0xA820] =	vst v0  }
0x39: {  	[tilespmem:$0xA830] =	vst v0  }
0x3a: {  	[bflag:$0x0] =	sbarrier.arrive $0xFFFF  }
0x3b: {  	s18 =	rddreg [dreg:$0x5]  }
0x3c: {  	[tilespmem:s5], [sflag:$0x9] =	stream.linear.gather [hbm4b:s18+s5], $0x1400, $0x38;
	[tilespmem:$0x1E700] =	vst v63  }
0x3d: {  	_ =	swait.ge [sflag:s22], $0x1400  }
0x3e: {  	[sflag:s22] =	ssyncset.done $0x0  }
.Ltmp2:
0x3f: {  	s19 =	rddreg [dreg:$0x6];
	[sflag:s22] =	ssyncadd.s32 $0xFFFFEC00;
	(pc) =	sbr.rel .LBB2_2-.Ltmp2, $4  }
0x40: {  	[tilespmem:s23], [sflag:$0x9] =	stream.linear.gather [hbm4b:s19+s5], $0x1400, $0x38;
	[tilespmem:$0x1E700] =	vst v63  }
0x41: {  	_ =	swait.ge [sflag:s22], $0x1400  }
0x42: {  	[sflag:s22] =	ssyncset.done $0x0  }
0x43: {  	s14 =	simm.s32 $0x0;
	s13 =	simm.s32 $0x3;
	[sflag:s22] =	ssyncadd.s32 $0xFFFFEC00  }
.LBB2_23:
0x44: {  	[tilespmem:s25], [sflag:$0x1] =	stream.indirect.gather [hbm4b:s1+s24], $0x80, s5, s24, $0xb8;
	[tilespmem:$0x1E700] =	vst v63  }
0x45: {  	s15 =	simm.s32 $0x1;
	s17 =	simm.s32 $0x2  }
0x46: {  	[tilespmem:s28], [sflag:$0x2] =	stream.indirect.gather [hbm4b:s1+s24], $0x80, s26, s24, $0xb8;
	[tilespmem:$0x1E700] =	vst v63  }
.LBB2_4:
0x47: {  	s18 =	sshll.u32 s17, $0x7  }
0x48: {  	s18 =	sand.u32 $0x3FFFFF80, s18  }
0x49: {  	[tilespmem:s29], [sflag:$0x3] =	stream.indirect.gather [hbm4b:s1+s24], $0x80, s18, s24, $0xb8;
	[tilespmem:$0x1E700] =	vst v63  }
.LBB2_5:
0x4a: {  	p1 =	sgt.u32 s17, $0x29  }
0x4b: {  	s17 =	simm.s32 @!p1 $0x1  }
0x4c: {  	_ =	swait.ge @!p1 [sflag:s17], $0x2000  }
0x4d: {  	[sflag:s17] =	ssyncset.done @!p1 $0x0  }
0x4e: {  	[sflag:s17] =	ssyncadd.s32 @!p1 $0xFFFFE000;
	s17 =	sshra.s32 @!p1 s14, $0x2  }
0x4f: {  	s18 =	simm.s32 @!p1 $0x40;
	s19 =	simm.s32 @!p1 $0x2800;
	s17 =	sadd.s32 @!p1 $0x1400, s17  }
0x50: {  	[spmem:s2] =	stream.indirect.scatter.add.f32 @!p1 [tilespmem:s19], [sflag:$0x5], $0x80, s17, s18, $0xb8;
	[tilespmem:$0x1E700] =	vst v63  }
0x51: {  	s19 =	simm.s32 @!p1 $0xA800  }
0x52: {  	[spmem:s4] =	stream.indirect.scatter.add.f32 @!p1 [tilespmem:s19], [sflag:$0xA], $0x1, s17, s18, $0xb8;
	[tilespmem:$0x1E700] =	vst v63  }
0x53: {  	s17 =	simm.s32 @!p1 $0xA  }
0x54: {  	_ =	swait.ge @!p1 [sflag:s17], $0x40  }
0x55: {  	[sflag:s17] =	ssyncset.done @!p1 $0x0  }
0x56: {  	[sflag:s17] =	ssyncadd.s32 @!p1 $0xFFFFFFC0;
	s17 =	simm.s32 @!p0 $0x8  }
0x57: {  	p1 =	seq.s32 @!p0 s14, $0x5000;
	_ =	swait.ge @!p0 [sflag:s17], $0x2000  }
0x58: {  	p1 =	por p0, !p1;
	[sflag:s17] =	ssyncset.done @!p0 $0x0  }
0x59: {  	[sflag:s17] =	ssyncadd.s32 @!p0 $0xFFFFE000;
	s17 =	sshra.s32 @p1 s14, $0x2  }
0x5a: {  	p0 =	sgt.u32 s13, $0x29;
	s17 =	sadd.s32 @p1 $0x180, s17  }
0x5b: {  	[tilespmem:s30], [sflag:$0x4] =	stream.indirect.gather @p1 [hbm4b:s1+s24], $0x80, s17, s24, $0xb8;
	[tilespmem:$0x1E700] =	vst v63  }
0x5c: {  	s17 =	simm.s32 @!p0 $0x2  }
0x5d: {  	s14 =	sadd.s32 $0x800, s14;
	s15 =	sshll.u32 @!p0 s15, $0x7;
	_ =	swait.ge @!p0 [sflag:s17], $0x2000  }
0x5e: {  	s18 =	simm.s32 @!p0 $0x4800;
	s15 =	sand.u32 @!p0 $0x3FFFFF80, s15;
	[sflag:s17] =	ssyncset.done @!p0 $0x0  }
0x5f: {  	s15 =	sadd.s32 @!p0 $0x1400, s15;
	[sflag:s17] =	ssyncadd.s32 @!p0 $0xFFFFE000;
	s17 =	simm.s32 @!p0 $0x40  }
0x60: {  	[spmem:s2] =	stream.indirect.scatter.add.f32 @!p0 [tilespmem:s18], [sflag:$0x6], $0x80, s15, s17, $0xb8;
	[tilespmem:$0x1E700] =	vst v63  }
0x61: {  	p1 =	sne.s32 s14, $0x5800;
	s18 =	simm.s32 @!p0 $0xA800  }
0x62: {  	[spmem:s4] =	stream.indirect.scatter.add.f32 @!p0 [tilespmem:s18], [sflag:$0x9], $0x1, s15, s17, $0xb8;
	[tilespmem:$0x1E700] =	vst v63  }
.Ltmp3:
0x63: {  	_ = 	snop;
	(pc) =	sbr.rel @!p1 .LBB2_6-.Ltmp3, $4  }
0x64: {  	s15 =	simm.s32 @!p0 $0x9  }
0x65: {  	_ =	swait.ge @!p0 [sflag:s15], $0x40  }
0x66: {  	[sflag:s15] =	ssyncset.done @!p0 $0x0  }
0x67: {  	s13 =	sadd.s32 $0x4, s13;
	[sflag:s15] =	ssyncadd.s32 @!p0 $0xFFFFFFC0  }
.LBB2_2:
0x68: {  	p0 =	seq.s32 s14, $0x0  }
.Ltmp4:
0x69: {  	_ = 	snop;
	(pc) =	sbr.rel @p0 .LBB2_23-.Ltmp4, $1  }
0x6a: {  	_ =	sdelay $0x3  }
0x6b: {  	_ =	swait.ge [sflag:s31], $0x2000;
	p1 =	seq.s32 s14, $0x5000  }
0x6c: {  	[sflag:s31] =	ssyncset.done $0x0;
	s15 =	sshra.s32 @!p1 s14, $0x2  }
0x6d: {  	s18 =	simm.s32 @!p1 $0x40;
	s17 =	simm.s32 @!p1 $0x2800;
	[sflag:s31] =	ssyncadd.s32 $0xFFFFE000  }
0x6e: {  	[tilespmem:s17], [sflag:$0x1] =	stream.indirect.gather @!p1 [hbm4b:s1+s18], $0x80, s15, s18, $0xb8;
	[tilespmem:$0x1E700] =	vst v63  }
0x6f: {  	s17 =	smov.u32 s14  }
0x70: {  	s17 =	simm.s32 @p1 $0x5000;
	_ =	swait.ge [sflag:s0], $0x2000  }
0x71: {  	[sflag:s0] =	ssyncset.done $0x0;
	s17 =	sshra.s32 s17, $0x2  }
0x72: {  	[sflag:s0] =	ssyncadd.s32 $0xFFFFE000;
	s19 =	sadd.s32 $0x1300, s17  }
0x73: {  	[spmem:s2] =	stream.indirect.scatter.add.f32 [tilespmem:s29], [sflag:$0x7], $0x80, s19, s24, $0xb8;
	[tilespmem:$0x1E700] =	vst v63  }
0x74: {  	_ = 	snop  }
0x75: {  	[spmem:s4] =	stream.indirect.scatter.add.f32 [tilespmem:s3], [sflag:$0xA], $0x1, s19, s24, $0xb8;
	[tilespmem:$0x1E700] =	vst v63  }
0x76: {  	_ =	swait.ge [sflag:s6], $0x40  }
0x77: {  	[sflag:s6] =	ssyncset.done $0x0  }
0x78: {  	[sflag:s6] =	ssyncadd.s32 $0xFFFFFFC0  }
0x79: {  	_ =	swait.ge [sflag:s7], $0x2000  }
0x7a: {  	[sflag:s7] =	ssyncset.done $0x0  }
0x7b: {  	s15 =	sadd.s32 @!p1 $0x80, s15;
	s19 =	simm.s32 @!p1 $0x4800;
	[sflag:s7] =	ssyncadd.s32 $0xFFFFE000  }
0x7c: {  	[tilespmem:s19], [sflag:$0x2] =	stream.indirect.gather @!p1 [hbm4b:s1+s18], $0x80, s15, s18, $0xb8;
	[tilespmem:$0x1E700] =	vst v63  }
0x7d: {  	_ =	swait.ge [sflag:s8], $0x2000  }
0x7e: {  	[sflag:s8] =	ssyncset.done $0x0  }
0x7f: {  	s17 =	sadd.s32 $0x1380, s17;
	[sflag:s8] =	ssyncadd.s32 $0xFFFFE000  }
0x80: {  	[spmem:s2] =	stream.indirect.scatter.add.f32 [tilespmem:s30], [sflag:$0x8], $0x80, s17, s24, $0xb8;
	[tilespmem:$0x1E700] =	vst v63  }
0x81: {  	_ = 	snop  }
0x82: {  	[spmem:s4] =	stream.indirect.scatter.add.f32 [tilespmem:s3], [sflag:$0xA], $0x1, s17, s24, $0xb8;
	[tilespmem:$0x1E700] =	vst v63  }
0x83: {  	_ =	swait.ge [sflag:s6], $0x40  }
.Ltmp5:
0x84: {  	[sflag:s6] =	ssyncset.done $0x0;
	(pc) =	sbr.rel @p1 .LBB2_5-.Ltmp5, $4  }
.Ltmp6:
0x85: {  	[sflag:s6] =	ssyncadd.s32 $0xFFFFFFC0;
	(pc) =	sbr.rel @!p1 .LBB2_4-.Ltmp6, $4  }
0x86: {  	_ =	swait.ge [sflag:s9], $0x2000  }
0x87: {  	[sflag:s9] =	ssyncset.done $0x0  }
0x88: {  	s15 =	sadd.s32 $0xFFFFFFFE, s13;
	s17 =	sadd.s32 $0xFFFFFFFF, s13;
	[sflag:s9] =	ssyncadd.s32 $0xFFFFE000  }
0x89: {  	_ = 	snop  }
.LBB2_6:
0x8a: {  	s13 =	simm.s32 $0x0;
	s14 =	rddreg [dreg:$0x7]  }
0x8b: {  	[tilespmem:s13], [sflag:$0x9] =	stream.linear.gather [hbm4b:s14+s13], $0x1400, $0x38;
	[tilespmem:$0x1E700] =	vst v63  }
0x8c: {  	_ =	swait.ge [sflag:s22], $0x1400  }
0x8d: {  	[sflag:s22] =	ssyncset.done $0x0  }
.Ltmp7:
0x8e: {  	s19 =	rddreg [dreg:$0x8];
	[sflag:s22] =	ssyncadd.s32 $0xFFFFEC00;
	(pc) =	sbr.rel .LBB2_7-.Ltmp7, $4  }
0x8f: {  	[tilespmem:s23], [sflag:$0x9] =	stream.linear.gather [hbm4b:s19+s13], $0x1400, $0x38;
	[tilespmem:$0x1E700] =	vst v63  }
0x90: {  	_ =	swait.ge [sflag:s22], $0x1400  }
0x91: {  	[sflag:s22] =	ssyncset.done $0x0  }
0x92: {  	s14 =	simm.s32 $0x3;
	[sflag:s22] =	ssyncadd.s32 $0xFFFFEC00  }
.LBB2_24:
0x93: {  	[tilespmem:s25], [sflag:$0x1] =	stream.indirect.gather [hbm4b:s1+s24], $0x80, s5, s24, $0xb8;
	[tilespmem:$0x1E700] =	vst v63  }
0x94: {  	s15 =	simm.s32 $0x1;
	s17 =	simm.s32 $0x2  }
0x95: {  	[tilespmem:s28], [sflag:$0x2] =	stream.indirect.gather [hbm4b:s1+s24], $0x80, s26, s24, $0xb8;
	[tilespmem:$0x1E700] =	vst v63  }
.LBB2_9:
0x96: {  	s18 =	sshll.u32 s17, $0x7  }
0x97: {  	s18 =	sand.u32 $0x3FFFFF80, s18  }
0x98: {  	[tilespmem:s29], [sflag:$0x3] =	stream.indirect.gather [hbm4b:s1+s24], $0x80, s18, s24, $0xb8;
	[tilespmem:$0x1E700] =	vst v63  }
.LBB2_10:
0x99: {  	p1 =	sgt.u32 s17, $0x29  }
0x9a: {  	s17 =	simm.s32 @!p1 $0x1  }
0x9b: {  	_ =	swait.ge @!p1 [sflag:s17], $0x2000  }
0x9c: {  	[sflag:s17] =	ssyncset.done @!p1 $0x0  }
0x9d: {  	[sflag:s17] =	ssyncadd.s32 @!p1 $0xFFFFE000;
	s17 =	sshra.s32 @!p1 s13, $0x2  }
0x9e: {  	s18 =	simm.s32 @!p1 $0x40;
	s19 =	simm.s32 @!p1 $0x2800;
	s17 =	sadd.s32 @!p1 $0x1400, s17  }
0x9f: {  	[spmem:s2] =	stream.indirect.scatter.add.f32 @!p1 [tilespmem:s19], [sflag:$0x5], $0x80, s17, s18, $0xb8;
	[tilespmem:$0x1E700] =	vst v63  }
0xa0: {  	s19 =	simm.s32 @!p1 $0xA800  }
0xa1: {  	[spmem:s4] =	stream.indirect.scatter.add.f32 @!p1 [tilespmem:s19], [sflag:$0xA], $0x1, s17, s18, $0xb8;
	[tilespmem:$0x1E700] =	vst v63  }
0xa2: {  	s17 =	simm.s32 @!p1 $0xA  }
0xa3: {  	_ =	swait.ge @!p1 [sflag:s17], $0x40  }
0xa4: {  	[sflag:s17] =	ssyncset.done @!p1 $0x0  }
0xa5: {  	[sflag:s17] =	ssyncadd.s32 @!p1 $0xFFFFFFC0;
	s17 =	simm.s32 @!p0 $0x8  }
0xa6: {  	p1 =	seq.s32 @!p0 s13, $0x5000;
	_ =	swait.ge @!p0 [sflag:s17], $0x2000  }
0xa7: {  	p1 =	por p0, !p1;
	[sflag:s17] =	ssyncset.done @!p0 $0x0  }
0xa8: {  	[sflag:s17] =	ssyncadd.s32 @!p0 $0xFFFFE000;
	s17 =	sshra.s32 @p1 s13, $0x2  }
0xa9: {  	p0 =	sgt.u32 s14, $0x29;
	s17 =	sadd.s32 @p1 $0x180, s17  }
0xaa: {  	[tilespmem:s30], [sflag:$0x4] =	stream.indirect.gather @p1 [hbm4b:s1+s24], $0x80, s17, s24, $0xb8;
	[tilespmem:$0x1E700] =	vst v63  }
0xab: {  	s17 =	simm.s32 @!p0 $0x2  }
0xac: {  	s13 =	sadd.s32 $0x800, s13;
	s15 =	sshll.u32 @!p0 s15, $0x7;
	_ =	swait.ge @!p0 [sflag:s17], $0x2000  }
0xad: {  	s18 =	simm.s32 @!p0 $0x4800;
	s15 =	sand.u32 @!p0 $0x3FFFFF80, s15;
	[sflag:s17] =	ssyncset.done @!p0 $0x0  }
0xae: {  	s15 =	sadd.s32 @!p0 $0x1400, s15;
	[sflag:s17] =	ssyncadd.s32 @!p0 $0xFFFFE000;
	s17 =	simm.s32 @!p0 $0x40  }
0xaf: {  	[spmem:s2] =	stream.indirect.scatter.add.f32 @!p0 [tilespmem:s18], [sflag:$0x6], $0x80, s15, s17, $0xb8;
	[tilespmem:$0x1E700] =	vst v63  }
0xb0: {  	p1 =	sne.s32 s13, $0x5800;
	s18 =	simm.s32 @!p0 $0xA800  }
0xb1: {  	[spmem:s4] =	stream.indirect.scatter.add.f32 @!p0 [tilespmem:s18], [sflag:$0x9], $0x1, s15, s17, $0xb8;
	[tilespmem:$0x1E700] =	vst v63  }
.Ltmp8:
0xb2: {  	_ = 	snop;
	(pc) =	sbr.rel @!p1 .LBB2_11-.Ltmp8, $4  }
0xb3: {  	s15 =	simm.s32 @!p0 $0x9  }
0xb4: {  	_ =	swait.ge @!p0 [sflag:s15], $0x40  }
0xb5: {  	[sflag:s15] =	ssyncset.done @!p0 $0x0  }
0xb6: {  	s14 =	sadd.s32 $0x4, s14;
	[sflag:s15] =	ssyncadd.s32 @!p0 $0xFFFFFFC0  }
.LBB2_7:
0xb7: {  	p0 =	seq.s32 s13, $0x0  }
.Ltmp9:
0xb8: {  	_ = 	snop;
	(pc) =	sbr.rel @p0 .LBB2_24-.Ltmp9, $1  }
0xb9: {  	_ =	sdelay $0x3  }
0xba: {  	_ =	swait.ge [sflag:s31], $0x2000;
	p1 =	seq.s32 s13, $0x5000  }
0xbb: {  	[sflag:s31] =	ssyncset.done $0x0;
	s15 =	sshra.s32 @!p1 s13, $0x2  }
0xbc: {  	s18 =	simm.s32 @!p1 $0x40;
	s17 =	simm.s32 @!p1 $0x2800;
	[sflag:s31] =	ssyncadd.s32 $0xFFFFE000  }
0xbd: {  	[tilespmem:s17], [sflag:$0x1] =	stream.indirect.gather @!p1 [hbm4b:s1+s18], $0x80, s15, s18, $0xb8;
	[tilespmem:$0x1E700] =	vst v63  }
0xbe: {  	s17 =	smov.u32 s13  }
0xbf: {  	s17 =	simm.s32 @p1 $0x5000;
	_ =	swait.ge [sflag:s0], $0x2000  }
0xc0: {  	[sflag:s0] =	ssyncset.done $0x0;
	s17 =	sshra.s32 s17, $0x2  }
0xc1: {  	[sflag:s0] =	ssyncadd.s32 $0xFFFFE000;
	s19 =	sadd.s32 $0x1300, s17  }
0xc2: {  	[spmem:s2] =	stream.indirect.scatter.add.f32 [tilespmem:s29], [sflag:$0x7], $0x80, s19, s24, $0xb8;
	[tilespmem:$0x1E700] =	vst v63  }
0xc3: {  	_ = 	snop  }
0xc4: {  	[spmem:s4] =	stream.indirect.scatter.add.f32 [tilespmem:s3], [sflag:$0xA], $0x1, s19, s24, $0xb8;
	[tilespmem:$0x1E700] =	vst v63  }
0xc5: {  	_ =	swait.ge [sflag:s6], $0x40  }
0xc6: {  	[sflag:s6] =	ssyncset.done $0x0  }
0xc7: {  	[sflag:s6] =	ssyncadd.s32 $0xFFFFFFC0  }
0xc8: {  	_ =	swait.ge [sflag:s7], $0x2000  }
0xc9: {  	[sflag:s7] =	ssyncset.done $0x0  }
0xca: {  	s15 =	sadd.s32 @!p1 $0x80, s15;
	s19 =	simm.s32 @!p1 $0x4800;
	[sflag:s7] =	ssyncadd.s32 $0xFFFFE000  }
0xcb: {  	[tilespmem:s19], [sflag:$0x2] =	stream.indirect.gather @!p1 [hbm4b:s1+s18], $0x80, s15, s18, $0xb8;
	[tilespmem:$0x1E700] =	vst v63  }
0xcc: {  	_ =	swait.ge [sflag:s8], $0x2000  }
0xcd: {  	[sflag:s8] =	ssyncset.done $0x0  }
0xce: {  	s17 =	sadd.s32 $0x1380, s17;
	[sflag:s8] =	ssyncadd.s32 $0xFFFFE000  }
0xcf: {  	[spmem:s2] =	stream.indirect.scatter.add.f32 [tilespmem:s30], [sflag:$0x8], $0x80, s17, s24, $0xb8;
	[tilespmem:$0x1E700] =	vst v63  }
0xd0: {  	_ = 	snop  }
0xd1: {  	[spmem:s4] =	stream.indirect.scatter.add.f32 [tilespmem:s3], [sflag:$0xA], $0x1, s17, s24, $0xb8;
	[tilespmem:$0x1E700] =	vst v63  }
0xd2: {  	_ =	swait.ge [sflag:s6], $0x40  }
.Ltmp10:
0xd3: {  	[sflag:s6] =	ssyncset.done $0x0;
	(pc) =	sbr.rel @p1 .LBB2_10-.Ltmp10, $4  }
.Ltmp11:
0xd4: {  	[sflag:s6] =	ssyncadd.s32 $0xFFFFFFC0;
	(pc) =	sbr.rel @!p1 .LBB2_9-.Ltmp11, $4  }
0xd5: {  	_ =	swait.ge [sflag:s9], $0x2000  }
0xd6: {  	[sflag:s9] =	ssyncset.done $0x0  }
0xd7: {  	s15 =	sadd.s32 $0xFFFFFFFE, s14;
	s17 =	sadd.s32 $0xFFFFFFFF, s14;
	[sflag:s9] =	ssyncadd.s32 $0xFFFFE000  }
0xd8: {  	_ = 	snop  }
.LBB2_11:
0xd9: {  	s13 =	simm.s32 $0x0;
	s14 =	rddreg [dreg:$0x9]  }
0xda: {  	[tilespmem:s13], [sflag:$0x9] =	stream.linear.gather [hbm4b:s14+s13], $0x1400, $0x38;
	[tilespmem:$0x1E700] =	vst v63  }
0xdb: {  	_ =	swait.ge [sflag:s22], $0x1400  }
0xdc: {  	[sflag:s22] =	ssyncset.done $0x0  }
.Ltmp12:
0xdd: {  	s19 =	rddreg [dreg:$0xa];
	[sflag:s22] =	ssyncadd.s32 $0xFFFFEC00;
	(pc) =	sbr.rel .LBB2_12-.Ltmp12, $4  }
0xde: {  	[tilespmem:s23], [sflag:$0x9] =	stream.linear.gather [hbm4b:s19+s13], $0x1400, $0x38;
	[tilespmem:$0x1E700] =	vst v63  }
0xdf: {  	_ =	swait.ge [sflag:s22], $0x1400  }
0xe0: {  	[sflag:s22] =	ssyncset.done $0x0  }
0xe1: {  	s14 =	simm.s32 $0x3;
	[sflag:s22] =	ssyncadd.s32 $0xFFFFEC00  }
.LBB2_25:
0xe2: {  	[tilespmem:s25], [sflag:$0x1] =	stream.indirect.gather [hbm4b:s1+s24], $0x80, s5, s24, $0xb8;
	[tilespmem:$0x1E700] =	vst v63  }
0xe3: {  	s15 =	simm.s32 $0x1;
	s17 =	simm.s32 $0x2  }
0xe4: {  	[tilespmem:s28], [sflag:$0x2] =	stream.indirect.gather [hbm4b:s1+s24], $0x80, s26, s24, $0xb8;
	[tilespmem:$0x1E700] =	vst v63  }
.LBB2_14:
0xe5: {  	s18 =	sshll.u32 s17, $0x7  }
0xe6: {  	s18 =	sand.u32 $0x3FFFFF80, s18  }
0xe7: {  	[tilespmem:s29], [sflag:$0x3] =	stream.indirect.gather [hbm4b:s1+s24], $0x80, s18, s24, $0xb8;
	[tilespmem:$0x1E700] =	vst v63  }
.LBB2_15:
0xe8: {  	p1 =	sgt.u32 s17, $0x29  }
0xe9: {  	s17 =	simm.s32 @!p1 $0x1  }
0xea: {  	_ =	swait.ge @!p1 [sflag:s17], $0x2000  }
0xeb: {  	[sflag:s17] =	ssyncset.done @!p1 $0x0  }
0xec: {  	[sflag:s17] =	ssyncadd.s32 @!p1 $0xFFFFE000;
	s17 =	sshra.s32 @!p1 s13, $0x2  }
0xed: {  	s18 =	simm.s32 @!p1 $0x40;
	s19 =	simm.s32 @!p1 $0x2800;
	s17 =	sadd.s32 @!p1 $0x1400, s17  }
0xee: {  	[spmem:s2] =	stream.indirect.scatter.add.f32 @!p1 [tilespmem:s19], [sflag:$0x5], $0x80, s17, s18, $0xb8;
	[tilespmem:$0x1E700] =	vst v63  }
0xef: {  	s19 =	simm.s32 @!p1 $0xA800  }
0xf0: {  	[spmem:s4] =	stream.indirect.scatter.add.f32 @!p1 [tilespmem:s19], [sflag:$0xA], $0x1, s17, s18, $0xb8;
	[tilespmem:$0x1E700] =	vst v63  }
0xf1: {  	s17 =	simm.s32 @!p1 $0xA  }
0xf2: {  	_ =	swait.ge @!p1 [sflag:s17], $0x40  }
0xf3: {  	[sflag:s17] =	ssyncset.done @!p1 $0x0  }
0xf4: {  	[sflag:s17] =	ssyncadd.s32 @!p1 $0xFFFFFFC0;
	s17 =	simm.s32 @!p0 $0x8  }
0xf5: {  	p1 =	seq.s32 @!p0 s13, $0x5000;
	_ =	swait.ge @!p0 [sflag:s17], $0x2000  }
0xf6: {  	p1 =	por p0, !p1;
	[sflag:s17] =	ssyncset.done @!p0 $0x0  }
0xf7: {  	[sflag:s17] =	ssyncadd.s32 @!p0 $0xFFFFE000;
	s17 =	sshra.s32 @p1 s13, $0x2  }
0xf8: {  	p0 =	sgt.u32 s14, $0x29;
	s17 =	sadd.s32 @p1 $0x180, s17  }
0xf9: {  	[tilespmem:s30], [sflag:$0x4] =	stream.indirect.gather @p1 [hbm4b:s1+s24], $0x80, s17, s24, $0xb8;
	[tilespmem:$0x1E700] =	vst v63  }
0xfa: {  	s17 =	simm.s32 @!p0 $0x2  }
0xfb: {  	s13 =	sadd.s32 $0x800, s13;
	s15 =	sshll.u32 @!p0 s15, $0x7;
	_ =	swait.ge @!p0 [sflag:s17], $0x2000  }
0xfc: {  	s18 =	simm.s32 @!p0 $0x4800;
	s15 =	sand.u32 @!p0 $0x3FFFFF80, s15;
	[sflag:s17] =	ssyncset.done @!p0 $0x0  }
0xfd: {  	s15 =	sadd.s32 @!p0 $0x1400, s15;
	[sflag:s17] =	ssyncadd.s32 @!p0 $0xFFFFE000;
	s17 =	simm.s32 @!p0 $0x40  }
0xfe: {  	[spmem:s2] =	stream.indirect.scatter.add.f32 @!p0 [tilespmem:s18], [sflag:$0x6], $0x80, s15, s17, $0xb8;
	[tilespmem:$0x1E700] =	vst v63  }
0xff: {  	p1 =	sne.s32 s13, $0x5800;
	s18 =	simm.s32 @!p0 $0xA800  }
0x100: {  	[spmem:s4] =	stream.indirect.scatter.add.f32 @!p0 [tilespmem:s18], [sflag:$0x9], $0x1, s15, s17, $0xb8;
	[tilespmem:$0x1E700] =	vst v63  }
.Ltmp13:
0x101: {  	_ = 	snop;
	(pc) =	sbr.rel @!p1 .LBB2_16-.Ltmp13, $4  }
0x102: {  	s15 =	simm.s32 @!p0 $0x9  }
0x103: {  	_ =	swait.ge @!p0 [sflag:s15], $0x40  }
0x104: {  	[sflag:s15] =	ssyncset.done @!p0 $0x0  }
0x105: {  	s14 =	sadd.s32 $0x4, s14;
	[sflag:s15] =	ssyncadd.s32 @!p0 $0xFFFFFFC0  }
.LBB2_12:
0x106: {  	p0 =	seq.s32 s13, $0x0  }
.Ltmp14:
0x107: {  	_ = 	snop;
	(pc) =	sbr.rel @p0 .LBB2_25-.Ltmp14, $1  }
0x108: {  	_ =	sdelay $0x3  }
0x109: {  	_ =	swait.ge [sflag:s31], $0x2000;
	p1 =	seq.s32 s13, $0x5000  }
0x10a: {  	[sflag:s31] =	ssyncset.done $0x0;
	s15 =	sshra.s32 @!p1 s13, $0x2  }
0x10b: {  	s18 =	simm.s32 @!p1 $0x40;
	s17 =	simm.s32 @!p1 $0x2800;
	[sflag:s31] =	ssyncadd.s32 $0xFFFFE000  }
0x10c: {  	[tilespmem:s17], [sflag:$0x1] =	stream.indirect.gather @!p1 [hbm4b:s1+s18], $0x80, s15, s18, $0xb8;
	[tilespmem:$0x1E700] =	vst v63  }
0x10d: {  	s17 =	smov.u32 s13  }
0x10e: {  	s17 =	simm.s32 @p1 $0x5000;
	_ =	swait.ge [sflag:s0], $0x2000  }
0x10f: {  	[sflag:s0] =	ssyncset.done $0x0;
	s17 =	sshra.s32 s17, $0x2  }
0x110: {  	[sflag:s0] =	ssyncadd.s32 $0xFFFFE000;
	s19 =	sadd.s32 $0x1300, s17  }
0x111: {  	[spmem:s2] =	stream.indirect.scatter.add.f32 [tilespmem:s29], [sflag:$0x7], $0x80, s19, s24, $0xb8;
	[tilespmem:$0x1E700] =	vst v63  }
0x112: {  	_ = 	snop  }
0x113: {  	[spmem:s4] =	stream.indirect.scatter.add.f32 [tilespmem:s3], [sflag:$0xA], $0x1, s19, s24, $0xb8;
	[tilespmem:$0x1E700] =	vst v63  }
0x114: {  	_ =	swait.ge [sflag:s6], $0x40  }
0x115: {  	[sflag:s6] =	ssyncset.done $0x0  }
0x116: {  	[sflag:s6] =	ssyncadd.s32 $0xFFFFFFC0  }
0x117: {  	_ =	swait.ge [sflag:s7], $0x2000  }
0x118: {  	[sflag:s7] =	ssyncset.done $0x0  }
0x119: {  	s15 =	sadd.s32 @!p1 $0x80, s15;
	s19 =	simm.s32 @!p1 $0x4800;
	[sflag:s7] =	ssyncadd.s32 $0xFFFFE000  }
0x11a: {  	[tilespmem:s19], [sflag:$0x2] =	stream.indirect.gather @!p1 [hbm4b:s1+s18], $0x80, s15, s18, $0xb8;
	[tilespmem:$0x1E700] =	vst v63  }
0x11b: {  	_ =	swait.ge [sflag:s8], $0x2000  }
0x11c: {  	[sflag:s8] =	ssyncset.done $0x0  }
0x11d: {  	s17 =	sadd.s32 $0x1380, s17;
	[sflag:s8] =	ssyncadd.s32 $0xFFFFE000  }
0x11e: {  	[spmem:s2] =	stream.indirect.scatter.add.f32 [tilespmem:s30], [sflag:$0x8], $0x80, s17, s24, $0xb8;
	[tilespmem:$0x1E700] =	vst v63  }
0x11f: {  	_ = 	snop  }
0x120: {  	[spmem:s4] =	stream.indirect.scatter.add.f32 [tilespmem:s3], [sflag:$0xA], $0x1, s17, s24, $0xb8;
	[tilespmem:$0x1E700] =	vst v63  }
0x121: {  	_ =	swait.ge [sflag:s6], $0x40  }
.Ltmp15:
0x122: {  	[sflag:s6] =	ssyncset.done $0x0;
	(pc) =	sbr.rel @p1 .LBB2_15-.Ltmp15, $4  }
.Ltmp16:
0x123: {  	[sflag:s6] =	ssyncadd.s32 $0xFFFFFFC0;
	(pc) =	sbr.rel @!p1 .LBB2_14-.Ltmp16, $4  }
0x124: {  	_ =	swait.ge [sflag:s9], $0x2000  }
0x125: {  	[sflag:s9] =	ssyncset.done $0x0  }
0x126: {  	s15 =	sadd.s32 $0xFFFFFFFE, s14;
	s17 =	sadd.s32 $0xFFFFFFFF, s14;
	[sflag:s9] =	ssyncadd.s32 $0xFFFFE000  }
0x127: {  	_ = 	snop  }
.LBB2_16:
0x128: {  	s13 =	simm.s32 $0x0;
	s14 =	rddreg [dreg:$0xb]  }
0x129: {  	[tilespmem:s13], [sflag:$0x9] =	stream.linear.gather [hbm4b:s14+s13], $0x1400, $0x38;
	[tilespmem:$0x1E700] =	vst v63  }
0x12a: {  	_ =	swait.ge [sflag:s22], $0x1400  }
0x12b: {  	[sflag:s22] =	ssyncset.done $0x0  }
.Ltmp17:
0x12c: {  	s19 =	rddreg [dreg:$0xc];
	[sflag:s22] =	ssyncadd.s32 $0xFFFFEC00;
	(pc) =	sbr.rel .LBB2_17-.Ltmp17, $4  }
0x12d: {  	[tilespmem:s23], [sflag:$0x9] =	stream.linear.gather [hbm4b:s19+s13], $0x1400, $0x38;
	[tilespmem:$0x1E700] =	vst v63  }
0x12e: {  	_ =	swait.ge [sflag:s22], $0x1400  }
0x12f: {  	[sflag:s22] =	ssyncset.done $0x0  }
0x130: {  	s14 =	simm.s32 $0x3;
	[sflag:s22] =	ssyncadd.s32 $0xFFFFEC00  }
.LBB2_26:
0x131: {  	[tilespmem:s25], [sflag:$0x1] =	stream.indirect.gather [hbm4b:s1+s24], $0x80, s5, s24, $0xb8;
	[tilespmem:$0x1E700] =	vst v63  }
0x132: {  	s15 =	simm.s32 $0x1;
	s17 =	simm.s32 $0x2  }
0x133: {  	[tilespmem:s28], [sflag:$0x2] =	stream.indirect.gather [hbm4b:s1+s24], $0x80, s26, s24, $0xb8;
	[tilespmem:$0x1E700] =	vst v63  }
.LBB2_19:
0x134: {  	s18 =	sshll.u32 s17, $0x7  }
0x135: {  	s18 =	sand.u32 $0x3FFFFF80, s18  }
0x136: {  	[tilespmem:s29], [sflag:$0x3] =	stream.indirect.gather [hbm4b:s1+s24], $0x80, s18, s24, $0xb8;
	[tilespmem:$0x1E700] =	vst v63  }
.LBB2_20:
0x137: {  	p1 =	sgt.u32 s17, $0x29  }
0x138: {  	s17 =	simm.s32 @!p1 $0x1  }
0x139: {  	_ =	swait.ge @!p1 [sflag:s17], $0x2000  }
0x13a: {  	[sflag:s17] =	ssyncset.done @!p1 $0x0  }
0x13b: {  	[sflag:s17] =	ssyncadd.s32 @!p1 $0xFFFFE000;
	s17 =	sshra.s32 @!p1 s13, $0x2  }
0x13c: {  	s18 =	simm.s32 @!p1 $0x40;
	s19 =	simm.s32 @!p1 $0x2800;
	s17 =	sadd.s32 @!p1 $0x1400, s17  }
0x13d: {  	[spmem:s2] =	stream.indirect.scatter.add.f32 @!p1 [tilespmem:s19], [sflag:$0x5], $0x80, s17, s18, $0xb8;
	[tilespmem:$0x1E700] =	vst v63  }
0x13e: {  	s19 =	simm.s32 @!p1 $0xA800  }
0x13f: {  	[spmem:s4] =	stream.indirect.scatter.add.f32 @!p1 [tilespmem:s19], [sflag:$0xA], $0x1, s17, s18, $0xb8;
	[tilespmem:$0x1E700] =	vst v63  }
0x140: {  	s17 =	simm.s32 @!p1 $0xA  }
0x141: {  	_ =	swait.ge @!p1 [sflag:s17], $0x40  }
0x142: {  	[sflag:s17] =	ssyncset.done @!p1 $0x0  }
0x143: {  	[sflag:s17] =	ssyncadd.s32 @!p1 $0xFFFFFFC0;
	s17 =	simm.s32 @!p0 $0x8  }
0x144: {  	p1 =	seq.s32 @!p0 s13, $0x5000;
	_ =	swait.ge @!p0 [sflag:s17], $0x2000  }
0x145: {  	p1 =	por p0, !p1;
	[sflag:s17] =	ssyncset.done @!p0 $0x0  }
0x146: {  	[sflag:s17] =	ssyncadd.s32 @!p0 $0xFFFFE000;
	s17 =	sshra.s32 @p1 s13, $0x2  }
0x147: {  	p0 =	sgt.u32 s14, $0x29;
	s17 =	sadd.s32 @p1 $0x180, s17  }
0x148: {  	[tilespmem:s30], [sflag:$0x4] =	stream.indirect.gather @p1 [hbm4b:s1+s24], $0x80, s17, s24, $0xb8;
	[tilespmem:$0x1E700] =	vst v63  }
0x149: {  	s17 =	simm.s32 @!p0 $0x2  }
0x14a: {  	s13 =	sadd.s32 $0x800, s13;
	s15 =	sshll.u32 @!p0 s15, $0x7;
	_ =	swait.ge @!p0 [sflag:s17], $0x2000  }
0x14b: {  	s18 =	simm.s32 @!p0 $0x4800;
	s15 =	sand.u32 @!p0 $0x3FFFFF80, s15;
	[sflag:s17] =	ssyncset.done @!p0 $0x0  }
0x14c: {  	s15 =	sadd.s32 @!p0 $0x1400, s15;
	[sflag:s17] =	ssyncadd.s32 @!p0 $0xFFFFE000;
	s17 =	simm.s32 @!p0 $0x40  }
0x14d: {  	[spmem:s2] =	stream.indirect.scatter.add.f32 @!p0 [tilespmem:s18], [sflag:$0x6], $0x80, s15, s17, $0xb8;
	[tilespmem:$0x1E700] =	vst v63  }
0x14e: {  	p1 =	sne.s32 s13, $0x5800;
	s18 =	simm.s32 @!p0 $0xA800  }
0x14f: {  	[spmem:s4] =	stream.indirect.scatter.add.f32 @!p0 [tilespmem:s18], [sflag:$0x9], $0x1, s15, s17, $0xb8;
	[tilespmem:$0x1E700] =	vst v63  }
.Ltmp18:
0x150: {  	_ = 	snop;
	(pc) =	sbr.rel @!p1 .LBB2_21-.Ltmp18, $4  }
0x151: {  	s15 =	simm.s32 @!p0 $0x9  }
0x152: {  	_ =	swait.ge @!p0 [sflag:s15], $0x40  }
0x153: {  	[sflag:s15] =	ssyncset.done @!p0 $0x0  }
0x154: {  	s14 =	sadd.s32 $0x4, s14;
	[sflag:s15] =	ssyncadd.s32 @!p0 $0xFFFFFFC0  }
.LBB2_17:
0x155: {  	p0 =	seq.s32 s13, $0x0  }
.Ltmp19:
0x156: {  	_ = 	snop;
	(pc) =	sbr.rel @p0 .LBB2_26-.Ltmp19, $1  }
0x157: {  	_ =	sdelay $0x3  }
0x158: {  	_ =	swait.ge [sflag:s31], $0x2000;
	p1 =	seq.s32 s13, $0x5000  }
0x159: {  	[sflag:s31] =	ssyncset.done $0x0;
	s15 =	sshra.s32 @!p1 s13, $0x2  }
0x15a: {  	s18 =	simm.s32 @!p1 $0x40;
	s17 =	simm.s32 @!p1 $0x2800;
	[sflag:s31] =	ssyncadd.s32 $0xFFFFE000  }
0x15b: {  	[tilespmem:s17], [sflag:$0x1] =	stream.indirect.gather @!p1 [hbm4b:s1+s18], $0x80, s15, s18, $0xb8;
	[tilespmem:$0x1E700] =	vst v63  }
0x15c: {  	s17 =	smov.u32 s13  }
0x15d: {  	s17 =	simm.s32 @p1 $0x5000;
	_ =	swait.ge [sflag:s0], $0x2000  }
0x15e: {  	[sflag:s0] =	ssyncset.done $0x0;
	s17 =	sshra.s32 s17, $0x2  }
0x15f: {  	[sflag:s0] =	ssyncadd.s32 $0xFFFFE000;
	s19 =	sadd.s32 $0x1300, s17  }
0x160: {  	[spmem:s2] =	stream.indirect.scatter.add.f32 [tilespmem:s29], [sflag:$0x7], $0x80, s19, s24, $0xb8;
	[tilespmem:$0x1E700] =	vst v63  }
0x161: {  	_ = 	snop  }
0x162: {  	[spmem:s4] =	stream.indirect.scatter.add.f32 [tilespmem:s3], [sflag:$0xA], $0x1, s19, s24, $0xb8;
	[tilespmem:$0x1E700] =	vst v63  }
0x163: {  	_ =	swait.ge [sflag:s6], $0x40  }
0x164: {  	[sflag:s6] =	ssyncset.done $0x0  }
0x165: {  	[sflag:s6] =	ssyncadd.s32 $0xFFFFFFC0  }
0x166: {  	_ =	swait.ge [sflag:s7], $0x2000  }
0x167: {  	[sflag:s7] =	ssyncset.done $0x0  }
0x168: {  	s15 =	sadd.s32 @!p1 $0x80, s15;
	s19 =	simm.s32 @!p1 $0x4800;
	[sflag:s7] =	ssyncadd.s32 $0xFFFFE000  }
0x169: {  	[tilespmem:s19], [sflag:$0x2] =	stream.indirect.gather @!p1 [hbm4b:s1+s18], $0x80, s15, s18, $0xb8;
	[tilespmem:$0x1E700] =	vst v63  }
0x16a: {  	_ =	swait.ge [sflag:s8], $0x2000  }
0x16b: {  	[sflag:s8] =	ssyncset.done $0x0  }
0x16c: {  	s17 =	sadd.s32 $0x1380, s17;
	[sflag:s8] =	ssyncadd.s32 $0xFFFFE000  }
0x16d: {  	[spmem:s2] =	stream.indirect.scatter.add.f32 [tilespmem:s30], [sflag:$0x8], $0x80, s17, s24, $0xb8;
	[tilespmem:$0x1E700] =	vst v63  }
0x16e: {  	_ = 	snop  }
0x16f: {  	[spmem:s4] =	stream.indirect.scatter.add.f32 [tilespmem:s3], [sflag:$0xA], $0x1, s17, s24, $0xb8;
	[tilespmem:$0x1E700] =	vst v63  }
0x170: {  	_ =	swait.ge [sflag:s6], $0x40  }
.Ltmp20:
0x171: {  	[sflag:s6] =	ssyncset.done $0x0;
	(pc) =	sbr.rel @p1 .LBB2_20-.Ltmp20, $4  }
.Ltmp21:
0x172: {  	[sflag:s6] =	ssyncadd.s32 $0xFFFFFFC0;
	(pc) =	sbr.rel @!p1 .LBB2_19-.Ltmp21, $4  }
0x173: {  	_ =	swait.ge [sflag:s9], $0x2000  }
0x174: {  	[sflag:s9] =	ssyncset.done $0x0  }
0x175: {  	s15 =	sadd.s32 $0xFFFFFFFE, s14;
	s17 =	sadd.s32 $0xFFFFFFFF, s14;
	[sflag:s9] =	ssyncadd.s32 $0xFFFFE000  }
0x176: {  	_ = 	snop  }
.LBB2_22:
0x177: {  	_ =	sfence.sel $0x180000  }
0x178: {  	[bflag:$0x0] =	sbarrier.arrive $0xFFFF  }
0x179: {  	_ =	strace $0x9000004A  }
0x17a: {  	s0 =	stileid.u32;
	[bflag:$0x2] =	sbarrier.arrive $0xFFFF  }
0x17b: {  	p0 =	sne.s32 s0, $0x0;
	s0 =	rddreg [dreg:$0x4]  }
0x17c: {  	s0 =	sadd.s32 @!p0 $0x100000, s0  }
0x17d: {  	[sflag:s0] =	ssyncadd.tile.s32 @!p0 $0x1;
	_ =	shalt  }
.Lfunc_end2:
_tile_overlayer_lowered:
.L_overlay_start_2:
0x17e: {  	(tag) =	ssettag $0x2  }
0x17f: {  	s0 =	rddreg [dreg:$0x0];
	s2 =	stileid.u32  }
0x180: {  	s1 =	rddreg [dreg:$0x1];
	p0 =	sne.s32 s2, $0x0  }
0x181: {  	s3 =	rddreg [dreg:$0x2];
	[bflag:$0x3] =	sbarrier.arrive $0xFFFF;
	s2 =	simm.s32 @!p0 $0x1C09  }
0x182: {  	[timem:s3], [sflag:s2] =	dma.local @!p0 [hbm:s0], s1  }
0x183: {  	s0 =	simm.s32 @!p0 $0x9  }
0x184: {  	_ =	swait.ge @!p0 [sflag:s0], s1  }
0x185: {  	s1 =	ssub.s32 @!p0 $0x0, s1;
	[sflag:s0] =	ssyncset.done @!p0 $0x0  }
0x186: {  	[sflag:s0] =	ssyncadd.s32 @!p0 s1  }
0x187: {  	[bflag:$0x3] =	sbarrier.arrive $0xFFFF  }
0x188: {  	_ =	shalt  }

</sc_bundles>
